<compile_context>
chip_gen: v7x
topology: tpu7x:2x2x1
jax: 0.10.2.dev20260603
libtpu: 0.0.44.dev20260713+nightly
codegen_flags: <defaults>
</compile_context>

<pallas_src>
import jax
import jax.numpy as jnp
from jax import lax
from jax.experimental import pallas as pl
from jax.experimental.pallas import tpu as pltpu
from jax.experimental.pallas import tpu_sc as plsc

_N = 10000
_E = 320000
_D = 128

_NC = 2
_NS = 16
_NW = _NC * _NS
_EPW = _E // _NW
_CH = 80
_NCH = _EPW // _CH
_RPT = _N // _NS
_WBA = 624
_WBT = _N - _NS * _WBA



def _make_sc_scatter():
    mesh = plsc.VectorSubcoreMesh(core_axis_name="c", subcore_axis_name="s")

    out_type = [jax.ShapeDtypeStruct((_NC, _N, _D), jnp.float32)]

    def body(g_hbm, src_hbm, dst_hbm, zeros_hbm, acc_out, acc_sh,
             sv0, dv0, sv1, dv1, sv2, dv2, sv3, dv3,
             r0, r1, r2, r3,
             gs0, gs1, gs2, gs3, ss0, ss1, ss2, ss3,
             is0, is1, is2, is3):
        c = lax.axis_index("c")
        s = lax.axis_index("s")
        w = c * _NS + s
        sv = [sv0, sv1, sv2, sv3]
        dv = [dv0, dv1, dv2, dv3]
        rw = [r0, r1, r2, r3]
        gs = [gs0, gs1, gs2, gs3]
        ss = [ss0, ss1, ss2, ss3]
        js = [is0, is1, is2, is3]

        def L(i, b):
            base = w * _EPW + i * _CH
            pltpu.async_copy(src_hbm.at[pl.ds(base, _CH)], sv[b], js[b])
            pltpu.async_copy(dst_hbm.at[pl.ds(base, _CH)], dv[b], js[b])

        def iwait(b):
            pltpu.make_async_copy(src_hbm.at[pl.ds(0, _CH)], sv[b],
                                  js[b]).wait()
            pltpu.make_async_copy(dst_hbm.at[pl.ds(0, _CH)], dv[b],
                                  js[b]).wait()

        def G(b):
            pltpu.async_copy(g_hbm.at[sv[b]], rw[b], gs[b])

        def gwait(b):
            pltpu.make_async_copy(g_hbm.at[sv[0]], rw[b], gs[b]).wait()

        def S(b):
            pltpu.async_copy(rw[b], acc_sh.at[dv[b]], ss[b], add=True)

        def swait(b):
            pltpu.make_async_copy(g_hbm.at[sv[0]], rw[b], ss[b]).wait()

        pltpu.sync_copy(zeros_hbm.at[s], acc_sh.at[pl.ds(s * _RPT, _RPT)])
        plsc.subcore_barrier()

        L(0, 0)
        L(1, 1)
        iwait(0)
        G(0)
        iwait(1); G(1); gwait(0); S(0); L(2, 2)
        iwait(2); G(2); gwait(1); S(1); L(3, 3)

        def group(gidx, carry):
            base = 2 + 4 * gidx
            for k in range(4):
                b = (2 + k) % 4
                iwait((b + 1) % 4)
                G((b + 1) % 4)
                gwait(b)
                S(b)
                swait((b + 2) % 4)
                L(base + k + 2, (b + 2) % 4)
            return carry

        lax.fori_loop(0, (_NCH - 5) // 4, group, 0)
        iwait(3); G(3); gwait(2); S(2); swait(0); L(_NCH - 1, 0)
        iwait(0); G(0); gwait(3); S(3); swait(1)
        gwait(0); S(0); swait(2)
        swait(3)
        swait(0)

        plsc.subcore_barrier()
        pltpu.sync_copy(acc_sh.at[pl.ds(s * _WBA, _WBA)],
                        acc_out.at[c, pl.ds(s * _WBA, _WBA)])

        @pl.when(s == _NS - 1)
        def _():
            pltpu.sync_copy(acc_sh.at[pl.ds(_NS * _WBA, _WBT)],
                            acc_out.at[c, pl.ds(_NS * _WBA, _WBT)])

    scratch = (
        [pltpu.VMEM_SHARED((_N, _D), jnp.float32)]
        + [pltpu.VMEM((_CH,), jnp.int32)] * 8
        + [pltpu.VMEM((_CH, _D), jnp.float32)] * 4
        + [pltpu.SemaphoreType.DMA] * 12
    )
    return pl.kernel(body, out_type=out_type, mesh=mesh,
                     scratch_types=scratch, name="sc_edge_scatter")


def _make_sc_cnt():
    mesh = plsc.VectorSubcoreMesh(core_axis_name="c", subcore_axis_name="s")

    def body(dst_hbm, zeros_hbm, ones_hbm, cnt_out, acc_sh, dv0, dv1,
             onesv, is0, is1):
        c = lax.axis_index("c")
        s = lax.axis_index("s")
        w = c * _NS + s
        dv = [dv0, dv1]
        js = [is0, is1]

        def L(i, b):
            pltpu.async_copy(dst_hbm.at[pl.ds(w * _EPW + i * _CH, _CH)],
                             dv[b], js[b])

        def iwait(b):
            pltpu.make_async_copy(dst_hbm.at[pl.ds(0, _CH)], dv[b],
                                  js[b]).wait()

        pltpu.sync_copy(zeros_hbm.at[s], acc_sh.at[pl.ds(s * _RPT, _RPT)])
        L(0, 0)
        pltpu.sync_copy(ones_hbm, onesv)
        plsc.subcore_barrier()

        def step(j, carry):
            i0 = 2 * j
            iwait(0)
            L(i0 + 1, 1)
            pltpu.sync_copy(onesv, acc_sh.at[dv0], add=True)
            iwait(1)
            L(i0 + 2, 0)
            pltpu.sync_copy(onesv, acc_sh.at[dv1], add=True)
            return carry

        lax.fori_loop(0, _NCH // 2, step, 0)
        iwait(0)
        pltpu.sync_copy(onesv, acc_sh.at[dv0], add=True)
        plsc.subcore_barrier()
        pltpu.sync_copy(acc_sh.at[pl.ds(s * _WBA, _WBA)],
                        cnt_out.at[c, pl.ds(s * _WBA, _WBA)])

        @pl.when(s == _NS - 1)
        def _():
            pltpu.sync_copy(acc_sh.at[pl.ds(_NS * _WBA, _WBT)],
                            cnt_out.at[c, pl.ds(_NS * _WBA, _WBT)])

    scratch = [
        pltpu.VMEM_SHARED((_N, _D), jnp.float32),
        pltpu.VMEM((_CH,), jnp.int32),
        pltpu.VMEM((_CH,), jnp.int32),
        pltpu.VMEM((_CH, _D), jnp.float32),
        pltpu.SemaphoreType.DMA,
        pltpu.SemaphoreType.DMA,
    ]
    return pl.kernel(body, out_type=[jax.ShapeDtypeStruct(
        (_NC, _N, _D), jnp.float32)], mesh=mesh,
        scratch_types=scratch, name="sc_degree_cnt")


_sc_scatter = _make_sc_scatter()
_sc_cnt = _make_sc_cnt()



_B = 1000
_GRID = _N // _B
_DN = (((1,), (1,)), ((), ()))


def _pre_body(x_ref, wn_ref, wr_ref, b_ref, g_ref, r_ref):
    h = x_ref[...]
    g_ref[...] = lax.dot_general(h, wn_ref[...], _DN,
                                 preferred_element_type=jnp.float32)
    r_ref[...] = lax.dot_general(h, wr_ref[...], _DN,
                                 preferred_element_type=jnp.float32) + b_ref[...]


def _combine_body(p_ref, cnt_ref, rprev_ref, wn_ref, wr_ref, b_ref,
                  g_ref, r_ref):
    cnt = cnt_ref[0, :, 0:1] + cnt_ref[1, :, 0:1]
    inv = 1.0 / jnp.maximum(cnt, 1.0)
    h = jnp.maximum((p_ref[0] + p_ref[1]) * inv + rprev_ref[...], 0.0)
    g_ref[...] = lax.dot_general(h, wn_ref[...], _DN,
                                 preferred_element_type=jnp.float32)
    r_ref[...] = lax.dot_general(h, wr_ref[...], _DN,
                                 preferred_element_type=jnp.float32) + b_ref[...]


def _head_body(p_ref, cnt_ref, rprev_ref, fcw_ref, fcb_ref, a1c0_ref,
               a1c1_ref, a1b_ref, a2w_ref, a2b_ref, aow_ref, aob_ref,
               out_ref):
    i = pl.program_id(0)
    cnt = cnt_ref[0, :, 0:1] + cnt_ref[1, :, 0:1]
    inv = 1.0 / jnp.maximum(cnt, 1.0)
    h = jnp.maximum((p_ref[0] + p_ref[1]) * inv + rprev_ref[...], 0.0)
    m = lax.dot_general(h, fcw_ref[...], _DN,
                        preferred_element_type=jnp.float32) + fcb_ref[...]
    dim1 = m[:, 0:1]
    dim3 = m[:, 2:3]
    ah1 = jnp.maximum(dim1 * a1c0_ref[...] + dim3 * a1c1_ref[...]
                      + a1b_ref[...], 0.0)
    ah2 = jnp.maximum(lax.dot_general(ah1, a2w_ref[...], _DN,
                                      preferred_element_type=jnp.float32)
                      + a2b_ref[...], 0.0)
    aux = jnp.sum(ah2 * aow_ref[...], axis=1, keepdims=True) + aob_ref[0, 0]
    lanes = lax.broadcasted_iota(jnp.int32, (_B, _D), 1)
    contrib = (jnp.where(lanes == 0, dim1, 0.0)
               + jnp.where(lanes == 1, aux, 0.0)
               + jnp.where(lanes == 2, dim3, 0.0))
    rowsum = jnp.sum(contrib, axis=0, keepdims=True) * (1.0 / _N)
    subl = lax.broadcasted_iota(jnp.int32, (8, _D), 0)
    add = jnp.where(subl == 0, rowsum, 0.0)

    @pl.when(i == 0)
    def _():
        out_ref[...] = jnp.zeros_like(out_ref)

    out_ref[...] += add


_row_spec = pl.BlockSpec((_B, _D), lambda i: (i, 0))
_w_spec = pl.BlockSpec((_D, _D), lambda i: (0, 0))
_b_spec = pl.BlockSpec((1, _D), lambda i: (0, 0))
_p_spec = pl.BlockSpec((_NC, _B, _D), lambda i: (0, i, 0))
_c_spec = pl.BlockSpec((_NC, _B, _D), lambda i: (0, i, 0))

_pre_call = pl.pallas_call(
    _pre_body, grid=(_GRID,),
    in_specs=[_row_spec, _w_spec, _w_spec, _b_spec],
    out_specs=[_row_spec, _row_spec],
    out_shape=[jax.ShapeDtypeStruct((_N, _D), jnp.float32)] * 2,
)

_combine_call = pl.pallas_call(
    _combine_body, grid=(_GRID,),
    in_specs=[_p_spec, _c_spec, _row_spec, _w_spec, _w_spec, _b_spec],
    out_specs=[_row_spec, _row_spec],
    out_shape=[jax.ShapeDtypeStruct((_N, _D), jnp.float32)] * 2,
)

_head_call = pl.pallas_call(
    _head_body, grid=(_GRID,),
    in_specs=[_p_spec, _c_spec, _row_spec, _w_spec, _b_spec, _b_spec,
              _b_spec, _b_spec, _w_spec, _b_spec, _b_spec,
              pl.BlockSpec((1, 1), lambda i: (0, 0))],
    out_specs=pl.BlockSpec((8, _D), lambda i: (0, 0)),
    out_shape=jax.ShapeDtypeStruct((8, _D), jnp.float32),
)


@jax.jit
def kernel(x, edge_index, batch, Wn0, Wr0, b0, Wn1, Wr1, b1, Wn2, Wr2, b2,
           fc_W, fc_b, a1_W, a1_b, a2_W, a2_b, ao_W, ao_b):
    src = edge_index[0]
    dst = edge_index[1]
    zeros = jnp.zeros((_NS, _RPT, _D), jnp.float32)
    ones = jnp.ones((_CH, _D), jnp.float32)

    (cnts,) = _sc_cnt(dst, zeros, ones)
    g, r = _pre_call(x, Wn0, Wr0, b0.reshape(1, _D))
    g, cnts = jax.lax.optimization_barrier((g, cnts))
    (parts,) = _sc_scatter(g, src, dst, zeros)
    g, r = _combine_call(parts, cnts, r, Wn1, Wr1, b1.reshape(1, _D))
    (parts,) = _sc_scatter(g, src, dst, zeros)
    g, r = _combine_call(parts, cnts, r, Wn2, Wr2, b2.reshape(1, _D))
    (parts,) = _sc_scatter(g, src, dst, zeros)

    fcw_pad = jnp.zeros((_D, _D), jnp.float32).at[:3, :].set(fc_W)
    fcb_pad = jnp.zeros((1, _D), jnp.float32).at[0, :3].set(fc_b)
    a1c0 = a1_W[:, 0].reshape(1, _D)
    a1c1 = a1_W[:, 1].reshape(1, _D)
    out = _head_call(parts, cnts, r, fcw_pad, fcb_pad, a1c0, a1c1,
                     a1_b.reshape(1, _D), a2_W, a2_b.reshape(1, _D),
                     ao_W.reshape(1, _D), ao_b.reshape(1, 1))
    return out[0:1, 0:3]

# --- scband reference (transcript-rebuilt; emitter-appended) ---
"""Pipeline reference for scband-static-gcn-44109314130143 (READ-ONLY COPY).

The authoritative reference and input builder live on the scoring server;
editing this copy changes nothing except your own understanding.
"""

import jax, jax.numpy as jnp
import numpy as np

N = 10000
E = 320000
D = 128
H = 128
O = 3

def _init_linear(key, out_dim, in_dim):
    k1, k2 = jax.random.split(key)
    lim = 1.0 / np.sqrt(in_dim)
    W = jax.random.uniform(k1, (out_dim, in_dim), minval=-lim, maxval=lim, dtype=jnp.float32)
    b = jax.random.uniform(k2, (out_dim,), minval=-lim, maxval=lim, dtype=jnp.float32)
    return W, b

def setup_inputs(seed: int = 0):
    key = jax.random.key(seed)
    ks = jax.random.split(key, 12)
    x = jax.random.normal(ks[0], (N, D), dtype=jnp.float32)
    edge_index = jax.random.randint(ks[1], (2, E), 0, N, dtype=jnp.int32)
    batch = jnp.zeros((N,), dtype=jnp.int32)
    Wn0, _ = _init_linear(ks[2], H, D)
    Wr0, b0 = _init_linear(ks[3], H, D)
    Wn1, _ = _init_linear(ks[4], H, H)
    Wr1, b1 = _init_linear(ks[5], H, H)
    Wn2, _ = _init_linear(ks[6], H, H)
    Wr2, b2 = _init_linear(ks[7], H, H)
    fc_W, fc_b = _init_linear(ks[8], O, H)
    a1_W, a1_b = _init_linear(ks[9], H, 2)
    a2_W, a2_b = _init_linear(ks[10], H, H)
    ao_W, ao_b = _init_linear(ks[11], 1, H)
    return {"x": x, "edge_index": edge_index, "batch": batch,
            "Wn0": Wn0, "Wr0": Wr0, "b0": b0,
            "Wn1": Wn1, "Wr1": Wr1, "b1": b1,
            "Wn2": Wn2, "Wr2": Wr2, "b2": b2,
            "fc_W": fc_W, "fc_b": fc_b,
            "a1_W": a1_W, "a1_b": a1_b,
            "a2_W": a2_W, "a2_b": a2_b,
            "ao_W": ao_W, "ao_b": ao_b}

def _sage(h, src, dst, Wn, Wr, b):
    msg = h[src]
    s = jax.ops.segment_sum(msg, dst, num_segments=N)
    cnt = jax.ops.segment_sum(jnp.ones((src.shape[0], 1), h.dtype), dst, num_segments=N)
    mean = s / jnp.maximum(cnt, 1.0)
    return mean @ Wn.T + h @ Wr.T + b

def reference(x, edge_index, batch, Wn0, Wr0, b0, Wn1, Wr1, b1, Wn2, Wr2, b2, fc_W, fc_b, a1_W, a1_b, a2_W, a2_b, ao_W, ao_b):
    src, dst = edge_index[0], edge_index[1]
    h = x
    for Wn, Wr, b in ((Wn0, Wr0, b0), (Wn1, Wr1, b1), (Wn2, Wr2, b2)):
        h = _sage(h, src, dst, Wn, Wr, b)
        h = jax.nn.relu(h)
        # dropout is identity in eval mode
    main_out = h @ fc_W.T + fc_b
    dim1 = main_out[:, 0]
    dim3 = main_out[:, 2]
    aux_in = jnp.stack([dim1, dim3], axis=-1)
    ah1 = jax.nn.relu(aux_in @ a1_W.T + a1_b)
    ah2 = jax.nn.relu(ah1 @ a2_W.T + a2_b)
    aux_out = (ah2 @ ao_W.T + ao_b)[:, 0]
    final = jnp.stack([dim1, aux_out, dim3], axis=-1)
    sums = jax.ops.segment_sum(final, batch, num_segments=1)
    cnts = jax.ops.segment_sum(jnp.ones((final.shape[0], 1), final.dtype), batch, num_segments=1)
    return sums / jnp.maximum(cnts, 1.0)

if __name__ == "__main__":
    import jax
    _d = setup_inputs()
    print(jax.jit(kernel)(*tuple(_d.values())))

</pallas_src>

<mosaic_0001>
#map = affine_map<(d0, d1) -> (0, 0)>
#map1 = affine_map<(d0, d1) -> (0)>
#map2 = affine_map<(d0, d1) -> (0, 0, 0)>
module attributes {stable_mosaic.version = 14 : i64} {
  func.func @sc_edge_scatter(%arg0: i32, %arg1: i32, %arg2: memref<10000x128xf32, #tpu.memory_space<hbm>>, %arg3: memref<320000xi32, #tpu.memory_space<hbm>>, %arg4: memref<320000xi32, #tpu.memory_space<hbm>>, %arg5: memref<16x625x128xf32, #tpu.memory_space<hbm>>, %arg6: memref<2x10000x128xf32, #tpu.memory_space<hbm>>, %arg7: memref<10000x128xf32, #tpu.memory_space<vmem_shared>>, %arg8: memref<80xi32, #tpu.memory_space<vmem>>, %arg9: memref<80xi32, #tpu.memory_space<vmem>>, %arg10: memref<80xi32, #tpu.memory_space<vmem>>, %arg11: memref<80xi32, #tpu.memory_space<vmem>>, %arg12: memref<80xi32, #tpu.memory_space<vmem>>, %arg13: memref<80xi32, #tpu.memory_space<vmem>>, %arg14: memref<80xi32, #tpu.memory_space<vmem>>, %arg15: memref<80xi32, #tpu.memory_space<vmem>>, %arg16: memref<80x128xf32, #tpu.memory_space<vmem>>, %arg17: memref<80x128xf32, #tpu.memory_space<vmem>>, %arg18: memref<80x128xf32, #tpu.memory_space<vmem>>, %arg19: memref<80x128xf32, #tpu.memory_space<vmem>>, %arg20: memref<!tpu.dma_semaphore, #tpu.memory_space<semaphore_mem>>, %arg21: memref<!tpu.dma_semaphore, #tpu.memory_space<semaphore_mem>>, %arg22: memref<!tpu.dma_semaphore, #tpu.memory_space<semaphore_mem>>, %arg23: memref<!tpu.dma_semaphore, #tpu.memory_space<semaphore_mem>>, %arg24: memref<!tpu.dma_semaphore, #tpu.memory_space<semaphore_mem>>, %arg25: memref<!tpu.dma_semaphore, #tpu.memory_space<semaphore_mem>>, %arg26: memref<!tpu.dma_semaphore, #tpu.memory_space<semaphore_mem>>, %arg27: memref<!tpu.dma_semaphore, #tpu.memory_space<semaphore_mem>>, %arg28: memref<!tpu.dma_semaphore, #tpu.memory_space<semaphore_mem>>, %arg29: memref<!tpu.dma_semaphore, #tpu.memory_space<semaphore_mem>>, %arg30: memref<!tpu.dma_semaphore, #tpu.memory_space<semaphore_mem>>, %arg31: memref<!tpu.dma_semaphore, #tpu.memory_space<semaphore_mem>>) attributes {dimension_semantics = [#tpu.dimension_semantics<core_parallel>, #tpu.dimension_semantics<subcore_parallel>], iteration_bounds = array<i64: 2, 16>, scalar_prefetch = 0 : i64, scratch_operands = 25 : i64, tpu.core_type = #tpu.core_type<sc_vector_subcore>, window_params = [{transform_indices = #map}, {transform_indices = #map1}, {transform_indices = #map1}, {transform_indices = #map2}, {transform_indices = #map2}]} {
    %mul3A = arith.constant 16 : i32
    %mul3A_0 = arith.muli %arg0, %mul3A : i32
    %add3A = arith.addi %mul3A_0, %arg1 : i32
    %mul3A_1 = arith.constant 625 : i32
    %mul3A_2 = arith.muli %arg1, %mul3A_1 : i32
    "tpu.region"() ({
      %run_scoped3A = tpu.sem_alloc : memref<!tpu.dma_semaphore, #tpu.memory_space<semaphore_mem>>
      %dma_start3A_153 = arith.constant 0 : i32
      %dma_start3A_154 = tpu.memref_slice %arg7[%mul3A_2, %dma_start3A_153] : memref<10000x128xf32, #tpu.memory_space<vmem_shared>> -> memref<625x128xf32, #tpu.memory_space<vmem_shared>>
      %dma_start3A_155 = arith.constant 0 : i32
      %dma_start3A_156 = arith.constant 0 : i32
      %dma_start3A_157 = tpu.memref_slice %arg5[%arg1, %dma_start3A_155, %dma_start3A_156] : memref<16x625x128xf32, #tpu.memory_space<hbm>> -> memref<1x625x128xf32, #tpu.memory_space<hbm>>
      %dma_start3A_158 = tpu.memref_squeeze %dma_start3A_157 : memref<1x625x128xf32, #tpu.memory_space<hbm>> -> memref<625x128xf32, #tpu.memory_space<hbm>>
      tpu.enqueue_dma source(%dma_start3A_158 : memref<625x128xf32, #tpu.memory_space<hbm>>) target(%dma_start3A_154 : memref<625x128xf32, #tpu.memory_space<vmem_shared>>) target_semaphore(%run_scoped3A : memref<!tpu.dma_semaphore, #tpu.memory_space<semaphore_mem>>)
      %dma_wait3A_159 = arith.constant 0 : i32
      %dma_wait3A_160 = tpu.memref_slice %arg7[%mul3A_2, %dma_wait3A_159] : memref<10000x128xf32, #tpu.memory_space<vmem_shared>> -> memref<625x128xf32, #tpu.memory_space<vmem_shared>>
      %dma_wait3A_161 = arith.constant 0 : i32
      %dma_wait3A_162 = arith.constant 0 : i32
      %dma_wait3A_163 = tpu.memref_slice %arg5[%arg1, %dma_wait3A_161, %dma_wait3A_162] : memref<16x625x128xf32, #tpu.memory_space<hbm>> -> memref<1x625x128xf32, #tpu.memory_space<hbm>>
      %dma_wait3A_164 = tpu.memref_squeeze %dma_wait3A_163 : memref<1x625x128xf32, #tpu.memory_space<hbm>> -> memref<625x128xf32, #tpu.memory_space<hbm>>
      tpu.wait_dma2 semaphore(%run_scoped3A : memref<!tpu.dma_semaphore, #tpu.memory_space<semaphore_mem>>) src(%dma_wait3A_164 : memref<625x128xf32, #tpu.memory_space<hbm>>) dst(%dma_wait3A_160 : memref<625x128xf32, #tpu.memory_space<vmem_shared>>)
      tpu.yield
    }) : () -> ()
    %barrier3A = arith.constant 0 : index
    tpu.barrier barrier_id(%barrier3A)
    %mul3A_3 = arith.constant 10000 : i32
    %mul3A_4 = arith.muli %add3A, %mul3A_3 : i32
    %add3A_5 = arith.constant 0 : i32
    %add3A_6 = arith.addi %mul3A_4, %add3A_5 : i32
    %dma_start3A = tpu.memref_slice %arg3[%add3A_6] : memref<320000xi32, #tpu.memory_space<hbm>> -> memref<80xi32, #tpu.memory_space<hbm>>
    %dma_start3A_7 = tpu.memref_slice %arg3[%add3A_6] : memref<320000xi32, #tpu.memory_space<hbm>> -> memref<80xi32, #tpu.memory_space<hbm>>
    tpu.enqueue_dma source(%dma_start3A_7 : memref<80xi32, #tpu.memory_space<hbm>>) target(%arg8 : memref<80xi32, #tpu.memory_space<vmem>>) target_semaphore(%arg28 : memref<!tpu.dma_semaphore, #tpu.memory_space<semaphore_mem>>)
    %dma_start3A_8 = tpu.memref_slice %arg4[%add3A_6] : memref<320000xi32, #tpu.memory_space<hbm>> -> memref<80xi32, #tpu.memory_space<hbm>>
    %dma_start3A_9 = tpu.memref_slice %arg4[%add3A_6] : memref<320000xi32, #tpu.memory_space<hbm>> -> memref<80xi32, #tpu.memory_space<hbm>>
    tpu.enqueue_dma source(%dma_start3A_9 : memref<80xi32, #tpu.memory_space<hbm>>) target(%arg9 : memref<80xi32, #tpu.memory_space<vmem>>) target_semaphore(%arg28 : memref<!tpu.dma_semaphore, #tpu.memory_space<semaphore_mem>>)
    %mul3A_10 = arith.constant 10000 : i32
    %mul3A_11 = arith.muli %add3A, %mul3A_10 : i32
    %add3A_12 = arith.constant 80 : i32
    %add3A_13 = arith.addi %mul3A_11, %add3A_12 : i32
    %dma_start3A_14 = tpu.memref_slice %arg3[%add3A_13] : memref<320000xi32, #tpu.memory_space<hbm>> -> memref<80xi32, #tpu.memory_space<hbm>>
    %dma_start3A_15 = tpu.memref_slice %arg3[%add3A_13] : memref<320000xi32, #tpu.memory_space<hbm>> -> memref<80xi32, #tpu.memory_space<hbm>>
    tpu.enqueue_dma source(%dma_start3A_15 : memref<80xi32, #tpu.memory_space<hbm>>) target(%arg10 : memref<80xi32, #tpu.memory_space<vmem>>) target_semaphore(%arg29 : memref<!tpu.dma_semaphore, #tpu.memory_space<semaphore_mem>>)
    %dma_start3A_16 = tpu.memref_slice %arg4[%add3A_13] : memref<320000xi32, #tpu.memory_space<hbm>> -> memref<80xi32, #tpu.memory_space<hbm>>
    %dma_start3A_17 = tpu.memref_slice %arg4[%add3A_13] : memref<320000xi32, #tpu.memory_space<hbm>> -> memref<80xi32, #tpu.memory_space<hbm>>
    tpu.enqueue_dma source(%dma_start3A_17 : memref<80xi32, #tpu.memory_space<hbm>>) target(%arg11 : memref<80xi32, #tpu.memory_space<vmem>>) target_semaphore(%arg29 : memref<!tpu.dma_semaphore, #tpu.memory_space<semaphore_mem>>)
    %dma_wait3A = arith.constant 0 : i32
    %dma_wait3A_18 = tpu.memref_slice %arg3[%dma_wait3A] : memref<320000xi32, #tpu.memory_space<hbm>> -> memref<80xi32, #tpu.memory_space<hbm>>
    %dma_wait3A_19 = arith.constant 0 : i32
    %dma_wait3A_20 = tpu.memref_slice %arg3[%dma_wait3A_19] : memref<320000xi32, #tpu.memory_space<hbm>> -> memref<80xi32, #tpu.memory_space<hbm>>
    tpu.wait_dma2 semaphore(%arg28 : memref<!tpu.dma_semaphore, #tpu.memory_space<semaphore_mem>>) src(%dma_wait3A_20 : memref<80xi32, #tpu.memory_space<hbm>>) dst(%arg8 : memref<80xi32, #tpu.memory_space<vmem>>)
    %dma_wait3A_21 = arith.constant 0 : i32
    %dma_wait3A_22 = tpu.memref_slice %arg4[%dma_wait3A_21] : memref<320000xi32, #tpu.memory_space<hbm>> -> memref<80xi32, #tpu.memory_space<hbm>>
    %dma_wait3A_23 = arith.constant 0 : i32
    %dma_wait3A_24 = tpu.memref_slice %arg4[%dma_wait3A_23] : memref<320000xi32, #tpu.memory_space<hbm>> -> memref<80xi32, #tpu.memory_space<hbm>>
    tpu.wait_dma2 semaphore(%arg28 : memref<!tpu.dma_semaphore, #tpu.memory_space<semaphore_mem>>) src(%dma_wait3A_24 : memref<80xi32, #tpu.memory_space<hbm>>) dst(%arg9 : memref<80xi32, #tpu.memory_space<vmem>>)
    %dma_start3A_25 = arith.constant 0 : i32
    %dma_start3A_26 = arith.constant 0 : i32
    %dma_start3A_27 = tpu.memref_slice %arg2[%dma_start3A_25, %dma_start3A_26] : memref<10000x128xf32, #tpu.memory_space<hbm>> -> memref<10000x128xf32, #tpu.memory_space<hbm>>
    tpu.enqueue_indirect_dma source(%dma_start3A_27 : memref<10000x128xf32, #tpu.memory_space<hbm>>) target(%arg16 : memref<80x128xf32, #tpu.memory_space<vmem>>) offsets(%arg8 : memref<80xi32, #tpu.memory_space<vmem>>) semaphore(%arg20 : memref<!tpu.dma_semaphore, #tpu.memory_space<semaphore_mem>>)
    %dma_wait3A_28 = arith.constant 0 : i32
    %dma_wait3A_29 = tpu.memref_slice %arg3[%dma_wait3A_28] : memref<320000xi32, #tpu.memory_space<hbm>> -> memref<80xi32, #tpu.memory_space<hbm>>
    %dma_wait3A_30 = arith.constant 0 : i32
    %dma_wait3A_31 = tpu.memref_slice %arg3[%dma_wait3A_30] : memref<320000xi32, #tpu.memory_space<hbm>> -> memref<80xi32, #tpu.memory_space<hbm>>
    tpu.wait_dma2 semaphore(%arg29 : memref<!tpu.dma_semaphore, #tpu.memory_space<semaphore_mem>>) src(%dma_wait3A_31 : memref<80xi32, #tpu.memory_space<hbm>>) dst(%arg10 : memref<80xi32, #tpu.memory_space<vmem>>)
    %dma_wait3A_32 = arith.constant 0 : i32
    %dma_wait3A_33 = tpu.memref_slice %arg4[%dma_wait3A_32] : memref<320000xi32, #tpu.memory_space<hbm>> -> memref<80xi32, #tpu.memory_space<hbm>>
    %dma_wait3A_34 = arith.constant 0 : i32
    %dma_wait3A_35 = tpu.memref_slice %arg4[%dma_wait3A_34] : memref<320000xi32, #tpu.memory_space<hbm>> -> memref<80xi32, #tpu.memory_space<hbm>>
    tpu.wait_dma2 semaphore(%arg29 : memref<!tpu.dma_semaphore, #tpu.memory_space<semaphore_mem>>) src(%dma_wait3A_35 : memref<80xi32, #tpu.memory_space<hbm>>) dst(%arg11 : memref<80xi32, #tpu.memory_space<vmem>>)
    %dma_start3A_36 = arith.constant 0 : i32
    %dma_start3A_37 = arith.constant 0 : i32
    %dma_start3A_38 = tpu.memref_slice %arg2[%dma_start3A_36, %dma_start3A_37] : memref<10000x128xf32, #tpu.memory_space<hbm>> -> memref<10000x128xf32, #tpu.memory_space<hbm>>
    tpu.enqueue_indirect_dma source(%dma_start3A_38 : memref<10000x128xf32, #tpu.memory_space<hbm>>) target(%arg17 : memref<80x128xf32, #tpu.memory_space<vmem>>) offsets(%arg10 : memref<80xi32, #tpu.memory_space<vmem>>) semaphore(%arg21 : memref<!tpu.dma_semaphore, #tpu.memory_space<semaphore_mem>>)
    %dma_wait3A_39 = arith.constant 0 : i32
    %dma_wait3A_40 = arith.constant 0 : i32
    %dma_wait3A_41 = tpu.memref_slice %arg2[%dma_wait3A_39, %dma_wait3A_40] : memref<10000x128xf32, #tpu.memory_space<hbm>> -> memref<10000x128xf32, #tpu.memory_space<hbm>>
    tpu.wait_indirect_dma semaphore(%arg20 : memref<!tpu.dma_semaphore, #tpu.memory_space<semaphore_mem>>) src(%dma_wait3A_41 : memref<10000x128xf32, #tpu.memory_space<hbm>>) dst(%arg16 : memref<80x128xf32, #tpu.memory_space<vmem>>)
    %dma_start3A_42 = arith.constant 0 : i32
    %dma_start3A_43 = arith.constant 0 : i32
    %dma_start3A_44 = tpu.memref_slice %arg7[%dma_start3A_42, %dma_start3A_43] : memref<10000x128xf32, #tpu.memory_space<vmem_shared>> -> memref<10000x128xf32, #tpu.memory_space<vmem_shared>>
    tpu.enqueue_indirect_dma source(%arg16 : memref<80x128xf32, #tpu.memory_space<vmem>>) target(%dma_start3A_44 : memref<10000x128xf32, #tpu.memory_space<vmem_shared>>) offsets(%arg9 : memref<80xi32, #tpu.memory_space<vmem>>) semaphore(%arg24 : memref<!tpu.dma_semaphore, #tpu.memory_space<semaphore_mem>>) {add = true}
    %mul3A_45 = arith.constant 10000 : i32
    %mul3A_46 = arith.muli %add3A, %mul3A_45 : i32
    %add3A_47 = arith.constant 160 : i32
    %add3A_48 = arith.addi %mul3A_46, %add3A_47 : i32
    %dma_start3A_49 = tpu.memref_slice %arg3[%add3A_48] : memref<320000xi32, #tpu.memory_space<hbm>> -> memref<80xi32, #tpu.memory_space<hbm>>
    %dma_start3A_50 = tpu.memref_slice %arg3[%add3A_48] : memref<320000xi32, #tpu.memory_space<hbm>> -> memref<80xi32, #tpu.memory_space<hbm>>
    tpu.enqueue_dma source(%dma_start3A_50 : memref<80xi32, #tpu.memory_space<hbm>>) target(%arg12 : memref<80xi32, #tpu.memory_space<vmem>>) target_semaphore(%arg30 : memref<!tpu.dma_semaphore, #tpu.memory_space<semaphore_mem>>)
    %dma_start3A_51 = tpu.memref_slice %arg4[%add3A_48] : memref<320000xi32, #tpu.memory_space<hbm>> -> memref<80xi32, #tpu.memory_space<hbm>>
    %dma_start3A_52 = tpu.memref_slice %arg4[%add3A_48] : memref<320000xi32, #tpu.memory_space<hbm>> -> memref<80xi32, #tpu.memory_space<hbm>>
    tpu.enqueue_dma source(%dma_start3A_52 : memref<80xi32, #tpu.memory_space<hbm>>) target(%arg13 : memref<80xi32, #tpu.memory_space<vmem>>) target_semaphore(%arg30 : memref<!tpu.dma_semaphore, #tpu.memory_space<semaphore_mem>>)
    %dma_wait3A_53 = arith.constant 0 : i32
    %dma_wait3A_54 = tpu.memref_slice %arg3[%dma_wait3A_53] : memref<320000xi32, #tpu.memory_space<hbm>> -> memref<80xi32, #tpu.memory_space<hbm>>
    %dma_wait3A_55 = arith.constant 0 : i32
    %dma_wait3A_56 = tpu.memref_slice %arg3[%dma_wait3A_55] : memref<320000xi32, #tpu.memory_space<hbm>> -> memref<80xi32, #tpu.memory_space<hbm>>
    tpu.wait_dma2 semaphore(%arg30 : memref<!tpu.dma_semaphore, #tpu.memory_space<semaphore_mem>>) src(%dma_wait3A_56 : memref<80xi32, #tpu.memory_space<hbm>>) dst(%arg12 : memref<80xi32, #tpu.memory_space<vmem>>)
    %dma_wait3A_57 = arith.constant 0 : i32
    %dma_wait3A_58 = tpu.memref_slice %arg4[%dma_wait3A_57] : memref<320000xi32, #tpu.memory_space<hbm>> -> memref<80xi32, #tpu.memory_space<hbm>>
    %dma_wait3A_59 = arith.constant 0 : i32
    %dma_wait3A_60 = tpu.memref_slice %arg4[%dma_wait3A_59] : memref<320000xi32, #tpu.memory_space<hbm>> -> memref<80xi32, #tpu.memory_space<hbm>>
    tpu.wait_dma2 semaphore(%arg30 : memref<!tpu.dma_semaphore, #tpu.memory_space<semaphore_mem>>) src(%dma_wait3A_60 : memref<80xi32, #tpu.memory_space<hbm>>) dst(%arg13 : memref<80xi32, #tpu.memory_space<vmem>>)
    %dma_start3A_61 = arith.constant 0 : i32
    %dma_start3A_62 = arith.constant 0 : i32
    %dma_start3A_63 = tpu.memref_slice %arg2[%dma_start3A_61, %dma_start3A_62] : memref<10000x128xf32, #tpu.memory_space<hbm>> -> memref<10000x128xf32, #tpu.memory_space<hbm>>
    tpu.enqueue_indirect_dma source(%dma_start3A_63 : memref<10000x128xf32, #tpu.memory_space<hbm>>) target(%arg18 : memref<80x128xf32, #tpu.memory_space<vmem>>) offsets(%arg12 : memref<80xi32, #tpu.memory_space<vmem>>) semaphore(%arg22 : memref<!tpu.dma_semaphore, #tpu.memory_space<semaphore_mem>>)
    %dma_wait3A_64 = arith.constant 0 : i32
    %dma_wait3A_65 = arith.constant 0 : i32
    %dma_wait3A_66 = tpu.memref_slice %arg2[%dma_wait3A_64, %dma_wait3A_65] : memref<10000x128xf32, #tpu.memory_space<hbm>> -> memref<10000x128xf32, #tpu.memory_space<hbm>>
    tpu.wait_indirect_dma semaphore(%arg21 : memref<!tpu.dma_semaphore, #tpu.memory_space<semaphore_mem>>) src(%dma_wait3A_66 : memref<10000x128xf32, #tpu.memory_space<hbm>>) dst(%arg17 : memref<80x128xf32, #tpu.memory_space<vmem>>)
    %dma_start3A_67 = arith.constant 0 : i32
    %dma_start3A_68 = arith.constant 0 : i32
    %dma_start3A_69 = tpu.memref_slice %arg7[%dma_start3A_67, %dma_start3A_68] : memref<10000x128xf32, #tpu.memory_space<vmem_shared>> -> memref<10000x128xf32, #tpu.memory_space<vmem_shared>>
    tpu.enqueue_indirect_dma source(%arg17 : memref<80x128xf32, #tpu.memory_space<vmem>>) target(%dma_start3A_69 : memref<10000x128xf32, #tpu.memory_space<vmem_shared>>) offsets(%arg11 : memref<80xi32, #tpu.memory_space<vmem>>) semaphore(%arg25 : memref<!tpu.dma_semaphore, #tpu.memory_space<semaphore_mem>>) {add = true}
    %mul3A_70 = arith.constant 10000 : i32
    %mul3A_71 = arith.muli %add3A, %mul3A_70 : i32
    %add3A_72 = arith.constant 240 : i32
    %add3A_73 = arith.addi %mul3A_71, %add3A_72 : i32
    %dma_start3A_74 = tpu.memref_slice %arg3[%add3A_73] : memref<320000xi32, #tpu.memory_space<hbm>> -> memref<80xi32, #tpu.memory_space<hbm>>
    %dma_start3A_75 = tpu.memref_slice %arg3[%add3A_73] : memref<320000xi32, #tpu.memory_space<hbm>> -> memref<80xi32, #tpu.memory_space<hbm>>
    tpu.enqueue_dma source(%dma_start3A_75 : memref<80xi32, #tpu.memory_space<hbm>>) target(%arg14 : memref<80xi32, #tpu.memory_space<vmem>>) target_semaphore(%arg31 : memref<!tpu.dma_semaphore, #tpu.memory_space<semaphore_mem>>)
    %dma_start3A_76 = tpu.memref_slice %arg4[%add3A_73] : memref<320000xi32, #tpu.memory_space<hbm>> -> memref<80xi32, #tpu.memory_space<hbm>>
    %dma_start3A_77 = tpu.memref_slice %arg4[%add3A_73] : memref<320000xi32, #tpu.memory_space<hbm>> -> memref<80xi32, #tpu.memory_space<hbm>>
    tpu.enqueue_dma source(%dma_start3A_77 : memref<80xi32, #tpu.memory_space<hbm>>) target(%arg15 : memref<80xi32, #tpu.memory_space<vmem>>) target_semaphore(%arg31 : memref<!tpu.dma_semaphore, #tpu.memory_space<semaphore_mem>>)
    %scan3A = arith.constant 0 : i32
    %scan3A_78 = arith.constant 0 : i32
    %scan3A_79 = arith.constant 30 : i32
    %scan3A_80 = arith.addi %scan3A_78, %scan3A_79 : i32
    %scan3A_81 = arith.constant 1 : i32
    scf.for %scan3A_153 = %scan3A_78 to %scan3A_80 step %scan3A_81  : i32 {
      %mul3A_154 = arith.constant 4 : i32
      %mul3A_155 = arith.muli %mul3A_154, %scan3A_153 : i32
      %add3A_156 = arith.constant 2 : i32
      %add3A_157 = arith.addi %add3A_156, %mul3A_155 : i32
      %dma_wait3A_158 = arith.constant 0 : i32
      %dma_wait3A_159 = tpu.memref_slice %arg3[%dma_wait3A_158] : memref<320000xi32, #tpu.memory_space<hbm>> -> memref<80xi32, #tpu.memory_space<hbm>>
      %dma_wait3A_160 = arith.constant 0 : i32
      %dma_wait3A_161 = tpu.memref_slice %arg3[%dma_wait3A_160] : memref<320000xi32, #tpu.memory_space<hbm>> -> memref<80xi32, #tpu.memory_space<hbm>>
      tpu.wait_dma2 semaphore(%arg31 : memref<!tpu.dma_semaphore, #tpu.memory_space<semaphore_mem>>) src(%dma_wait3A_161 : memref<80xi32, #tpu.memory_space<hbm>>) dst(%arg14 : memref<80xi32, #tpu.memory_space<vmem>>)
      %dma_wait3A_162 = arith.constant 0 : i32
      %dma_wait3A_163 = tpu.memref_slice %arg4[%dma_wait3A_162] : memref<320000xi32, #tpu.memory_space<hbm>> -> memref<80xi32, #tpu.memory_space<hbm>>
      %dma_wait3A_164 = arith.constant 0 : i32
      %dma_wait3A_165 = tpu.memref_slice %arg4[%dma_wait3A_164] : memref<320000xi32, #tpu.memory_space<hbm>> -> memref<80xi32, #tpu.memory_space<hbm>>
      tpu.wait_dma2 semaphore(%arg31 : memref<!tpu.dma_semaphore, #tpu.memory_space<semaphore_mem>>) src(%dma_wait3A_165 : memref<80xi32, #tpu.memory_space<hbm>>) dst(%arg15 : memref<80xi32, #tpu.memory_space<vmem>>)
      %dma_start3A_166 = arith.constant 0 : i32
      %dma_start3A_167 = arith.constant 0 : i32
      %dma_start3A_168 = tpu.memref_slice %arg2[%dma_start3A_166, %dma_start3A_167] : memref<10000x128xf32, #tpu.memory_space<hbm>> -> memref<10000x128xf32, #tpu.memory_space<hbm>>
      tpu.enqueue_indirect_dma source(%dma_start3A_168 : memref<10000x128xf32, #tpu.memory_space<hbm>>) target(%arg19 : memref<80x128xf32, #tpu.memory_space<vmem>>) offsets(%arg14 : memref<80xi32, #tpu.memory_space<vmem>>) semaphore(%arg23 : memref<!tpu.dma_semaphore, #tpu.memory_space<semaphore_mem>>)
      %dma_wait3A_169 = arith.constant 0 : i32
      %dma_wait3A_170 = arith.constant 0 : i32
      %dma_wait3A_171 = tpu.memref_slice %arg2[%dma_wait3A_169, %dma_wait3A_170] : memref<10000x128xf32, #tpu.memory_space<hbm>> -> memref<10000x128xf32, #tpu.memory_space<hbm>>
      tpu.wait_indirect_dma semaphore(%arg22 : memref<!tpu.dma_semaphore, #tpu.memory_space<semaphore_mem>>) src(%dma_wait3A_171 : memref<10000x128xf32, #tpu.memory_space<hbm>>) dst(%arg18 : memref<80x128xf32, #tpu.memory_space<vmem>>)
      %dma_start3A_172 = arith.constant 0 : i32
      %dma_start3A_173 = arith.constant 0 : i32
      %dma_start3A_174 = tpu.memref_slice %arg7[%dma_start3A_172, %dma_start3A_173] : memref<10000x128xf32, #tpu.memory_space<vmem_shared>> -> memref<10000x128xf32, #tpu.memory_space<vmem_shared>>
      tpu.enqueue_indirect_dma source(%arg18 : memref<80x128xf32, #tpu.memory_space<vmem>>) target(%dma_start3A_174 : memref<10000x128xf32, #tpu.memory_space<vmem_shared>>) offsets(%arg13 : memref<80xi32, #tpu.memory_space<vmem>>) semaphore(%arg26 : memref<!tpu.dma_semaphore, #tpu.memory_space<semaphore_mem>>) {add = true}
      %dma_wait3A_175 = arith.constant 0 : i32
      %dma_wait3A_176 = arith.constant 0 : i32
      %dma_wait3A_177 = tpu.memref_slice %arg2[%dma_wait3A_175, %dma_wait3A_176] : memref<10000x128xf32, #tpu.memory_space<hbm>> -> memref<10000x128xf32, #tpu.memory_space<hbm>>
      tpu.wait_indirect_dma semaphore(%arg24 : memref<!tpu.dma_semaphore, #tpu.memory_space<semaphore_mem>>) src(%dma_wait3A_177 : memref<10000x128xf32, #tpu.memory_space<hbm>>) dst(%arg16 : memref<80x128xf32, #tpu.memory_space<vmem>>)
      %add3A_178 = arith.constant 0 : i32
      %add3A_179 = arith.addi %add3A_157, %add3A_178 : i32
      %add3A_180 = arith.constant 2 : i32
      %add3A_181 = arith.addi %add3A_179, %add3A_180 : i32
      %mul3A_182 = arith.constant 10000 : i32
      %mul3A_183 = arith.muli %add3A, %mul3A_182 : i32
      %mul3A_184 = arith.constant 80 : i32
      %mul3A_185 = arith.muli %add3A_181, %mul3A_184 : i32
      %add3A_186 = arith.addi %mul3A_183, %mul3A_185 : i32
      %dma_start3A_187 = tpu.memref_slice %arg3[%add3A_186] : memref<320000xi32, #tpu.memory_space<hbm>> -> memref<80xi32, #tpu.memory_space<hbm>>
      %dma_start3A_188 = tpu.memref_slice %arg3[%add3A_186] : memref<320000xi32, #tpu.memory_space<hbm>> -> memref<80xi32, #tpu.memory_space<hbm>>
      tpu.enqueue_dma source(%dma_start3A_188 : memref<80xi32, #tpu.memory_space<hbm>>) target(%arg8 : memref<80xi32, #tpu.memory_space<vmem>>) target_semaphore(%arg28 : memref<!tpu.dma_semaphore, #tpu.memory_space<semaphore_mem>>)
      %dma_start3A_189 = tpu.memref_slice %arg4[%add3A_186] : memref<320000xi32, #tpu.memory_space<hbm>> -> memref<80xi32, #tpu.memory_space<hbm>>
      %dma_start3A_190 = tpu.memref_slice %arg4[%add3A_186] : memref<320000xi32, #tpu.memory_space<hbm>> -> memref<80xi32, #tpu.memory_space<hbm>>
      tpu.enqueue_dma source(%dma_start3A_190 : memref<80xi32, #tpu.memory_space<hbm>>) target(%arg9 : memref<80xi32, #tpu.memory_space<vmem>>) target_semaphore(%arg28 : memref<!tpu.dma_semaphore, #tpu.memory_space<semaphore_mem>>)
      %dma_wait3A_191 = arith.constant 0 : i32
      %dma_wait3A_192 = tpu.memref_slice %arg3[%dma_wait3A_191] : memref<320000xi32, #tpu.memory_space<hbm>> -> memref<80xi32, #tpu.memory_space<hbm>>
      %dma_wait3A_193 = arith.constant 0 : i32
      %dma_wait3A_194 = tpu.memref_slice %arg3[%dma_wait3A_193] : memref<320000xi32, #tpu.memory_space<hbm>> -> memref<80xi32, #tpu.memory_space<hbm>>
      tpu.wait_dma2 semaphore(%arg28 : memref<!tpu.dma_semaphore, #tpu.memory_space<semaphore_mem>>) src(%dma_wait3A_194 : memref<80xi32, #tpu.memory_space<hbm>>) dst(%arg8 : memref<80xi32, #tpu.memory_space<vmem>>)
      %dma_wait3A_195 = arith.constant 0 : i32
      %dma_wait3A_196 = tpu.memref_slice %arg4[%dma_wait3A_195] : memref<320000xi32, #tpu.memory_space<hbm>> -> memref<80xi32, #tpu.memory_space<hbm>>
      %dma_wait3A_197 = arith.constant 0 : i32
      %dma_wait3A_198 = tpu.memref_slice %arg4[%dma_wait3A_197] : memref<320000xi32, #tpu.memory_space<hbm>> -> memref<80xi32, #tpu.memory_space<hbm>>
      tpu.wait_dma2 semaphore(%arg28 : memref<!tpu.dma_semaphore, #tpu.memory_space<semaphore_mem>>) src(%dma_wait3A_198 : memref<80xi32, #tpu.memory_space<hbm>>) dst(%arg9 : memref<80xi32, #tpu.memory_space<vmem>>)
      %dma_start3A_199 = arith.constant 0 : i32
      %dma_start3A_200 = arith.constant 0 : i32
      %dma_start3A_201 = tpu.memref_slice %arg2[%dma_start3A_199, %dma_start3A_200] : memref<10000x128xf32, #tpu.memory_space<hbm>> -> memref<10000x128xf32, #tpu.memory_space<hbm>>
      tpu.enqueue_indirect_dma source(%dma_start3A_201 : memref<10000x128xf32, #tpu.memory_space<hbm>>) target(%arg16 : memref<80x128xf32, #tpu.memory_space<vmem>>) offsets(%arg8 : memref<80xi32, #tpu.memory_space<vmem>>) semaphore(%arg20 : memref<!tpu.dma_semaphore, #tpu.memory_space<semaphore_mem>>)
      %dma_wait3A_202 = arith.constant 0 : i32
      %dma_wait3A_203 = arith.constant 0 : i32
      %dma_wait3A_204 = tpu.memref_slice %arg2[%dma_wait3A_202, %dma_wait3A_203] : memref<10000x128xf32, #tpu.memory_space<hbm>> -> memref<10000x128xf32, #tpu.memory_space<hbm>>
      tpu.wait_indirect_dma semaphore(%arg23 : memref<!tpu.dma_semaphore, #tpu.memory_space<semaphore_mem>>) src(%dma_wait3A_204 : memref<10000x128xf32, #tpu.memory_space<hbm>>) dst(%arg19 : memref<80x128xf32, #tpu.memory_space<vmem>>)
      %dma_start3A_205 = arith.constant 0 : i32
      %dma_start3A_206 = arith.constant 0 : i32
      %dma_start3A_207 = tpu.memref_slice %arg7[%dma_start3A_205, %dma_start3A_206] : memref<10000x128xf32, #tpu.memory_space<vmem_shared>> -> memref<10000x128xf32, #tpu.memory_space<vmem_shared>>
      tpu.enqueue_indirect_dma source(%arg19 : memref<80x128xf32, #tpu.memory_space<vmem>>) target(%dma_start3A_207 : memref<10000x128xf32, #tpu.memory_space<vmem_shared>>) offsets(%arg15 : memref<80xi32, #tpu.memory_space<vmem>>) semaphore(%arg27 : memref<!tpu.dma_semaphore, #tpu.memory_space<semaphore_mem>>) {add = true}
      %dma_wait3A_208 = arith.constant 0 : i32
      %dma_wait3A_209 = arith.constant 0 : i32
      %dma_wait3A_210 = tpu.memref_slice %arg2[%dma_wait3A_208, %dma_wait3A_209] : memref<10000x128xf32, #tpu.memory_space<hbm>> -> memref<10000x128xf32, #tpu.memory_space<hbm>>
      tpu.wait_indirect_dma semaphore(%arg25 : memref<!tpu.dma_semaphore, #tpu.memory_space<semaphore_mem>>) src(%dma_wait3A_210 : memref<10000x128xf32, #tpu.memory_space<hbm>>) dst(%arg17 : memref<80x128xf32, #tpu.memory_space<vmem>>)
      %add3A_211 = arith.constant 1 : i32
      %add3A_212 = arith.addi %add3A_157, %add3A_211 : i32
      %add3A_213 = arith.constant 2 : i32
      %add3A_214 = arith.addi %add3A_212, %add3A_213 : i32
      %mul3A_215 = arith.constant 10000 : i32
      %mul3A_216 = arith.muli %add3A, %mul3A_215 : i32
      %mul3A_217 = arith.constant 80 : i32
      %mul3A_218 = arith.muli %add3A_214, %mul3A_217 : i32
      %add3A_219 = arith.addi %mul3A_216, %mul3A_218 : i32
      %dma_start3A_220 = tpu.memref_slice %arg3[%add3A_219] : memref<320000xi32, #tpu.memory_space<hbm>> -> memref<80xi32, #tpu.memory_space<hbm>>
      %dma_start3A_221 = tpu.memref_slice %arg3[%add3A_219] : memref<320000xi32, #tpu.memory_space<hbm>> -> memref<80xi32, #tpu.memory_space<hbm>>
      tpu.enqueue_dma source(%dma_start3A_221 : memref<80xi32, #tpu.memory_space<hbm>>) target(%arg10 : memref<80xi32, #tpu.memory_space<vmem>>) target_semaphore(%arg29 : memref<!tpu.dma_semaphore, #tpu.memory_space<semaphore_mem>>)
      %dma_start3A_222 = tpu.memref_slice %arg4[%add3A_219] : memref<320000xi32, #tpu.memory_space<hbm>> -> memref<80xi32, #tpu.memory_space<hbm>>
      %dma_start3A_223 = tpu.memref_slice %arg4[%add3A_219] : memref<320000xi32, #tpu.memory_space<hbm>> -> memref<80xi32, #tpu.memory_space<hbm>>
      tpu.enqueue_dma source(%dma_start3A_223 : memref<80xi32, #tpu.memory_space<hbm>>) target(%arg11 : memref<80xi32, #tpu.memory_space<vmem>>) target_semaphore(%arg29 : memref<!tpu.dma_semaphore, #tpu.memory_space<semaphore_mem>>)
      %dma_wait3A_224 = arith.constant 0 : i32
      %dma_wait3A_225 = tpu.memref_slice %arg3[%dma_wait3A_224] : memref<320000xi32, #tpu.memory_space<hbm>> -> memref<80xi32, #tpu.memory_space<hbm>>
      %dma_wait3A_226 = arith.constant 0 : i32
      %dma_wait3A_227 = tpu.memref_slice %arg3[%dma_wait3A_226] : memref<320000xi32, #tpu.memory_space<hbm>> -> memref<80xi32, #tpu.memory_space<hbm>>
      tpu.wait_dma2 semaphore(%arg29 : memref<!tpu.dma_semaphore, #tpu.memory_space<semaphore_mem>>) src(%dma_wait3A_227 : memref<80xi32, #tpu.memory_space<hbm>>) dst(%arg10 : memref<80xi32, #tpu.memory_space<vmem>>)
      %dma_wait3A_228 = arith.constant 0 : i32
      %dma_wait3A_229 = tpu.memref_slice %arg4[%dma_wait3A_228] : memref<320000xi32, #tpu.memory_space<hbm>> -> memref<80xi32, #tpu.memory_space<hbm>>
      %dma_wait3A_230 = arith.constant 0 : i32
      %dma_wait3A_231 = tpu.memref_slice %arg4[%dma_wait3A_230] : memref<320000xi32, #tpu.memory_space<hbm>> -> memref<80xi32, #tpu.memory_space<hbm>>
      tpu.wait_dma2 semaphore(%arg29 : memref<!tpu.dma_semaphore, #tpu.memory_space<semaphore_mem>>) src(%dma_wait3A_231 : memref<80xi32, #tpu.memory_space<hbm>>) dst(%arg11 : memref<80xi32, #tpu.memory_space<vmem>>)
      %dma_start3A_232 = arith.constant 0 : i32
      %dma_start3A_233 = arith.constant 0 : i32
      %dma_start3A_234 = tpu.memref_slice %arg2[%dma_start3A_232, %dma_start3A_233] : memref<10000x128xf32, #tpu.memory_space<hbm>> -> memref<10000x128xf32, #tpu.memory_space<hbm>>
      tpu.enqueue_indirect_dma source(%dma_start3A_234 : memref<10000x128xf32, #tpu.memory_space<hbm>>) target(%arg17 : memref<80x128xf32, #tpu.memory_space<vmem>>) offsets(%arg10 : memref<80xi32, #tpu.memory_space<vmem>>) semaphore(%arg21 : memref<!tpu.dma_semaphore, #tpu.memory_space<semaphore_mem>>)
      %dma_wait3A_235 = arith.constant 0 : i32
      %dma_wait3A_236 = arith.constant 0 : i32
      %dma_wait3A_237 = tpu.memref_slice %arg2[%dma_wait3A_235, %dma_wait3A_236] : memref<10000x128xf32, #tpu.memory_space<hbm>> -> memref<10000x128xf32, #tpu.memory_space<hbm>>
      tpu.wait_indirect_dma semaphore(%arg20 : memref<!tpu.dma_semaphore, #tpu.memory_space<semaphore_mem>>) src(%dma_wait3A_237 : memref<10000x128xf32, #tpu.memory_space<hbm>>) dst(%arg16 : memref<80x128xf32, #tpu.memory_space<vmem>>)
      %dma_start3A_238 = arith.constant 0 : i32
      %dma_start3A_239 = arith.constant 0 : i32
      %dma_start3A_240 = tpu.memref_slice %arg7[%dma_start3A_238, %dma_start3A_239] : memref<10000x128xf32, #tpu.memory_space<vmem_shared>> -> memref<10000x128xf32, #tpu.memory_space<vmem_shared>>
      tpu.enqueue_indirect_dma source(%arg16 : memref<80x128xf32, #tpu.memory_space<vmem>>) target(%dma_start3A_240 : memref<10000x128xf32, #tpu.memory_space<vmem_shared>>) offsets(%arg9 : memref<80xi32, #tpu.memory_space<vmem>>) semaphore(%arg24 : memref<!tpu.dma_semaphore, #tpu.memory_space<semaphore_mem>>) {add = true}
      %dma_wait3A_241 = arith.constant 0 : i32
      %dma_wait3A_242 = arith.constant 0 : i32
      %dma_wait3A_243 = tpu.memref_slice %arg2[%dma_wait3A_241, %dma_wait3A_242] : memref<10000x128xf32, #tpu.memory_space<hbm>> -> memref<10000x128xf32, #tpu.memory_space<hbm>>
      tpu.wait_indirect_dma semaphore(%arg26 : memref<!tpu.dma_semaphore, #tpu.memory_space<semaphore_mem>>) src(%dma_wait3A_243 : memref<10000x128xf32, #tpu.memory_space<hbm>>) dst(%arg18 : memref<80x128xf32, #tpu.memory_space<vmem>>)
      %add3A_244 = arith.constant 2 : i32
      %add3A_245 = arith.addi %add3A_157, %add3A_244 : i32
      %add3A_246 = arith.constant 2 : i32
      %add3A_247 = arith.addi %add3A_245, %add3A_246 : i32
      %mul3A_248 = arith.constant 10000 : i32
      %mul3A_249 = arith.muli %add3A, %mul3A_248 : i32
      %mul3A_250 = arith.constant 80 : i32
      %mul3A_251 = arith.muli %add3A_247, %mul3A_250 : i32
      %add3A_252 = arith.addi %mul3A_249, %mul3A_251 : i32
      %dma_start3A_253 = tpu.memref_slice %arg3[%add3A_252] : memref<320000xi32, #tpu.memory_space<hbm>> -> memref<80xi32, #tpu.memory_space<hbm>>
      %dma_start3A_254 = tpu.memref_slice %arg3[%add3A_252] : memref<320000xi32, #tpu.memory_space<hbm>> -> memref<80xi32, #tpu.memory_space<hbm>>
      tpu.enqueue_dma source(%dma_start3A_254 : memref<80xi32, #tpu.memory_space<hbm>>) target(%arg12 : memref<80xi32, #tpu.memory_space<vmem>>) target_semaphore(%arg30 : memref<!tpu.dma_semaphore, #tpu.memory_space<semaphore_mem>>)
      %dma_start3A_255 = tpu.memref_slice %arg4[%add3A_252] : memref<320000xi32, #tpu.memory_space<hbm>> -> memref<80xi32, #tpu.memory_space<hbm>>
      %dma_start3A_256 = tpu.memref_slice %arg4[%add3A_252] : memref<320000xi32, #tpu.memory_space<hbm>> -> memref<80xi32, #tpu.memory_space<hbm>>
      tpu.enqueue_dma source(%dma_start3A_256 : memref<80xi32, #tpu.memory_space<hbm>>) target(%arg13 : memref<80xi32, #tpu.memory_space<vmem>>) target_semaphore(%arg30 : memref<!tpu.dma_semaphore, #tpu.memory_space<semaphore_mem>>)
      %dma_wait3A_257 = arith.constant 0 : i32
      %dma_wait3A_258 = tpu.memref_slice %arg3[%dma_wait3A_257] : memref<320000xi32, #tpu.memory_space<hbm>> -> memref<80xi32, #tpu.memory_space<hbm>>
      %dma_wait3A_259 = arith.constant 0 : i32
      %dma_wait3A_260 = tpu.memref_slice %arg3[%dma_wait3A_259] : memref<320000xi32, #tpu.memory_space<hbm>> -> memref<80xi32, #tpu.memory_space<hbm>>
      tpu.wait_dma2 semaphore(%arg30 : memref<!tpu.dma_semaphore, #tpu.memory_space<semaphore_mem>>) src(%dma_wait3A_260 : memref<80xi32, #tpu.memory_space<hbm>>) dst(%arg12 : memref<80xi32, #tpu.memory_space<vmem>>)
      %dma_wait3A_261 = arith.constant 0 : i32
      %dma_wait3A_262 = tpu.memref_slice %arg4[%dma_wait3A_261] : memref<320000xi32, #tpu.memory_space<hbm>> -> memref<80xi32, #tpu.memory_space<hbm>>
      %dma_wait3A_263 = arith.constant 0 : i32
      %dma_wait3A_264 = tpu.memref_slice %arg4[%dma_wait3A_263] : memref<320000xi32, #tpu.memory_space<hbm>> -> memref<80xi32, #tpu.memory_space<hbm>>
      tpu.wait_dma2 semaphore(%arg30 : memref<!tpu.dma_semaphore, #tpu.memory_space<semaphore_mem>>) src(%dma_wait3A_264 : memref<80xi32, #tpu.memory_space<hbm>>) dst(%arg13 : memref<80xi32, #tpu.memory_space<vmem>>)
      %dma_start3A_265 = arith.constant 0 : i32
      %dma_start3A_266 = arith.constant 0 : i32
      %dma_start3A_267 = tpu.memref_slice %arg2[%dma_start3A_265, %dma_start3A_266] : memref<10000x128xf32, #tpu.memory_space<hbm>> -> memref<10000x128xf32, #tpu.memory_space<hbm>>
      tpu.enqueue_indirect_dma source(%dma_start3A_267 : memref<10000x128xf32, #tpu.memory_space<hbm>>) target(%arg18 : memref<80x128xf32, #tpu.memory_space<vmem>>) offsets(%arg12 : memref<80xi32, #tpu.memory_space<vmem>>) semaphore(%arg22 : memref<!tpu.dma_semaphore, #tpu.memory_space<semaphore_mem>>)
      %dma_wait3A_268 = arith.constant 0 : i32
      %dma_wait3A_269 = arith.constant 0 : i32
      %dma_wait3A_270 = tpu.memref_slice %arg2[%dma_wait3A_268, %dma_wait3A_269] : memref<10000x128xf32, #tpu.memory_space<hbm>> -> memref<10000x128xf32, #tpu.memory_space<hbm>>
      tpu.wait_indirect_dma semaphore(%arg21 : memref<!tpu.dma_semaphore, #tpu.memory_space<semaphore_mem>>) src(%dma_wait3A_270 : memref<10000x128xf32, #tpu.memory_space<hbm>>) dst(%arg17 : memref<80x128xf32, #tpu.memory_space<vmem>>)
      %dma_start3A_271 = arith.constant 0 : i32
      %dma_start3A_272 = arith.constant 0 : i32
      %dma_start3A_273 = tpu.memref_slice %arg7[%dma_start3A_271, %dma_start3A_272] : memref<10000x128xf32, #tpu.memory_space<vmem_shared>> -> memref<10000x128xf32, #tpu.memory_space<vmem_shared>>
      tpu.enqueue_indirect_dma source(%arg17 : memref<80x128xf32, #tpu.memory_space<vmem>>) target(%dma_start3A_273 : memref<10000x128xf32, #tpu.memory_space<vmem_shared>>) offsets(%arg11 : memref<80xi32, #tpu.memory_space<vmem>>) semaphore(%arg25 : memref<!tpu.dma_semaphore, #tpu.memory_space<semaphore_mem>>) {add = true}
      %dma_wait3A_274 = arith.constant 0 : i32
      %dma_wait3A_275 = arith.constant 0 : i32
      %dma_wait3A_276 = tpu.memref_slice %arg2[%dma_wait3A_274, %dma_wait3A_275] : memref<10000x128xf32, #tpu.memory_space<hbm>> -> memref<10000x128xf32, #tpu.memory_space<hbm>>
      tpu.wait_indirect_dma semaphore(%arg27 : memref<!tpu.dma_semaphore, #tpu.memory_space<semaphore_mem>>) src(%dma_wait3A_276 : memref<10000x128xf32, #tpu.memory_space<hbm>>) dst(%arg19 : memref<80x128xf32, #tpu.memory_space<vmem>>)
      %add3A_277 = arith.constant 3 : i32
      %add3A_278 = arith.addi %add3A_157, %add3A_277 : i32
      %add3A_279 = arith.constant 2 : i32
      %add3A_280 = arith.addi %add3A_278, %add3A_279 : i32
      %mul3A_281 = arith.constant 10000 : i32
      %mul3A_282 = arith.muli %add3A, %mul3A_281 : i32
      %mul3A_283 = arith.constant 80 : i32
      %mul3A_284 = arith.muli %add3A_280, %mul3A_283 : i32
      %add3A_285 = arith.addi %mul3A_282, %mul3A_284 : i32
      %dma_start3A_286 = tpu.memref_slice %arg3[%add3A_285] : memref<320000xi32, #tpu.memory_space<hbm>> -> memref<80xi32, #tpu.memory_space<hbm>>
      %dma_start3A_287 = tpu.memref_slice %arg3[%add3A_285] : memref<320000xi32, #tpu.memory_space<hbm>> -> memref<80xi32, #tpu.memory_space<hbm>>
      tpu.enqueue_dma source(%dma_start3A_287 : memref<80xi32, #tpu.memory_space<hbm>>) target(%arg14 : memref<80xi32, #tpu.memory_space<vmem>>) target_semaphore(%arg31 : memref<!tpu.dma_semaphore, #tpu.memory_space<semaphore_mem>>)
      %dma_start3A_288 = tpu.memref_slice %arg4[%add3A_285] : memref<320000xi32, #tpu.memory_space<hbm>> -> memref<80xi32, #tpu.memory_space<hbm>>
      %dma_start3A_289 = tpu.memref_slice %arg4[%add3A_285] : memref<320000xi32, #tpu.memory_space<hbm>> -> memref<80xi32, #tpu.memory_space<hbm>>
      tpu.enqueue_dma source(%dma_start3A_289 : memref<80xi32, #tpu.memory_space<hbm>>) target(%arg15 : memref<80xi32, #tpu.memory_space<vmem>>) target_semaphore(%arg31 : memref<!tpu.dma_semaphore, #tpu.memory_space<semaphore_mem>>)
    }
    %scan3A_82 = arith.constant 30 : i32
    %dma_wait3A_83 = arith.constant 0 : i32
    %dma_wait3A_84 = tpu.memref_slice %arg3[%dma_wait3A_83] : memref<320000xi32, #tpu.memory_space<hbm>> -> memref<80xi32, #tpu.memory_space<hbm>>
    %dma_wait3A_85 = arith.constant 0 : i32
    %dma_wait3A_86 = tpu.memref_slice %arg3[%dma_wait3A_85] : memref<320000xi32, #tpu.memory_space<hbm>> -> memref<80xi32, #tpu.memory_space<hbm>>
    tpu.wait_dma2 semaphore(%arg31 : memref<!tpu.dma_semaphore, #tpu.memory_space<semaphore_mem>>) src(%dma_wait3A_86 : memref<80xi32, #tpu.memory_space<hbm>>) dst(%arg14 : memref<80xi32, #tpu.memory_space<vmem>>)
    %dma_wait3A_87 = arith.constant 0 : i32
    %dma_wait3A_88 = tpu.memref_slice %arg4[%dma_wait3A_87] : memref<320000xi32, #tpu.memory_space<hbm>> -> memref<80xi32, #tpu.memory_space<hbm>>
    %dma_wait3A_89 = arith.constant 0 : i32
    %dma_wait3A_90 = tpu.memref_slice %arg4[%dma_wait3A_89] : memref<320000xi32, #tpu.memory_space<hbm>> -> memref<80xi32, #tpu.memory_space<hbm>>
    tpu.wait_dma2 semaphore(%arg31 : memref<!tpu.dma_semaphore, #tpu.memory_space<semaphore_mem>>) src(%dma_wait3A_90 : memref<80xi32, #tpu.memory_space<hbm>>) dst(%arg15 : memref<80xi32, #tpu.memory_space<vmem>>)
    %dma_start3A_91 = arith.constant 0 : i32
    %dma_start3A_92 = arith.constant 0 : i32
    %dma_start3A_93 = tpu.memref_slice %arg2[%dma_start3A_91, %dma_start3A_92] : memref<10000x128xf32, #tpu.memory_space<hbm>> -> memref<10000x128xf32, #tpu.memory_space<hbm>>
    tpu.enqueue_indirect_dma source(%dma_start3A_93 : memref<10000x128xf32, #tpu.memory_space<hbm>>) target(%arg19 : memref<80x128xf32, #tpu.memory_space<vmem>>) offsets(%arg14 : memref<80xi32, #tpu.memory_space<vmem>>) semaphore(%arg23 : memref<!tpu.dma_semaphore, #tpu.memory_space<semaphore_mem>>)
    %dma_wait3A_94 = arith.constant 0 : i32
    %dma_wait3A_95 = arith.constant 0 : i32
    %dma_wait3A_96 = tpu.memref_slice %arg2[%dma_wait3A_94, %dma_wait3A_95] : memref<10000x128xf32, #tpu.memory_space<hbm>> -> memref<10000x128xf32, #tpu.memory_space<hbm>>
    tpu.wait_indirect_dma semaphore(%arg22 : memref<!tpu.dma_semaphore, #tpu.memory_space<semaphore_mem>>) src(%dma_wait3A_96 : memref<10000x128xf32, #tpu.memory_space<hbm>>) dst(%arg18 : memref<80x128xf32, #tpu.memory_space<vmem>>)
    %dma_start3A_97 = arith.constant 0 : i32
    %dma_start3A_98 = arith.constant 0 : i32
    %dma_start3A_99 = tpu.memref_slice %arg7[%dma_start3A_97, %dma_start3A_98] : memref<10000x128xf32, #tpu.memory_space<vmem_shared>> -> memref<10000x128xf32, #tpu.memory_space<vmem_shared>>
    tpu.enqueue_indirect_dma source(%arg18 : memref<80x128xf32, #tpu.memory_space<vmem>>) target(%dma_start3A_99 : memref<10000x128xf32, #tpu.memory_space<vmem_shared>>) offsets(%arg13 : memref<80xi32, #tpu.memory_space<vmem>>) semaphore(%arg26 : memref<!tpu.dma_semaphore, #tpu.memory_space<semaphore_mem>>) {add = true}
    %dma_wait3A_100 = arith.constant 0 : i32
    %dma_wait3A_101 = arith.constant 0 : i32
    %dma_wait3A_102 = tpu.memref_slice %arg2[%dma_wait3A_100, %dma_wait3A_101] : memref<10000x128xf32, #tpu.memory_space<hbm>> -> memref<10000x128xf32, #tpu.memory_space<hbm>>
    tpu.wait_indirect_dma semaphore(%arg24 : memref<!tpu.dma_semaphore, #tpu.memory_space<semaphore_mem>>) src(%dma_wait3A_102 : memref<10000x128xf32, #tpu.memory_space<hbm>>) dst(%arg16 : memref<80x128xf32, #tpu.memory_space<vmem>>)
    %mul3A_103 = arith.constant 10000 : i32
    %mul3A_104 = arith.muli %add3A, %mul3A_103 : i32
    %add3A_105 = arith.constant 9920 : i32
    %add3A_106 = arith.addi %mul3A_104, %add3A_105 : i32
    %dma_start3A_107 = tpu.memref_slice %arg3[%add3A_106] : memref<320000xi32, #tpu.memory_space<hbm>> -> memref<80xi32, #tpu.memory_space<hbm>>
    %dma_start3A_108 = tpu.memref_slice %arg3[%add3A_106] : memref<320000xi32, #tpu.memory_space<hbm>> -> memref<80xi32, #tpu.memory_space<hbm>>
    tpu.enqueue_dma source(%dma_start3A_108 : memref<80xi32, #tpu.memory_space<hbm>>) target(%arg8 : memref<80xi32, #tpu.memory_space<vmem>>) target_semaphore(%arg28 : memref<!tpu.dma_semaphore, #tpu.memory_space<semaphore_mem>>)
    %dma_start3A_109 = tpu.memref_slice %arg4[%add3A_106] : memref<320000xi32, #tpu.memory_space<hbm>> -> memref<80xi32, #tpu.memory_space<hbm>>
    %dma_start3A_110 = tpu.memref_slice %arg4[%add3A_106] : memref<320000xi32, #tpu.memory_space<hbm>> -> memref<80xi32, #tpu.memory_space<hbm>>
    tpu.enqueue_dma source(%dma_start3A_110 : memref<80xi32, #tpu.memory_space<hbm>>) target(%arg9 : memref<80xi32, #tpu.memory_space<vmem>>) target_semaphore(%arg28 : memref<!tpu.dma_semaphore, #tpu.memory_space<semaphore_mem>>)
    %dma_wait3A_111 = arith.constant 0 : i32
    %dma_wait3A_112 = tpu.memref_slice %arg3[%dma_wait3A_111] : memref<320000xi32, #tpu.memory_space<hbm>> -> memref<80xi32, #tpu.memory_space<hbm>>
    %dma_wait3A_113 = arith.constant 0 : i32
    %dma_wait3A_114 = tpu.memref_slice %arg3[%dma_wait3A_113] : memref<320000xi32, #tpu.memory_space<hbm>> -> memref<80xi32, #tpu.memory_space<hbm>>
    tpu.wait_dma2 semaphore(%arg28 : memref<!tpu.dma_semaphore, #tpu.memory_space<semaphore_mem>>) src(%dma_wait3A_114 : memref<80xi32, #tpu.memory_space<hbm>>) dst(%arg8 : memref<80xi32, #tpu.memory_space<vmem>>)
    %dma_wait3A_115 = arith.constant 0 : i32
    %dma_wait3A_116 = tpu.memref_slice %arg4[%dma_wait3A_115] : memref<320000xi32, #tpu.memory_space<hbm>> -> memref<80xi32, #tpu.memory_space<hbm>>
    %dma_wait3A_117 = arith.constant 0 : i32
    %dma_wait3A_118 = tpu.memref_slice %arg4[%dma_wait3A_117] : memref<320000xi32, #tpu.memory_space<hbm>> -> memref<80xi32, #tpu.memory_space<hbm>>
    tpu.wait_dma2 semaphore(%arg28 : memref<!tpu.dma_semaphore, #tpu.memory_space<semaphore_mem>>) src(%dma_wait3A_118 : memref<80xi32, #tpu.memory_space<hbm>>) dst(%arg9 : memref<80xi32, #tpu.memory_space<vmem>>)
    %dma_start3A_119 = arith.constant 0 : i32
    %dma_start3A_120 = arith.constant 0 : i32
    %dma_start3A_121 = tpu.memref_slice %arg2[%dma_start3A_119, %dma_start3A_120] : memref<10000x128xf32, #tpu.memory_space<hbm>> -> memref<10000x128xf32, #tpu.memory_space<hbm>>
    tpu.enqueue_indirect_dma source(%dma_start3A_121 : memref<10000x128xf32, #tpu.memory_space<hbm>>) target(%arg16 : memref<80x128xf32, #tpu.memory_space<vmem>>) offsets(%arg8 : memref<80xi32, #tpu.memory_space<vmem>>) semaphore(%arg20 : memref<!tpu.dma_semaphore, #tpu.memory_space<semaphore_mem>>)
    %dma_wait3A_122 = arith.constant 0 : i32
    %dma_wait3A_123 = arith.constant 0 : i32
    %dma_wait3A_124 = tpu.memref_slice %arg2[%dma_wait3A_122, %dma_wait3A_123] : memref<10000x128xf32, #tpu.memory_space<hbm>> -> memref<10000x128xf32, #tpu.memory_space<hbm>>
    tpu.wait_indirect_dma semaphore(%arg23 : memref<!tpu.dma_semaphore, #tpu.memory_space<semaphore_mem>>) src(%dma_wait3A_124 : memref<10000x128xf32, #tpu.memory_space<hbm>>) dst(%arg19 : memref<80x128xf32, #tpu.memory_space<vmem>>)
    %dma_start3A_125 = arith.constant 0 : i32
    %dma_start3A_126 = arith.constant 0 : i32
    %dma_start3A_127 = tpu.memref_slice %arg7[%dma_start3A_125, %dma_start3A_126] : memref<10000x128xf32, #tpu.memory_space<vmem_shared>> -> memref<10000x128xf32, #tpu.memory_space<vmem_shared>>
    tpu.enqueue_indirect_dma source(%arg19 : memref<80x128xf32, #tpu.memory_space<vmem>>) target(%dma_start3A_127 : memref<10000x128xf32, #tpu.memory_space<vmem_shared>>) offsets(%arg15 : memref<80xi32, #tpu.memory_space<vmem>>) semaphore(%arg27 : memref<!tpu.dma_semaphore, #tpu.memory_space<semaphore_mem>>) {add = true}
    %dma_wait3A_128 = arith.constant 0 : i32
    %dma_wait3A_129 = arith.constant 0 : i32
    %dma_wait3A_130 = tpu.memref_slice %arg2[%dma_wait3A_128, %dma_wait3A_129] : memref<10000x128xf32, #tpu.memory_space<hbm>> -> memref<10000x128xf32, #tpu.memory_space<hbm>>
    tpu.wait_indirect_dma semaphore(%arg25 : memref<!tpu.dma_semaphore, #tpu.memory_space<semaphore_mem>>) src(%dma_wait3A_130 : memref<10000x128xf32, #tpu.memory_space<hbm>>) dst(%arg17 : memref<80x128xf32, #tpu.memory_space<vmem>>)
    %dma_wait3A_131 = arith.constant 0 : i32
    %dma_wait3A_132 = arith.constant 0 : i32
    %dma_wait3A_133 = tpu.memref_slice %arg2[%dma_wait3A_131, %dma_wait3A_132] : memref<10000x128xf32, #tpu.memory_space<hbm>> -> memref<10000x128xf32, #tpu.memory_space<hbm>>
    tpu.wait_indirect_dma semaphore(%arg20 : memref<!tpu.dma_semaphore, #tpu.memory_space<semaphore_mem>>) src(%dma_wait3A_133 : memref<10000x128xf32, #tpu.memory_space<hbm>>) dst(%arg16 : memref<80x128xf32, #tpu.memory_space<vmem>>)
    %dma_start3A_134 = arith.constant 0 : i32
    %dma_start3A_135 = arith.constant 0 : i32
    %dma_start3A_136 = tpu.memref_slice %arg7[%dma_start3A_134, %dma_start3A_135] : memref<10000x128xf32, #tpu.memory_space<vmem_shared>> -> memref<10000x128xf32, #tpu.memory_space<vmem_shared>>
    tpu.enqueue_indirect_dma source(%arg16 : memref<80x128xf32, #tpu.memory_space<vmem>>) target(%dma_start3A_136 : memref<10000x128xf32, #tpu.memory_space<vmem_shared>>) offsets(%arg9 : memref<80xi32, #tpu.memory_space<vmem>>) semaphore(%arg24 : memref<!tpu.dma_semaphore, #tpu.memory_space<semaphore_mem>>) {add = true}
    %dma_wait3A_137 = arith.constant 0 : i32
    %dma_wait3A_138 = arith.constant 0 : i32
    %dma_wait3A_139 = tpu.memref_slice %arg2[%dma_wait3A_137, %dma_wait3A_138] : memref<10000x128xf32, #tpu.memory_space<hbm>> -> memref<10000x128xf32, #tpu.memory_space<hbm>>
    tpu.wait_indirect_dma semaphore(%arg26 : memref<!tpu.dma_semaphore, #tpu.memory_space<semaphore_mem>>) src(%dma_wait3A_139 : memref<10000x128xf32, #tpu.memory_space<hbm>>) dst(%arg18 : memref<80x128xf32, #tpu.memory_space<vmem>>)
    %dma_wait3A_140 = arith.constant 0 : i32
    %dma_wait3A_141 = arith.constant 0 : i32
    %dma_wait3A_142 = tpu.memref_slice %arg2[%dma_wait3A_140, %dma_wait3A_141] : memref<10000x128xf32, #tpu.memory_space<hbm>> -> memref<10000x128xf32, #tpu.memory_space<hbm>>
    tpu.wait_indirect_dma semaphore(%arg27 : memref<!tpu.dma_semaphore, #tpu.memory_space<semaphore_mem>>) src(%dma_wait3A_142 : memref<10000x128xf32, #tpu.memory_space<hbm>>) dst(%arg19 : memref<80x128xf32, #tpu.memory_space<vmem>>)
    %dma_wait3A_143 = arith.constant 0 : i32
    %dma_wait3A_144 = arith.constant 0 : i32
    %dma_wait3A_145 = tpu.memref_slice %arg2[%dma_wait3A_143, %dma_wait3A_144] : memref<10000x128xf32, #tpu.memory_space<hbm>> -> memref<10000x128xf32, #tpu.memory_space<hbm>>
    tpu.wait_indirect_dma semaphore(%arg24 : memref<!tpu.dma_semaphore, #tpu.memory_space<semaphore_mem>>) src(%dma_wait3A_145 : memref<10000x128xf32, #tpu.memory_space<hbm>>) dst(%arg16 : memref<80x128xf32, #tpu.memory_space<vmem>>)
    %barrier3A_146 = arith.constant 0 : index
    tpu.barrier barrier_id(%barrier3A_146)
    %mul3A_147 = arith.constant 624 : i32
    %mul3A_148 = arith.muli %arg1, %mul3A_147 : i32
    %mul3A_149 = arith.constant 624 : i32
    %mul3A_150 = arith.muli %arg1, %mul3A_149 : i32
    "tpu.region"() ({
      %run_scoped3A = tpu.sem_alloc : memref<!tpu.dma_semaphore, #tpu.memory_space<semaphore_mem>>
      %dma_start3A_153 = arith.constant 0 : i32
      %dma_start3A_154 = tpu.memref_slice %arg6[%arg0, %mul3A_150, %dma_start3A_153] : memref<2x10000x128xf32, #tpu.memory_space<hbm>> -> memref<1x624x128xf32, #tpu.memory_space<hbm>>
      %dma_start3A_155 = tpu.memref_squeeze %dma_start3A_154 : memref<1x624x128xf32, #tpu.memory_space<hbm>> -> memref<624x128xf32, #tpu.memory_space<hbm>>
      %dma_start3A_156 = arith.constant 0 : i32
      %dma_start3A_157 = tpu.memref_slice %arg7[%mul3A_148, %dma_start3A_156] : memref<10000x128xf32, #tpu.memory_space<vmem_shared>> -> memref<624x128xf32, #tpu.memory_space<vmem_shared>>
      tpu.enqueue_dma source(%dma_start3A_157 : memref<624x128xf32, #tpu.memory_space<vmem_shared>>) target(%dma_start3A_155 : memref<624x128xf32, #tpu.memory_space<hbm>>) target_semaphore(%run_scoped3A : memref<!tpu.dma_semaphore, #tpu.memory_space<semaphore_mem>>)
      %dma_wait3A_158 = arith.constant 0 : i32
      %dma_wait3A_159 = tpu.memref_slice %arg6[%arg0, %mul3A_150, %dma_wait3A_158] : memref<2x10000x128xf32, #tpu.memory_space<hbm>> -> memref<1x624x128xf32, #tpu.memory_space<hbm>>
      %dma_wait3A_160 = tpu.memref_squeeze %dma_wait3A_159 : memref<1x624x128xf32, #tpu.memory_space<hbm>> -> memref<624x128xf32, #tpu.memory_space<hbm>>
      %dma_wait3A_161 = arith.constant 0 : i32
      %dma_wait3A_162 = tpu.memref_slice %arg7[%mul3A_148, %dma_wait3A_161] : memref<10000x128xf32, #tpu.memory_space<vmem_shared>> -> memref<624x128xf32, #tpu.memory_space<vmem_shared>>
      tpu.wait_dma2 semaphore(%run_scoped3A : memref<!tpu.dma_semaphore, #tpu.memory_space<semaphore_mem>>) src(%dma_wait3A_162 : memref<624x128xf32, #tpu.memory_space<vmem_shared>>) dst(%dma_wait3A_160 : memref<624x128xf32, #tpu.memory_space<hbm>>)
      tpu.yield
    }) : () -> ()
    %eq3A = arith.constant 15 : i32
    %eq3A_151 = arith.cmpi eq, %arg1, %eq3A : i32
    %convert_element_type3A = arith.extui %eq3A_151 : i1 to i32
    %cond3A = arith.constant 0 : i32
    %cond3A_152 = arith.cmpi ne, %convert_element_type3A, %cond3A : i32
    scf.if %cond3A_152 {
      "tpu.region"() ({
        %run_scoped3A = tpu.sem_alloc : memref<!tpu.dma_semaphore, #tpu.memory_space<semaphore_mem>>
        %dma_start3A_153 = arith.constant 9984 : i32
        %dma_start3A_154 = arith.constant 0 : i32
        %dma_start3A_155 = tpu.memref_slice %arg6[%arg0, %dma_start3A_153, %dma_start3A_154] : memref<2x10000x128xf32, #tpu.memory_space<hbm>> -> memref<1x16x128xf32, #tpu.memory_space<hbm>>
        %dma_start3A_156 = tpu.memref_squeeze %dma_start3A_155 : memref<1x16x128xf32, #tpu.memory_space<hbm>> -> memref<16x128xf32, #tpu.memory_space<hbm>>
        %dma_start3A_157 = arith.constant 9984 : i32
        %dma_start3A_158 = arith.constant 0 : i32
        %dma_start3A_159 = tpu.memref_slice %arg7[%dma_start3A_157, %dma_start3A_158] : memref<10000x128xf32, #tpu.memory_space<vmem_shared>> -> memref<16x128xf32, #tpu.memory_space<vmem_shared>>
        tpu.enqueue_dma source(%dma_start3A_159 : memref<16x128xf32, #tpu.memory_space<vmem_shared>>) target(%dma_start3A_156 : memref<16x128xf32, #tpu.memory_space<hbm>>) target_semaphore(%run_scoped3A : memref<!tpu.dma_semaphore, #tpu.memory_space<semaphore_mem>>)
        %dma_wait3A_160 = arith.constant 9984 : i32
        %dma_wait3A_161 = arith.constant 0 : i32
        %dma_wait3A_162 = tpu.memref_slice %arg6[%arg0, %dma_wait3A_160, %dma_wait3A_161] : memref<2x10000x128xf32, #tpu.memory_space<hbm>> -> memref<1x16x128xf32, #tpu.memory_space<hbm>>
        %dma_wait3A_163 = tpu.memref_squeeze %dma_wait3A_162 : memref<1x16x128xf32, #tpu.memory_space<hbm>> -> memref<16x128xf32, #tpu.memory_space<hbm>>
        %dma_wait3A_164 = arith.constant 9984 : i32
        %dma_wait3A_165 = arith.constant 0 : i32
        %dma_wait3A_166 = tpu.memref_slice %arg7[%dma_wait3A_164, %dma_wait3A_165] : memref<10000x128xf32, #tpu.memory_space<vmem_shared>> -> memref<16x128xf32, #tpu.memory_space<vmem_shared>>
        tpu.wait_dma2 semaphore(%run_scoped3A : memref<!tpu.dma_semaphore, #tpu.memory_space<semaphore_mem>>) src(%dma_wait3A_166 : memref<16x128xf32, #tpu.memory_space<vmem_shared>>) dst(%dma_wait3A_163 : memref<16x128xf32, #tpu.memory_space<hbm>>)
        tpu.yield
      }) : () -> ()
    } else {
    }
    return
  }
}

#map = affine_map<(d0, d1) -> (0)>
#map1 = affine_map<(d0, d1) -> (0, 0, 0)>
#map2 = affine_map<(d0, d1) -> (0, 0)>
module attributes {stable_mosaic.version = 14 : i64} {
  func.func @sc_degree_cnt(%arg0: i32, %arg1: i32, %arg2: memref<320000xi32, #tpu.memory_space<hbm>>, %arg3: memref<16x625x128xf32, #tpu.memory_space<hbm>>, %arg4: memref<80x128xf32, #tpu.memory_space<hbm>>, %arg5: memref<2x10000x128xf32, #tpu.memory_space<hbm>>, %arg6: memref<10000x128xf32, #tpu.memory_space<vmem_shared>>, %arg7: memref<80xi32, #tpu.memory_space<vmem>>, %arg8: memref<80xi32, #tpu.memory_space<vmem>>, %arg9: memref<80x128xf32, #tpu.memory_space<vmem>>, %arg10: memref<!tpu.dma_semaphore, #tpu.memory_space<semaphore_mem>>, %arg11: memref<!tpu.dma_semaphore, #tpu.memory_space<semaphore_mem>>) attributes {dimension_semantics = [#tpu.dimension_semantics<core_parallel>, #tpu.dimension_semantics<subcore_parallel>], iteration_bounds = array<i64: 2, 16>, scalar_prefetch = 0 : i64, scratch_operands = 6 : i64, tpu.core_type = #tpu.core_type<sc_vector_subcore>, window_params = [{transform_indices = #map}, {transform_indices = #map1}, {transform_indices = #map2}, {transform_indices = #map1}]} {
    %mul3A = arith.constant 16 : i32
    %mul3A_0 = arith.muli %arg0, %mul3A : i32
    %add3A = arith.addi %mul3A_0, %arg1 : i32
    %mul3A_1 = arith.constant 625 : i32
    %mul3A_2 = arith.muli %arg1, %mul3A_1 : i32
    "tpu.region"() ({
      %run_scoped3A = tpu.sem_alloc : memref<!tpu.dma_semaphore, #tpu.memory_space<semaphore_mem>>
      %dma_start3A_23 = arith.constant 0 : i32
      %dma_start3A_24 = tpu.memref_slice %arg6[%mul3A_2, %dma_start3A_23] : memref<10000x128xf32, #tpu.memory_space<vmem_shared>> -> memref<625x128xf32, #tpu.memory_space<vmem_shared>>
      %dma_start3A_25 = arith.constant 0 : i32
      %dma_start3A_26 = arith.constant 0 : i32
      %dma_start3A_27 = tpu.memref_slice %arg3[%arg1, %dma_start3A_25, %dma_start3A_26] : memref<16x625x128xf32, #tpu.memory_space<hbm>> -> memref<1x625x128xf32, #tpu.memory_space<hbm>>
      %dma_start3A_28 = tpu.memref_squeeze %dma_start3A_27 : memref<1x625x128xf32, #tpu.memory_space<hbm>> -> memref<625x128xf32, #tpu.memory_space<hbm>>
      tpu.enqueue_dma source(%dma_start3A_28 : memref<625x128xf32, #tpu.memory_space<hbm>>) target(%dma_start3A_24 : memref<625x128xf32, #tpu.memory_space<vmem_shared>>) target_semaphore(%run_scoped3A : memref<!tpu.dma_semaphore, #tpu.memory_space<semaphore_mem>>)
      %dma_wait3A_29 = arith.constant 0 : i32
      %dma_wait3A_30 = tpu.memref_slice %arg6[%mul3A_2, %dma_wait3A_29] : memref<10000x128xf32, #tpu.memory_space<vmem_shared>> -> memref<625x128xf32, #tpu.memory_space<vmem_shared>>
      %dma_wait3A_31 = arith.constant 0 : i32
      %dma_wait3A_32 = arith.constant 0 : i32
      %dma_wait3A_33 = tpu.memref_slice %arg3[%arg1, %dma_wait3A_31, %dma_wait3A_32] : memref<16x625x128xf32, #tpu.memory_space<hbm>> -> memref<1x625x128xf32, #tpu.memory_space<hbm>>
      %dma_wait3A_34 = tpu.memref_squeeze %dma_wait3A_33 : memref<1x625x128xf32, #tpu.memory_space<hbm>> -> memref<625x128xf32, #tpu.memory_space<hbm>>
      tpu.wait_dma2 semaphore(%run_scoped3A : memref<!tpu.dma_semaphore, #tpu.memory_space<semaphore_mem>>) src(%dma_wait3A_34 : memref<625x128xf32, #tpu.memory_space<hbm>>) dst(%dma_wait3A_30 : memref<625x128xf32, #tpu.memory_space<vmem_shared>>)
      tpu.yield
    }) : () -> ()
    %mul3A_3 = arith.constant 10000 : i32
    %mul3A_4 = arith.muli %add3A, %mul3A_3 : i32
    %add3A_5 = arith.constant 0 : i32
    %add3A_6 = arith.addi %mul3A_4, %add3A_5 : i32
    %dma_start3A = tpu.memref_slice %arg2[%add3A_6] : memref<320000xi32, #tpu.memory_space<hbm>> -> memref<80xi32, #tpu.memory_space<hbm>>
    %dma_start3A_7 = tpu.memref_slice %arg2[%add3A_6] : memref<320000xi32, #tpu.memory_space<hbm>> -> memref<80xi32, #tpu.memory_space<hbm>>
    tpu.enqueue_dma source(%dma_start3A_7 : memref<80xi32, #tpu.memory_space<hbm>>) target(%arg7 : memref<80xi32, #tpu.memory_space<vmem>>) target_semaphore(%arg10 : memref<!tpu.dma_semaphore, #tpu.memory_space<semaphore_mem>>)
    "tpu.region"() ({
      %run_scoped3A = tpu.sem_alloc : memref<!tpu.dma_semaphore, #tpu.memory_space<semaphore_mem>>
      tpu.enqueue_dma source(%arg4 : memref<80x128xf32, #tpu.memory_space<hbm>>) target(%arg9 : memref<80x128xf32, #tpu.memory_space<vmem>>) target_semaphore(%run_scoped3A : memref<!tpu.dma_semaphore, #tpu.memory_space<semaphore_mem>>)
      tpu.wait_dma2 semaphore(%run_scoped3A : memref<!tpu.dma_semaphore, #tpu.memory_space<semaphore_mem>>) src(%arg4 : memref<80x128xf32, #tpu.memory_space<hbm>>) dst(%arg9 : memref<80x128xf32, #tpu.memory_space<vmem>>)
      tpu.yield
    }) : () -> ()
    %barrier3A = arith.constant 0 : index
    tpu.barrier barrier_id(%barrier3A)
    %scan3A = arith.constant 0 : i32
    %scan3A_8 = arith.constant 0 : i32
    %scan3A_9 = arith.constant 62 : i32
    %scan3A_10 = arith.addi %scan3A_8, %scan3A_9 : i32
    %scan3A_11 = arith.constant 1 : i32
    scf.for %scan3A_23 = %scan3A_8 to %scan3A_10 step %scan3A_11  : i32 {
      %mul3A_24 = arith.constant 2 : i32
      %mul3A_25 = arith.muli %mul3A_24, %scan3A_23 : i32
      %dma_wait3A_26 = arith.constant 0 : i32
      %dma_wait3A_27 = tpu.memref_slice %arg2[%dma_wait3A_26] : memref<320000xi32, #tpu.memory_space<hbm>> -> memref<80xi32, #tpu.memory_space<hbm>>
      %dma_wait3A_28 = arith.constant 0 : i32
      %dma_wait3A_29 = tpu.memref_slice %arg2[%dma_wait3A_28] : memref<320000xi32, #tpu.memory_space<hbm>> -> memref<80xi32, #tpu.memory_space<hbm>>
      tpu.wait_dma2 semaphore(%arg10 : memref<!tpu.dma_semaphore, #tpu.memory_space<semaphore_mem>>) src(%dma_wait3A_29 : memref<80xi32, #tpu.memory_space<hbm>>) dst(%arg7 : memref<80xi32, #tpu.memory_space<vmem>>)
      %add3A_30 = arith.constant 1 : i32
      %add3A_31 = arith.addi %mul3A_25, %add3A_30 : i32
      %mul3A_32 = arith.constant 10000 : i32
      %mul3A_33 = arith.muli %add3A, %mul3A_32 : i32
      %mul3A_34 = arith.constant 80 : i32
      %mul3A_35 = arith.muli %add3A_31, %mul3A_34 : i32
      %add3A_36 = arith.addi %mul3A_33, %mul3A_35 : i32
      %dma_start3A_37 = tpu.memref_slice %arg2[%add3A_36] : memref<320000xi32, #tpu.memory_space<hbm>> -> memref<80xi32, #tpu.memory_space<hbm>>
      %dma_start3A_38 = tpu.memref_slice %arg2[%add3A_36] : memref<320000xi32, #tpu.memory_space<hbm>> -> memref<80xi32, #tpu.memory_space<hbm>>
      tpu.enqueue_dma source(%dma_start3A_38 : memref<80xi32, #tpu.memory_space<hbm>>) target(%arg8 : memref<80xi32, #tpu.memory_space<vmem>>) target_semaphore(%arg11 : memref<!tpu.dma_semaphore, #tpu.memory_space<semaphore_mem>>)
      "tpu.region"() ({
        %run_scoped3A = tpu.sem_alloc : memref<!tpu.dma_semaphore, #tpu.memory_space<semaphore_mem>>
        %dma_start3A_52 = arith.constant 0 : i32
        %dma_start3A_53 = arith.constant 0 : i32
        %dma_start3A_54 = tpu.memref_slice %arg6[%dma_start3A_52, %dma_start3A_53] : memref<10000x128xf32, #tpu.memory_space<vmem_shared>> -> memref<10000x128xf32, #tpu.memory_space<vmem_shared>>
        tpu.enqueue_indirect_dma source(%arg9 : memref<80x128xf32, #tpu.memory_space<vmem>>) target(%dma_start3A_54 : memref<10000x128xf32, #tpu.memory_space<vmem_shared>>) offsets(%arg7 : memref<80xi32, #tpu.memory_space<vmem>>) semaphore(%run_scoped3A : memref<!tpu.dma_semaphore, #tpu.memory_space<semaphore_mem>>) {add = true}
        %dma_wait3A_55 = arith.constant 0 : i32
        %dma_wait3A_56 = arith.constant 0 : i32
        %dma_wait3A_57 = tpu.memref_slice %arg6[%dma_wait3A_55, %dma_wait3A_56] : memref<10000x128xf32, #tpu.memory_space<vmem_shared>> -> memref<10000x128xf32, #tpu.memory_space<vmem_shared>>
        tpu.wait_indirect_dma semaphore(%run_scoped3A : memref<!tpu.dma_semaphore, #tpu.memory_space<semaphore_mem>>) src(%arg9 : memref<80x128xf32, #tpu.memory_space<vmem>>) dst(%dma_wait3A_57 : memref<10000x128xf32, #tpu.memory_space<vmem_shared>>)
        tpu.yield
      }) : () -> ()
      %dma_wait3A_39 = arith.constant 0 : i32
      %dma_wait3A_40 = tpu.memref_slice %arg2[%dma_wait3A_39] : memref<320000xi32, #tpu.memory_space<hbm>> -> memref<80xi32, #tpu.memory_space<hbm>>
      %dma_wait3A_41 = arith.constant 0 : i32
      %dma_wait3A_42 = tpu.memref_slice %arg2[%dma_wait3A_41] : memref<320000xi32, #tpu.memory_space<hbm>> -> memref<80xi32, #tpu.memory_space<hbm>>
      tpu.wait_dma2 semaphore(%arg11 : memref<!tpu.dma_semaphore, #tpu.memory_space<semaphore_mem>>) src(%dma_wait3A_42 : memref<80xi32, #tpu.memory_space<hbm>>) dst(%arg8 : memref<80xi32, #tpu.memory_space<vmem>>)
      %add3A_43 = arith.constant 2 : i32
      %add3A_44 = arith.addi %mul3A_25, %add3A_43 : i32
      %mul3A_45 = arith.constant 10000 : i32
      %mul3A_46 = arith.muli %add3A, %mul3A_45 : i32
      %mul3A_47 = arith.constant 80 : i32
      %mul3A_48 = arith.muli %add3A_44, %mul3A_47 : i32
      %add3A_49 = arith.addi %mul3A_46, %mul3A_48 : i32
      %dma_start3A_50 = tpu.memref_slice %arg2[%add3A_49] : memref<320000xi32, #tpu.memory_space<hbm>> -> memref<80xi32, #tpu.memory_space<hbm>>
      %dma_start3A_51 = tpu.memref_slice %arg2[%add3A_49] : memref<320000xi32, #tpu.memory_space<hbm>> -> memref<80xi32, #tpu.memory_space<hbm>>
      tpu.enqueue_dma source(%dma_start3A_51 : memref<80xi32, #tpu.memory_space<hbm>>) target(%arg7 : memref<80xi32, #tpu.memory_space<vmem>>) target_semaphore(%arg10 : memref<!tpu.dma_semaphore, #tpu.memory_space<semaphore_mem>>)
      "tpu.region"() ({
        %run_scoped3A = tpu.sem_alloc : memref<!tpu.dma_semaphore, #tpu.memory_space<semaphore_mem>>
        %dma_start3A_52 = arith.constant 0 : i32
        %dma_start3A_53 = arith.constant 0 : i32
        %dma_start3A_54 = tpu.memref_slice %arg6[%dma_start3A_52, %dma_start3A_53] : memref<10000x128xf32, #tpu.memory_space<vmem_shared>> -> memref<10000x128xf32, #tpu.memory_space<vmem_shared>>
        tpu.enqueue_indirect_dma source(%arg9 : memref<80x128xf32, #tpu.memory_space<vmem>>) target(%dma_start3A_54 : memref<10000x128xf32, #tpu.memory_space<vmem_shared>>) offsets(%arg8 : memref<80xi32, #tpu.memory_space<vmem>>) semaphore(%run_scoped3A : memref<!tpu.dma_semaphore, #tpu.memory_space<semaphore_mem>>) {add = true}
        %dma_wait3A_55 = arith.constant 0 : i32
        %dma_wait3A_56 = arith.constant 0 : i32
        %dma_wait3A_57 = tpu.memref_slice %arg6[%dma_wait3A_55, %dma_wait3A_56] : memref<10000x128xf32, #tpu.memory_space<vmem_shared>> -> memref<10000x128xf32, #tpu.memory_space<vmem_shared>>
        tpu.wait_indirect_dma semaphore(%run_scoped3A : memref<!tpu.dma_semaphore, #tpu.memory_space<semaphore_mem>>) src(%arg9 : memref<80x128xf32, #tpu.memory_space<vmem>>) dst(%dma_wait3A_57 : memref<10000x128xf32, #tpu.memory_space<vmem_shared>>)
        tpu.yield
      }) : () -> ()
    }
    %scan3A_12 = arith.constant 62 : i32
    %dma_wait3A = arith.constant 0 : i32
    %dma_wait3A_13 = tpu.memref_slice %arg2[%dma_wait3A] : memref<320000xi32, #tpu.memory_space<hbm>> -> memref<80xi32, #tpu.memory_space<hbm>>
    %dma_wait3A_14 = arith.constant 0 : i32
    %dma_wait3A_15 = tpu.memref_slice %arg2[%dma_wait3A_14] : memref<320000xi32, #tpu.memory_space<hbm>> -> memref<80xi32, #tpu.memory_space<hbm>>
    tpu.wait_dma2 semaphore(%arg10 : memref<!tpu.dma_semaphore, #tpu.memory_space<semaphore_mem>>) src(%dma_wait3A_15 : memref<80xi32, #tpu.memory_space<hbm>>) dst(%arg7 : memref<80xi32, #tpu.memory_space<vmem>>)
    "tpu.region"() ({
      %run_scoped3A = tpu.sem_alloc : memref<!tpu.dma_semaphore, #tpu.memory_space<semaphore_mem>>
      %dma_start3A_23 = arith.constant 0 : i32
      %dma_start3A_24 = arith.constant 0 : i32
      %dma_start3A_25 = tpu.memref_slice %arg6[%dma_start3A_23, %dma_start3A_24] : memref<10000x128xf32, #tpu.memory_space<vmem_shared>> -> memref<10000x128xf32, #tpu.memory_space<vmem_shared>>
      tpu.enqueue_indirect_dma source(%arg9 : memref<80x128xf32, #tpu.memory_space<vmem>>) target(%dma_start3A_25 : memref<10000x128xf32, #tpu.memory_space<vmem_shared>>) offsets(%arg7 : memref<80xi32, #tpu.memory_space<vmem>>) semaphore(%run_scoped3A : memref<!tpu.dma_semaphore, #tpu.memory_space<semaphore_mem>>) {add = true}
      %dma_wait3A_26 = arith.constant 0 : i32
      %dma_wait3A_27 = arith.constant 0 : i32
      %dma_wait3A_28 = tpu.memref_slice %arg6[%dma_wait3A_26, %dma_wait3A_27] : memref<10000x128xf32, #tpu.memory_space<vmem_shared>> -> memref<10000x128xf32, #tpu.memory_space<vmem_shared>>
      tpu.wait_indirect_dma semaphore(%run_scoped3A : memref<!tpu.dma_semaphore, #tpu.memory_space<semaphore_mem>>) src(%arg9 : memref<80x128xf32, #tpu.memory_space<vmem>>) dst(%dma_wait3A_28 : memref<10000x128xf32, #tpu.memory_space<vmem_shared>>)
      tpu.yield
    }) : () -> ()
    %barrier3A_16 = arith.constant 0 : index
    tpu.barrier barrier_id(%barrier3A_16)
    %mul3A_17 = arith.constant 624 : i32
    %mul3A_18 = arith.muli %arg1, %mul3A_17 : i32
    %mul3A_19 = arith.constant 624 : i32
    %mul3A_20 = arith.muli %arg1, %mul3A_19 : i32
    "tpu.region"() ({
      %run_scoped3A = tpu.sem_alloc : memref<!tpu.dma_semaphore, #tpu.memory_space<semaphore_mem>>
      %dma_start3A_23 = arith.constant 0 : i32
      %dma_start3A_24 = tpu.memref_slice %arg5[%arg0, %mul3A_20, %dma_start3A_23] : memref<2x10000x128xf32, #tpu.memory_space<hbm>> -> memref<1x624x128xf32, #tpu.memory_space<hbm>>
      %dma_start3A_25 = tpu.memref_squeeze %dma_start3A_24 : memref<1x624x128xf32, #tpu.memory_space<hbm>> -> memref<624x128xf32, #tpu.memory_space<hbm>>
      %dma_start3A_26 = arith.constant 0 : i32
      %dma_start3A_27 = tpu.memref_slice %arg6[%mul3A_18, %dma_start3A_26] : memref<10000x128xf32, #tpu.memory_space<vmem_shared>> -> memref<624x128xf32, #tpu.memory_space<vmem_shared>>
      tpu.enqueue_dma source(%dma_start3A_27 : memref<624x128xf32, #tpu.memory_space<vmem_shared>>) target(%dma_start3A_25 : memref<624x128xf32, #tpu.memory_space<hbm>>) target_semaphore(%run_scoped3A : memref<!tpu.dma_semaphore, #tpu.memory_space<semaphore_mem>>)
      %dma_wait3A_28 = arith.constant 0 : i32
      %dma_wait3A_29 = tpu.memref_slice %arg5[%arg0, %mul3A_20, %dma_wait3A_28] : memref<2x10000x128xf32, #tpu.memory_space<hbm>> -> memref<1x624x128xf32, #tpu.memory_space<hbm>>
      %dma_wait3A_30 = tpu.memref_squeeze %dma_wait3A_29 : memref<1x624x128xf32, #tpu.memory_space<hbm>> -> memref<624x128xf32, #tpu.memory_space<hbm>>
      %dma_wait3A_31 = arith.constant 0 : i32
      %dma_wait3A_32 = tpu.memref_slice %arg6[%mul3A_18, %dma_wait3A_31] : memref<10000x128xf32, #tpu.memory_space<vmem_shared>> -> memref<624x128xf32, #tpu.memory_space<vmem_shared>>
      tpu.wait_dma2 semaphore(%run_scoped3A : memref<!tpu.dma_semaphore, #tpu.memory_space<semaphore_mem>>) src(%dma_wait3A_32 : memref<624x128xf32, #tpu.memory_space<vmem_shared>>) dst(%dma_wait3A_30 : memref<624x128xf32, #tpu.memory_space<hbm>>)
      tpu.yield
    }) : () -> ()
    %eq3A = arith.constant 15 : i32
    %eq3A_21 = arith.cmpi eq, %arg1, %eq3A : i32
    %convert_element_type3A = arith.extui %eq3A_21 : i1 to i32
    %cond3A = arith.constant 0 : i32
    %cond3A_22 = arith.cmpi ne, %convert_element_type3A, %cond3A : i32
    scf.if %cond3A_22 {
      "tpu.region"() ({
        %run_scoped3A = tpu.sem_alloc : memref<!tpu.dma_semaphore, #tpu.memory_space<semaphore_mem>>
        %dma_start3A_23 = arith.constant 9984 : i32
        %dma_start3A_24 = arith.constant 0 : i32
        %dma_start3A_25 = tpu.memref_slice %arg5[%arg0, %dma_start3A_23, %dma_start3A_24] : memref<2x10000x128xf32, #tpu.memory_space<hbm>> -> memref<1x16x128xf32, #tpu.memory_space<hbm>>
        %dma_start3A_26 = tpu.memref_squeeze %dma_start3A_25 : memref<1x16x128xf32, #tpu.memory_space<hbm>> -> memref<16x128xf32, #tpu.memory_space<hbm>>
        %dma_start3A_27 = arith.constant 9984 : i32
        %dma_start3A_28 = arith.constant 0 : i32
        %dma_start3A_29 = tpu.memref_slice %arg6[%dma_start3A_27, %dma_start3A_28] : memref<10000x128xf32, #tpu.memory_space<vmem_shared>> -> memref<16x128xf32, #tpu.memory_space<vmem_shared>>
        tpu.enqueue_dma source(%dma_start3A_29 : memref<16x128xf32, #tpu.memory_space<vmem_shared>>) target(%dma_start3A_26 : memref<16x128xf32, #tpu.memory_space<hbm>>) target_semaphore(%run_scoped3A : memref<!tpu.dma_semaphore, #tpu.memory_space<semaphore_mem>>)
        %dma_wait3A_30 = arith.constant 9984 : i32
        %dma_wait3A_31 = arith.constant 0 : i32
        %dma_wait3A_32 = tpu.memref_slice %arg5[%arg0, %dma_wait3A_30, %dma_wait3A_31] : memref<2x10000x128xf32, #tpu.memory_space<hbm>> -> memref<1x16x128xf32, #tpu.memory_space<hbm>>
        %dma_wait3A_33 = tpu.memref_squeeze %dma_wait3A_32 : memref<1x16x128xf32, #tpu.memory_space<hbm>> -> memref<16x128xf32, #tpu.memory_space<hbm>>
        %dma_wait3A_34 = arith.constant 9984 : i32
        %dma_wait3A_35 = arith.constant 0 : i32
        %dma_wait3A_36 = tpu.memref_slice %arg6[%dma_wait3A_34, %dma_wait3A_35] : memref<10000x128xf32, #tpu.memory_space<vmem_shared>> -> memref<16x128xf32, #tpu.memory_space<vmem_shared>>
        tpu.wait_dma2 semaphore(%run_scoped3A : memref<!tpu.dma_semaphore, #tpu.memory_space<semaphore_mem>>) src(%dma_wait3A_36 : memref<16x128xf32, #tpu.memory_space<vmem_shared>>) dst(%dma_wait3A_33 : memref<16x128xf32, #tpu.memory_space<hbm>>)
        tpu.yield
      }) : () -> ()
    } else {
    }
    return
  }
}

#map = affine_map<(d0, d1) -> (0, 0)>
#map1 = affine_map<(d0, d1) -> (0)>
#map2 = affine_map<(d0, d1) -> (0, 0, 0)>
module attributes {stable_mosaic.version = 14 : i64} {
  func.func @sc_edge_scatter(%arg0: i32, %arg1: i32, %arg2: memref<10000x128xf32, #tpu.memory_space<hbm>>, %arg3: memref<320000xi32, #tpu.memory_space<hbm>>, %arg4: memref<320000xi32, #tpu.memory_space<hbm>>, %arg5: memref<16x625x128xf32, #tpu.memory_space<hbm>>, %arg6: memref<2x10000x128xf32, #tpu.memory_space<hbm>>, %arg7: memref<10000x128xf32, #tpu.memory_space<vmem_shared>>, %arg8: memref<80xi32, #tpu.memory_space<vmem>>, %arg9: memref<80xi32, #tpu.memory_space<vmem>>, %arg10: memref<80xi32, #tpu.memory_space<vmem>>, %arg11: memref<80xi32, #tpu.memory_space<vmem>>, %arg12: memref<80xi32, #tpu.memory_space<vmem>>, %arg13: memref<80xi32, #tpu.memory_space<vmem>>, %arg14: memref<80xi32, #tpu.memory_space<vmem>>, %arg15: memref<80xi32, #tpu.memory_space<vmem>>, %arg16: memref<80x128xf32, #tpu.memory_space<vmem>>, %arg17: memref<80x128xf32, #tpu.memory_space<vmem>>, %arg18: memref<80x128xf32, #tpu.memory_space<vmem>>, %arg19: memref<80x128xf32, #tpu.memory_space<vmem>>, %arg20: memref<!tpu.dma_semaphore, #tpu.memory_space<semaphore_mem>>, %arg21: memref<!tpu.dma_semaphore, #tpu.memory_space<semaphore_mem>>, %arg22: memref<!tpu.dma_semaphore, #tpu.memory_space<semaphore_mem>>, %arg23: memref<!tpu.dma_semaphore, #tpu.memory_space<semaphore_mem>>, %arg24: memref<!tpu.dma_semaphore, #tpu.memory_space<semaphore_mem>>, %arg25: memref<!tpu.dma_semaphore, #tpu.memory_space<semaphore_mem>>, %arg26: memref<!tpu.dma_semaphore, #tpu.memory_space<semaphore_mem>>, %arg27: memref<!tpu.dma_semaphore, #tpu.memory_space<semaphore_mem>>, %arg28: memref<!tpu.dma_semaphore, #tpu.memory_space<semaphore_mem>>, %arg29: memref<!tpu.dma_semaphore, #tpu.memory_space<semaphore_mem>>, %arg30: memref<!tpu.dma_semaphore, #tpu.memory_space<semaphore_mem>>, %arg31: memref<!tpu.dma_semaphore, #tpu.memory_space<semaphore_mem>>) attributes {dimension_semantics = [#tpu.dimension_semantics<core_parallel>, #tpu.dimension_semantics<subcore_parallel>], iteration_bounds = array<i64: 2, 16>, scalar_prefetch = 0 : i64, scratch_operands = 25 : i64, tpu.core_type = #tpu.core_type<sc_vector_subcore>, window_params = [{transform_indices = #map}, {transform_indices = #map1}, {transform_indices = #map1}, {transform_indices = #map2}, {transform_indices = #map2}]} {
    %mul3A = arith.constant 16 : i32
    %mul3A_0 = arith.muli %arg0, %mul3A : i32
    %add3A = arith.addi %mul3A_0, %arg1 : i32
    %mul3A_1 = arith.constant 625 : i32
    %mul3A_2 = arith.muli %arg1, %mul3A_1 : i32
    "tpu.region"() ({
      %run_scoped3A = tpu.sem_alloc : memref<!tpu.dma_semaphore, #tpu.memory_space<semaphore_mem>>
      %dma_start3A_153 = arith.constant 0 : i32
      %dma_start3A_154 = tpu.memref_slice %arg7[%mul3A_2, %dma_start3A_153] : memref<10000x128xf32, #tpu.memory_space<vmem_shared>> -> memref<625x128xf32, #tpu.memory_space<vmem_shared>>
      %dma_start3A_155 = arith.constant 0 : i32
      %dma_start3A_156 = arith.constant 0 : i32
      %dma_start3A_157 = tpu.memref_slice %arg5[%arg1, %dma_start3A_155, %dma_start3A_156] : memref<16x625x128xf32, #tpu.memory_space<hbm>> -> memref<1x625x128xf32, #tpu.memory_space<hbm>>
      %dma_start3A_158 = tpu.memref_squeeze %dma_start3A_157 : memref<1x625x128xf32, #tpu.memory_space<hbm>> -> memref<625x128xf32, #tpu.memory_space<hbm>>
      tpu.enqueue_dma source(%dma_start3A_158 : memref<625x128xf32, #tpu.memory_space<hbm>>) target(%dma_start3A_154 : memref<625x128xf32, #tpu.memory_space<vmem_shared>>) target_semaphore(%run_scoped3A : memref<!tpu.dma_semaphore, #tpu.memory_space<semaphore_mem>>)
      %dma_wait3A_159 = arith.constant 0 : i32
      %dma_wait3A_160 = tpu.memref_slice %arg7[%mul3A_2, %dma_wait3A_159] : memref<10000x128xf32, #tpu.memory_space<vmem_shared>> -> memref<625x128xf32, #tpu.memory_space<vmem_shared>>
      %dma_wait3A_161 = arith.constant 0 : i32
      %dma_wait3A_162 = arith.constant 0 : i32
      %dma_wait3A_163 = tpu.memref_slice %arg5[%arg1, %dma_wait3A_161, %dma_wait3A_162] : memref<16x625x128xf32, #tpu.memory_space<hbm>> -> memref<1x625x128xf32, #tpu.memory_space<hbm>>
      %dma_wait3A_164 = tpu.memref_squeeze %dma_wait3A_163 : memref<1x625x128xf32, #tpu.memory_space<hbm>> -> memref<625x128xf32, #tpu.memory_space<hbm>>
      tpu.wait_dma2 semaphore(%run_scoped3A : memref<!tpu.dma_semaphore, #tpu.memory_space<semaphore_mem>>) src(%dma_wait3A_164 : memref<625x128xf32, #tpu.memory_space<hbm>>) dst(%dma_wait3A_160 : memref<625x128xf32, #tpu.memory_space<vmem_shared>>)
      tpu.yield
    }) : () -> ()
    %barrier3A = arith.constant 0 : index
    tpu.barrier barrier_id(%barrier3A)
    %mul3A_3 = arith.constant 10000 : i32
    %mul3A_4 = arith.muli %add3A, %mul3A_3 : i32
    %add3A_5 = arith.constant 0 : i32
    %add3A_6 = arith.addi %mul3A_4, %add3A_5 : i32
    %dma_start3A = tpu.memref_slice %arg3[%add3A_6] : memref<320000xi32, #tpu.memory_space<hbm>> -> memref<80xi32, #tpu.memory_space<hbm>>
    %dma_start3A_7 = tpu.memref_slice %arg3[%add3A_6] : memref<320000xi32, #tpu.memory_space<hbm>> -> memref<80xi32, #tpu.memory_space<hbm>>
    tpu.enqueue_dma source(%dma_start3A_7 : memref<80xi32, #tpu.memory_space<hbm>>) target(%arg8 : memref<80xi32, #tpu.memory_space<vmem>>) target_semaphore(%arg28 : memref<!tpu.dma_semaphore, #tpu.memory_space<semaphore_mem>>)
    %dma_start3A_8 = tpu.memref_slice %arg4[%add3A_6] : memref<320000xi32, #tpu.memory_space<hbm>> -> memref<80xi32, #tpu.memory_space<hbm>>
    %dma_start3A_9 = tpu.memref_slice %arg4[%add3A_6] : memref<320000xi32, #tpu.memory_space<hbm>> -> memref<80xi32, #tpu.memory_space<hbm>>
    tpu.enqueue_dma source(%dma_start3A_9 : memref<80xi32, #tpu.memory_space<hbm>>) target(%arg9 : memref<80xi32, #tpu.memory_space<vmem>>) target_semaphore(%arg28 : memref<!tpu.dma_semaphore, #tpu.memory_space<semaphore_mem>>)
    %mul3A_10 = arith.constant 10000 : i32
    %mul3A_11 = arith.muli %add3A, %mul3A_10 : i32
    %add3A_12 = arith.constant 80 : i32
    %add3A_13 = arith.addi %mul3A_11, %add3A_12 : i32
    %dma_start3A_14 = tpu.memref_slice %arg3[%add3A_13] : memref<320000xi32, #tpu.memory_space<hbm>> -> memref<80xi32, #tpu.memory_space<hbm>>
    %dma_start3A_15 = tpu.memref_slice %arg3[%add3A_13] : memref<320000xi32, #tpu.memory_space<hbm>> -> memref<80xi32, #tpu.memory_space<hbm>>
    tpu.enqueue_dma source(%dma_start3A_15 : memref<80xi32, #tpu.memory_space<hbm>>) target(%arg10 : memref<80xi32, #tpu.memory_space<vmem>>) target_semaphore(%arg29 : memref<!tpu.dma_semaphore, #tpu.memory_space<semaphore_mem>>)
    %dma_start3A_16 = tpu.memref_slice %arg4[%add3A_13] : memref<320000xi32, #tpu.memory_space<hbm>> -> memref<80xi32, #tpu.memory_space<hbm>>
    %dma_start3A_17 = tpu.memref_slice %arg4[%add3A_13] : memref<320000xi32, #tpu.memory_space<hbm>> -> memref<80xi32, #tpu.memory_space<hbm>>
    tpu.enqueue_dma source(%dma_start3A_17 : memref<80xi32, #tpu.memory_space<hbm>>) target(%arg11 : memref<80xi32, #tpu.memory_space<vmem>>) target_semaphore(%arg29 : memref<!tpu.dma_semaphore, #tpu.memory_space<semaphore_mem>>)
    %dma_wait3A = arith.constant 0 : i32
    %dma_wait3A_18 = tpu.memref_slice %arg3[%dma_wait3A] : memref<320000xi32, #tpu.memory_space<hbm>> -> memref<80xi32, #tpu.memory_space<hbm>>
    %dma_wait3A_19 = arith.constant 0 : i32
    %dma_wait3A_20 = tpu.memref_slice %arg3[%dma_wait3A_19] : memref<320000xi32, #tpu.memory_space<hbm>> -> memref<80xi32, #tpu.memory_space<hbm>>
    tpu.wait_dma2 semaphore(%arg28 : memref<!tpu.dma_semaphore, #tpu.memory_space<semaphore_mem>>) src(%dma_wait3A_20 : memref<80xi32, #tpu.memory_space<hbm>>) dst(%arg8 : memref<80xi32, #tpu.memory_space<vmem>>)
    %dma_wait3A_21 = arith.constant 0 : i32
    %dma_wait3A_22 = tpu.memref_slice %arg4[%dma_wait3A_21] : memref<320000xi32, #tpu.memory_space<hbm>> -> memref<80xi32, #tpu.memory_space<hbm>>
    %dma_wait3A_23 = arith.constant 0 : i32
    %dma_wait3A_24 = tpu.memref_slice %arg4[%dma_wait3A_23] : memref<320000xi32, #tpu.memory_space<hbm>> -> memref<80xi32, #tpu.memory_space<hbm>>
    tpu.wait_dma2 semaphore(%arg28 : memref<!tpu.dma_semaphore, #tpu.memory_space<semaphore_mem>>) src(%dma_wait3A_24 : memref<80xi32, #tpu.memory_space<hbm>>) dst(%arg9 : memref<80xi32, #tpu.memory_space<vmem>>)
    %dma_start3A_25 = arith.constant 0 : i32
    %dma_start3A_26 = arith.constant 0 : i32
    %dma_start3A_27 = tpu.memref_slice %arg2[%dma_start3A_25, %dma_start3A_26] : memref<10000x128xf32, #tpu.memory_space<hbm>> -> memref<10000x128xf32, #tpu.memory_space<hbm>>
    tpu.enqueue_indirect_dma source(%dma_start3A_27 : memref<10000x128xf32, #tpu.memory_space<hbm>>) target(%arg16 : memref<80x128xf32, #tpu.memory_space<vmem>>) offsets(%arg8 : memref<80xi32, #tpu.memory_space<vmem>>) semaphore(%arg20 : memref<!tpu.dma_semaphore, #tpu.memory_space<semaphore_mem>>)
    %dma_wait3A_28 = arith.constant 0 : i32
    %dma_wait3A_29 = tpu.memref_slice %arg3[%dma_wait3A_28] : memref<320000xi32, #tpu.memory_space<hbm>> -> memref<80xi32, #tpu.memory_space<hbm>>
    %dma_wait3A_30 = arith.constant 0 : i32
    %dma_wait3A_31 = tpu.memref_slice %arg3[%dma_wait3A_30] : memref<320000xi32, #tpu.memory_space<hbm>> -> memref<80xi32, #tpu.memory_space<hbm>>
    tpu.wait_dma2 semaphore(%arg29 : memref<!tpu.dma_semaphore, #tpu.memory_space<semaphore_mem>>) src(%dma_wait3A_31 : memref<80xi32, #tpu.memory_space<hbm>>) dst(%arg10 : memref<80xi32, #tpu.memory_space<vmem>>)
    %dma_wait3A_32 = arith.constant 0 : i32
    %dma_wait3A_33 = tpu.memref_slice %arg4[%dma_wait3A_32] : memref<320000xi32, #tpu.memory_space<hbm>> -> memref<80xi32, #tpu.memory_space<hbm>>
    %dma_wait3A_34 = arith.constant 0 : i32
    %dma_wait3A_35 = tpu.memref_slice %arg4[%dma_wait3A_34] : memref<320000xi32, #tpu.memory_space<hbm>> -> memref<80xi32, #tpu.memory_space<hbm>>
    tpu.wait_dma2 semaphore(%arg29 : memref<!tpu.dma_semaphore, #tpu.memory_space<semaphore_mem>>) src(%dma_wait3A_35 : memref<80xi32, #tpu.memory_space<hbm>>) dst(%arg11 : memref<80xi32, #tpu.memory_space<vmem>>)
    %dma_start3A_36 = arith.constant 0 : i32
    %dma_start3A_37 = arith.constant 0 : i32
    %dma_start3A_38 = tpu.memref_slice %arg2[%dma_start3A_36, %dma_start3A_37] : memref<10000x128xf32, #tpu.memory_space<hbm>> -> memref<10000x128xf32, #tpu.memory_space<hbm>>
    tpu.enqueue_indirect_dma source(%dma_start3A_38 : memref<10000x128xf32, #tpu.memory_space<hbm>>) target(%arg17 : memref<80x128xf32, #tpu.memory_space<vmem>>) offsets(%arg10 : memref<80xi32, #tpu.memory_space<vmem>>) semaphore(%arg21 : memref<!tpu.dma_semaphore, #tpu.memory_space<semaphore_mem>>)
    %dma_wait3A_39 = arith.constant 0 : i32
    %dma_wait3A_40 = arith.constant 0 : i32
    %dma_wait3A_41 = tpu.memref_slice %arg2[%dma_wait3A_39, %dma_wait3A_40] : memref<10000x128xf32, #tpu.memory_space<hbm>> -> memref<10000x128xf32, #tpu.memory_space<hbm>>
    tpu.wait_indirect_dma semaphore(%arg20 : memref<!tpu.dma_semaphore, #tpu.memory_space<semaphore_mem>>) src(%dma_wait3A_41 : memref<10000x128xf32, #tpu.memory_space<hbm>>) dst(%arg16 : memref<80x128xf32, #tpu.memory_space<vmem>>)
    %dma_start3A_42 = arith.constant 0 : i32
    %dma_start3A_43 = arith.constant 0 : i32
    %dma_start3A_44 = tpu.memref_slice %arg7[%dma_start3A_42, %dma_start3A_43] : memref<10000x128xf32, #tpu.memory_space<vmem_shared>> -> memref<10000x128xf32, #tpu.memory_space<vmem_shared>>
    tpu.enqueue_indirect_dma source(%arg16 : memref<80x128xf32, #tpu.memory_space<vmem>>) target(%dma_start3A_44 : memref<10000x128xf32, #tpu.memory_space<vmem_shared>>) offsets(%arg9 : memref<80xi32, #tpu.memory_space<vmem>>) semaphore(%arg24 : memref<!tpu.dma_semaphore, #tpu.memory_space<semaphore_mem>>) {add = true}
    %mul3A_45 = arith.constant 10000 : i32
    %mul3A_46 = arith.muli %add3A, %mul3A_45 : i32
    %add3A_47 = arith.constant 160 : i32
    %add3A_48 = arith.addi %mul3A_46, %add3A_47 : i32
    %dma_start3A_49 = tpu.memref_slice %arg3[%add3A_48] : memref<320000xi32, #tpu.memory_space<hbm>> -> memref<80xi32, #tpu.memory_space<hbm>>
    %dma_start3A_50 = tpu.memref_slice %arg3[%add3A_48] : memref<320000xi32, #tpu.memory_space<hbm>> -> memref<80xi32, #tpu.memory_space<hbm>>
    tpu.enqueue_dma source(%dma_start3A_50 : memref<80xi32, #tpu.memory_space<hbm>>) target(%arg12 : memref<80xi32, #tpu.memory_space<vmem>>) target_semaphore(%arg30 : memref<!tpu.dma_semaphore, #tpu.memory_space<semaphore_mem>>)
    %dma_start3A_51 = tpu.memref_slice %arg4[%add3A_48] : memref<320000xi32, #tpu.memory_space<hbm>> -> memref<80xi32, #tpu.memory_space<hbm>>
    %dma_start3A_52 = tpu.memref_slice %arg4[%add3A_48] : memref<320000xi32, #tpu.memory_space<hbm>> -> memref<80xi32, #tpu.memory_space<hbm>>
    tpu.enqueue_dma source(%dma_start3A_52 : memref<80xi32, #tpu.memory_space<hbm>>) target(%arg13 : memref<80xi32, #tpu.memory_space<vmem>>) target_semaphore(%arg30 : memref<!tpu.dma_semaphore, #tpu.memory_space<semaphore_mem>>)
    %dma_wait3A_53 = arith.constant 0 : i32
    %dma_wait3A_54 = tpu.memref_slice %arg3[%dma_wait3A_53] : memref<320000xi32, #tpu.memory_space<hbm>> -> memref<80xi32, #tpu.memory_space<hbm>>
    %dma_wait3A_55 = arith.constant 0 : i32
    %dma_wait3A_56 = tpu.memref_slice %arg3[%dma_wait3A_55] : memref<320000xi32, #tpu.memory_space<hbm>> -> memref<80xi32, #tpu.memory_space<hbm>>
    tpu.wait_dma2 semaphore(%arg30 : memref<!tpu.dma_semaphore, #tpu.memory_space<semaphore_mem>>) src(%dma_wait3A_56 : memref<80xi32, #tpu.memory_space<hbm>>) dst(%arg12 : memref<80xi32, #tpu.memory_space<vmem>>)
    %dma_wait3A_57 = arith.constant 0 : i32
    %dma_wait3A_58 = tpu.memref_slice %arg4[%dma_wait3A_57] : memref<320000xi32, #tpu.memory_space<hbm>> -> memref<80xi32, #tpu.memory_space<hbm>>
    %dma_wait3A_59 = arith.constant 0 : i32
    %dma_wait3A_60 = tpu.memref_slice %arg4[%dma_wait3A_59] : memref<320000xi32, #tpu.memory_space<hbm>> -> memref<80xi32, #tpu.memory_space<hbm>>
    tpu.wait_dma2 semaphore(%arg30 : memref<!tpu.dma_semaphore, #tpu.memory_space<semaphore_mem>>) src(%dma_wait3A_60 : memref<80xi32, #tpu.memory_space<hbm>>) dst(%arg13 : memref<80xi32, #tpu.memory_space<vmem>>)
    %dma_start3A_61 = arith.constant 0 : i32
    %dma_start3A_62 = arith.constant 0 : i32
    %dma_start3A_63 = tpu.memref_slice %arg2[%dma_start3A_61, %dma_start3A_62] : memref<10000x128xf32, #tpu.memory_space<hbm>> -> memref<10000x128xf32, #tpu.memory_space<hbm>>
    tpu.enqueue_indirect_dma source(%dma_start3A_63 : memref<10000x128xf32, #tpu.memory_space<hbm>>) target(%arg18 : memref<80x128xf32, #tpu.memory_space<vmem>>) offsets(%arg12 : memref<80xi32, #tpu.memory_space<vmem>>) semaphore(%arg22 : memref<!tpu.dma_semaphore, #tpu.memory_space<semaphore_mem>>)
    %dma_wait3A_64 = arith.constant 0 : i32
    %dma_wait3A_65 = arith.constant 0 : i32
    %dma_wait3A_66 = tpu.memref_slice %arg2[%dma_wait3A_64, %dma_wait3A_65] : memref<10000x128xf32, #tpu.memory_space<hbm>> -> memref<10000x128xf32, #tpu.memory_space<hbm>>
    tpu.wait_indirect_dma semaphore(%arg21 : memref<!tpu.dma_semaphore, #tpu.memory_space<semaphore_mem>>) src(%dma_wait3A_66 : memref<10000x128xf32, #tpu.memory_space<hbm>>) dst(%arg17 : memref<80x128xf32, #tpu.memory_space<vmem>>)
    %dma_start3A_67 = arith.constant 0 : i32
    %dma_start3A_68 = arith.constant 0 : i32
    %dma_start3A_69 = tpu.memref_slice %arg7[%dma_start3A_67, %dma_start3A_68] : memref<10000x128xf32, #tpu.memory_space<vmem_shared>> -> memref<10000x128xf32, #tpu.memory_space<vmem_shared>>
    tpu.enqueue_indirect_dma source(%arg17 : memref<80x128xf32, #tpu.memory_space<vmem>>) target(%dma_start3A_69 : memref<10000x128xf32, #tpu.memory_space<vmem_shared>>) offsets(%arg11 : memref<80xi32, #tpu.memory_space<vmem>>) semaphore(%arg25 : memref<!tpu.dma_semaphore, #tpu.memory_space<semaphore_mem>>) {add = true}
    %mul3A_70 = arith.constant 10000 : i32
    %mul3A_71 = arith.muli %add3A, %mul3A_70 : i32
    %add3A_72 = arith.constant 240 : i32
    %add3A_73 = arith.addi %mul3A_71, %add3A_72 : i32
    %dma_start3A_74 = tpu.memref_slice %arg3[%add3A_73] : memref<320000xi32, #tpu.memory_space<hbm>> -> memref<80xi32, #tpu.memory_space<hbm>>
    %dma_start3A_75 = tpu.memref_slice %arg3[%add3A_73] : memref<320000xi32, #tpu.memory_space<hbm>> -> memref<80xi32, #tpu.memory_space<hbm>>
    tpu.enqueue_dma source(%dma_start3A_75 : memref<80xi32, #tpu.memory_space<hbm>>) target(%arg14 : memref<80xi32, #tpu.memory_space<vmem>>) target_semaphore(%arg31 : memref<!tpu.dma_semaphore, #tpu.memory_space<semaphore_mem>>)
    %dma_start3A_76 = tpu.memref_slice %arg4[%add3A_73] : memref<320000xi32, #tpu.memory_space<hbm>> -> memref<80xi32, #tpu.memory_space<hbm>>
    %dma_start3A_77 = tpu.memref_slice %arg4[%add3A_73] : memref<320000xi32, #tpu.memory_space<hbm>> -> memref<80xi32, #tpu.memory_space<hbm>>
    tpu.enqueue_dma source(%dma_start3A_77 : memref<80xi32, #tpu.memory_space<hbm>>) target(%arg15 : memref<80xi32, #tpu.memory_space<vmem>>) target_semaphore(%arg31 : memref<!tpu.dma_semaphore, #tpu.memory_space<semaphore_mem>>)
    %scan3A = arith.constant 0 : i32
    %scan3A_78 = arith.constant 0 : i32
    %scan3A_79 = arith.constant 30 : i32
    %scan3A_80 = arith.addi %scan3A_78, %scan3A_79 : i32
    %scan3A_81 = arith.constant 1 : i32
    scf.for %scan3A_153 = %scan3A_78 to %scan3A_80 step %scan3A_81  : i32 {
      %mul3A_154 = arith.constant 4 : i32
      %mul3A_155 = arith.muli %mul3A_154, %scan3A_153 : i32
      %add3A_156 = arith.constant 2 : i32
      %add3A_157 = arith.addi %add3A_156, %mul3A_155 : i32
      %dma_wait3A_158 = arith.constant 0 : i32
      %dma_wait3A_159 = tpu.memref_slice %arg3[%dma_wait3A_158] : memref<320000xi32, #tpu.memory_space<hbm>> -> memref<80xi32, #tpu.memory_space<hbm>>
      %dma_wait3A_160 = arith.constant 0 : i32
      %dma_wait3A_161 = tpu.memref_slice %arg3[%dma_wait3A_160] : memref<320000xi32, #tpu.memory_space<hbm>> -> memref<80xi32, #tpu.memory_space<hbm>>
      tpu.wait_dma2 semaphore(%arg31 : memref<!tpu.dma_semaphore, #tpu.memory_space<semaphore_mem>>) src(%dma_wait3A_161 : memref<80xi32, #tpu.memory_space<hbm>>) dst(%arg14 : memref<80xi32, #tpu.memory_space<vmem>>)
      %dma_wait3A_162 = arith.constant 0 : i32
      %dma_wait3A_163 = tpu.memref_slice %arg4[%dma_wait3A_162] : memref<320000xi32, #tpu.memory_space<hbm>> -> memref<80xi32, #tpu.memory_space<hbm>>
      %dma_wait3A_164 = arith.constant 0 : i32
      %dma_wait3A_165 = tpu.memref_slice %arg4[%dma_wait3A_164] : memref<320000xi32, #tpu.memory_space<hbm>> -> memref<80xi32, #tpu.memory_space<hbm>>
      tpu.wait_dma2 semaphore(%arg31 : memref<!tpu.dma_semaphore, #tpu.memory_space<semaphore_mem>>) src(%dma_wait3A_165 : memref<80xi32, #tpu.memory_space<hbm>>) dst(%arg15 : memref<80xi32, #tpu.memory_space<vmem>>)
      %dma_start3A_166 = arith.constant 0 : i32
      %dma_start3A_167 = arith.constant 0 : i32
      %dma_start3A_168 = tpu.memref_slice %arg2[%dma_start3A_166, %dma_start3A_167] : memref<10000x128xf32, #tpu.memory_space<hbm>> -> memref<10000x128xf32, #tpu.memory_space<hbm>>
      tpu.enqueue_indirect_dma source(%dma_start3A_168 : memref<10000x128xf32, #tpu.memory_space<hbm>>) target(%arg19 : memref<80x128xf32, #tpu.memory_space<vmem>>) offsets(%arg14 : memref<80xi32, #tpu.memory_space<vmem>>) semaphore(%arg23 : memref<!tpu.dma_semaphore, #tpu.memory_space<semaphore_mem>>)
      %dma_wait3A_169 = arith.constant 0 : i32
      %dma_wait3A_170 = arith.constant 0 : i32
      %dma_wait3A_171 = tpu.memref_slice %arg2[%dma_wait3A_169, %dma_wait3A_170] : memref<10000x128xf32, #tpu.memory_space<hbm>> -> memref<10000x128xf32, #tpu.memory_space<hbm>>
      tpu.wait_indirect_dma semaphore(%arg22 : memref<!tpu.dma_semaphore, #tpu.memory_space<semaphore_mem>>) src(%dma_wait3A_171 : memref<10000x128xf32, #tpu.memory_space<hbm>>) dst(%arg18 : memref<80x128xf32, #tpu.memory_space<vmem>>)
      %dma_start3A_172 = arith.constant 0 : i32
      %dma_start3A_173 = arith.constant 0 : i32
      %dma_start3A_174 = tpu.memref_slice %arg7[%dma_start3A_172, %dma_start3A_173] : memref<10000x128xf32, #tpu.memory_space<vmem_shared>> -> memref<10000x128xf32, #tpu.memory_space<vmem_shared>>
      tpu.enqueue_indirect_dma source(%arg18 : memref<80x128xf32, #tpu.memory_space<vmem>>) target(%dma_start3A_174 : memref<10000x128xf32, #tpu.memory_space<vmem_shared>>) offsets(%arg13 : memref<80xi32, #tpu.memory_space<vmem>>) semaphore(%arg26 : memref<!tpu.dma_semaphore, #tpu.memory_space<semaphore_mem>>) {add = true}
      %dma_wait3A_175 = arith.constant 0 : i32
      %dma_wait3A_176 = arith.constant 0 : i32
      %dma_wait3A_177 = tpu.memref_slice %arg2[%dma_wait3A_175, %dma_wait3A_176] : memref<10000x128xf32, #tpu.memory_space<hbm>> -> memref<10000x128xf32, #tpu.memory_space<hbm>>
      tpu.wait_indirect_dma semaphore(%arg24 : memref<!tpu.dma_semaphore, #tpu.memory_space<semaphore_mem>>) src(%dma_wait3A_177 : memref<10000x128xf32, #tpu.memory_space<hbm>>) dst(%arg16 : memref<80x128xf32, #tpu.memory_space<vmem>>)
      %add3A_178 = arith.constant 0 : i32
      %add3A_179 = arith.addi %add3A_157, %add3A_178 : i32
      %add3A_180 = arith.constant 2 : i32
      %add3A_181 = arith.addi %add3A_179, %add3A_180 : i32
      %mul3A_182 = arith.constant 10000 : i32
      %mul3A_183 = arith.muli %add3A, %mul3A_182 : i32
      %mul3A_184 = arith.constant 80 : i32
      %mul3A_185 = arith.muli %add3A_181, %mul3A_184 : i32
      %add3A_186 = arith.addi %mul3A_183, %mul3A_185 : i32
      %dma_start3A_187 = tpu.memref_slice %arg3[%add3A_186] : memref<320000xi32, #tpu.memory_space<hbm>> -> memref<80xi32, #tpu.memory_space<hbm>>
      %dma_start3A_188 = tpu.memref_slice %arg3[%add3A_186] : memref<320000xi32, #tpu.memory_space<hbm>> -> memref<80xi32, #tpu.memory_space<hbm>>
      tpu.enqueue_dma source(%dma_start3A_188 : memref<80xi32, #tpu.memory_space<hbm>>) target(%arg8 : memref<80xi32, #tpu.memory_space<vmem>>) target_semaphore(%arg28 : memref<!tpu.dma_semaphore, #tpu.memory_space<semaphore_mem>>)
      %dma_start3A_189 = tpu.memref_slice %arg4[%add3A_186] : memref<320000xi32, #tpu.memory_space<hbm>> -> memref<80xi32, #tpu.memory_space<hbm>>
      %dma_start3A_190 = tpu.memref_slice %arg4[%add3A_186] : memref<320000xi32, #tpu.memory_space<hbm>> -> memref<80xi32, #tpu.memory_space<hbm>>
      tpu.enqueue_dma source(%dma_start3A_190 : memref<80xi32, #tpu.memory_space<hbm>>) target(%arg9 : memref<80xi32, #tpu.memory_space<vmem>>) target_semaphore(%arg28 : memref<!tpu.dma_semaphore, #tpu.memory_space<semaphore_mem>>)
      %dma_wait3A_191 = arith.constant 0 : i32
      %dma_wait3A_192 = tpu.memref_slice %arg3[%dma_wait3A_191] : memref<320000xi32, #tpu.memory_space<hbm>> -> memref<80xi32, #tpu.memory_space<hbm>>
      %dma_wait3A_193 = arith.constant 0 : i32
      %dma_wait3A_194 = tpu.memref_slice %arg3[%dma_wait3A_193] : memref<320000xi32, #tpu.memory_space<hbm>> -> memref<80xi32, #tpu.memory_space<hbm>>
      tpu.wait_dma2 semaphore(%arg28 : memref<!tpu.dma_semaphore, #tpu.memory_space<semaphore_mem>>) src(%dma_wait3A_194 : memref<80xi32, #tpu.memory_space<hbm>>) dst(%arg8 : memref<80xi32, #tpu.memory_space<vmem>>)
      %dma_wait3A_195 = arith.constant 0 : i32
      %dma_wait3A_196 = tpu.memref_slice %arg4[%dma_wait3A_195] : memref<320000xi32, #tpu.memory_space<hbm>> -> memref<80xi32, #tpu.memory_space<hbm>>
      %dma_wait3A_197 = arith.constant 0 : i32
      %dma_wait3A_198 = tpu.memref_slice %arg4[%dma_wait3A_197] : memref<320000xi32, #tpu.memory_space<hbm>> -> memref<80xi32, #tpu.memory_space<hbm>>
      tpu.wait_dma2 semaphore(%arg28 : memref<!tpu.dma_semaphore, #tpu.memory_space<semaphore_mem>>) src(%dma_wait3A_198 : memref<80xi32, #tpu.memory_space<hbm>>) dst(%arg9 : memref<80xi32, #tpu.memory_space<vmem>>)
      %dma_start3A_199 = arith.constant 0 : i32
      %dma_start3A_200 = arith.constant 0 : i32
      %dma_start3A_201 = tpu.memref_slice %arg2[%dma_start3A_199, %dma_start3A_200] : memref<10000x128xf32, #tpu.memory_space<hbm>> -> memref<10000x128xf32, #tpu.memory_space<hbm>>
      tpu.enqueue_indirect_dma source(%dma_start3A_201 : memref<10000x128xf32, #tpu.memory_space<hbm>>) target(%arg16 : memref<80x128xf32, #tpu.memory_space<vmem>>) offsets(%arg8 : memref<80xi32, #tpu.memory_space<vmem>>) semaphore(%arg20 : memref<!tpu.dma_semaphore, #tpu.memory_space<semaphore_mem>>)
      %dma_wait3A_202 = arith.constant 0 : i32
      %dma_wait3A_203 = arith.constant 0 : i32
      %dma_wait3A_204 = tpu.memref_slice %arg2[%dma_wait3A_202, %dma_wait3A_203] : memref<10000x128xf32, #tpu.memory_space<hbm>> -> memref<10000x128xf32, #tpu.memory_space<hbm>>
      tpu.wait_indirect_dma semaphore(%arg23 : memref<!tpu.dma_semaphore, #tpu.memory_space<semaphore_mem>>) src(%dma_wait3A_204 : memref<10000x128xf32, #tpu.memory_space<hbm>>) dst(%arg19 : memref<80x128xf32, #tpu.memory_space<vmem>>)
      %dma_start3A_205 = arith.constant 0 : i32
      %dma_start3A_206 = arith.constant 0 : i32
      %dma_start3A_207 = tpu.memref_slice %arg7[%dma_start3A_205, %dma_start3A_206] : memref<10000x128xf32, #tpu.memory_space<vmem_shared>> -> memref<10000x128xf32, #tpu.memory_space<vmem_shared>>
      tpu.enqueue_indirect_dma source(%arg19 : memref<80x128xf32, #tpu.memory_space<vmem>>) target(%dma_start3A_207 : memref<10000x128xf32, #tpu.memory_space<vmem_shared>>) offsets(%arg15 : memref<80xi32, #tpu.memory_space<vmem>>) semaphore(%arg27 : memref<!tpu.dma_semaphore, #tpu.memory_space<semaphore_mem>>) {add = true}
      %dma_wait3A_208 = arith.constant 0 : i32
      %dma_wait3A_209 = arith.constant 0 : i32
      %dma_wait3A_210 = tpu.memref_slice %arg2[%dma_wait3A_208, %dma_wait3A_209] : memref<10000x128xf32, #tpu.memory_space<hbm>> -> memref<10000x128xf32, #tpu.memory_space<hbm>>
      tpu.wait_indirect_dma semaphore(%arg25 : memref<!tpu.dma_semaphore, #tpu.memory_space<semaphore_mem>>) src(%dma_wait3A_210 : memref<10000x128xf32, #tpu.memory_space<hbm>>) dst(%arg17 : memref<80x128xf32, #tpu.memory_space<vmem>>)
      %add3A_211 = arith.constant 1 : i32
      %add3A_212 = arith.addi %add3A_157, %add3A_211 : i32
      %add3A_213 = arith.constant 2 : i32
      %add3A_214 = arith.addi %add3A_212, %add3A_213 : i32
      %mul3A_215 = arith.constant 10000 : i32
      %mul3A_216 = arith.muli %add3A, %mul3A_215 : i32
      %mul3A_217 = arith.constant 80 : i32
      %mul3A_218 = arith.muli %add3A_214, %mul3A_217 : i32
      %add3A_219 = arith.addi %mul3A_216, %mul3A_218 : i32
      %dma_start3A_220 = tpu.memref_slice %arg3[%add3A_219] : memref<320000xi32, #tpu.memory_space<hbm>> -> memref<80xi32, #tpu.memory_space<hbm>>
      %dma_start3A_221 = tpu.memref_slice %arg3[%add3A_219] : memref<320000xi32, #tpu.memory_space<hbm>> -> memref<80xi32, #tpu.memory_space<hbm>>
      tpu.enqueue_dma source(%dma_start3A_221 : memref<80xi32, #tpu.memory_space<hbm>>) target(%arg10 : memref<80xi32, #tpu.memory_space<vmem>>) target_semaphore(%arg29 : memref<!tpu.dma_semaphore, #tpu.memory_space<semaphore_mem>>)
      %dma_start3A_222 = tpu.memref_slice %arg4[%add3A_219] : memref<320000xi32, #tpu.memory_space<hbm>> -> memref<80xi32, #tpu.memory_space<hbm>>
      %dma_start3A_223 = tpu.memref_slice %arg4[%add3A_219] : memref<320000xi32, #tpu.memory_space<hbm>> -> memref<80xi32, #tpu.memory_space<hbm>>
      tpu.enqueue_dma source(%dma_start3A_223 : memref<80xi32, #tpu.memory_space<hbm>>) target(%arg11 : memref<80xi32, #tpu.memory_space<vmem>>) target_semaphore(%arg29 : memref<!tpu.dma_semaphore, #tpu.memory_space<semaphore_mem>>)
      %dma_wait3A_224 = arith.constant 0 : i32
      %dma_wait3A_225 = tpu.memref_slice %arg3[%dma_wait3A_224] : memref<320000xi32, #tpu.memory_space<hbm>> -> memref<80xi32, #tpu.memory_space<hbm>>
      %dma_wait3A_226 = arith.constant 0 : i32
      %dma_wait3A_227 = tpu.memref_slice %arg3[%dma_wait3A_226] : memref<320000xi32, #tpu.memory_space<hbm>> -> memref<80xi32, #tpu.memory_space<hbm>>
      tpu.wait_dma2 semaphore(%arg29 : memref<!tpu.dma_semaphore, #tpu.memory_space<semaphore_mem>>) src(%dma_wait3A_227 : memref<80xi32, #tpu.memory_space<hbm>>) dst(%arg10 : memref<80xi32, #tpu.memory_space<vmem>>)
      %dma_wait3A_228 = arith.constant 0 : i32
      %dma_wait3A_229 = tpu.memref_slice %arg4[%dma_wait3A_228] : memref<320000xi32, #tpu.memory_space<hbm>> -> memref<80xi32, #tpu.memory_space<hbm>>
      %dma_wait3A_230 = arith.constant 0 : i32
      %dma_wait3A_231 = tpu.memref_slice %arg4[%dma_wait3A_230] : memref<320000xi32, #tpu.memory_space<hbm>> -> memref<80xi32, #tpu.memory_space<hbm>>
      tpu.wait_dma2 semaphore(%arg29 : memref<!tpu.dma_semaphore, #tpu.memory_space<semaphore_mem>>) src(%dma_wait3A_231 : memref<80xi32, #tpu.memory_space<hbm>>) dst(%arg11 : memref<80xi32, #tpu.memory_space<vmem>>)
      %dma_start3A_232 = arith.constant 0 : i32
      %dma_start3A_233 = arith.constant 0 : i32
      %dma_start3A_234 = tpu.memref_slice %arg2[%dma_start3A_232, %dma_start3A_233] : memref<10000x128xf32, #tpu.memory_space<hbm>> -> memref<10000x128xf32, #tpu.memory_space<hbm>>
      tpu.enqueue_indirect_dma source(%dma_start3A_234 : memref<10000x128xf32, #tpu.memory_space<hbm>>) target(%arg17 : memref<80x128xf32, #tpu.memory_space<vmem>>) offsets(%arg10 : memref<80xi32, #tpu.memory_space<vmem>>) semaphore(%arg21 : memref<!tpu.dma_semaphore, #tpu.memory_space<semaphore_mem>>)
      %dma_wait3A_235 = arith.constant 0 : i32
      %dma_wait3A_236 = arith.constant 0 : i32
      %dma_wait3A_237 = tpu.memref_slice %arg2[%dma_wait3A_235, %dma_wait3A_236] : memref<10000x128xf32, #tpu.memory_space<hbm>> -> memref<10000x128xf32, #tpu.memory_space<hbm>>
      tpu.wait_indirect_dma semaphore(%arg20 : memref<!tpu.dma_semaphore, #tpu.memory_space<semaphore_mem>>) src(%dma_wait3A_237 : memref<10000x128xf32, #tpu.memory_space<hbm>>) dst(%arg16 : memref<80x128xf32, #tpu.memory_space<vmem>>)
      %dma_start3A_238 = arith.constant 0 : i32
      %dma_start3A_239 = arith.constant 0 : i32
      %dma_start3A_240 = tpu.memref_slice %arg7[%dma_start3A_238, %dma_start3A_239] : memref<10000x128xf32, #tpu.memory_space<vmem_shared>> -> memref<10000x128xf32, #tpu.memory_space<vmem_shared>>
      tpu.enqueue_indirect_dma source(%arg16 : memref<80x128xf32, #tpu.memory_space<vmem>>) target(%dma_start3A_240 : memref<10000x128xf32, #tpu.memory_space<vmem_shared>>) offsets(%arg9 : memref<80xi32, #tpu.memory_space<vmem>>) semaphore(%arg24 : memref<!tpu.dma_semaphore, #tpu.memory_space<semaphore_mem>>) {add = true}
      %dma_wait3A_241 = arith.constant 0 : i32
      %dma_wait3A_242 = arith.constant 0 : i32
      %dma_wait3A_243 = tpu.memref_slice %arg2[%dma_wait3A_241, %dma_wait3A_242] : memref<10000x128xf32, #tpu.memory_space<hbm>> -> memref<10000x128xf32, #tpu.memory_space<hbm>>
      tpu.wait_indirect_dma semaphore(%arg26 : memref<!tpu.dma_semaphore, #tpu.memory_space<semaphore_mem>>) src(%dma_wait3A_243 : memref<10000x128xf32, #tpu.memory_space<hbm>>) dst(%arg18 : memref<80x128xf32, #tpu.memory_space<vmem>>)
      %add3A_244 = arith.constant 2 : i32
      %add3A_245 = arith.addi %add3A_157, %add3A_244 : i32
      %add3A_246 = arith.constant 2 : i32
      %add3A_247 = arith.addi %add3A_245, %add3A_246 : i32
      %mul3A_248 = arith.constant 10000 : i32
      %mul3A_249 = arith.muli %add3A, %mul3A_248 : i32
      %mul3A_250 = arith.constant 80 : i32
      %mul3A_251 = arith.muli %add3A_247, %mul3A_250 : i32
      %add3A_252 = arith.addi %mul3A_249, %mul3A_251 : i32
      %dma_start3A_253 = tpu.memref_slice %arg3[%add3A_252] : memref<320000xi32, #tpu.memory_space<hbm>> -> memref<80xi32, #tpu.memory_space<hbm>>
      %dma_start3A_254 = tpu.memref_slice %arg3[%add3A_252] : memref<320000xi32, #tpu.memory_space<hbm>> -> memref<80xi32, #tpu.memory_space<hbm>>
      tpu.enqueue_dma source(%dma_start3A_254 : memref<80xi32, #tpu.memory_space<hbm>>) target(%arg12 : memref<80xi32, #tpu.memory_space<vmem>>) target_semaphore(%arg30 : memref<!tpu.dma_semaphore, #tpu.memory_space<semaphore_mem>>)
      %dma_start3A_255 = tpu.memref_slice %arg4[%add3A_252] : memref<320000xi32, #tpu.memory_space<hbm>> -> memref<80xi32, #tpu.memory_space<hbm>>
      %dma_start3A_256 = tpu.memref_slice %arg4[%add3A_252] : memref<320000xi32, #tpu.memory_space<hbm>> -> memref<80xi32, #tpu.memory_space<hbm>>
      tpu.enqueue_dma source(%dma_start3A_256 : memref<80xi32, #tpu.memory_space<hbm>>) target(%arg13 : memref<80xi32, #tpu.memory_space<vmem>>) target_semaphore(%arg30 : memref<!tpu.dma_semaphore, #tpu.memory_space<semaphore_mem>>)
      %dma_wait3A_257 = arith.constant 0 : i32
      %dma_wait3A_258 = tpu.memref_slice %arg3[%dma_wait3A_257] : memref<320000xi32, #tpu.memory_space<hbm>> -> memref<80xi32, #tpu.memory_space<hbm>>
      %dma_wait3A_259 = arith.constant 0 : i32
      %dma_wait3A_260 = tpu.memref_slice %arg3[%dma_wait3A_259] : memref<320000xi32, #tpu.memory_space<hbm>> -> memref<80xi32, #tpu.memory_space<hbm>>
      tpu.wait_dma2 semaphore(%arg30 : memref<!tpu.dma_semaphore, #tpu.memory_space<semaphore_mem>>) src(%dma_wait3A_260 : memref<80xi32, #tpu.memory_space<hbm>>) dst(%arg12 : memref<80xi32, #tpu.memory_space<vmem>>)
      %dma_wait3A_261 = arith.constant 0 : i32
      %dma_wait3A_262 = tpu.memref_slice %arg4[%dma_wait3A_261] : memref<320000xi32, #tpu.memory_space<hbm>> -> memref<80xi32, #tpu.memory_space<hbm>>
      %dma_wait3A_263 = arith.constant 0 : i32
      %dma_wait3A_264 = tpu.memref_slice %arg4[%dma_wait3A_263] : memref<320000xi32, #tpu.memory_space<hbm>> -> memref<80xi32, #tpu.memory_space<hbm>>
      tpu.wait_dma2 semaphore(%arg30 : memref<!tpu.dma_semaphore, #tpu.memory_space<semaphore_mem>>) src(%dma_wait3A_264 : memref<80xi32, #tpu.memory_space<hbm>>) dst(%arg13 : memref<80xi32, #tpu.memory_space<vmem>>)
      %dma_start3A_265 = arith.constant 0 : i32
      %dma_start3A_266 = arith.constant 0 : i32
      %dma_start3A_267 = tpu.memref_slice %arg2[%dma_start3A_265, %dma_start3A_266] : memref<10000x128xf32, #tpu.memory_space<hbm>> -> memref<10000x128xf32, #tpu.memory_space<hbm>>
      tpu.enqueue_indirect_dma source(%dma_start3A_267 : memref<10000x128xf32, #tpu.memory_space<hbm>>) target(%arg18 : memref<80x128xf32, #tpu.memory_space<vmem>>) offsets(%arg12 : memref<80xi32, #tpu.memory_space<vmem>>) semaphore(%arg22 : memref<!tpu.dma_semaphore, #tpu.memory_space<semaphore_mem>>)
      %dma_wait3A_268 = arith.constant 0 : i32
      %dma_wait3A_269 = arith.constant 0 : i32
      %dma_wait3A_270 = tpu.memref_slice %arg2[%dma_wait3A_268, %dma_wait3A_269] : memref<10000x128xf32, #tpu.memory_space<hbm>> -> memref<10000x128xf32, #tpu.memory_space<hbm>>
      tpu.wait_indirect_dma semaphore(%arg21 : memref<!tpu.dma_semaphore, #tpu.memory_space<semaphore_mem>>) src(%dma_wait3A_270 : memref<10000x128xf32, #tpu.memory_space<hbm>>) dst(%arg17 : memref<80x128xf32, #tpu.memory_space<vmem>>)
      %dma_start3A_271 = arith.constant 0 : i32
      %dma_start3A_272 = arith.constant 0 : i32
      %dma_start3A_273 = tpu.memref_slice %arg7[%dma_start3A_271, %dma_start3A_272] : memref<10000x128xf32, #tpu.memory_space<vmem_shared>> -> memref<10000x128xf32, #tpu.memory_space<vmem_shared>>
      tpu.enqueue_indirect_dma source(%arg17 : memref<80x128xf32, #tpu.memory_space<vmem>>) target(%dma_start3A_273 : memref<10000x128xf32, #tpu.memory_space<vmem_shared>>) offsets(%arg11 : memref<80xi32, #tpu.memory_space<vmem>>) semaphore(%arg25 : memref<!tpu.dma_semaphore, #tpu.memory_space<semaphore_mem>>) {add = true}
      %dma_wait3A_274 = arith.constant 0 : i32
      %dma_wait3A_275 = arith.constant 0 : i32
      %dma_wait3A_276 = tpu.memref_slice %arg2[%dma_wait3A_274, %dma_wait3A_275] : memref<10000x128xf32, #tpu.memory_space<hbm>> -> memref<10000x128xf32, #tpu.memory_space<hbm>>
      tpu.wait_indirect_dma semaphore(%arg27 : memref<!tpu.dma_semaphore, #tpu.memory_space<semaphore_mem>>) src(%dma_wait3A_276 : memref<10000x128xf32, #tpu.memory_space<hbm>>) dst(%arg19 : memref<80x128xf32, #tpu.memory_space<vmem>>)
      %add3A_277 = arith.constant 3 : i32
      %add3A_278 = arith.addi %add3A_157, %add3A_277 : i32
      %add3A_279 = arith.constant 2 : i32
      %add3A_280 = arith.addi %add3A_278, %add3A_279 : i32
      %mul3A_281 = arith.constant 10000 : i32
      %mul3A_282 = arith.muli %add3A, %mul3A_281 : i32
      %mul3A_283 = arith.constant 80 : i32
      %mul3A_284 = arith.muli %add3A_280, %mul3A_283 : i32
      %add3A_285 = arith.addi %mul3A_282, %mul3A_284 : i32
      %dma_start3A_286 = tpu.memref_slice %arg3[%add3A_285] : memref<320000xi32, #tpu.memory_space<hbm>> -> memref<80xi32, #tpu.memory_space<hbm>>
      %dma_start3A_287 = tpu.memref_slice %arg3[%add3A_285] : memref<320000xi32, #tpu.memory_space<hbm>> -> memref<80xi32, #tpu.memory_space<hbm>>
      tpu.enqueue_dma source(%dma_start3A_287 : memref<80xi32, #tpu.memory_space<hbm>>) target(%arg14 : memref<80xi32, #tpu.memory_space<vmem>>) target_semaphore(%arg31 : memref<!tpu.dma_semaphore, #tpu.memory_space<semaphore_mem>>)
      %dma_start3A_288 = tpu.memref_slice %arg4[%add3A_285] : memref<320000xi32, #tpu.memory_space<hbm>> -> memref<80xi32, #tpu.memory_space<hbm>>
      %dma_start3A_289 = tpu.memref_slice %arg4[%add3A_285] : memref<320000xi32, #tpu.memory_space<hbm>> -> memref<80xi32, #tpu.memory_space<hbm>>
      tpu.enqueue_dma source(%dma_start3A_289 : memref<80xi32, #tpu.memory_space<hbm>>) target(%arg15 : memref<80xi32, #tpu.memory_space<vmem>>) target_semaphore(%arg31 : memref<!tpu.dma_semaphore, #tpu.memory_space<semaphore_mem>>)
    }
    %scan3A_82 = arith.constant 30 : i32
    %dma_wait3A_83 = arith.constant 0 : i32
    %dma_wait3A_84 = tpu.memref_slice %arg3[%dma_wait3A_83] : memref<320000xi32, #tpu.memory_space<hbm>> -> memref<80xi32, #tpu.memory_space<hbm>>
    %dma_wait3A_85 = arith.constant 0 : i32
    %dma_wait3A_86 = tpu.memref_slice %arg3[%dma_wait3A_85] : memref<320000xi32, #tpu.memory_space<hbm>> -> memref<80xi32, #tpu.memory_space<hbm>>
    tpu.wait_dma2 semaphore(%arg31 : memref<!tpu.dma_semaphore, #tpu.memory_space<semaphore_mem>>) src(%dma_wait3A_86 : memref<80xi32, #tpu.memory_space<hbm>>) dst(%arg14 : memref<80xi32, #tpu.memory_space<vmem>>)
    %dma_wait3A_87 = arith.constant 0 : i32
    %dma_wait3A_88 = tpu.memref_slice %arg4[%dma_wait3A_87] : memref<320000xi32, #tpu.memory_space<hbm>> -> memref<80xi32, #tpu.memory_space<hbm>>
    %dma_wait3A_89 = arith.constant 0 : i32
    %dma_wait3A_90 = tpu.memref_slice %arg4[%dma_wait3A_89] : memref<320000xi32, #tpu.memory_space<hbm>> -> memref<80xi32, #tpu.memory_space<hbm>>
    tpu.wait_dma2 semaphore(%arg31 : memref<!tpu.dma_semaphore, #tpu.memory_space<semaphore_mem>>) src(%dma_wait3A_90 : memref<80xi32, #tpu.memory_space<hbm>>) dst(%arg15 : memref<80xi32, #tpu.memory_space<vmem>>)
    %dma_start3A_91 = arith.constant 0 : i32
    %dma_start3A_92 = arith.constant 0 : i32
    %dma_start3A_93 = tpu.memref_slice %arg2[%dma_start3A_91, %dma_start3A_92] : memref<10000x128xf32, #tpu.memory_space<hbm>> -> memref<10000x128xf32, #tpu.memory_space<hbm>>
    tpu.enqueue_indirect_dma source(%dma_start3A_93 : memref<10000x128xf32, #tpu.memory_space<hbm>>) target(%arg19 : memref<80x128xf32, #tpu.memory_space<vmem>>) offsets(%arg14 : memref<80xi32, #tpu.memory_space<vmem>>) semaphore(%arg23 : memref<!tpu.dma_semaphore, #tpu.memory_space<semaphore_mem>>)
    %dma_wait3A_94 = arith.constant 0 : i32
    %dma_wait3A_95 = arith.constant 0 : i32
    %dma_wait3A_96 = tpu.memref_slice %arg2[%dma_wait3A_94, %dma_wait3A_95] : memref<10000x128xf32, #tpu.memory_space<hbm>> -> memref<10000x128xf32, #tpu.memory_space<hbm>>
    tpu.wait_indirect_dma semaphore(%arg22 : memref<!tpu.dma_semaphore, #tpu.memory_space<semaphore_mem>>) src(%dma_wait3A_96 : memref<10000x128xf32, #tpu.memory_space<hbm>>) dst(%arg18 : memref<80x128xf32, #tpu.memory_space<vmem>>)
    %dma_start3A_97 = arith.constant 0 : i32
    %dma_start3A_98 = arith.constant 0 : i32
    %dma_start3A_99 = tpu.memref_slice %arg7[%dma_start3A_97, %dma_start3A_98] : memref<10000x128xf32, #tpu.memory_space<vmem_shared>> -> memref<10000x128xf32, #tpu.memory_space<vmem_shared>>
    tpu.enqueue_indirect_dma source(%arg18 : memref<80x128xf32, #tpu.memory_space<vmem>>) target(%dma_start3A_99 : memref<10000x128xf32, #tpu.memory_space<vmem_shared>>) offsets(%arg13 : memref<80xi32, #tpu.memory_space<vmem>>) semaphore(%arg26 : memref<!tpu.dma_semaphore, #tpu.memory_space<semaphore_mem>>) {add = true}
    %dma_wait3A_100 = arith.constant 0 : i32
    %dma_wait3A_101 = arith.constant 0 : i32
    %dma_wait3A_102 = tpu.memref_slice %arg2[%dma_wait3A_100, %dma_wait3A_101] : memref<10000x128xf32, #tpu.memory_space<hbm>> -> memref<10000x128xf32, #tpu.memory_space<hbm>>
    tpu.wait_indirect_dma semaphore(%arg24 : memref<!tpu.dma_semaphore, #tpu.memory_space<semaphore_mem>>) src(%dma_wait3A_102 : memref<10000x128xf32, #tpu.memory_space<hbm>>) dst(%arg16 : memref<80x128xf32, #tpu.memory_space<vmem>>)
    %mul3A_103 = arith.constant 10000 : i32
    %mul3A_104 = arith.muli %add3A, %mul3A_103 : i32
    %add3A_105 = arith.constant 9920 : i32
    %add3A_106 = arith.addi %mul3A_104, %add3A_105 : i32
    %dma_start3A_107 = tpu.memref_slice %arg3[%add3A_106] : memref<320000xi32, #tpu.memory_space<hbm>> -> memref<80xi32, #tpu.memory_space<hbm>>
    %dma_start3A_108 = tpu.memref_slice %arg3[%add3A_106] : memref<320000xi32, #tpu.memory_space<hbm>> -> memref<80xi32, #tpu.memory_space<hbm>>
    tpu.enqueue_dma source(%dma_start3A_108 : memref<80xi32, #tpu.memory_space<hbm>>) target(%arg8 : memref<80xi32, #tpu.memory_space<vmem>>) target_semaphore(%arg28 : memref<!tpu.dma_semaphore, #tpu.memory_space<semaphore_mem>>)
    %dma_start3A_109 = tpu.memref_slice %arg4[%add3A_106] : memref<320000xi32, #tpu.memory_space<hbm>> -> memref<80xi32, #tpu.memory_space<hbm>>
    %dma_start3A_110 = tpu.memref_slice %arg4[%add3A_106] : memref<320000xi32, #tpu.memory_space<hbm>> -> memref<80xi32, #tpu.memory_space<hbm>>
    tpu.enqueue_dma source(%dma_start3A_110 : memref<80xi32, #tpu.memory_space<hbm>>) target(%arg9 : memref<80xi32, #tpu.memory_space<vmem>>) target_semaphore(%arg28 : memref<!tpu.dma_semaphore, #tpu.memory_space<semaphore_mem>>)
    %dma_wait3A_111 = arith.constant 0 : i32
    %dma_wait3A_112 = tpu.memref_slice %arg3[%dma_wait3A_111] : memref<320000xi32, #tpu.memory_space<hbm>> -> memref<80xi32, #tpu.memory_space<hbm>>
    %dma_wait3A_113 = arith.constant 0 : i32
    %dma_wait3A_114 = tpu.memref_slice %arg3[%dma_wait3A_113] : memref<320000xi32, #tpu.memory_space<hbm>> -> memref<80xi32, #tpu.memory_space<hbm>>
    tpu.wait_dma2 semaphore(%arg28 : memref<!tpu.dma_semaphore, #tpu.memory_space<semaphore_mem>>) src(%dma_wait3A_114 : memref<80xi32, #tpu.memory_space<hbm>>) dst(%arg8 : memref<80xi32, #tpu.memory_space<vmem>>)
    %dma_wait3A_115 = arith.constant 0 : i32
    %dma_wait3A_116 = tpu.memref_slice %arg4[%dma_wait3A_115] : memref<320000xi32, #tpu.memory_space<hbm>> -> memref<80xi32, #tpu.memory_space<hbm>>
    %dma_wait3A_117 = arith.constant 0 : i32
    %dma_wait3A_118 = tpu.memref_slice %arg4[%dma_wait3A_117] : memref<320000xi32, #tpu.memory_space<hbm>> -> memref<80xi32, #tpu.memory_space<hbm>>
    tpu.wait_dma2 semaphore(%arg28 : memref<!tpu.dma_semaphore, #tpu.memory_space<semaphore_mem>>) src(%dma_wait3A_118 : memref<80xi32, #tpu.memory_space<hbm>>) dst(%arg9 : memref<80xi32, #tpu.memory_space<vmem>>)
    %dma_start3A_119 = arith.constant 0 : i32
    %dma_start3A_120 = arith.constant 0 : i32
    %dma_start3A_121 = tpu.memref_slice %arg2[%dma_start3A_119, %dma_start3A_120] : memref<10000x128xf32, #tpu.memory_space<hbm>> -> memref<10000x128xf32, #tpu.memory_space<hbm>>
    tpu.enqueue_indirect_dma source(%dma_start3A_121 : memref<10000x128xf32, #tpu.memory_space<hbm>>) target(%arg16 : memref<80x128xf32, #tpu.memory_space<vmem>>) offsets(%arg8 : memref<80xi32, #tpu.memory_space<vmem>>) semaphore(%arg20 : memref<!tpu.dma_semaphore, #tpu.memory_space<semaphore_mem>>)
    %dma_wait3A_122 = arith.constant 0 : i32
    %dma_wait3A_123 = arith.constant 0 : i32
    %dma_wait3A_124 = tpu.memref_slice %arg2[%dma_wait3A_122, %dma_wait3A_123] : memref<10000x128xf32, #tpu.memory_space<hbm>> -> memref<10000x128xf32, #tpu.memory_space<hbm>>
    tpu.wait_indirect_dma semaphore(%arg23 : memref<!tpu.dma_semaphore, #tpu.memory_space<semaphore_mem>>) src(%dma_wait3A_124 : memref<10000x128xf32, #tpu.memory_space<hbm>>) dst(%arg19 : memref<80x128xf32, #tpu.memory_space<vmem>>)
    %dma_start3A_125 = arith.constant 0 : i32
    %dma_start3A_126 = arith.constant 0 : i32
    %dma_start3A_127 = tpu.memref_slice %arg7[%dma_start3A_125, %dma_start3A_126] : memref<10000x128xf32, #tpu.memory_space<vmem_shared>> -> memref<10000x128xf32, #tpu.memory_space<vmem_shared>>
    tpu.enqueue_indirect_dma source(%arg19 : memref<80x128xf32, #tpu.memory_space<vmem>>) target(%dma_start3A_127 : memref<10000x128xf32, #tpu.memory_space<vmem_shared>>) offsets(%arg15 : memref<80xi32, #tpu.memory_space<vmem>>) semaphore(%arg27 : memref<!tpu.dma_semaphore, #tpu.memory_space<semaphore_mem>>) {add = true}
    %dma_wait3A_128 = arith.constant 0 : i32
    %dma_wait3A_129 = arith.constant 0 : i32
    %dma_wait3A_130 = tpu.memref_slice %arg2[%dma_wait3A_128, %dma_wait3A_129] : memref<10000x128xf32, #tpu.memory_space<hbm>> -> memref<10000x128xf32, #tpu.memory_space<hbm>>
    tpu.wait_indirect_dma semaphore(%arg25 : memref<!tpu.dma_semaphore, #tpu.memory_space<semaphore_mem>>) src(%dma_wait3A_130 : memref<10000x128xf32, #tpu.memory_space<hbm>>) dst(%arg17 : memref<80x128xf32, #tpu.memory_space<vmem>>)
    %dma_wait3A_131 = arith.constant 0 : i32
    %dma_wait3A_132 = arith.constant 0 : i32
    %dma_wait3A_133 = tpu.memref_slice %arg2[%dma_wait3A_131, %dma_wait3A_132] : memref<10000x128xf32, #tpu.memory_space<hbm>> -> memref<10000x128xf32, #tpu.memory_space<hbm>>
    tpu.wait_indirect_dma semaphore(%arg20 : memref<!tpu.dma_semaphore, #tpu.memory_space<semaphore_mem>>) src(%dma_wait3A_133 : memref<10000x128xf32, #tpu.memory_space<hbm>>) dst(%arg16 : memref<80x128xf32, #tpu.memory_space<vmem>>)
    %dma_start3A_134 = arith.constant 0 : i32
    %dma_start3A_135 = arith.constant 0 : i32
    %dma_start3A_136 = tpu.memref_slice %arg7[%dma_start3A_134, %dma_start3A_135] : memref<10000x128xf32, #tpu.memory_space<vmem_shared>> -> memref<10000x128xf32, #tpu.memory_space<vmem_shared>>
    tpu.enqueue_indirect_dma source(%arg16 : memref<80x128xf32, #tpu.memory_space<vmem>>) target(%dma_start3A_136 : memref<10000x128xf32, #tpu.memory_space<vmem_shared>>) offsets(%arg9 : memref<80xi32, #tpu.memory_space<vmem>>) semaphore(%arg24 : memref<!tpu.dma_semaphore, #tpu.memory_space<semaphore_mem>>) {add = true}
    %dma_wait3A_137 = arith.constant 0 : i32
    %dma_wait3A_138 = arith.constant 0 : i32
    %dma_wait3A_139 = tpu.memref_slice %arg2[%dma_wait3A_137, %dma_wait3A_138] : memref<10000x128xf32, #tpu.memory_space<hbm>> -> memref<10000x128xf32, #tpu.memory_space<hbm>>
    tpu.wait_indirect_dma semaphore(%arg26 : memref<!tpu.dma_semaphore, #tpu.memory_space<semaphore_mem>>) src(%dma_wait3A_139 : memref<10000x128xf32, #tpu.memory_space<hbm>>) dst(%arg18 : memref<80x128xf32, #tpu.memory_space<vmem>>)
    %dma_wait3A_140 = arith.constant 0 : i32
    %dma_wait3A_141 = arith.constant 0 : i32
    %dma_wait3A_142 = tpu.memref_slice %arg2[%dma_wait3A_140, %dma_wait3A_141] : memref<10000x128xf32, #tpu.memory_space<hbm>> -> memref<10000x128xf32, #tpu.memory_space<hbm>>
    tpu.wait_indirect_dma semaphore(%arg27 : memref<!tpu.dma_semaphore, #tpu.memory_space<semaphore_mem>>) src(%dma_wait3A_142 : memref<10000x128xf32, #tpu.memory_space<hbm>>) dst(%arg19 : memref<80x128xf32, #tpu.memory_space<vmem>>)
    %dma_wait3A_143 = arith.constant 0 : i32
    %dma_wait3A_144 = arith.constant 0 : i32
    %dma_wait3A_145 = tpu.memref_slice %arg2[%dma_wait3A_143, %dma_wait3A_144] : memref<10000x128xf32, #tpu.memory_space<hbm>> -> memref<10000x128xf32, #tpu.memory_space<hbm>>
    tpu.wait_indirect_dma semaphore(%arg24 : memref<!tpu.dma_semaphore, #tpu.memory_space<semaphore_mem>>) src(%dma_wait3A_145 : memref<10000x128xf32, #tpu.memory_space<hbm>>) dst(%arg16 : memref<80x128xf32, #tpu.memory_space<vmem>>)
    %barrier3A_146 = arith.constant 0 : index
    tpu.barrier barrier_id(%barrier3A_146)
    %mul3A_147 = arith.constant 624 : i32
    %mul3A_148 = arith.muli %arg1, %mul3A_147 : i32
    %mul3A_149 = arith.constant 624 : i32
    %mul3A_150 = arith.muli %arg1, %mul3A_149 : i32
    "tpu.region"() ({
      %run_scoped3A = tpu.sem_alloc : memref<!tpu.dma_semaphore, #tpu.memory_space<semaphore_mem>>
      %dma_start3A_153 = arith.constant 0 : i32
      %dma_start3A_154 = tpu.memref_slice %arg6[%arg0, %mul3A_150, %dma_start3A_153] : memref<2x10000x128xf32, #tpu.memory_space<hbm>> -> memref<1x624x128xf32, #tpu.memory_space<hbm>>
      %dma_start3A_155 = tpu.memref_squeeze %dma_start3A_154 : memref<1x624x128xf32, #tpu.memory_space<hbm>> -> memref<624x128xf32, #tpu.memory_space<hbm>>
      %dma_start3A_156 = arith.constant 0 : i32
      %dma_start3A_157 = tpu.memref_slice %arg7[%mul3A_148, %dma_start3A_156] : memref<10000x128xf32, #tpu.memory_space<vmem_shared>> -> memref<624x128xf32, #tpu.memory_space<vmem_shared>>
      tpu.enqueue_dma source(%dma_start3A_157 : memref<624x128xf32, #tpu.memory_space<vmem_shared>>) target(%dma_start3A_155 : memref<624x128xf32, #tpu.memory_space<hbm>>) target_semaphore(%run_scoped3A : memref<!tpu.dma_semaphore, #tpu.memory_space<semaphore_mem>>)
      %dma_wait3A_158 = arith.constant 0 : i32
      %dma_wait3A_159 = tpu.memref_slice %arg6[%arg0, %mul3A_150, %dma_wait3A_158] : memref<2x10000x128xf32, #tpu.memory_space<hbm>> -> memref<1x624x128xf32, #tpu.memory_space<hbm>>
      %dma_wait3A_160 = tpu.memref_squeeze %dma_wait3A_159 : memref<1x624x128xf32, #tpu.memory_space<hbm>> -> memref<624x128xf32, #tpu.memory_space<hbm>>
      %dma_wait3A_161 = arith.constant 0 : i32
      %dma_wait3A_162 = tpu.memref_slice %arg7[%mul3A_148, %dma_wait3A_161] : memref<10000x128xf32, #tpu.memory_space<vmem_shared>> -> memref<624x128xf32, #tpu.memory_space<vmem_shared>>
      tpu.wait_dma2 semaphore(%run_scoped3A : memref<!tpu.dma_semaphore, #tpu.memory_space<semaphore_mem>>) src(%dma_wait3A_162 : memref<624x128xf32, #tpu.memory_space<vmem_shared>>) dst(%dma_wait3A_160 : memref<624x128xf32, #tpu.memory_space<hbm>>)
      tpu.yield
    }) : () -> ()
    %eq3A = arith.constant 15 : i32
    %eq3A_151 = arith.cmpi eq, %arg1, %eq3A : i32
    %convert_element_type3A = arith.extui %eq3A_151 : i1 to i32
    %cond3A = arith.constant 0 : i32
    %cond3A_152 = arith.cmpi ne, %convert_element_type3A, %cond3A : i32
    scf.if %cond3A_152 {
      "tpu.region"() ({
        %run_scoped3A = tpu.sem_alloc : memref<!tpu.dma_semaphore, #tpu.memory_space<semaphore_mem>>
        %dma_start3A_153 = arith.constant 9984 : i32
        %dma_start3A_154 = arith.constant 0 : i32
        %dma_start3A_155 = tpu.memref_slice %arg6[%arg0, %dma_start3A_153, %dma_start3A_154] : memref<2x10000x128xf32, #tpu.memory_space<hbm>> -> memref<1x16x128xf32, #tpu.memory_space<hbm>>
        %dma_start3A_156 = tpu.memref_squeeze %dma_start3A_155 : memref<1x16x128xf32, #tpu.memory_space<hbm>> -> memref<16x128xf32, #tpu.memory_space<hbm>>
        %dma_start3A_157 = arith.constant 9984 : i32
        %dma_start3A_158 = arith.constant 0 : i32
        %dma_start3A_159 = tpu.memref_slice %arg7[%dma_start3A_157, %dma_start3A_158] : memref<10000x128xf32, #tpu.memory_space<vmem_shared>> -> memref<16x128xf32, #tpu.memory_space<vmem_shared>>
        tpu.enqueue_dma source(%dma_start3A_159 : memref<16x128xf32, #tpu.memory_space<vmem_shared>>) target(%dma_start3A_156 : memref<16x128xf32, #tpu.memory_space<hbm>>) target_semaphore(%run_scoped3A : memref<!tpu.dma_semaphore, #tpu.memory_space<semaphore_mem>>)
        %dma_wait3A_160 = arith.constant 9984 : i32
        %dma_wait3A_161 = arith.constant 0 : i32
        %dma_wait3A_162 = tpu.memref_slice %arg6[%arg0, %dma_wait3A_160, %dma_wait3A_161] : memref<2x10000x128xf32, #tpu.memory_space<hbm>> -> memref<1x16x128xf32, #tpu.memory_space<hbm>>
        %dma_wait3A_163 = tpu.memref_squeeze %dma_wait3A_162 : memref<1x16x128xf32, #tpu.memory_space<hbm>> -> memref<16x128xf32, #tpu.memory_space<hbm>>
        %dma_wait3A_164 = arith.constant 9984 : i32
        %dma_wait3A_165 = arith.constant 0 : i32
        %dma_wait3A_166 = tpu.memref_slice %arg7[%dma_wait3A_164, %dma_wait3A_165] : memref<10000x128xf32, #tpu.memory_space<vmem_shared>> -> memref<16x128xf32, #tpu.memory_space<vmem_shared>>
        tpu.wait_dma2 semaphore(%run_scoped3A : memref<!tpu.dma_semaphore, #tpu.memory_space<semaphore_mem>>) src(%dma_wait3A_166 : memref<16x128xf32, #tpu.memory_space<vmem_shared>>) dst(%dma_wait3A_163 : memref<16x128xf32, #tpu.memory_space<hbm>>)
        tpu.yield
      }) : () -> ()
    } else {
    }
    return
  }
}

#map = affine_map<(d0, d1) -> (0, 0)>
#map1 = affine_map<(d0, d1) -> (0)>
#map2 = affine_map<(d0, d1) -> (0, 0, 0)>
module attributes {stable_mosaic.version = 14 : i64} {
  func.func @sc_edge_scatter(%arg0: i32, %arg1: i32, %arg2: memref<10000x128xf32, #tpu.memory_space<hbm>>, %arg3: memref<320000xi32, #tpu.memory_space<hbm>>, %arg4: memref<320000xi32, #tpu.memory_space<hbm>>, %arg5: memref<16x625x128xf32, #tpu.memory_space<hbm>>, %arg6: memref<2x10000x128xf32, #tpu.memory_space<hbm>>, %arg7: memref<10000x128xf32, #tpu.memory_space<vmem_shared>>, %arg8: memref<80xi32, #tpu.memory_space<vmem>>, %arg9: memref<80xi32, #tpu.memory_space<vmem>>, %arg10: memref<80xi32, #tpu.memory_space<vmem>>, %arg11: memref<80xi32, #tpu.memory_space<vmem>>, %arg12: memref<80xi32, #tpu.memory_space<vmem>>, %arg13: memref<80xi32, #tpu.memory_space<vmem>>, %arg14: memref<80xi32, #tpu.memory_space<vmem>>, %arg15: memref<80xi32, #tpu.memory_space<vmem>>, %arg16: memref<80x128xf32, #tpu.memory_space<vmem>>, %arg17: memref<80x128xf32, #tpu.memory_space<vmem>>, %arg18: memref<80x128xf32, #tpu.memory_space<vmem>>, %arg19: memref<80x128xf32, #tpu.memory_space<vmem>>, %arg20: memref<!tpu.dma_semaphore, #tpu.memory_space<semaphore_mem>>, %arg21: memref<!tpu.dma_semaphore, #tpu.memory_space<semaphore_mem>>, %arg22: memref<!tpu.dma_semaphore, #tpu.memory_space<semaphore_mem>>, %arg23: memref<!tpu.dma_semaphore, #tpu.memory_space<semaphore_mem>>, %arg24: memref<!tpu.dma_semaphore, #tpu.memory_space<semaphore_mem>>, %arg25: memref<!tpu.dma_semaphore, #tpu.memory_space<semaphore_mem>>, %arg26: memref<!tpu.dma_semaphore, #tpu.memory_space<semaphore_mem>>, %arg27: memref<!tpu.dma_semaphore, #tpu.memory_space<semaphore_mem>>, %arg28: memref<!tpu.dma_semaphore, #tpu.memory_space<semaphore_mem>>, %arg29: memref<!tpu.dma_semaphore, #tpu.memory_space<semaphore_mem>>, %arg30: memref<!tpu.dma_semaphore, #tpu.memory_space<semaphore_mem>>, %arg31: memref<!tpu.dma_semaphore, #tpu.memory_space<semaphore_mem>>) attributes {dimension_semantics = [#tpu.dimension_semantics<core_parallel>, #tpu.dimension_semantics<subcore_parallel>], iteration_bounds = array<i64: 2, 16>, scalar_prefetch = 0 : i64, scratch_operands = 25 : i64, tpu.core_type = #tpu.core_type<sc_vector_subcore>, window_params = [{transform_indices = #map}, {transform_indices = #map1}, {transform_indices = #map1}, {transform_indices = #map2}, {transform_indices = #map2}]} {
    %mul3A = arith.constant 16 : i32
    %mul3A_0 = arith.muli %arg0, %mul3A : i32
    %add3A = arith.addi %mul3A_0, %arg1 : i32
    %mul3A_1 = arith.constant 625 : i32
    %mul3A_2 = arith.muli %arg1, %mul3A_1 : i32
    "tpu.region"() ({
      %run_scoped3A = tpu.sem_alloc : memref<!tpu.dma_semaphore, #tpu.memory_space<semaphore_mem>>
      %dma_start3A_153 = arith.constant 0 : i32
      %dma_start3A_154 = tpu.memref_slice %arg7[%mul3A_2, %dma_start3A_153] : memref<10000x128xf32, #tpu.memory_space<vmem_shared>> -> memref<625x128xf32, #tpu.memory_space<vmem_shared>>
      %dma_start3A_155 = arith.constant 0 : i32
      %dma_start3A_156 = arith.constant 0 : i32
      %dma_start3A_157 = tpu.memref_slice %arg5[%arg1, %dma_start3A_155, %dma_start3A_156] : memref<16x625x128xf32, #tpu.memory_space<hbm>> -> memref<1x625x128xf32, #tpu.memory_space<hbm>>
      %dma_start3A_158 = tpu.memref_squeeze %dma_start3A_157 : memref<1x625x128xf32, #tpu.memory_space<hbm>> -> memref<625x128xf32, #tpu.memory_space<hbm>>
      tpu.enqueue_dma source(%dma_start3A_158 : memref<625x128xf32, #tpu.memory_space<hbm>>) target(%dma_start3A_154 : memref<625x128xf32, #tpu.memory_space<vmem_shared>>) target_semaphore(%run_scoped3A : memref<!tpu.dma_semaphore, #tpu.memory_space<semaphore_mem>>)
      %dma_wait3A_159 = arith.constant 0 : i32
      %dma_wait3A_160 = tpu.memref_slice %arg7[%mul3A_2, %dma_wait3A_159] : memref<10000x128xf32, #tpu.memory_space<vmem_shared>> -> memref<625x128xf32, #tpu.memory_space<vmem_shared>>
      %dma_wait3A_161 = arith.constant 0 : i32
      %dma_wait3A_162 = arith.constant 0 : i32
      %dma_wait3A_163 = tpu.memref_slice %arg5[%arg1, %dma_wait3A_161, %dma_wait3A_162] : memref<16x625x128xf32, #tpu.memory_space<hbm>> -> memref<1x625x128xf32, #tpu.memory_space<hbm>>
      %dma_wait3A_164 = tpu.memref_squeeze %dma_wait3A_163 : memref<1x625x128xf32, #tpu.memory_space<hbm>> -> memref<625x128xf32, #tpu.memory_space<hbm>>
      tpu.wait_dma2 semaphore(%run_scoped3A : memref<!tpu.dma_semaphore, #tpu.memory_space<semaphore_mem>>) src(%dma_wait3A_164 : memref<625x128xf32, #tpu.memory_space<hbm>>) dst(%dma_wait3A_160 : memref<625x128xf32, #tpu.memory_space<vmem_shared>>)
      tpu.yield
    }) : () -> ()
    %barrier3A = arith.constant 0 : index
    tpu.barrier barrier_id(%barrier3A)
    %mul3A_3 = arith.constant 10000 : i32
    %mul3A_4 = arith.muli %add3A, %mul3A_3 : i32
    %add3A_5 = arith.constant 0 : i32
    %add3A_6 = arith.addi %mul3A_4, %add3A_5 : i32
    %dma_start3A = tpu.memref_slice %arg3[%add3A_6] : memref<320000xi32, #tpu.memory_space<hbm>> -> memref<80xi32, #tpu.memory_space<hbm>>
    %dma_start3A_7 = tpu.memref_slice %arg3[%add3A_6] : memref<320000xi32, #tpu.memory_space<hbm>> -> memref<80xi32, #tpu.memory_space<hbm>>
    tpu.enqueue_dma source(%dma_start3A_7 : memref<80xi32, #tpu.memory_space<hbm>>) target(%arg8 : memref<80xi32, #tpu.memory_space<vmem>>) target_semaphore(%arg28 : memref<!tpu.dma_semaphore, #tpu.memory_space<semaphore_mem>>)
    %dma_start3A_8 = tpu.memref_slice %arg4[%add3A_6] : memref<320000xi32, #tpu.memory_space<hbm>> -> memref<80xi32, #tpu.memory_space<hbm>>
    %dma_start3A_9 = tpu.memref_slice %arg4[%add3A_6] : memref<320000xi32, #tpu.memory_space<hbm>> -> memref<80xi32, #tpu.memory_space<hbm>>
    tpu.enqueue_dma source(%dma_start3A_9 : memref<80xi32, #tpu.memory_space<hbm>>) target(%arg9 : memref<80xi32, #tpu.memory_space<vmem>>) target_semaphore(%arg28 : memref<!tpu.dma_semaphore, #tpu.memory_space<semaphore_mem>>)
    %mul3A_10 = arith.constant 10000 : i32
    %mul3A_11 = arith.muli %add3A, %mul3A_10 : i32
    %add3A_12 = arith.constant 80 : i32
    %add3A_13 = arith.addi %mul3A_11, %add3A_12 : i32
    %dma_start3A_14 = tpu.memref_slice %arg3[%add3A_13] : memref<320000xi32, #tpu.memory_space<hbm>> -> memref<80xi32, #tpu.memory_space<hbm>>
    %dma_start3A_15 = tpu.memref_slice %arg3[%add3A_13] : memref<320000xi32, #tpu.memory_space<hbm>> -> memref<80xi32, #tpu.memory_space<hbm>>
    tpu.enqueue_dma source(%dma_start3A_15 : memref<80xi32, #tpu.memory_space<hbm>>) target(%arg10 : memref<80xi32, #tpu.memory_space<vmem>>) target_semaphore(%arg29 : memref<!tpu.dma_semaphore, #tpu.memory_space<semaphore_mem>>)
    %dma_start3A_16 = tpu.memref_slice %arg4[%add3A_13] : memref<320000xi32, #tpu.memory_space<hbm>> -> memref<80xi32, #tpu.memory_space<hbm>>
    %dma_start3A_17 = tpu.memref_slice %arg4[%add3A_13] : memref<320000xi32, #tpu.memory_space<hbm>> -> memref<80xi32, #tpu.memory_space<hbm>>
    tpu.enqueue_dma source(%dma_start3A_17 : memref<80xi32, #tpu.memory_space<hbm>>) target(%arg11 : memref<80xi32, #tpu.memory_space<vmem>>) target_semaphore(%arg29 : memref<!tpu.dma_semaphore, #tpu.memory_space<semaphore_mem>>)
    %dma_wait3A = arith.constant 0 : i32
    %dma_wait3A_18 = tpu.memref_slice %arg3[%dma_wait3A] : memref<320000xi32, #tpu.memory_space<hbm>> -> memref<80xi32, #tpu.memory_space<hbm>>
    %dma_wait3A_19 = arith.constant 0 : i32
    %dma_wait3A_20 = tpu.memref_slice %arg3[%dma_wait3A_19] : memref<320000xi32, #tpu.memory_space<hbm>> -> memref<80xi32, #tpu.memory_space<hbm>>
    tpu.wait_dma2 semaphore(%arg28 : memref<!tpu.dma_semaphore, #tpu.memory_space<semaphore_mem>>) src(%dma_wait3A_20 : memref<80xi32, #tpu.memory_space<hbm>>) dst(%arg8 : memref<80xi32, #tpu.memory_space<vmem>>)
    %dma_wait3A_21 = arith.constant 0 : i32
    %dma_wait3A_22 = tpu.memref_slice %arg4[%dma_wait3A_21] : memref<320000xi32, #tpu.memory_space<hbm>> -> memref<80xi32, #tpu.memory_space<hbm>>
    %dma_wait3A_23 = arith.constant 0 : i32
    %dma_wait3A_24 = tpu.memref_slice %arg4[%dma_wait3A_23] : memref<320000xi32, #tpu.memory_space<hbm>> -> memref<80xi32, #tpu.memory_space<hbm>>
    tpu.wait_dma2 semaphore(%arg28 : memref<!tpu.dma_semaphore, #tpu.memory_space<semaphore_mem>>) src(%dma_wait3A_24 : memref<80xi32, #tpu.memory_space<hbm>>) dst(%arg9 : memref<80xi32, #tpu.memory_space<vmem>>)
    %dma_start3A_25 = arith.constant 0 : i32
    %dma_start3A_26 = arith.constant 0 : i32
    %dma_start3A_27 = tpu.memref_slice %arg2[%dma_start3A_25, %dma_start3A_26] : memref<10000x128xf32, #tpu.memory_space<hbm>> -> memref<10000x128xf32, #tpu.memory_space<hbm>>
    tpu.enqueue_indirect_dma source(%dma_start3A_27 : memref<10000x128xf32, #tpu.memory_space<hbm>>) target(%arg16 : memref<80x128xf32, #tpu.memory_space<vmem>>) offsets(%arg8 : memref<80xi32, #tpu.memory_space<vmem>>) semaphore(%arg20 : memref<!tpu.dma_semaphore, #tpu.memory_space<semaphore_mem>>)
    %dma_wait3A_28 = arith.constant 0 : i32
    %dma_wait3A_29 = tpu.memref_slice %arg3[%dma_wait3A_28] : memref<320000xi32, #tpu.memory_space<hbm>> -> memref<80xi32, #tpu.memory_space<hbm>>
    %dma_wait3A_30 = arith.constant 0 : i32
    %dma_wait3A_31 = tpu.memref_slice %arg3[%dma_wait3A_30] : memref<320000xi32, #tpu.memory_space<hbm>> -> memref<80xi32, #tpu.memory_space<hbm>>
    tpu.wait_dma2 semaphore(%arg29 : memref<!tpu.dma_semaphore, #tpu.memory_space<semaphore_mem>>) src(%dma_wait3A_31 : memref<80xi32, #tpu.memory_space<hbm>>) dst(%arg10 : memref<80xi32, #tpu.memory_space<vmem>>)
    %dma_wait3A_32 = arith.constant 0 : i32
    %dma_wait3A_33 = tpu.memref_slice %arg4[%dma_wait3A_32] : memref<320000xi32, #tpu.memory_space<hbm>> -> memref<80xi32, #tpu.memory_space<hbm>>
    %dma_wait3A_34 = arith.constant 0 : i32
    %dma_wait3A_35 = tpu.memref_slice %arg4[%dma_wait3A_34] : memref<320000xi32, #tpu.memory_space<hbm>> -> memref<80xi32, #tpu.memory_space<hbm>>
    tpu.wait_dma2 semaphore(%arg29 : memref<!tpu.dma_semaphore, #tpu.memory_space<semaphore_mem>>) src(%dma_wait3A_35 : memref<80xi32, #tpu.memory_space<hbm>>) dst(%arg11 : memref<80xi32, #tpu.memory_space<vmem>>)
    %dma_start3A_36 = arith.constant 0 : i32
    %dma_start3A_37 = arith.constant 0 : i32
    %dma_start3A_38 = tpu.memref_slice %arg2[%dma_start3A_36, %dma_start3A_37] : memref<10000x128xf32, #tpu.memory_space<hbm>> -> memref<10000x128xf32, #tpu.memory_space<hbm>>
    tpu.enqueue_indirect_dma source(%dma_start3A_38 : memref<10000x128xf32, #tpu.memory_space<hbm>>) target(%arg17 : memref<80x128xf32, #tpu.memory_space<vmem>>) offsets(%arg10 : memref<80xi32, #tpu.memory_space<vmem>>) semaphore(%arg21 : memref<!tpu.dma_semaphore, #tpu.memory_space<semaphore_mem>>)
    %dma_wait3A_39 = arith.constant 0 : i32
    %dma_wait3A_40 = arith.constant 0 : i32
    %dma_wait3A_41 = tpu.memref_slice %arg2[%dma_wait3A_39, %dma_wait3A_40] : memref<10000x128xf32, #tpu.memory_space<hbm>> -> memref<10000x128xf32, #tpu.memory_space<hbm>>
    tpu.wait_indirect_dma semaphore(%arg20 : memref<!tpu.dma_semaphore, #tpu.memory_space<semaphore_mem>>) src(%dma_wait3A_41 : memref<10000x128xf32, #tpu.memory_space<hbm>>) dst(%arg16 : memref<80x128xf32, #tpu.memory_space<vmem>>)
    %dma_start3A_42 = arith.constant 0 : i32
    %dma_start3A_43 = arith.constant 0 : i32
    %dma_start3A_44 = tpu.memref_slice %arg7[%dma_start3A_42, %dma_start3A_43] : memref<10000x128xf32, #tpu.memory_space<vmem_shared>> -> memref<10000x128xf32, #tpu.memory_space<vmem_shared>>
    tpu.enqueue_indirect_dma source(%arg16 : memref<80x128xf32, #tpu.memory_space<vmem>>) target(%dma_start3A_44 : memref<10000x128xf32, #tpu.memory_space<vmem_shared>>) offsets(%arg9 : memref<80xi32, #tpu.memory_space<vmem>>) semaphore(%arg24 : memref<!tpu.dma_semaphore, #tpu.memory_space<semaphore_mem>>) {add = true}
    %mul3A_45 = arith.constant 10000 : i32
    %mul3A_46 = arith.muli %add3A, %mul3A_45 : i32
    %add3A_47 = arith.constant 160 : i32
    %add3A_48 = arith.addi %mul3A_46, %add3A_47 : i32
    %dma_start3A_49 = tpu.memref_slice %arg3[%add3A_48] : memref<320000xi32, #tpu.memory_space<hbm>> -> memref<80xi32, #tpu.memory_space<hbm>>
    %dma_start3A_50 = tpu.memref_slice %arg3[%add3A_48] : memref<320000xi32, #tpu.memory_space<hbm>> -> memref<80xi32, #tpu.memory_space<hbm>>
    tpu.enqueue_dma source(%dma_start3A_50 : memref<80xi32, #tpu.memory_space<hbm>>) target(%arg12 : memref<80xi32, #tpu.memory_space<vmem>>) target_semaphore(%arg30 : memref<!tpu.dma_semaphore, #tpu.memory_space<semaphore_mem>>)
    %dma_start3A_51 = tpu.memref_slice %arg4[%add3A_48] : memref<320000xi32, #tpu.memory_space<hbm>> -> memref<80xi32, #tpu.memory_space<hbm>>
    %dma_start3A_52 = tpu.memref_slice %arg4[%add3A_48] : memref<320000xi32, #tpu.memory_space<hbm>> -> memref<80xi32, #tpu.memory_space<hbm>>
    tpu.enqueue_dma source(%dma_start3A_52 : memref<80xi32, #tpu.memory_space<hbm>>) target(%arg13 : memref<80xi32, #tpu.memory_space<vmem>>) target_semaphore(%arg30 : memref<!tpu.dma_semaphore, #tpu.memory_space<semaphore_mem>>)
    %dma_wait3A_53 = arith.constant 0 : i32
    %dma_wait3A_54 = tpu.memref_slice %arg3[%dma_wait3A_53] : memref<320000xi32, #tpu.memory_space<hbm>> -> memref<80xi32, #tpu.memory_space<hbm>>
    %dma_wait3A_55 = arith.constant 0 : i32
    %dma_wait3A_56 = tpu.memref_slice %arg3[%dma_wait3A_55] : memref<320000xi32, #tpu.memory_space<hbm>> -> memref<80xi32, #tpu.memory_space<hbm>>
    tpu.wait_dma2 semaphore(%arg30 : memref<!tpu.dma_semaphore, #tpu.memory_space<semaphore_mem>>) src(%dma_wait3A_56 : memref<80xi32, #tpu.memory_space<hbm>>) dst(%arg12 : memref<80xi32, #tpu.memory_space<vmem>>)
    %dma_wait3A_57 = arith.constant 0 : i32
    %dma_wait3A_58 = tpu.memref_slice %arg4[%dma_wait3A_57] : memref<320000xi32, #tpu.memory_space<hbm>> -> memref<80xi32, #tpu.memory_space<hbm>>
    %dma_wait3A_59 = arith.constant 0 : i32
    %dma_wait3A_60 = tpu.memref_slice %arg4[%dma_wait3A_59] : memref<320000xi32, #tpu.memory_space<hbm>> -> memref<80xi32, #tpu.memory_space<hbm>>
    tpu.wait_dma2 semaphore(%arg30 : memref<!tpu.dma_semaphore, #tpu.memory_space<semaphore_mem>>) src(%dma_wait3A_60 : memref<80xi32, #tpu.memory_space<hbm>>) dst(%arg13 : memref<80xi32, #tpu.memory_space<vmem>>)
    %dma_start3A_61 = arith.constant 0 : i32
    %dma_start3A_62 = arith.constant 0 : i32
    %dma_start3A_63 = tpu.memref_slice %arg2[%dma_start3A_61, %dma_start3A_62] : memref<10000x128xf32, #tpu.memory_space<hbm>> -> memref<10000x128xf32, #tpu.memory_space<hbm>>
    tpu.enqueue_indirect_dma source(%dma_start3A_63 : memref<10000x128xf32, #tpu.memory_space<hbm>>) target(%arg18 : memref<80x128xf32, #tpu.memory_space<vmem>>) offsets(%arg12 : memref<80xi32, #tpu.memory_space<vmem>>) semaphore(%arg22 : memref<!tpu.dma_semaphore, #tpu.memory_space<semaphore_mem>>)
    %dma_wait3A_64 = arith.constant 0 : i32
    %dma_wait3A_65 = arith.constant 0 : i32
    %dma_wait3A_66 = tpu.memref_slice %arg2[%dma_wait3A_64, %dma_wait3A_65] : memref<10000x128xf32, #tpu.memory_space<hbm>> -> memref<10000x128xf32, #tpu.memory_space<hbm>>
    tpu.wait_indirect_dma semaphore(%arg21 : memref<!tpu.dma_semaphore, #tpu.memory_space<semaphore_mem>>) src(%dma_wait3A_66 : memref<10000x128xf32, #tpu.memory_space<hbm>>) dst(%arg17 : memref<80x128xf32, #tpu.memory_space<vmem>>)
    %dma_start3A_67 = arith.constant 0 : i32
    %dma_start3A_68 = arith.constant 0 : i32
    %dma_start3A_69 = tpu.memref_slice %arg7[%dma_start3A_67, %dma_start3A_68] : memref<10000x128xf32, #tpu.memory_space<vmem_shared>> -> memref<10000x128xf32, #tpu.memory_space<vmem_shared>>
    tpu.enqueue_indirect_dma source(%arg17 : memref<80x128xf32, #tpu.memory_space<vmem>>) target(%dma_start3A_69 : memref<10000x128xf32, #tpu.memory_space<vmem_shared>>) offsets(%arg11 : memref<80xi32, #tpu.memory_space<vmem>>) semaphore(%arg25 : memref<!tpu.dma_semaphore, #tpu.memory_space<semaphore_mem>>) {add = true}
    %mul3A_70 = arith.constant 10000 : i32
    %mul3A_71 = arith.muli %add3A, %mul3A_70 : i32
    %add3A_72 = arith.constant 240 : i32
    %add3A_73 = arith.addi %mul3A_71, %add3A_72 : i32
    %dma_start3A_74 = tpu.memref_slice %arg3[%add3A_73] : memref<320000xi32, #tpu.memory_space<hbm>> -> memref<80xi32, #tpu.memory_space<hbm>>
    %dma_start3A_75 = tpu.memref_slice %arg3[%add3A_73] : memref<320000xi32, #tpu.memory_space<hbm>> -> memref<80xi32, #tpu.memory_space<hbm>>
    tpu.enqueue_dma source(%dma_start3A_75 : memref<80xi32, #tpu.memory_space<hbm>>) target(%arg14 : memref<80xi32, #tpu.memory_space<vmem>>) target_semaphore(%arg31 : memref<!tpu.dma_semaphore, #tpu.memory_space<semaphore_mem>>)
    %dma_start3A_76 = tpu.memref_slice %arg4[%add3A_73] : memref<320000xi32, #tpu.memory_space<hbm>> -> memref<80xi32, #tpu.memory_space<hbm>>
    %dma_start3A_77 = tpu.memref_slice %arg4[%add3A_73] : memref<320000xi32, #tpu.memory_space<hbm>> -> memref<80xi32, #tpu.memory_space<hbm>>
    tpu.enqueue_dma source(%dma_start3A_77 : memref<80xi32, #tpu.memory_space<hbm>>) target(%arg15 : memref<80xi32, #tpu.memory_space<vmem>>) target_semaphore(%arg31 : memref<!tpu.dma_semaphore, #tpu.memory_space<semaphore_mem>>)
    %scan3A = arith.constant 0 : i32
    %scan3A_78 = arith.constant 0 : i32
    %scan3A_79 = arith.constant 30 : i32
    %scan3A_80 = arith.addi %scan3A_78, %scan3A_79 : i32
    %scan3A_81 = arith.constant 1 : i32
    scf.for %scan3A_153 = %scan3A_78 to %scan3A_80 step %scan3A_81  : i32 {
      %mul3A_154 = arith.constant 4 : i32
      %mul3A_155 = arith.muli %mul3A_154, %scan3A_153 : i32
      %add3A_156 = arith.constant 2 : i32
      %add3A_157 = arith.addi %add3A_156, %mul3A_155 : i32
      %dma_wait3A_158 = arith.constant 0 : i32
      %dma_wait3A_159 = tpu.memref_slice %arg3[%dma_wait3A_158] : memref<320000xi32, #tpu.memory_space<hbm>> -> memref<80xi32, #tpu.memory_space<hbm>>
      %dma_wait3A_160 = arith.constant 0 : i32
      %dma_wait3A_161 = tpu.memref_slice %arg3[%dma_wait3A_160] : memref<320000xi32, #tpu.memory_space<hbm>> -> memref<80xi32, #tpu.memory_space<hbm>>
      tpu.wait_dma2 semaphore(%arg31 : memref<!tpu.dma_semaphore, #tpu.memory_space<semaphore_mem>>) src(%dma_wait3A_161 : memref<80xi32, #tpu.memory_space<hbm>>) dst(%arg14 : memref<80xi32, #tpu.memory_space<vmem>>)
      %dma_wait3A_162 = arith.constant 0 : i32
      %dma_wait3A_163 = tpu.memref_slice %arg4[%dma_wait3A_162] : memref<320000xi32, #tpu.memory_space<hbm>> -> memref<80xi32, #tpu.memory_space<hbm>>
      %dma_wait3A_164 = arith.constant 0 : i32
      %dma_wait3A_165 = tpu.memref_slice %arg4[%dma_wait3A_164] : memref<320000xi32, #tpu.memory_space<hbm>> -> memref<80xi32, #tpu.memory_space<hbm>>
      tpu.wait_dma2 semaphore(%arg31 : memref<!tpu.dma_semaphore, #tpu.memory_space<semaphore_mem>>) src(%dma_wait3A_165 : memref<80xi32, #tpu.memory_space<hbm>>) dst(%arg15 : memref<80xi32, #tpu.memory_space<vmem>>)
      %dma_start3A_166 = arith.constant 0 : i32
      %dma_start3A_167 = arith.constant 0 : i32
      %dma_start3A_168 = tpu.memref_slice %arg2[%dma_start3A_166, %dma_start3A_167] : memref<10000x128xf32, #tpu.memory_space<hbm>> -> memref<10000x128xf32, #tpu.memory_space<hbm>>
      tpu.enqueue_indirect_dma source(%dma_start3A_168 : memref<10000x128xf32, #tpu.memory_space<hbm>>) target(%arg19 : memref<80x128xf32, #tpu.memory_space<vmem>>) offsets(%arg14 : memref<80xi32, #tpu.memory_space<vmem>>) semaphore(%arg23 : memref<!tpu.dma_semaphore, #tpu.memory_space<semaphore_mem>>)
      %dma_wait3A_169 = arith.constant 0 : i32
      %dma_wait3A_170 = arith.constant 0 : i32
      %dma_wait3A_171 = tpu.memref_slice %arg2[%dma_wait3A_169, %dma_wait3A_170] : memref<10000x128xf32, #tpu.memory_space<hbm>> -> memref<10000x128xf32, #tpu.memory_space<hbm>>
      tpu.wait_indirect_dma semaphore(%arg22 : memref<!tpu.dma_semaphore, #tpu.memory_space<semaphore_mem>>) src(%dma_wait3A_171 : memref<10000x128xf32, #tpu.memory_space<hbm>>) dst(%arg18 : memref<80x128xf32, #tpu.memory_space<vmem>>)
      %dma_start3A_172 = arith.constant 0 : i32
      %dma_start3A_173 = arith.constant 0 : i32
      %dma_start3A_174 = tpu.memref_slice %arg7[%dma_start3A_172, %dma_start3A_173] : memref<10000x128xf32, #tpu.memory_space<vmem_shared>> -> memref<10000x128xf32, #tpu.memory_space<vmem_shared>>
      tpu.enqueue_indirect_dma source(%arg18 : memref<80x128xf32, #tpu.memory_space<vmem>>) target(%dma_start3A_174 : memref<10000x128xf32, #tpu.memory_space<vmem_shared>>) offsets(%arg13 : memref<80xi32, #tpu.memory_space<vmem>>) semaphore(%arg26 : memref<!tpu.dma_semaphore, #tpu.memory_space<semaphore_mem>>) {add = true}
      %dma_wait3A_175 = arith.constant 0 : i32
      %dma_wait3A_176 = arith.constant 0 : i32
      %dma_wait3A_177 = tpu.memref_slice %arg2[%dma_wait3A_175, %dma_wait3A_176] : memref<10000x128xf32, #tpu.memory_space<hbm>> -> memref<10000x128xf32, #tpu.memory_space<hbm>>
      tpu.wait_indirect_dma semaphore(%arg24 : memref<!tpu.dma_semaphore, #tpu.memory_space<semaphore_mem>>) src(%dma_wait3A_177 : memref<10000x128xf32, #tpu.memory_space<hbm>>) dst(%arg16 : memref<80x128xf32, #tpu.memory_space<vmem>>)
      %add3A_178 = arith.constant 0 : i32
      %add3A_179 = arith.addi %add3A_157, %add3A_178 : i32
      %add3A_180 = arith.constant 2 : i32
      %add3A_181 = arith.addi %add3A_179, %add3A_180 : i32
      %mul3A_182 = arith.constant 10000 : i32
      %mul3A_183 = arith.muli %add3A, %mul3A_182 : i32
      %mul3A_184 = arith.constant 80 : i32
      %mul3A_185 = arith.muli %add3A_181, %mul3A_184 : i32
      %add3A_186 = arith.addi %mul3A_183, %mul3A_185 : i32
      %dma_start3A_187 = tpu.memref_slice %arg3[%add3A_186] : memref<320000xi32, #tpu.memory_space<hbm>> -> memref<80xi32, #tpu.memory_space<hbm>>
      %dma_start3A_188 = tpu.memref_slice %arg3[%add3A_186] : memref<320000xi32, #tpu.memory_space<hbm>> -> memref<80xi32, #tpu.memory_space<hbm>>
      tpu.enqueue_dma source(%dma_start3A_188 : memref<80xi32, #tpu.memory_space<hbm>>) target(%arg8 : memref<80xi32, #tpu.memory_space<vmem>>) target_semaphore(%arg28 : memref<!tpu.dma_semaphore, #tpu.memory_space<semaphore_mem>>)
      %dma_start3A_189 = tpu.memref_slice %arg4[%add3A_186] : memref<320000xi32, #tpu.memory_space<hbm>> -> memref<80xi32, #tpu.memory_space<hbm>>
      %dma_start3A_190 = tpu.memref_slice %arg4[%add3A_186] : memref<320000xi32, #tpu.memory_space<hbm>> -> memref<80xi32, #tpu.memory_space<hbm>>
      tpu.enqueue_dma source(%dma_start3A_190 : memref<80xi32, #tpu.memory_space<hbm>>) target(%arg9 : memref<80xi32, #tpu.memory_space<vmem>>) target_semaphore(%arg28 : memref<!tpu.dma_semaphore, #tpu.memory_space<semaphore_mem>>)
      %dma_wait3A_191 = arith.constant 0 : i32
      %dma_wait3A_192 = tpu.memref_slice %arg3[%dma_wait3A_191] : memref<320000xi32, #tpu.memory_space<hbm>> -> memref<80xi32, #tpu.memory_space<hbm>>
      %dma_wait3A_193 = arith.constant 0 : i32
      %dma_wait3A_194 = tpu.memref_slice %arg3[%dma_wait3A_193] : memref<320000xi32, #tpu.memory_space<hbm>> -> memref<80xi32, #tpu.memory_space<hbm>>
      tpu.wait_dma2 semaphore(%arg28 : memref<!tpu.dma_semaphore, #tpu.memory_space<semaphore_mem>>) src(%dma_wait3A_194 : memref<80xi32, #tpu.memory_space<hbm>>) dst(%arg8 : memref<80xi32, #tpu.memory_space<vmem>>)
      %dma_wait3A_195 = arith.constant 0 : i32
      %dma_wait3A_196 = tpu.memref_slice %arg4[%dma_wait3A_195] : memref<320000xi32, #tpu.memory_space<hbm>> -> memref<80xi32, #tpu.memory_space<hbm>>
      %dma_wait3A_197 = arith.constant 0 : i32
      %dma_wait3A_198 = tpu.memref_slice %arg4[%dma_wait3A_197] : memref<320000xi32, #tpu.memory_space<hbm>> -> memref<80xi32, #tpu.memory_space<hbm>>
      tpu.wait_dma2 semaphore(%arg28 : memref<!tpu.dma_semaphore, #tpu.memory_space<semaphore_mem>>) src(%dma_wait3A_198 : memref<80xi32, #tpu.memory_space<hbm>>) dst(%arg9 : memref<80xi32, #tpu.memory_space<vmem>>)
      %dma_start3A_199 = arith.constant 0 : i32
      %dma_start3A_200 = arith.constant 0 : i32
      %dma_start3A_201 = tpu.memref_slice %arg2[%dma_start3A_199, %dma_start3A_200] : memref<10000x128xf32, #tpu.memory_space<hbm>> -> memref<10000x128xf32, #tpu.memory_space<hbm>>
      tpu.enqueue_indirect_dma source(%dma_start3A_201 : memref<10000x128xf32, #tpu.memory_space<hbm>>) target(%arg16 : memref<80x128xf32, #tpu.memory_space<vmem>>) offsets(%arg8 : memref<80xi32, #tpu.memory_space<vmem>>) semaphore(%arg20 : memref<!tpu.dma_semaphore, #tpu.memory_space<semaphore_mem>>)
      %dma_wait3A_202 = arith.constant 0 : i32
      %dma_wait3A_203 = arith.constant 0 : i32
      %dma_wait3A_204 = tpu.memref_slice %arg2[%dma_wait3A_202, %dma_wait3A_203] : memref<10000x128xf32, #tpu.memory_space<hbm>> -> memref<10000x128xf32, #tpu.memory_space<hbm>>
      tpu.wait_indirect_dma semaphore(%arg23 : memref<!tpu.dma_semaphore, #tpu.memory_space<semaphore_mem>>) src(%dma_wait3A_204 : memref<10000x128xf32, #tpu.memory_space<hbm>>) dst(%arg19 : memref<80x128xf32, #tpu.memory_space<vmem>>)
      %dma_start3A_205 = arith.constant 0 : i32
      %dma_start3A_206 = arith.constant 0 : i32
      %dma_start3A_207 = tpu.memref_slice %arg7[%dma_start3A_205, %dma_start3A_206] : memref<10000x128xf32, #tpu.memory_space<vmem_shared>> -> memref<10000x128xf32, #tpu.memory_space<vmem_shared>>
      tpu.enqueue_indirect_dma source(%arg19 : memref<80x128xf32, #tpu.memory_space<vmem>>) target(%dma_start3A_207 : memref<10000x128xf32, #tpu.memory_space<vmem_shared>>) offsets(%arg15 : memref<80xi32, #tpu.memory_space<vmem>>) semaphore(%arg27 : memref<!tpu.dma_semaphore, #tpu.memory_space<semaphore_mem>>) {add = true}
      %dma_wait3A_208 = arith.constant 0 : i32
      %dma_wait3A_209 = arith.constant 0 : i32
      %dma_wait3A_210 = tpu.memref_slice %arg2[%dma_wait3A_208, %dma_wait3A_209] : memref<10000x128xf32, #tpu.memory_space<hbm>> -> memref<10000x128xf32, #tpu.memory_space<hbm>>
      tpu.wait_indirect_dma semaphore(%arg25 : memref<!tpu.dma_semaphore, #tpu.memory_space<semaphore_mem>>) src(%dma_wait3A_210 : memref<10000x128xf32, #tpu.memory_space<hbm>>) dst(%arg17 : memref<80x128xf32, #tpu.memory_space<vmem>>)
      %add3A_211 = arith.constant 1 : i32
      %add3A_212 = arith.addi %add3A_157, %add3A_211 : i32
      %add3A_213 = arith.constant 2 : i32
      %add3A_214 = arith.addi %add3A_212, %add3A_213 : i32
      %mul3A_215 = arith.constant 10000 : i32
      %mul3A_216 = arith.muli %add3A, %mul3A_215 : i32
      %mul3A_217 = arith.constant 80 : i32
      %mul3A_218 = arith.muli %add3A_214, %mul3A_217 : i32
      %add3A_219 = arith.addi %mul3A_216, %mul3A_218 : i32
      %dma_start3A_220 = tpu.memref_slice %arg3[%add3A_219] : memref<320000xi32, #tpu.memory_space<hbm>> -> memref<80xi32, #tpu.memory_space<hbm>>
      %dma_start3A_221 = tpu.memref_slice %arg3[%add3A_219] : memref<320000xi32, #tpu.memory_space<hbm>> -> memref<80xi32, #tpu.memory_space<hbm>>
      tpu.enqueue_dma source(%dma_start3A_221 : memref<80xi32, #tpu.memory_space<hbm>>) target(%arg10 : memref<80xi32, #tpu.memory_space<vmem>>) target_semaphore(%arg29 : memref<!tpu.dma_semaphore, #tpu.memory_space<semaphore_mem>>)
      %dma_start3A_222 = tpu.memref_slice %arg4[%add3A_219] : memref<320000xi32, #tpu.memory_space<hbm>> -> memref<80xi32, #tpu.memory_space<hbm>>
      %dma_start3A_223 = tpu.memref_slice %arg4[%add3A_219] : memref<320000xi32, #tpu.memory_space<hbm>> -> memref<80xi32, #tpu.memory_space<hbm>>
      tpu.enqueue_dma source(%dma_start3A_223 : memref<80xi32, #tpu.memory_space<hbm>>) target(%arg11 : memref<80xi32, #tpu.memory_space<vmem>>) target_semaphore(%arg29 : memref<!tpu.dma_semaphore, #tpu.memory_space<semaphore_mem>>)
      %dma_wait3A_224 = arith.constant 0 : i32
      %dma_wait3A_225 = tpu.memref_slice %arg3[%dma_wait3A_224] : memref<320000xi32, #tpu.memory_space<hbm>> -> memref<80xi32, #tpu.memory_space<hbm>>
      %dma_wait3A_226 = arith.constant 0 : i32
      %dma_wait3A_227 = tpu.memref_slice %arg3[%dma_wait3A_226] : memref<320000xi32, #tpu.memory_space<hbm>> -> memref<80xi32, #tpu.memory_space<hbm>>
      tpu.wait_dma2 semaphore(%arg29 : memref<!tpu.dma_semaphore, #tpu.memory_space<semaphore_mem>>) src(%dma_wait3A_227 : memref<80xi32, #tpu.memory_space<hbm>>) dst(%arg10 : memref<80xi32, #tpu.memory_space<vmem>>)
      %dma_wait3A_228 = arith.constant 0 : i32
      %dma_wait3A_229 = tpu.memref_slice %arg4[%dma_wait3A_228] : memref<320000xi32, #tpu.memory_space<hbm>> -> memref<80xi32, #tpu.memory_space<hbm>>
      %dma_wait3A_230 = arith.constant 0 : i32
      %dma_wait3A_231 = tpu.memref_slice %arg4[%dma_wait3A_230] : memref<320000xi32, #tpu.memory_space<hbm>> -> memref<80xi32, #tpu.memory_space<hbm>>
      tpu.wait_dma2 semaphore(%arg29 : memref<!tpu.dma_semaphore, #tpu.memory_space<semaphore_mem>>) src(%dma_wait3A_231 : memref<80xi32, #tpu.memory_space<hbm>>) dst(%arg11 : memref<80xi32, #tpu.memory_space<vmem>>)
      %dma_start3A_232 = arith.constant 0 : i32
      %dma_start3A_233 = arith.constant 0 : i32
      %dma_start3A_234 = tpu.memref_slice %arg2[%dma_start3A_232, %dma_start3A_233] : memref<10000x128xf32, #tpu.memory_space<hbm>> -> memref<10000x128xf32, #tpu.memory_space<hbm>>
      tpu.enqueue_indirect_dma source(%dma_start3A_234 : memref<10000x128xf32, #tpu.memory_space<hbm>>) target(%arg17 : memref<80x128xf32, #tpu.memory_space<vmem>>) offsets(%arg10 : memref<80xi32, #tpu.memory_space<vmem>>) semaphore(%arg21 : memref<!tpu.dma_semaphore, #tpu.memory_space<semaphore_mem>>)
      %dma_wait3A_235 = arith.constant 0 : i32
      %dma_wait3A_236 = arith.constant 0 : i32
      %dma_wait3A_237 = tpu.memref_slice %arg2[%dma_wait3A_235, %dma_wait3A_236] : memref<10000x128xf32, #tpu.memory_space<hbm>> -> memref<10000x128xf32, #tpu.memory_space<hbm>>
      tpu.wait_indirect_dma semaphore(%arg20 : memref<!tpu.dma_semaphore, #tpu.memory_space<semaphore_mem>>) src(%dma_wait3A_237 : memref<10000x128xf32, #tpu.memory_space<hbm>>) dst(%arg16 : memref<80x128xf32, #tpu.memory_space<vmem>>)
      %dma_start3A_238 = arith.constant 0 : i32
      %dma_start3A_239 = arith.constant 0 : i32
      %dma_start3A_240 = tpu.memref_slice %arg7[%dma_start3A_238, %dma_start3A_239] : memref<10000x128xf32, #tpu.memory_space<vmem_shared>> -> memref<10000x128xf32, #tpu.memory_space<vmem_shared>>
      tpu.enqueue_indirect_dma source(%arg16 : memref<80x128xf32, #tpu.memory_space<vmem>>) target(%dma_start3A_240 : memref<10000x128xf32, #tpu.memory_space<vmem_shared>>) offsets(%arg9 : memref<80xi32, #tpu.memory_space<vmem>>) semaphore(%arg24 : memref<!tpu.dma_semaphore, #tpu.memory_space<semaphore_mem>>) {add = true}
      %dma_wait3A_241 = arith.constant 0 : i32
      %dma_wait3A_242 = arith.constant 0 : i32
      %dma_wait3A_243 = tpu.memref_slice %arg2[%dma_wait3A_241, %dma_wait3A_242] : memref<10000x128xf32, #tpu.memory_space<hbm>> -> memref<10000x128xf32, #tpu.memory_space<hbm>>
      tpu.wait_indirect_dma semaphore(%arg26 : memref<!tpu.dma_semaphore, #tpu.memory_space<semaphore_mem>>) src(%dma_wait3A_243 : memref<10000x128xf32, #tpu.memory_space<hbm>>) dst(%arg18 : memref<80x128xf32, #tpu.memory_space<vmem>>)
      %add3A_244 = arith.constant 2 : i32
      %add3A_245 = arith.addi %add3A_157, %add3A_244 : i32
      %add3A_246 = arith.constant 2 : i32
      %add3A_247 = arith.addi %add3A_245, %add3A_246 : i32
      %mul3A_248 = arith.constant 10000 : i32
      %mul3A_249 = arith.muli %add3A, %mul3A_248 : i32
      %mul3A_250 = arith.constant 80 : i32
      %mul3A_251 = arith.muli %add3A_247, %mul3A_250 : i32
      %add3A_252 = arith.addi %mul3A_249, %mul3A_251 : i32
      %dma_start3A_253 = tpu.memref_slice %arg3[%add3A_252] : memref<320000xi32, #tpu.memory_space<hbm>> -> memref<80xi32, #tpu.memory_space<hbm>>
      %dma_start3A_254 = tpu.memref_slice %arg3[%add3A_252] : memref<320000xi32, #tpu.memory_space<hbm>> -> memref<80xi32, #tpu.memory_space<hbm>>
      tpu.enqueue_dma source(%dma_start3A_254 : memref<80xi32, #tpu.memory_space<hbm>>) target(%arg12 : memref<80xi32, #tpu.memory_space<vmem>>) target_semaphore(%arg30 : memref<!tpu.dma_semaphore, #tpu.memory_space<semaphore_mem>>)
      %dma_start3A_255 = tpu.memref_slice %arg4[%add3A_252] : memref<320000xi32, #tpu.memory_space<hbm>> -> memref<80xi32, #tpu.memory_space<hbm>>
      %dma_start3A_256 = tpu.memref_slice %arg4[%add3A_252] : memref<320000xi32, #tpu.memory_space<hbm>> -> memref<80xi32, #tpu.memory_space<hbm>>
      tpu.enqueue_dma source(%dma_start3A_256 : memref<80xi32, #tpu.memory_space<hbm>>) target(%arg13 : memref<80xi32, #tpu.memory_space<vmem>>) target_semaphore(%arg30 : memref<!tpu.dma_semaphore, #tpu.memory_space<semaphore_mem>>)
      %dma_wait3A_257 = arith.constant 0 : i32
      %dma_wait3A_258 = tpu.memref_slice %arg3[%dma_wait3A_257] : memref<320000xi32, #tpu.memory_space<hbm>> -> memref<80xi32, #tpu.memory_space<hbm>>
      %dma_wait3A_259 = arith.constant 0 : i32
      %dma_wait3A_260 = tpu.memref_slice %arg3[%dma_wait3A_259] : memref<320000xi32, #tpu.memory_space<hbm>> -> memref<80xi32, #tpu.memory_space<hbm>>
      tpu.wait_dma2 semaphore(%arg30 : memref<!tpu.dma_semaphore, #tpu.memory_space<semaphore_mem>>) src(%dma_wait3A_260 : memref<80xi32, #tpu.memory_space<hbm>>) dst(%arg12 : memref<80xi32, #tpu.memory_space<vmem>>)
      %dma_wait3A_261 = arith.constant 0 : i32
      %dma_wait3A_262 = tpu.memref_slice %arg4[%dma_wait3A_261] : memref<320000xi32, #tpu.memory_space<hbm>> -> memref<80xi32, #tpu.memory_space<hbm>>
      %dma_wait3A_263 = arith.constant 0 : i32
      %dma_wait3A_264 = tpu.memref_slice %arg4[%dma_wait3A_263] : memref<320000xi32, #tpu.memory_space<hbm>> -> memref<80xi32, #tpu.memory_space<hbm>>
      tpu.wait_dma2 semaphore(%arg30 : memref<!tpu.dma_semaphore, #tpu.memory_space<semaphore_mem>>) src(%dma_wait3A_264 : memref<80xi32, #tpu.memory_space<hbm>>) dst(%arg13 : memref<80xi32, #tpu.memory_space<vmem>>)
      %dma_start3A_265 = arith.constant 0 : i32
      %dma_start3A_266 = arith.constant 0 : i32
      %dma_start3A_267 = tpu.memref_slice %arg2[%dma_start3A_265, %dma_start3A_266] : memref<10000x128xf32, #tpu.memory_space<hbm>> -> memref<10000x128xf32, #tpu.memory_space<hbm>>
      tpu.enqueue_indirect_dma source(%dma_start3A_267 : memref<10000x128xf32, #tpu.memory_space<hbm>>) target(%arg18 : memref<80x128xf32, #tpu.memory_space<vmem>>) offsets(%arg12 : memref<80xi32, #tpu.memory_space<vmem>>) semaphore(%arg22 : memref<!tpu.dma_semaphore, #tpu.memory_space<semaphore_mem>>)
      %dma_wait3A_268 = arith.constant 0 : i32
      %dma_wait3A_269 = arith.constant 0 : i32
      %dma_wait3A_270 = tpu.memref_slice %arg2[%dma_wait3A_268, %dma_wait3A_269] : memref<10000x128xf32, #tpu.memory_space<hbm>> -> memref<10000x128xf32, #tpu.memory_space<hbm>>
      tpu.wait_indirect_dma semaphore(%arg21 : memref<!tpu.dma_semaphore, #tpu.memory_space<semaphore_mem>>) src(%dma_wait3A_270 : memref<10000x128xf32, #tpu.memory_space<hbm>>) dst(%arg17 : memref<80x128xf32, #tpu.memory_space<vmem>>)
      %dma_start3A_271 = arith.constant 0 : i32
      %dma_start3A_272 = arith.constant 0 : i32
      %dma_start3A_273 = tpu.memref_slice %arg7[%dma_start3A_271, %dma_start3A_272] : memref<10000x128xf32, #tpu.memory_space<vmem_shared>> -> memref<10000x128xf32, #tpu.memory_space<vmem_shared>>
      tpu.enqueue_indirect_dma source(%arg17 : memref<80x128xf32, #tpu.memory_space<vmem>>) target(%dma_start3A_273 : memref<10000x128xf32, #tpu.memory_space<vmem_shared>>) offsets(%arg11 : memref<80xi32, #tpu.memory_space<vmem>>) semaphore(%arg25 : memref<!tpu.dma_semaphore, #tpu.memory_space<semaphore_mem>>) {add = true}
      %dma_wait3A_274 = arith.constant 0 : i32
      %dma_wait3A_275 = arith.constant 0 : i32
      %dma_wait3A_276 = tpu.memref_slice %arg2[%dma_wait3A_274, %dma_wait3A_275] : memref<10000x128xf32, #tpu.memory_space<hbm>> -> memref<10000x128xf32, #tpu.memory_space<hbm>>
      tpu.wait_indirect_dma semaphore(%arg27 : memref<!tpu.dma_semaphore, #tpu.memory_space<semaphore_mem>>) src(%dma_wait3A_276 : memref<10000x128xf32, #tpu.memory_space<hbm>>) dst(%arg19 : memref<80x128xf32, #tpu.memory_space<vmem>>)
      %add3A_277 = arith.constant 3 : i32
      %add3A_278 = arith.addi %add3A_157, %add3A_277 : i32
      %add3A_279 = arith.constant 2 : i32
      %add3A_280 = arith.addi %add3A_278, %add3A_279 : i32
      %mul3A_281 = arith.constant 10000 : i32
      %mul3A_282 = arith.muli %add3A, %mul3A_281 : i32
      %mul3A_283 = arith.constant 80 : i32
      %mul3A_284 = arith.muli %add3A_280, %mul3A_283 : i32
      %add3A_285 = arith.addi %mul3A_282, %mul3A_284 : i32
      %dma_start3A_286 = tpu.memref_slice %arg3[%add3A_285] : memref<320000xi32, #tpu.memory_space<hbm>> -> memref<80xi32, #tpu.memory_space<hbm>>
      %dma_start3A_287 = tpu.memref_slice %arg3[%add3A_285] : memref<320000xi32, #tpu.memory_space<hbm>> -> memref<80xi32, #tpu.memory_space<hbm>>
      tpu.enqueue_dma source(%dma_start3A_287 : memref<80xi32, #tpu.memory_space<hbm>>) target(%arg14 : memref<80xi32, #tpu.memory_space<vmem>>) target_semaphore(%arg31 : memref<!tpu.dma_semaphore, #tpu.memory_space<semaphore_mem>>)
      %dma_start3A_288 = tpu.memref_slice %arg4[%add3A_285] : memref<320000xi32, #tpu.memory_space<hbm>> -> memref<80xi32, #tpu.memory_space<hbm>>
      %dma_start3A_289 = tpu.memref_slice %arg4[%add3A_285] : memref<320000xi32, #tpu.memory_space<hbm>> -> memref<80xi32, #tpu.memory_space<hbm>>
      tpu.enqueue_dma source(%dma_start3A_289 : memref<80xi32, #tpu.memory_space<hbm>>) target(%arg15 : memref<80xi32, #tpu.memory_space<vmem>>) target_semaphore(%arg31 : memref<!tpu.dma_semaphore, #tpu.memory_space<semaphore_mem>>)
    }
    %scan3A_82 = arith.constant 30 : i32
    %dma_wait3A_83 = arith.constant 0 : i32
    %dma_wait3A_84 = tpu.memref_slice %arg3[%dma_wait3A_83] : memref<320000xi32, #tpu.memory_space<hbm>> -> memref<80xi32, #tpu.memory_space<hbm>>
    %dma_wait3A_85 = arith.constant 0 : i32
    %dma_wait3A_86 = tpu.memref_slice %arg3[%dma_wait3A_85] : memref<320000xi32, #tpu.memory_space<hbm>> -> memref<80xi32, #tpu.memory_space<hbm>>
    tpu.wait_dma2 semaphore(%arg31 : memref<!tpu.dma_semaphore, #tpu.memory_space<semaphore_mem>>) src(%dma_wait3A_86 : memref<80xi32, #tpu.memory_space<hbm>>) dst(%arg14 : memref<80xi32, #tpu.memory_space<vmem>>)
    %dma_wait3A_87 = arith.constant 0 : i32
    %dma_wait3A_88 = tpu.memref_slice %arg4[%dma_wait3A_87] : memref<320000xi32, #tpu.memory_space<hbm>> -> memref<80xi32, #tpu.memory_space<hbm>>
    %dma_wait3A_89 = arith.constant 0 : i32
    %dma_wait3A_90 = tpu.memref_slice %arg4[%dma_wait3A_89] : memref<320000xi32, #tpu.memory_space<hbm>> -> memref<80xi32, #tpu.memory_space<hbm>>
    tpu.wait_dma2 semaphore(%arg31 : memref<!tpu.dma_semaphore, #tpu.memory_space<semaphore_mem>>) src(%dma_wait3A_90 : memref<80xi32, #tpu.memory_space<hbm>>) dst(%arg15 : memref<80xi32, #tpu.memory_space<vmem>>)
    %dma_start3A_91 = arith.constant 0 : i32
    %dma_start3A_92 = arith.constant 0 : i32
    %dma_start3A_93 = tpu.memref_slice %arg2[%dma_start3A_91, %dma_start3A_92] : memref<10000x128xf32, #tpu.memory_space<hbm>> -> memref<10000x128xf32, #tpu.memory_space<hbm>>
    tpu.enqueue_indirect_dma source(%dma_start3A_93 : memref<10000x128xf32, #tpu.memory_space<hbm>>) target(%arg19 : memref<80x128xf32, #tpu.memory_space<vmem>>) offsets(%arg14 : memref<80xi32, #tpu.memory_space<vmem>>) semaphore(%arg23 : memref<!tpu.dma_semaphore, #tpu.memory_space<semaphore_mem>>)
    %dma_wait3A_94 = arith.constant 0 : i32
    %dma_wait3A_95 = arith.constant 0 : i32
    %dma_wait3A_96 = tpu.memref_slice %arg2[%dma_wait3A_94, %dma_wait3A_95] : memref<10000x128xf32, #tpu.memory_space<hbm>> -> memref<10000x128xf32, #tpu.memory_space<hbm>>
    tpu.wait_indirect_dma semaphore(%arg22 : memref<!tpu.dma_semaphore, #tpu.memory_space<semaphore_mem>>) src(%dma_wait3A_96 : memref<10000x128xf32, #tpu.memory_space<hbm>>) dst(%arg18 : memref<80x128xf32, #tpu.memory_space<vmem>>)
    %dma_start3A_97 = arith.constant 0 : i32
    %dma_start3A_98 = arith.constant 0 : i32
    %dma_start3A_99 = tpu.memref_slice %arg7[%dma_start3A_97, %dma_start3A_98] : memref<10000x128xf32, #tpu.memory_space<vmem_shared>> -> memref<10000x128xf32, #tpu.memory_space<vmem_shared>>
    tpu.enqueue_indirect_dma source(%arg18 : memref<80x128xf32, #tpu.memory_space<vmem>>) target(%dma_start3A_99 : memref<10000x128xf32, #tpu.memory_space<vmem_shared>>) offsets(%arg13 : memref<80xi32, #tpu.memory_space<vmem>>) semaphore(%arg26 : memref<!tpu.dma_semaphore, #tpu.memory_space<semaphore_mem>>) {add = true}
    %dma_wait3A_100 = arith.constant 0 : i32
    %dma_wait3A_101 = arith.constant 0 : i32
    %dma_wait3A_102 = tpu.memref_slice %arg2[%dma_wait3A_100, %dma_wait3A_101] : memref<10000x128xf32, #tpu.memory_space<hbm>> -> memref<10000x128xf32, #tpu.memory_space<hbm>>
    tpu.wait_indirect_dma semaphore(%arg24 : memref<!tpu.dma_semaphore, #tpu.memory_space<semaphore_mem>>) src(%dma_wait3A_102 : memref<10000x128xf32, #tpu.memory_space<hbm>>) dst(%arg16 : memref<80x128xf32, #tpu.memory_space<vmem>>)
    %mul3A_103 = arith.constant 10000 : i32
    %mul3A_104 = arith.muli %add3A, %mul3A_103 : i32
    %add3A_105 = arith.constant 9920 : i32
    %add3A_106 = arith.addi %mul3A_104, %add3A_105 : i32
    %dma_start3A_107 = tpu.memref_slice %arg3[%add3A_106] : memref<320000xi32, #tpu.memory_space<hbm>> -> memref<80xi32, #tpu.memory_space<hbm>>
    %dma_start3A_108 = tpu.memref_slice %arg3[%add3A_106] : memref<320000xi32, #tpu.memory_space<hbm>> -> memref<80xi32, #tpu.memory_space<hbm>>
    tpu.enqueue_dma source(%dma_start3A_108 : memref<80xi32, #tpu.memory_space<hbm>>) target(%arg8 : memref<80xi32, #tpu.memory_space<vmem>>) target_semaphore(%arg28 : memref<!tpu.dma_semaphore, #tpu.memory_space<semaphore_mem>>)
    %dma_start3A_109 = tpu.memref_slice %arg4[%add3A_106] : memref<320000xi32, #tpu.memory_space<hbm>> -> memref<80xi32, #tpu.memory_space<hbm>>
    %dma_start3A_110 = tpu.memref_slice %arg4[%add3A_106] : memref<320000xi32, #tpu.memory_space<hbm>> -> memref<80xi32, #tpu.memory_space<hbm>>
    tpu.enqueue_dma source(%dma_start3A_110 : memref<80xi32, #tpu.memory_space<hbm>>) target(%arg9 : memref<80xi32, #tpu.memory_space<vmem>>) target_semaphore(%arg28 : memref<!tpu.dma_semaphore, #tpu.memory_space<semaphore_mem>>)
    %dma_wait3A_111 = arith.constant 0 : i32
    %dma_wait3A_112 = tpu.memref_slice %arg3[%dma_wait3A_111] : memref<320000xi32, #tpu.memory_space<hbm>> -> memref<80xi32, #tpu.memory_space<hbm>>
    %dma_wait3A_113 = arith.constant 0 : i32
    %dma_wait3A_114 = tpu.memref_slice %arg3[%dma_wait3A_113] : memref<320000xi32, #tpu.memory_space<hbm>> -> memref<80xi32, #tpu.memory_space<hbm>>
    tpu.wait_dma2 semaphore(%arg28 : memref<!tpu.dma_semaphore, #tpu.memory_space<semaphore_mem>>) src(%dma_wait3A_114 : memref<80xi32, #tpu.memory_space<hbm>>) dst(%arg8 : memref<80xi32, #tpu.memory_space<vmem>>)
    %dma_wait3A_115 = arith.constant 0 : i32
    %dma_wait3A_116 = tpu.memref_slice %arg4[%dma_wait3A_115] : memref<320000xi32, #tpu.memory_space<hbm>> -> memref<80xi32, #tpu.memory_space<hbm>>
    %dma_wait3A_117 = arith.constant 0 : i32
    %dma_wait3A_118 = tpu.memref_slice %arg4[%dma_wait3A_117] : memref<320000xi32, #tpu.memory_space<hbm>> -> memref<80xi32, #tpu.memory_space<hbm>>
    tpu.wait_dma2 semaphore(%arg28 : memref<!tpu.dma_semaphore, #tpu.memory_space<semaphore_mem>>) src(%dma_wait3A_118 : memref<80xi32, #tpu.memory_space<hbm>>) dst(%arg9 : memref<80xi32, #tpu.memory_space<vmem>>)
    %dma_start3A_119 = arith.constant 0 : i32
    %dma_start3A_120 = arith.constant 0 : i32
    %dma_start3A_121 = tpu.memref_slice %arg2[%dma_start3A_119, %dma_start3A_120] : memref<10000x128xf32, #tpu.memory_space<hbm>> -> memref<10000x128xf32, #tpu.memory_space<hbm>>
    tpu.enqueue_indirect_dma source(%dma_start3A_121 : memref<10000x128xf32, #tpu.memory_space<hbm>>) target(%arg16 : memref<80x128xf32, #tpu.memory_space<vmem>>) offsets(%arg8 : memref<80xi32, #tpu.memory_space<vmem>>) semaphore(%arg20 : memref<!tpu.dma_semaphore, #tpu.memory_space<semaphore_mem>>)
    %dma_wait3A_122 = arith.constant 0 : i32
    %dma_wait3A_123 = arith.constant 0 : i32
    %dma_wait3A_124 = tpu.memref_slice %arg2[%dma_wait3A_122, %dma_wait3A_123] : memref<10000x128xf32, #tpu.memory_space<hbm>> -> memref<10000x128xf32, #tpu.memory_space<hbm>>
    tpu.wait_indirect_dma semaphore(%arg23 : memref<!tpu.dma_semaphore, #tpu.memory_space<semaphore_mem>>) src(%dma_wait3A_124 : memref<10000x128xf32, #tpu.memory_space<hbm>>) dst(%arg19 : memref<80x128xf32, #tpu.memory_space<vmem>>)
    %dma_start3A_125 = arith.constant 0 : i32
    %dma_start3A_126 = arith.constant 0 : i32
    %dma_start3A_127 = tpu.memref_slice %arg7[%dma_start3A_125, %dma_start3A_126] : memref<10000x128xf32, #tpu.memory_space<vmem_shared>> -> memref<10000x128xf32, #tpu.memory_space<vmem_shared>>
    tpu.enqueue_indirect_dma source(%arg19 : memref<80x128xf32, #tpu.memory_space<vmem>>) target(%dma_start3A_127 : memref<10000x128xf32, #tpu.memory_space<vmem_shared>>) offsets(%arg15 : memref<80xi32, #tpu.memory_space<vmem>>) semaphore(%arg27 : memref<!tpu.dma_semaphore, #tpu.memory_space<semaphore_mem>>) {add = true}
    %dma_wait3A_128 = arith.constant 0 : i32
    %dma_wait3A_129 = arith.constant 0 : i32
    %dma_wait3A_130 = tpu.memref_slice %arg2[%dma_wait3A_128, %dma_wait3A_129] : memref<10000x128xf32, #tpu.memory_space<hbm>> -> memref<10000x128xf32, #tpu.memory_space<hbm>>
    tpu.wait_indirect_dma semaphore(%arg25 : memref<!tpu.dma_semaphore, #tpu.memory_space<semaphore_mem>>) src(%dma_wait3A_130 : memref<10000x128xf32, #tpu.memory_space<hbm>>) dst(%arg17 : memref<80x128xf32, #tpu.memory_space<vmem>>)
    %dma_wait3A_131 = arith.constant 0 : i32
    %dma_wait3A_132 = arith.constant 0 : i32
    %dma_wait3A_133 = tpu.memref_slice %arg2[%dma_wait3A_131, %dma_wait3A_132] : memref<10000x128xf32, #tpu.memory_space<hbm>> -> memref<10000x128xf32, #tpu.memory_space<hbm>>
    tpu.wait_indirect_dma semaphore(%arg20 : memref<!tpu.dma_semaphore, #tpu.memory_space<semaphore_mem>>) src(%dma_wait3A_133 : memref<10000x128xf32, #tpu.memory_space<hbm>>) dst(%arg16 : memref<80x128xf32, #tpu.memory_space<vmem>>)
    %dma_start3A_134 = arith.constant 0 : i32
    %dma_start3A_135 = arith.constant 0 : i32
    %dma_start3A_136 = tpu.memref_slice %arg7[%dma_start3A_134, %dma_start3A_135] : memref<10000x128xf32, #tpu.memory_space<vmem_shared>> -> memref<10000x128xf32, #tpu.memory_space<vmem_shared>>
    tpu.enqueue_indirect_dma source(%arg16 : memref<80x128xf32, #tpu.memory_space<vmem>>) target(%dma_start3A_136 : memref<10000x128xf32, #tpu.memory_space<vmem_shared>>) offsets(%arg9 : memref<80xi32, #tpu.memory_space<vmem>>) semaphore(%arg24 : memref<!tpu.dma_semaphore, #tpu.memory_space<semaphore_mem>>) {add = true}
    %dma_wait3A_137 = arith.constant 0 : i32
    %dma_wait3A_138 = arith.constant 0 : i32
    %dma_wait3A_139 = tpu.memref_slice %arg2[%dma_wait3A_137, %dma_wait3A_138] : memref<10000x128xf32, #tpu.memory_space<hbm>> -> memref<10000x128xf32, #tpu.memory_space<hbm>>
    tpu.wait_indirect_dma semaphore(%arg26 : memref<!tpu.dma_semaphore, #tpu.memory_space<semaphore_mem>>) src(%dma_wait3A_139 : memref<10000x128xf32, #tpu.memory_space<hbm>>) dst(%arg18 : memref<80x128xf32, #tpu.memory_space<vmem>>)
    %dma_wait3A_140 = arith.constant 0 : i32
    %dma_wait3A_141 = arith.constant 0 : i32
    %dma_wait3A_142 = tpu.memref_slice %arg2[%dma_wait3A_140, %dma_wait3A_141] : memref<10000x128xf32, #tpu.memory_space<hbm>> -> memref<10000x128xf32, #tpu.memory_space<hbm>>
    tpu.wait_indirect_dma semaphore(%arg27 : memref<!tpu.dma_semaphore, #tpu.memory_space<semaphore_mem>>) src(%dma_wait3A_142 : memref<10000x128xf32, #tpu.memory_space<hbm>>) dst(%arg19 : memref<80x128xf32, #tpu.memory_space<vmem>>)
    %dma_wait3A_143 = arith.constant 0 : i32
    %dma_wait3A_144 = arith.constant 0 : i32
    %dma_wait3A_145 = tpu.memref_slice %arg2[%dma_wait3A_143, %dma_wait3A_144] : memref<10000x128xf32, #tpu.memory_space<hbm>> -> memref<10000x128xf32, #tpu.memory_space<hbm>>
    tpu.wait_indirect_dma semaphore(%arg24 : memref<!tpu.dma_semaphore, #tpu.memory_space<semaphore_mem>>) src(%dma_wait3A_145 : memref<10000x128xf32, #tpu.memory_space<hbm>>) dst(%arg16 : memref<80x128xf32, #tpu.memory_space<vmem>>)
    %barrier3A_146 = arith.constant 0 : index
    tpu.barrier barrier_id(%barrier3A_146)
    %mul3A_147 = arith.constant 624 : i32
    %mul3A_148 = arith.muli %arg1, %mul3A_147 : i32
    %mul3A_149 = arith.constant 624 : i32
    %mul3A_150 = arith.muli %arg1, %mul3A_149 : i32
    "tpu.region"() ({
      %run_scoped3A = tpu.sem_alloc : memref<!tpu.dma_semaphore, #tpu.memory_space<semaphore_mem>>
      %dma_start3A_153 = arith.constant 0 : i32
      %dma_start3A_154 = tpu.memref_slice %arg6[%arg0, %mul3A_150, %dma_start3A_153] : memref<2x10000x128xf32, #tpu.memory_space<hbm>> -> memref<1x624x128xf32, #tpu.memory_space<hbm>>
      %dma_start3A_155 = tpu.memref_squeeze %dma_start3A_154 : memref<1x624x128xf32, #tpu.memory_space<hbm>> -> memref<624x128xf32, #tpu.memory_space<hbm>>
      %dma_start3A_156 = arith.constant 0 : i32
      %dma_start3A_157 = tpu.memref_slice %arg7[%mul3A_148, %dma_start3A_156] : memref<10000x128xf32, #tpu.memory_space<vmem_shared>> -> memref<624x128xf32, #tpu.memory_space<vmem_shared>>
      tpu.enqueue_dma source(%dma_start3A_157 : memref<624x128xf32, #tpu.memory_space<vmem_shared>>) target(%dma_start3A_155 : memref<624x128xf32, #tpu.memory_space<hbm>>) target_semaphore(%run_scoped3A : memref<!tpu.dma_semaphore, #tpu.memory_space<semaphore_mem>>)
      %dma_wait3A_158 = arith.constant 0 : i32
      %dma_wait3A_159 = tpu.memref_slice %arg6[%arg0, %mul3A_150, %dma_wait3A_158] : memref<2x10000x128xf32, #tpu.memory_space<hbm>> -> memref<1x624x128xf32, #tpu.memory_space<hbm>>
      %dma_wait3A_160 = tpu.memref_squeeze %dma_wait3A_159 : memref<1x624x128xf32, #tpu.memory_space<hbm>> -> memref<624x128xf32, #tpu.memory_space<hbm>>
      %dma_wait3A_161 = arith.constant 0 : i32
      %dma_wait3A_162 = tpu.memref_slice %arg7[%mul3A_148, %dma_wait3A_161] : memref<10000x128xf32, #tpu.memory_space<vmem_shared>> -> memref<624x128xf32, #tpu.memory_space<vmem_shared>>
      tpu.wait_dma2 semaphore(%run_scoped3A : memref<!tpu.dma_semaphore, #tpu.memory_space<semaphore_mem>>) src(%dma_wait3A_162 : memref<624x128xf32, #tpu.memory_space<vmem_shared>>) dst(%dma_wait3A_160 : memref<624x128xf32, #tpu.memory_space<hbm>>)
      tpu.yield
    }) : () -> ()
    %eq3A = arith.constant 15 : i32
    %eq3A_151 = arith.cmpi eq, %arg1, %eq3A : i32
    %convert_element_type3A = arith.extui %eq3A_151 : i1 to i32
    %cond3A = arith.constant 0 : i32
    %cond3A_152 = arith.cmpi ne, %convert_element_type3A, %cond3A : i32
    scf.if %cond3A_152 {
      "tpu.region"() ({
        %run_scoped3A = tpu.sem_alloc : memref<!tpu.dma_semaphore, #tpu.memory_space<semaphore_mem>>
        %dma_start3A_153 = arith.constant 9984 : i32
        %dma_start3A_154 = arith.constant 0 : i32
        %dma_start3A_155 = tpu.memref_slice %arg6[%arg0, %dma_start3A_153, %dma_start3A_154] : memref<2x10000x128xf32, #tpu.memory_space<hbm>> -> memref<1x16x128xf32, #tpu.memory_space<hbm>>
        %dma_start3A_156 = tpu.memref_squeeze %dma_start3A_155 : memref<1x16x128xf32, #tpu.memory_space<hbm>> -> memref<16x128xf32, #tpu.memory_space<hbm>>
        %dma_start3A_157 = arith.constant 9984 : i32
        %dma_start3A_158 = arith.constant 0 : i32
        %dma_start3A_159 = tpu.memref_slice %arg7[%dma_start3A_157, %dma_start3A_158] : memref<10000x128xf32, #tpu.memory_space<vmem_shared>> -> memref<16x128xf32, #tpu.memory_space<vmem_shared>>
        tpu.enqueue_dma source(%dma_start3A_159 : memref<16x128xf32, #tpu.memory_space<vmem_shared>>) target(%dma_start3A_156 : memref<16x128xf32, #tpu.memory_space<hbm>>) target_semaphore(%run_scoped3A : memref<!tpu.dma_semaphore, #tpu.memory_space<semaphore_mem>>)
        %dma_wait3A_160 = arith.constant 9984 : i32
        %dma_wait3A_161 = arith.constant 0 : i32
        %dma_wait3A_162 = tpu.memref_slice %arg6[%arg0, %dma_wait3A_160, %dma_wait3A_161] : memref<2x10000x128xf32, #tpu.memory_space<hbm>> -> memref<1x16x128xf32, #tpu.memory_space<hbm>>
        %dma_wait3A_163 = tpu.memref_squeeze %dma_wait3A_162 : memref<1x16x128xf32, #tpu.memory_space<hbm>> -> memref<16x128xf32, #tpu.memory_space<hbm>>
        %dma_wait3A_164 = arith.constant 9984 : i32
        %dma_wait3A_165 = arith.constant 0 : i32
        %dma_wait3A_166 = tpu.memref_slice %arg7[%dma_wait3A_164, %dma_wait3A_165] : memref<10000x128xf32, #tpu.memory_space<vmem_shared>> -> memref<16x128xf32, #tpu.memory_space<vmem_shared>>
        tpu.wait_dma2 semaphore(%run_scoped3A : memref<!tpu.dma_semaphore, #tpu.memory_space<semaphore_mem>>) src(%dma_wait3A_166 : memref<16x128xf32, #tpu.memory_space<vmem_shared>>) dst(%dma_wait3A_163 : memref<16x128xf32, #tpu.memory_space<hbm>>)
        tpu.yield
      }) : () -> ()
    } else {
    }
    return
  }
}

module attributes {stable_mosaic.version = 14 : i64} {
  func.func @_pre_body(%arg0: i32, %arg1: memref<1000x128xf32, #tpu.memory_space<vmem>>, %arg2: memref<128x128xf32, #tpu.memory_space<vmem>>, %arg3: memref<128x128xf32, #tpu.memory_space<vmem>>, %arg4: memref<1x128xf32, #tpu.memory_space<vmem>>, %arg5: memref<1000x128xf32, #tpu.memory_space<vmem>>, %arg6: memref<1000x128xf32, #tpu.memory_space<vmem>>) attributes {dimension_semantics = [#tpu.dimension_semantics<arbitrary>], iteration_bounds = array<i64: 10>, scalar_prefetch = 0 : i64, scratch_operands = 0 : i64, tpu.core_type = #tpu.core_type<tc>, window_params = [{transform_indices = @transform_0, window_bounds = array<i64: 1000, 128>}, {pipeline_mode = #tpu.pipeline_mode<synchronous>, transform_indices = @transform_1, window_bounds = array<i64: 128, 128>}, {pipeline_mode = #tpu.pipeline_mode<synchronous>, transform_indices = @transform_2, window_bounds = array<i64: 128, 128>}, {pipeline_mode = #tpu.pipeline_mode<synchronous>, transform_indices = @transform_3, window_bounds = array<i64: 1, 128>}, {transform_indices = @transform_4, window_bounds = array<i64: 1000, 128>}, {transform_indices = @transform_5, window_bounds = array<i64: 1000, 128>}]} {
    %get3A = arith.constant 0 : index
    %get3A_0 = arith.constant 0 : index
    %get3A_1 = vector.load %arg1[%get3A, %get3A_0] : memref<1000x128xf32, #tpu.memory_space<vmem>>, vector<1000x128xf32>
    %get3A_2 = arith.constant 0 : index
    %get3A_3 = arith.constant 0 : index
    %get3A_4 = vector.load %arg2[%get3A_2, %get3A_3] : memref<128x128xf32, #tpu.memory_space<vmem>>, vector<128x128xf32>
    %dot_general3A = arith.constant dense<0.000000e+00> : vector<1000x128xf32>
    %dot_general3A_5 = tpu.matmul %get3A_1, %get3A_4, %dot_general3A {dimension_numbers = #tpu.dot_dimension_numbers<[1], [1], [0], [0], [0, 0, 1, 0], [], []>, transpose_lhs_hint = false} : vector<1000x128xf32>, vector<128x128xf32>, vector<1000x128xf32> -> vector<1000x128xf32>
    %swap3A = arith.constant 0 : index
    %swap3A_6 = arith.constant 0 : index
    %swap3A_7 = vector.load %arg5[%swap3A, %swap3A_6] : memref<1000x128xf32, #tpu.memory_space<vmem>>, vector<1000x128xf32>
    tpu.vector_store %arg5[%swap3A, %swap3A_6], %dot_general3A_5 {strides = array<i32>} : memref<1000x128xf32, #tpu.memory_space<vmem>>, vector<1000x128xf32>,
    %get3A_8 = arith.constant 0 : index
    %get3A_9 = arith.constant 0 : index
    %get3A_10 = vector.load %arg3[%get3A_8, %get3A_9] : memref<128x128xf32, #tpu.memory_space<vmem>>, vector<128x128xf32>
    %dot_general3A_11 = arith.constant dense<0.000000e+00> : vector<1000x128xf32>
    %dot_general3A_12 = tpu.matmul %get3A_1, %get3A_10, %dot_general3A_11 {dimension_numbers = #tpu.dot_dimension_numbers<[1], [1], [0], [0], [0, 0, 1, 0], [], []>, transpose_lhs_hint = false} : vector<1000x128xf32>, vector<128x128xf32>, vector<1000x128xf32> -> vector<1000x128xf32>
    %get3A_13 = arith.constant 0 : index
    %get3A_14 = arith.constant 0 : index
    %get3A_15 = vector.load %arg4[%get3A_13, %get3A_14] : memref<1x128xf32, #tpu.memory_space<vmem>>, vector<1x128xf32>
    %add3A = vector.broadcast %get3A_15 : vector<1x128xf32> to vector<1000x128xf32>
    %add3A_16 = arith.addf %dot_general3A_12, %add3A : vector<1000x128xf32>
    %swap3A_17 = arith.constant 0 : index
    %swap3A_18 = arith.constant 0 : index
    %swap3A_19 = vector.load %arg6[%swap3A_17, %swap3A_18] : memref<1000x128xf32, #tpu.memory_space<vmem>>, vector<1000x128xf32>
    tpu.vector_store %arg6[%swap3A_17, %swap3A_18], %add3A_16 {strides = array<i32>} : memref<1000x128xf32, #tpu.memory_space<vmem>>, vector<1000x128xf32>,
    return
  }
  func.func @transform_0(%arg0: i32) -> (i32, i32) {
    %c0_i32 = arith.constant 0 : i32
    %c0_i32_0 = arith.constant 0 : i32
    return %arg0, %c0_i32 : i32, i32
  }
  func.func @transform_1(%arg0: i32) -> (i32, i32) {
    %c0_i32 = arith.constant 0 : i32
    %c0_i32_0 = arith.constant 0 : i32
    %c0_i32_1 = arith.constant 0 : i32
    return %c0_i32, %c0_i32_0 : i32, i32
  }
  func.func @transform_2(%arg0: i32) -> (i32, i32) {
    %c0_i32 = arith.constant 0 : i32
    %c0_i32_0 = arith.constant 0 : i32
    %c0_i32_1 = arith.constant 0 : i32
    return %c0_i32, %c0_i32_0 : i32, i32
  }
  func.func @transform_3(%arg0: i32) -> (i32, i32) {
    %c0_i32 = arith.constant 0 : i32
    %c0_i32_0 = arith.constant 0 : i32
    %c0_i32_1 = arith.constant 0 : i32
    return %c0_i32, %c0_i32_0 : i32, i32
  }
  func.func @transform_4(%arg0: i32) -> (i32, i32) {
    %c0_i32 = arith.constant 0 : i32
    %c0_i32_0 = arith.constant 0 : i32
    return %arg0, %c0_i32 : i32, i32
  }
  func.func @transform_5(%arg0: i32) -> (i32, i32) {
    %c0_i32 = arith.constant 0 : i32
    %c0_i32_0 = arith.constant 0 : i32
    return %arg0, %c0_i32 : i32, i32
  }
}

module attributes {stable_mosaic.version = 14 : i64} {
  func.func @_combine_body(%arg0: i32, %arg1: memref<2x1000x128xf32, #tpu.memory_space<vmem>>, %arg2: memref<2x1000x128xf32, #tpu.memory_space<vmem>>, %arg3: memref<1000x128xf32, #tpu.memory_space<vmem>>, %arg4: memref<128x128xf32, #tpu.memory_space<vmem>>, %arg5: memref<128x128xf32, #tpu.memory_space<vmem>>, %arg6: memref<1x128xf32, #tpu.memory_space<vmem>>, %arg7: memref<1000x128xf32, #tpu.memory_space<vmem>>, %arg8: memref<1000x128xf32, #tpu.memory_space<vmem>>) attributes {dimension_semantics = [#tpu.dimension_semantics<arbitrary>], iteration_bounds = array<i64: 10>, scalar_prefetch = 0 : i64, scratch_operands = 0 : i64, tpu.core_type = #tpu.core_type<tc>, window_params = [{transform_indices = @transform_0, window_bounds = array<i64: 2, 1000, 128>}, {transform_indices = @transform_1, window_bounds = array<i64: 2, 1000, 128>}, {transform_indices = @transform_2, window_bounds = array<i64: 1000, 128>}, {pipeline_mode = #tpu.pipeline_mode<synchronous>, transform_indices = @transform_3, window_bounds = array<i64: 128, 128>}, {pipeline_mode = #tpu.pipeline_mode<synchronous>, transform_indices = @transform_4, window_bounds = array<i64: 128, 128>}, {pipeline_mode = #tpu.pipeline_mode<synchronous>, transform_indices = @transform_5, window_bounds = array<i64: 1, 128>}, {transform_indices = @transform_6, window_bounds = array<i64: 1000, 128>}, {transform_indices = @transform_7, window_bounds = array<i64: 1000, 128>}]} {
    %get3A = arith.constant 0 : index
    %get3A_0 = arith.constant 0 : index
    %get3A_1 = arith.constant 0 : index
    %get3A_2 = vector.load %arg2[%get3A, %get3A_0, %get3A_1] : memref<2x1000x128xf32, #tpu.memory_space<vmem>>, vector<1x1000x1xf32>
    %get3A_3 = vector.shape_cast %get3A_2 : vector<1x1000x1xf32> to vector<1000x1xf32>
    %get3A_4 = arith.constant 1 : index
    %get3A_5 = arith.constant 0 : index
    %get3A_6 = arith.constant 0 : index
    %get3A_7 = vector.load %arg2[%get3A_4, %get3A_5, %get3A_6] : memref<2x1000x128xf32, #tpu.memory_space<vmem>>, vector<1x1000x1xf32>
    %get3A_8 = vector.shape_cast %get3A_7 : vector<1x1000x1xf32> to vector<1000x1xf32>
    %add3A = arith.addf %get3A_3, %get3A_8 : vector<1000x1xf32>
    %max3A = arith.constant 1.000000e+00 : f32
    %max3A_9 = vector.broadcast %max3A : f32 to vector<1000x1xf32>
    %max3A_10 = arith.maximumf %add3A, %max3A_9 : vector<1000x1xf32>
    %div3A = arith.constant 1.000000e+00 : f32
    %div3A_11 = vector.broadcast %div3A : f32 to vector<1000x1xf32>
    %div3A_12 = arith.divf %div3A_11, %max3A_10 : vector<1000x1xf32>
    %get3A_13 = arith.constant 0 : index
    %get3A_14 = arith.constant 0 : index
    %get3A_15 = arith.constant 0 : index
    %get3A_16 = vector.load %arg1[%get3A_13, %get3A_14, %get3A_15] : memref<2x1000x128xf32, #tpu.memory_space<vmem>>, vector<1x1000x128xf32>
    %get3A_17 = vector.shape_cast %get3A_16 : vector<1x1000x128xf32> to vector<1000x128xf32>
    %get3A_18 = arith.constant 1 : index
    %get3A_19 = arith.constant 0 : index
    %get3A_20 = arith.constant 0 : index
    %get3A_21 = vector.load %arg1[%get3A_18, %get3A_19, %get3A_20] : memref<2x1000x128xf32, #tpu.memory_space<vmem>>, vector<1x1000x128xf32>
    %get3A_22 = vector.shape_cast %get3A_21 : vector<1x1000x128xf32> to vector<1000x128xf32>
    %add3A_23 = arith.addf %get3A_17, %get3A_22 : vector<1000x128xf32>
    %mul3A = vector.broadcast %div3A_12 : vector<1000x1xf32> to vector<1000x128xf32>
    %mul3A_24 = arith.mulf %add3A_23, %mul3A : vector<1000x128xf32>
    %get3A_25 = arith.constant 0 : index
    %get3A_26 = arith.constant 0 : index
    %get3A_27 = vector.load %arg3[%get3A_25, %get3A_26] : memref<1000x128xf32, #tpu.memory_space<vmem>>, vector<1000x128xf32>
    %add3A_28 = arith.addf %mul3A_24, %get3A_27 : vector<1000x128xf32>
    %max3A_29 = arith.constant 0.000000e+00 : f32
    %max3A_30 = vector.broadcast %max3A_29 : f32 to vector<1000x128xf32>
    %max3A_31 = arith.maximumf %add3A_28, %max3A_30 : vector<1000x128xf32>
    %get3A_32 = arith.constant 0 : index
    %get3A_33 = arith.constant 0 : index
    %get3A_34 = vector.load %arg4[%get3A_32, %get3A_33] : memref<128x128xf32, #tpu.memory_space<vmem>>, vector<128x128xf32>
    %dot_general3A = arith.constant dense<0.000000e+00> : vector<1000x128xf32>
    %dot_general3A_35 = tpu.matmul %max3A_31, %get3A_34, %dot_general3A {dimension_numbers = #tpu.dot_dimension_numbers<[1], [1], [0], [0], [0, 0, 1, 0], [], []>, transpose_lhs_hint = false} : vector<1000x128xf32>, vector<128x128xf32>, vector<1000x128xf32> -> vector<1000x128xf32>
    %swap3A = arith.constant 0 : index
    %swap3A_36 = arith.constant 0 : index
    %swap3A_37 = vector.load %arg7[%swap3A, %swap3A_36] : memref<1000x128xf32, #tpu.memory_space<vmem>>, vector<1000x128xf32>
    tpu.vector_store %arg7[%swap3A, %swap3A_36], %dot_general3A_35 {strides = array<i32>} : memref<1000x128xf32, #tpu.memory_space<vmem>>, vector<1000x128xf32>,
    %get3A_38 = arith.constant 0 : index
    %get3A_39 = arith.constant 0 : index
    %get3A_40 = vector.load %arg5[%get3A_38, %get3A_39] : memref<128x128xf32, #tpu.memory_space<vmem>>, vector<128x128xf32>
    %dot_general3A_41 = arith.constant dense<0.000000e+00> : vector<1000x128xf32>
    %dot_general3A_42 = tpu.matmul %max3A_31, %get3A_40, %dot_general3A_41 {dimension_numbers = #tpu.dot_dimension_numbers<[1], [1], [0], [0], [0, 0, 1, 0], [], []>, transpose_lhs_hint = false} : vector<1000x128xf32>, vector<128x128xf32>, vector<1000x128xf32> -> vector<1000x128xf32>
    %get3A_43 = arith.constant 0 : index
    %get3A_44 = arith.constant 0 : index
    %get3A_45 = vector.load %arg6[%get3A_43, %get3A_44] : memref<1x128xf32, #tpu.memory_space<vmem>>, vector<1x128xf32>
    %add3A_46 = vector.broadcast %get3A_45 : vector<1x128xf32> to vector<1000x128xf32>
    %add3A_47 = arith.addf %dot_general3A_42, %add3A_46 : vector<1000x128xf32>
    %swap3A_48 = arith.constant 0 : index
    %swap3A_49 = arith.constant 0 : index
    %swap3A_50 = vector.load %arg8[%swap3A_48, %swap3A_49] : memref<1000x128xf32, #tpu.memory_space<vmem>>, vector<1000x128xf32>
    tpu.vector_store %arg8[%swap3A_48, %swap3A_49], %add3A_47 {strides = array<i32>} : memref<1000x128xf32, #tpu.memory_space<vmem>>, vector<1000x128xf32>,
    return
  }
  func.func @transform_0(%arg0: i32) -> (i32, i32, i32) {
    %c0_i32 = arith.constant 0 : i32
    %c0_i32_0 = arith.constant 0 : i32
    %c0_i32_1 = arith.constant 0 : i32
    return %c0_i32, %arg0, %c0_i32_0 : i32, i32, i32
  }
  func.func @transform_1(%arg0: i32) -> (i32, i32, i32) {
    %c0_i32 = arith.constant 0 : i32
    %c0_i32_0 = arith.constant 0 : i32
    %c0_i32_1 = arith.constant 0 : i32
    return %c0_i32, %arg0, %c0_i32_0 : i32, i32, i32
  }
  func.func @transform_2(%arg0: i32) -> (i32, i32) {
    %c0_i32 = arith.constant 0 : i32
    %c0_i32_0 = arith.constant 0 : i32
    return %arg0, %c0_i32 : i32, i32
  }
  func.func @transform_3(%arg0: i32) -> (i32, i32) {
    %c0_i32 = arith.constant 0 : i32
    %c0_i32_0 = arith.constant 0 : i32
    %c0_i32_1 = arith.constant 0 : i32
    return %c0_i32, %c0_i32_0 : i32, i32
  }
  func.func @transform_4(%arg0: i32) -> (i32, i32) {
    %c0_i32 = arith.constant 0 : i32
    %c0_i32_0 = arith.constant 0 : i32
    %c0_i32_1 = arith.constant 0 : i32
    return %c0_i32, %c0_i32_0 : i32, i32
  }
  func.func @transform_5(%arg0: i32) -> (i32, i32) {
    %c0_i32 = arith.constant 0 : i32
    %c0_i32_0 = arith.constant 0 : i32
    %c0_i32_1 = arith.constant 0 : i32
    return %c0_i32, %c0_i32_0 : i32, i32
  }
  func.func @transform_6(%arg0: i32) -> (i32, i32) {
    %c0_i32 = arith.constant 0 : i32
    %c0_i32_0 = arith.constant 0 : i32
    return %arg0, %c0_i32 : i32, i32
  }
  func.func @transform_7(%arg0: i32) -> (i32, i32) {
    %c0_i32 = arith.constant 0 : i32
    %c0_i32_0 = arith.constant 0 : i32
    return %arg0, %c0_i32 : i32, i32
  }
}

module attributes {stable_mosaic.version = 14 : i64} {
  func.func @_head_body(%arg0: i32, %arg1: memref<2x1000x128xf32, #tpu.memory_space<vmem>>, %arg2: memref<2x1000x128xf32, #tpu.memory_space<vmem>>, %arg3: memref<1000x128xf32, #tpu.memory_space<vmem>>, %arg4: memref<128x128xf32, #tpu.memory_space<vmem>>, %arg5: memref<1x128xf32, #tpu.memory_space<vmem>>, %arg6: memref<1x128xf32, #tpu.memory_space<vmem>>, %arg7: memref<1x128xf32, #tpu.memory_space<vmem>>, %arg8: memref<1x128xf32, #tpu.memory_space<vmem>>, %arg9: memref<128x128xf32, #tpu.memory_space<vmem>>, %arg10: memref<1x128xf32, #tpu.memory_space<vmem>>, %arg11: memref<1x128xf32, #tpu.memory_space<vmem>>, %arg12: memref<1x1xf32, #tpu.memory_space<vmem>>, %arg13: memref<8x128xf32, #tpu.memory_space<vmem>>) attributes {dimension_semantics = [#tpu.dimension_semantics<arbitrary>], iteration_bounds = array<i64: 10>, scalar_prefetch = 0 : i64, scratch_operands = 0 : i64, tpu.core_type = #tpu.core_type<tc>, window_params = [{transform_indices = @transform_0, window_bounds = array<i64: 2, 1000, 128>}, {transform_indices = @transform_1, window_bounds = array<i64: 2, 1000, 128>}, {transform_indices = @transform_2, window_bounds = array<i64: 1000, 128>}, {pipeline_mode = #tpu.pipeline_mode<synchronous>, transform_indices = @transform_3, window_bounds = array<i64: 128, 128>}, {pipeline_mode = #tpu.pipeline_mode<synchronous>, transform_indices = @transform_4, window_bounds = array<i64: 1, 128>}, {pipeline_mode = #tpu.pipeline_mode<synchronous>, transform_indices = @transform_5, window_bounds = array<i64: 1, 128>}, {pipeline_mode = #tpu.pipeline_mode<synchronous>, transform_indices = @transform_6, window_bounds = array<i64: 1, 128>}, {pipeline_mode = #tpu.pipeline_mode<synchronous>, transform_indices = @transform_7, window_bounds = array<i64: 1, 128>}, {pipeline_mode = #tpu.pipeline_mode<synchronous>, transform_indices = @transform_8, window_bounds = array<i64: 128, 128>}, {pipeline_mode = #tpu.pipeline_mode<synchronous>, transform_indices = @transform_9, window_bounds = array<i64: 1, 128>}, {pipeline_mode = #tpu.pipeline_mode<synchronous>, transform_indices = @transform_10, window_bounds = array<i64: 1, 128>}, {pipeline_mode = #tpu.pipeline_mode<synchronous>, transform_indices = @transform_11, window_bounds = array<i64: 1, 1>}, {pipeline_mode = #tpu.pipeline_mode<synchronous>, transform_indices = @transform_12, window_bounds = array<i64: 8, 128>}]} {
    %get3A = arith.constant 0 : index
    %get3A_0 = arith.constant 0 : index
    %get3A_1 = arith.constant 0 : index
    %get3A_2 = vector.load %arg2[%get3A, %get3A_0, %get3A_1] : memref<2x1000x128xf32, #tpu.memory_space<vmem>>, vector<1x1000x1xf32>
    %get3A_3 = vector.shape_cast %get3A_2 : vector<1x1000x1xf32> to vector<1000x1xf32>
    %get3A_4 = arith.constant 1 : index
    %get3A_5 = arith.constant 0 : index
    %get3A_6 = arith.constant 0 : index
    %get3A_7 = vector.load %arg2[%get3A_4, %get3A_5, %get3A_6] : memref<2x1000x128xf32, #tpu.memory_space<vmem>>, vector<1x1000x1xf32>
    %get3A_8 = vector.shape_cast %get3A_7 : vector<1x1000x1xf32> to vector<1000x1xf32>
    %add3A = arith.addf %get3A_3, %get3A_8 : vector<1000x1xf32>
    %max3A = arith.constant 1.000000e+00 : f32
    %max3A_9 = vector.broadcast %max3A : f32 to vector<1000x1xf32>
    %max3A_10 = arith.maximumf %add3A, %max3A_9 : vector<1000x1xf32>
    %div3A = arith.constant 1.000000e+00 : f32
    %div3A_11 = vector.broadcast %div3A : f32 to vector<1000x1xf32>
    %div3A_12 = arith.divf %div3A_11, %max3A_10 : vector<1000x1xf32>
    %get3A_13 = arith.constant 0 : index
    %get3A_14 = arith.constant 0 : index
    %get3A_15 = arith.constant 0 : index
    %get3A_16 = vector.load %arg1[%get3A_13, %get3A_14, %get3A_15] : memref<2x1000x128xf32, #tpu.memory_space<vmem>>, vector<1x1000x128xf32>
    %get3A_17 = vector.shape_cast %get3A_16 : vector<1x1000x128xf32> to vector<1000x128xf32>
    %get3A_18 = arith.constant 1 : index
    %get3A_19 = arith.constant 0 : index
    %get3A_20 = arith.constant 0 : index
    %get3A_21 = vector.load %arg1[%get3A_18, %get3A_19, %get3A_20] : memref<2x1000x128xf32, #tpu.memory_space<vmem>>, vector<1x1000x128xf32>
    %get3A_22 = vector.shape_cast %get3A_21 : vector<1x1000x128xf32> to vector<1000x128xf32>
    %add3A_23 = arith.addf %get3A_17, %get3A_22 : vector<1000x128xf32>
    %mul3A = vector.broadcast %div3A_12 : vector<1000x1xf32> to vector<1000x128xf32>
    %mul3A_24 = arith.mulf %add3A_23, %mul3A : vector<1000x128xf32>
    %get3A_25 = arith.constant 0 : index
    %get3A_26 = arith.constant 0 : index
    %get3A_27 = vector.load %arg3[%get3A_25, %get3A_26] : memref<1000x128xf32, #tpu.memory_space<vmem>>, vector<1000x128xf32>
    %add3A_28 = arith.addf %mul3A_24, %get3A_27 : vector<1000x128xf32>
    %max3A_29 = arith.constant 0.000000e+00 : f32
    %max3A_30 = vector.broadcast %max3A_29 : f32 to vector<1000x128xf32>
    %max3A_31 = arith.maximumf %add3A_28, %max3A_30 : vector<1000x128xf32>
    %get3A_32 = arith.constant 0 : index
    %get3A_33 = arith.constant 0 : index
    %get3A_34 = vector.load %arg4[%get3A_32, %get3A_33] : memref<128x128xf32, #tpu.memory_space<vmem>>, vector<128x128xf32>
    %dot_general3A = arith.constant dense<0.000000e+00> : vector<1000x128xf32>
    %dot_general3A_35 = tpu.matmul %max3A_31, %get3A_34, %dot_general3A {dimension_numbers = #tpu.dot_dimension_numbers<[1], [1], [0], [0], [0, 0, 1, 0], [], []>, transpose_lhs_hint = false} : vector<1000x128xf32>, vector<128x128xf32>, vector<1000x128xf32> -> vector<1000x128xf32>
    %get3A_36 = arith.constant 0 : index
    %get3A_37 = arith.constant 0 : index
    %get3A_38 = vector.load %arg5[%get3A_36, %get3A_37] : memref<1x128xf32, #tpu.memory_space<vmem>>, vector<1x128xf32>
    %add3A_39 = vector.broadcast %get3A_38 : vector<1x128xf32> to vector<1000x128xf32>
    %add3A_40 = arith.addf %dot_general3A_35, %add3A_39 : vector<1000x128xf32>
    %slice3A = vector.extract_strided_slice %add3A_40 {offsets = [0, 0], sizes = [1000, 1], strides = [1, 1]} : vector<1000x128xf32> to vector<1000x1xf32>
    %slice3A_41 = vector.extract_strided_slice %add3A_40 {offsets = [0, 2], sizes = [1000, 1], strides = [1, 1]} : vector<1000x128xf32> to vector<1000x1xf32>
    %get3A_42 = arith.constant 0 : index
    %get3A_43 = arith.constant 0 : index
    %get3A_44 = vector.load %arg6[%get3A_42, %get3A_43] : memref<1x128xf32, #tpu.memory_space<vmem>>, vector<1x128xf32>
    %mul3A_45 = vector.broadcast %slice3A : vector<1000x1xf32> to vector<1000x128xf32>
    %mul3A_46 = vector.broadcast %get3A_44 : vector<1x128xf32> to vector<1000x128xf32>
    %mul3A_47 = arith.mulf %mul3A_45, %mul3A_46 : vector<1000x128xf32>
    %get3A_48 = arith.constant 0 : index
    %get3A_49 = arith.constant 0 : index
    %get3A_50 = vector.load %arg7[%get3A_48, %get3A_49] : memref<1x128xf32, #tpu.memory_space<vmem>>, vector<1x128xf32>
    %mul3A_51 = vector.broadcast %slice3A_41 : vector<1000x1xf32> to vector<1000x128xf32>
    %mul3A_52 = vector.broadcast %get3A_50 : vector<1x128xf32> to vector<1000x128xf32>
    %mul3A_53 = arith.mulf %mul3A_51, %mul3A_52 : vector<1000x128xf32>
    %add3A_54 = arith.addf %mul3A_47, %mul3A_53 : vector<1000x128xf32>
    %get3A_55 = arith.constant 0 : index
    %get3A_56 = arith.constant 0 : index
    %get3A_57 = vector.load %arg8[%get3A_55, %get3A_56] : memref<1x128xf32, #tpu.memory_space<vmem>>, vector<1x128xf32>
    %add3A_58 = vector.broadcast %get3A_57 : vector<1x128xf32> to vector<1000x128xf32>
    %add3A_59 = arith.addf %add3A_54, %add3A_58 : vector<1000x128xf32>
    %max3A_60 = arith.constant 0.000000e+00 : f32
    %max3A_61 = vector.broadcast %max3A_60 : f32 to vector<1000x128xf32>
    %max3A_62 = arith.maximumf %add3A_59, %max3A_61 : vector<1000x128xf32>
    %get3A_63 = arith.constant 0 : index
    %get3A_64 = arith.constant 0 : index
    %get3A_65 = vector.load %arg9[%get3A_63, %get3A_64] : memref<128x128xf32, #tpu.memory_space<vmem>>, vector<128x128xf32>
    %dot_general3A_66 = arith.constant dense<0.000000e+00> : vector<1000x128xf32>
    %dot_general3A_67 = tpu.matmul %max3A_62, %get3A_65, %dot_general3A_66 {dimension_numbers = #tpu.dot_dimension_numbers<[1], [1], [0], [0], [0, 0, 1, 0], [], []>, transpose_lhs_hint = false} : vector<1000x128xf32>, vector<128x128xf32>, vector<1000x128xf32> -> vector<1000x128xf32>
    %get3A_68 = arith.constant 0 : index
    %get3A_69 = arith.constant 0 : index
    %get3A_70 = vector.load %arg10[%get3A_68, %get3A_69] : memref<1x128xf32, #tpu.memory_space<vmem>>, vector<1x128xf32>
    %add3A_71 = vector.broadcast %get3A_70 : vector<1x128xf32> to vector<1000x128xf32>
    %add3A_72 = arith.addf %dot_general3A_67, %add3A_71 : vector<1000x128xf32>
    %max3A_73 = arith.constant 0.000000e+00 : f32
    %max3A_74 = vector.broadcast %max3A_73 : f32 to vector<1000x128xf32>
    %max3A_75 = arith.maximumf %add3A_72, %max3A_74 : vector<1000x128xf32>
    %get3A_76 = arith.constant 0 : index
    %get3A_77 = arith.constant 0 : index
    %get3A_78 = vector.load %arg11[%get3A_76, %get3A_77] : memref<1x128xf32, #tpu.memory_space<vmem>>, vector<1x128xf32>
    %mul3A_79 = vector.broadcast %get3A_78 : vector<1x128xf32> to vector<1000x128xf32>
    %mul3A_80 = arith.mulf %max3A_75, %mul3A_79 : vector<1000x128xf32>
    %reduce_sum3A = arith.constant dense<0.000000e+00> : vector<1000xf32>
    %reduce_sum3A_81 = vector.multi_reduction <add>, %mul3A_80, %reduce_sum3A [1] : vector<1000x128xf32> to vector<1000xf32>
    %broadcast_in_dim3A = vector.shape_cast %reduce_sum3A_81 : vector<1000xf32> to vector<1000x1xf32>
    %get3A_82 = arith.constant 0 : index
    %get3A_83 = arith.constant 0 : index
    %get3A_84 = vector.load %arg12[%get3A_82, %get3A_83] : memref<1x1xf32, #tpu.memory_space<vmem>>, vector<1x1xf32>
    %get3A_85 = vector.extract %get3A_84[0, 0] : f32 from vector<1x1xf32>
    %add3A_86 = vector.broadcast %get3A_85 : f32 to vector<1000x1xf32>
    %add3A_87 = arith.addf %broadcast_in_dim3A, %add3A_86 : vector<1000x1xf32>
    %iota3A = tpu.iota {dimensions = array<i32: 1>} : vector<1000x128xi32>
    %eq3A = arith.constant 0 : i32
    %eq3A_88 = vector.broadcast %eq3A : i32 to vector<1000x128xi32>
    %eq3A_89 = arith.cmpi eq, %iota3A, %eq3A_88 : vector<1000x128xi32>
    %jit3A = arith.constant 0.000000e+00 : f32
    %broadcast_in_dim3A_90 = vector.shape_cast %slice3A : vector<1000x1xf32> to vector<1000x1xf32>
    %broadcast_in_dim3A_91 = vector.broadcast %broadcast_in_dim3A_90 : vector<1000x1xf32> to vector<1000x128xf32>
    %broadcast_in_dim3A_92 = vector.broadcast %jit3A : f32 to vector<1000x128xf32>
    %select_n3A = arith.select %eq3A_89, %broadcast_in_dim3A_91, %broadcast_in_dim3A_92 : vector<1000x128xi1>, vector<1000x128xf32>
    %eq3A_93 = arith.constant 1 : i32
    %eq3A_94 = vector.broadcast %eq3A_93 : i32 to vector<1000x128xi32>
    %eq3A_95 = arith.cmpi eq, %iota3A, %eq3A_94 : vector<1000x128xi32>
    %jit3A_96 = arith.constant 0.000000e+00 : f32
    %broadcast_in_dim3A_97 = vector.shape_cast %add3A_87 : vector<1000x1xf32> to vector<1000x1xf32>
    %broadcast_in_dim3A_98 = vector.broadcast %broadcast_in_dim3A_97 : vector<1000x1xf32> to vector<1000x128xf32>
    %broadcast_in_dim3A_99 = vector.broadcast %jit3A_96 : f32 to vector<1000x128xf32>
    %select_n3A_100 = arith.select %eq3A_95, %broadcast_in_dim3A_98, %broadcast_in_dim3A_99 : vector<1000x128xi1>, vector<1000x128xf32>
    %add3A_101 = arith.addf %select_n3A, %select_n3A_100 : vector<1000x128xf32>
    %eq3A_102 = arith.constant 2 : i32
    %eq3A_103 = vector.broadcast %eq3A_102 : i32 to vector<1000x128xi32>
    %eq3A_104 = arith.cmpi eq, %iota3A, %eq3A_103 : vector<1000x128xi32>
    %jit3A_105 = arith.constant 0.000000e+00 : f32
    %broadcast_in_dim3A_106 = vector.shape_cast %slice3A_41 : vector<1000x1xf32> to vector<1000x1xf32>
    %broadcast_in_dim3A_107 = vector.broadcast %broadcast_in_dim3A_106 : vector<1000x1xf32> to vector<1000x128xf32>
    %broadcast_in_dim3A_108 = vector.broadcast %jit3A_105 : f32 to vector<1000x128xf32>
    %select_n3A_109 = arith.select %eq3A_104, %broadcast_in_dim3A_107, %broadcast_in_dim3A_108 : vector<1000x128xi1>, vector<1000x128xf32>
    %add3A_110 = arith.addf %add3A_101, %select_n3A_109 : vector<1000x128xf32>
    %reduce_sum3A_111 = arith.constant dense<0.000000e+00> : vector<128xf32>
    %reduce_sum3A_112 = vector.multi_reduction <add>, %add3A_110, %reduce_sum3A_111 [0] : vector<1000x128xf32> to vector<128xf32>
    %broadcast_in_dim3A_113 = vector.shape_cast %reduce_sum3A_112 : vector<128xf32> to vector<1x128xf32>
    %mul3A_114 = arith.constant 9.99999974E-5 : f32
    %mul3A_115 = vector.broadcast %mul3A_114 : f32 to vector<1x128xf32>
    %mul3A_116 = arith.mulf %broadcast_in_dim3A_113, %mul3A_115 : vector<1x128xf32>
    %iota3A_117 = tpu.iota {dimensions = array<i32: 0>} : vector<8x128xi32>
    %eq3A_118 = arith.constant 0 : i32
    %eq3A_119 = vector.broadcast %eq3A_118 : i32 to vector<8x128xi32>
    %eq3A_120 = arith.cmpi eq, %iota3A_117, %eq3A_119 : vector<8x128xi32>
    %jit3A_121 = arith.constant 0.000000e+00 : f32
    %broadcast_in_dim3A_122 = vector.shape_cast %mul3A_116 : vector<1x128xf32> to vector<1x128xf32>
    %broadcast_in_dim3A_123 = vector.broadcast %broadcast_in_dim3A_122 : vector<1x128xf32> to vector<8x128xf32>
    %broadcast_in_dim3A_124 = vector.broadcast %jit3A_121 : f32 to vector<8x128xf32>
    %select_n3A_125 = arith.select %eq3A_120, %broadcast_in_dim3A_123, %broadcast_in_dim3A_124 : vector<8x128xi1>, vector<8x128xf32>
    %eq3A_126 = arith.constant 0 : i32
    %eq3A_127 = arith.cmpi eq, %arg0, %eq3A_126 : i32
    %convert_element_type3A = arith.extui %eq3A_127 : i1 to i32
    %cond3A = arith.constant 0 : i32
    %cond3A_128 = arith.cmpi ne, %convert_element_type3A, %cond3A : i32
    scf.if %cond3A_128 {
      %broadcast_in_dim3A_135 = arith.constant 0.000000e+00 : f32
      %broadcast_in_dim3A_136 = vector.broadcast %broadcast_in_dim3A_135 : f32 to vector<8x128xf32>
      %swap3A_137 = arith.constant 0 : index
      %swap3A_138 = arith.constant 0 : index
      %swap3A_139 = vector.load %arg13[%swap3A_137, %swap3A_138] : memref<8x128xf32, #tpu.memory_space<vmem>>, vector<8x128xf32>
      tpu.vector_store %arg13[%swap3A_137, %swap3A_138], %broadcast_in_dim3A_136 {strides = array<i32>} : memref<8x128xf32, #tpu.memory_space<vmem>>, vector<8x128xf32>,
    } else {
    }
    %get3A_129 = arith.constant 0 : index
    %get3A_130 = arith.constant 0 : index
    %get3A_131 = vector.load %arg13[%get3A_129, %get3A_130] : memref<8x128xf32, #tpu.memory_space<vmem>>, vector<8x128xf32>
    %add3A_132 = arith.addf %get3A_131, %select_n3A_125 : vector<8x128xf32>
    %swap3A = arith.constant 0 : index
    %swap3A_133 = arith.constant 0 : index
    %swap3A_134 = vector.load %arg13[%swap3A, %swap3A_133] : memref<8x128xf32, #tpu.memory_space<vmem>>, vector<8x128xf32>
    tpu.vector_store %arg13[%swap3A, %swap3A_133], %add3A_132 {strides = array<i32>} : memref<8x128xf32, #tpu.memory_space<vmem>>, vector<8x128xf32>,
    return
  }
  func.func @transform_0(%arg0: i32) -> (i32, i32, i32) {
    %c0_i32 = arith.constant 0 : i32
    %c0_i32_0 = arith.constant 0 : i32
    %c0_i32_1 = arith.constant 0 : i32
    return %c0_i32, %arg0, %c0_i32_0 : i32, i32, i32
  }
  func.func @transform_1(%arg0: i32) -> (i32, i32, i32) {
    %c0_i32 = arith.constant 0 : i32
    %c0_i32_0 = arith.constant 0 : i32
    %c0_i32_1 = arith.constant 0 : i32
    return %c0_i32, %arg0, %c0_i32_0 : i32, i32, i32
  }
  func.func @transform_2(%arg0: i32) -> (i32, i32) {
    %c0_i32 = arith.constant 0 : i32
    %c0_i32_0 = arith.constant 0 : i32
    return %arg0, %c0_i32 : i32, i32
  }
  func.func @transform_3(%arg0: i32) -> (i32, i32) {
    %c0_i32 = arith.constant 0 : i32
    %c0_i32_0 = arith.constant 0 : i32
    %c0_i32_1 = arith.constant 0 : i32
    return %c0_i32, %c0_i32_0 : i32, i32
  }
  func.func @transform_4(%arg0: i32) -> (i32, i32) {
    %c0_i32 = arith.constant 0 : i32
    %c0_i32_0 = arith.constant 0 : i32
    %c0_i32_1 = arith.constant 0 : i32
    return %c0_i32, %c0_i32_0 : i32, i32
  }
  func.func @transform_5(%arg0: i32) -> (i32, i32) {
    %c0_i32 = arith.constant 0 : i32
    %c0_i32_0 = arith.constant 0 : i32
    %c0_i32_1 = arith.constant 0 : i32
    return %c0_i32, %c0_i32_0 : i32, i32
  }
  func.func @transform_6(%arg0: i32) -> (i32, i32) {
    %c0_i32 = arith.constant 0 : i32
    %c0_i32_0 = arith.constant 0 : i32
    %c0_i32_1 = arith.constant 0 : i32
    return %c0_i32, %c0_i32_0 : i32, i32
  }
  func.func @transform_7(%arg0: i32) -> (i32, i32) {
    %c0_i32 = arith.constant 0 : i32
    %c0_i32_0 = arith.constant 0 : i32
    %c0_i32_1 = arith.constant 0 : i32
    return %c0_i32, %c0_i32_0 : i32, i32
  }
  func.func @transform_8(%arg0: i32) -> (i32, i32) {
    %c0_i32 = arith.constant 0 : i32
    %c0_i32_0 = arith.constant 0 : i32
    %c0_i32_1 = arith.constant 0 : i32
    return %c0_i32, %c0_i32_0 : i32, i32
  }
  func.func @transform_9(%arg0: i32) -> (i32, i32) {
    %c0_i32 = arith.constant 0 : i32
    %c0_i32_0 = arith.constant 0 : i32
    %c0_i32_1 = arith.constant 0 : i32
    return %c0_i32, %c0_i32_0 : i32, i32
  }
  func.func @transform_10(%arg0: i32) -> (i32, i32) {
    %c0_i32 = arith.constant 0 : i32
    %c0_i32_0 = arith.constant 0 : i32
    %c0_i32_1 = arith.constant 0 : i32
    return %c0_i32, %c0_i32_0 : i32, i32
  }
  func.func @transform_11(%arg0: i32) -> (i32, i32) {
    %c0_i32 = arith.constant 0 : i32
    %c0_i32_0 = arith.constant 0 : i32
    %c0_i32_1 = arith.constant 0 : i32
    return %c0_i32, %c0_i32_0 : i32, i32
  }
  func.func @transform_12(%arg0: i32) -> (i32, i32) {
    %c0_i32 = arith.constant 0 : i32
    %c0_i32_0 = arith.constant 0 : i32
    %c0_i32_1 = arith.constant 0 : i32
    return %c0_i32, %c0_i32_0 : i32, i32
  }
}

</mosaic_0001>

<sc_bundles>
// kernel: sc_degree_cnt.3.cloned.1.call-start
scs
__scs_entry_jumppad:
0x0: {  	(pc) =	sbr.rel $0x88, $3  }
0x1: {  	(tag) =	ssettag $0x0;
	lr =	simm.s32 $0x1  }
0x2: {  	[smem:$0x3F8E] =	sst lr;
	_ =	strace $0xD0000000  }
0x3: {  	_ = 	snop  }
0x4: {  	_ = 	snop  }
0x5: {  	_ = 	snop  }
0x6: {  	_ = 	snop  }
0x7: {  	_ = 	snop  }
__scs_overlays_trampoline_lowered:
0x8: {  	[smem:$0x3F9D] =	sst s0  }
0x9: {  	[smem:$0x3F9E] =	sst s1  }
0xa: {  	[smem:$0x3F9F] =	sst s2  }
0xb: {  	[smem:$0x3FA0] =	sst s3  }
0xc: {  	[smem:$0x3FA1] =	sst s4  }
0xd: {  	[smem:$0x3FA2] =	sst s5  }
0xe: {  	[smem:$0x3FA3] =	sst s6  }
0xf: {  	[smem:$0x3FA4] =	sst s7  }
0x10: {  	[smem:$0x3FA5] =	sst s8  }
0x11: {  	[smem:$0x3FA6] =	sst s9;
	s0 =	simm.s32 @!p0 $0x0  }
0x12: {  	s1 =	sld [smem:$0x3F8C];
	s0 =	simm.s32 @p0 $0x1  }
0x13: {  	[smem:$0x3FA7] =	sst s0;
	s0 =	simm.s32 @!p1 $0x0  }
0x14: {  	s2 =	sld [smem:$0x3F8B];
	s0 =	simm.s32 @p1 $0x1  }
0x15: {  	[smem:$0x3FA8] =	sst s0;
	s0 =	simm.s32 @!p2 $0x0  }
0x16: {  	s3 =	sld [smem:$0x3FDB];
	s0 =	simm.s32 @p2 $0x1  }
0x17: {  	s4 =	simm.s32 $0x1BF5;
	[smem:$0x3FAA] =	sst s0  }
0x18: {  	s0 =	sld [smem:$0x3F8D];
	_ =	swait.ge [sflag:s4], $0x0  }
0x19: {  	s7 =	sld [smem:$0x3F8E]  }
0x1a: {  	s8 =	sadd.s32 $0xFFFFE003, lr  }
0x1b: {  	s9 =	sadd.s32 $0xFFFFFEF7, lr;
	s5 =	simm.s32 $0xFFFFFFFF;
	p2 =	slt.u32 s8, $0xFFFFF086  }
0x1c: {  	p1 =	slt.u32 s9, $0xF7A;
	s5 =	simm.s32 @!p2 $0x0  }
0x1d: {  	s5 =	simm.s32 @p1 $0x1;
	p0 =	seq.s32 s7, s2  }
0x1e: {  	s7 =	smul.u32 @!p0 $0xF7A, s2;
	p2 =	seq.s32 @!p0 s5, $0x0  }
0x1f: {  	s9 =	smul.u32 $0xF7A, s1;
	s8 =	simm.s32 @!p0 $0x1BF5;
	p2 =	por !p2, p0  }
0x20: {  	[sflag:s8] =	ssyncset.s32 @!p0 $0xFFFFF086;
	s6 =	sadd.s32 @!p0 s3, s7;
	s7 =	simm.s32 @!p0 $0x108  }
0x21: {  	s3 =	sadd.s32 s3, s9;
	s6 =	sadd.s32 @!p0 $0x88, s6;
	s7 =	simm.s32 @p2 $0x1082  }
0x22: {  	[simem:s7], [sflag:s8] =	dma.local @!p0 [hbm:s6], $0xF7A  }
0x23: {  	s9 =	sor.u32 $0xD0000000, s2;
	s6 =	simm.s32 $0x108;
	_ =	swait.ge @!p0 [sflag:s8], $0x0  }
0x24: {  	s3 =	sadd.s32 $0x88, s3;
	s6 =	simm.s32 @!p1 $0x1082;
	[sflag:s4] =	ssyncset.s32 $0xFFFFF086  }
0x25: {  	[simem:s6], [sflag:s4] =	dma.local [hbm:s3], $0xF7A  }
0x26: {  	[smem:$0x3F8E] =	sst s1;
	(tag) =	ssettag s2;
	_ =	strace s9  }
0x27: {  	s1 =	sld [smem:$0x3F9E]  }
0x28: {  	s2 =	sld [smem:$0x3F9F]  }
0x29: {  	s4 =	sld [smem:$0x3FA1]  }
0x2a: {  	p0 =	seq.s32 s5, $0x0;
	s5 =	sld [smem:$0x3FA2]  }
0x2b: {  	s6 =	sld [smem:$0x3FA3]  }
0x2c: {  	s7 =	sld [smem:$0x3FA4]  }
0x2d: {  	s3 =	simm.s32 $0x108;
	s8 =	sld [smem:$0x3FA5]  }
0x2e: {  	s3 =	simm.s32 @!p0 $0x1082;
	s9 =	sld [smem:$0x3FA6]  }
0x2f: {  	lr =	sadd.s32 s0, s3;
	s0 =	sld [smem:$0x3F9D]  }
0x30: {  	s3 =	sld [smem:$0x3FA0]  }
0x31: {  	[smem:$0x3FA9] =	sst s10  }
0x32: {  	s10 =	sld [smem:$0x3FA7];
	_ =	sdelay $0x3  }
0x33: {  	p0 =	seq.s32 s10, $0x1;
	s10 =	sld [smem:$0x3FA9];
	_ =	sdelay $0x3  }
0x34: {  	[smem:$0x3FA9] =	sst s10  }
0x35: {  	s10 =	sld [smem:$0x3FA8];
	_ =	sdelay $0x3  }
0x36: {  	p1 =	seq.s32 s10, $0x1;
	s10 =	sld [smem:$0x3FA9];
	_ =	sdelay $0x3  }
0x37: {  	[smem:$0x3FA9] =	sst s10  }
0x38: {  	s10 =	sld [smem:$0x3FAA]  }
0x39: {  	_ = 	snop;
	(pc) =	sbr.ind lr, $3  }
0x3a: {  	_ = 	snop  }
0x3b: {  	_ = 	snop  }
0x3c: {  	p2 =	seq.s32 s10, $0x1;
	s10 =	sld [smem:$0x3FA9]  }
0x3d: {  	_ =	shalt  }
0x3e: {  	_ =	shalt  }
0x3f: {  	_ =	shalt  }
0x40: {  	_ =	shalt  }
0x41: {  	_ =	shalt  }
0x42: {  	_ =	shalt  }
0x43: {  	_ =	shalt  }
0x44: {  	_ =	shalt  }
0x45: {  	_ =	shalt  }
0x46: {  	_ =	shalt  }
0x47: {  	_ =	shalt  }
0x48: {  	_ =	shalt  }
0x49: {  	_ =	shalt  }
0x4a: {  	_ =	shalt  }
0x4b: {  	_ =	shalt  }
0x4c: {  	_ =	shalt  }
0x4d: {  	_ =	shalt  }
0x4e: {  	_ =	shalt  }
0x4f: {  	_ =	shalt  }
0x50: {  	_ =	shalt  }
0x51: {  	_ =	shalt  }
0x52: {  	_ =	shalt  }
0x53: {  	_ =	shalt  }
0x54: {  	_ =	shalt  }
0x55: {  	_ =	shalt  }
0x56: {  	_ =	shalt  }
0x57: {  	_ =	shalt  }
0x58: {  	_ =	shalt  }
0x59: {  	_ =	shalt  }
0x5a: {  	_ =	shalt  }
0x5b: {  	_ =	shalt  }
0x5c: {  	_ =	shalt  }
0x5d: {  	_ =	shalt  }
0x5e: {  	_ =	shalt  }
0x5f: {  	_ =	shalt  }
0x60: {  	_ =	shalt  }
0x61: {  	_ =	shalt  }
0x62: {  	_ =	shalt  }
0x63: {  	_ =	shalt  }
0x64: {  	_ =	shalt  }
0x65: {  	_ =	shalt  }
0x66: {  	_ =	shalt  }
0x67: {  	_ =	shalt  }
0x68: {  	_ =	shalt  }
0x69: {  	_ =	shalt  }
0x6a: {  	_ =	shalt  }
0x6b: {  	_ =	shalt  }
0x6c: {  	_ =	shalt  }
0x6d: {  	_ =	shalt  }
0x6e: {  	_ =	shalt  }
0x6f: {  	_ =	shalt  }
0x70: {  	_ =	shalt  }
0x71: {  	_ =	shalt  }
0x72: {  	_ =	shalt  }
0x73: {  	_ =	shalt  }
0x74: {  	_ =	shalt  }
0x75: {  	_ =	shalt  }
0x76: {  	_ =	shalt  }
0x77: {  	_ =	shalt  }
0x78: {  	_ =	shalt  }
0x79: {  	_ =	shalt  }
0x7a: {  	_ =	shalt  }
0x7b: {  	_ =	shalt  }
0x7c: {  	_ =	shalt  }
0x7d: {  	_ =	shalt  }
0x7e: {  	_ =	shalt  }
0x7f: {  	_ =	shalt  }
0x80: {  	_ =	shalt  }
0x81: {  	_ =	shalt  }
0x82: {  	_ =	shalt  }
0x83: {  	_ =	shalt  }
0x84: {  	_ =	shalt  }
0x85: {  	_ =	shalt  }
0x86: {  	_ =	shalt  }
0x87: {  	_ =	shalt  }
.Lfunc_end0:
.L_simem_size_0:
called_computation_lowered:
.L_overlay_start_0:
0x88: {  	s2 =	sld [smem:$0x3FD9]  }
0x89: {  	s3 =	sld [smem:$0x3FFE];
	_ =	sdelay $0x1  }
0x8a: {  	s1 =	srdreg.scid  }
0x8b: {  	s0 =	sand.u32 $0x1, s1  }
0x8c: {  	s16 =	sshll.u32 s0, $0xA;
	s2 =	sadd.s32 s3, s2  }
0x8d: {  	s2 =	sadd.s32 s2, s16  }
0x8e: {  	[smem:$0x3FB5] =	sst s2  }
0x8f: {  	_ = 	snop  }
0x90: {  	(tm) =	ssettm $0x1  }
0x91: {  	s17 =	sld [smem:$0x3FFB];
	_ =	sdelay $0x3  }
0x92: {  	_ =	strace s17  }
0x93: {  	s2 =	sld [smem:$0x3FFC];
	_ =	sdelay $0x3  }
0x94: {  	_ =	strace s2  }
0x95: {  	s2 =	sld [smem:$0x3FFD];
	_ =	sdelay $0x3  }
0x96: {  	_ =	strace s2  }
0x97: {  	_ =	strace $0x8FFFFFFF  }
0x98: {  	s18 =	sld [smem:$0x3FDB];
	_ =	sdelay $0x1  }
0x99: {  	s19 =	simm.s32 $_scs_section_size  }
0x9a: {  	s4 =	simm.s32 $_size__tile_overlayer_lowered;
	s5 =	simm.s32 $_tile_overlayer_lowered  }
0x9b: {  	s22 =	simm.s32 $0x1BFF;
	s21 =	sshll.u32 s5, $0x1;
	s2 =	sadd.s32 s19, s18  }
0x9c: {  	s6 =	simm.s32 $0x0;
	s20 =	sshll.u32 s4, $0x1;
	s4 =	sadd.s32 s21, s2  }
0x9d: {  	[timem:s6], [sflag:s22] =	dma.local [hbm:s4], s20  }
0x9e: {  	_ =	swait.ge [sflag:s22], s20  }
0x9f: {  	s3 =	ssub.s32 $0x0, s20;
	[sflag:s22] =	ssyncset.done $0x0  }
0xa0: {  	[sflag:s22] =	ssyncadd.s32 s3;
	_ =	sdelay $0x1  }
0xa1: {  	s23 =	simm.s32 $0x1B8B  }
0xa2: {  	_ =	swait.ge [sflag:s23], $0x1  }
0xa3: {  	[sflag:s23] =	ssyncset.done $0x0  }
0xa4: {  	s25 =	simm.s32 $0x1B8E;
	s24 =	sld [smem:$0x3FFE];
	[sflag:s23] =	ssyncadd.s32 $0xFFFFFFFF  }
0xa5: {  	s26 =	simm.s32 $execute0_lowered;
	[smem:$0x3FD2] =	sst s25  }
0xa6: {  	s4 =	sshll.u32 s26, $0x1;
	_ =	strace $0x80000046;
	[dreg:$0x1] =	wrdreg $0xFFFFFFFF  }
0xa7: {  	s28 =	simm.s32 $_size_execute0_lowered;
	s2 =	sadd.s32 s2, s4;
	[dreg:$0x0] =	wrdreg $0x0  }
0xa8: {  	s4 =	sshll.u32 s28, $0x1;
	[dreg:$0x2] =	wrdreg s2  }
0xa9: {  	[dreg:$0x3] =	wrdreg s4  }
0xaa: {  	[dreg:$0x4] =	wrdreg $0xC0  }
0xab: {  	_ =	task [dreg:s6], $0x5FFFF  }
0xac: {  	[dreg:$0x1] =	wrdreg $0xFFFFFFFF  }
0xad: {  	[dreg:$0x0] =	wrdreg $0x60  }
0xae: {  	[dreg:$0x2] =	wrdreg s24  }
0xaf: {  	[dreg:$0x3] =	wrdreg $0x0  }
0xb0: {  	[dreg:$0x4] =	wrdreg $0x9  }
0xb1: {  	_ =	task.clear_ibuf [dreg:s6], $0x5FFFF;
	_ =	strace $0x90000046  }
0xb2: {  	s29 =	simm.s32 $0x9;
	_ =	strace $0x80000048  }
0xb3: {  	_ =	swait.ge [sflag:s29], $0x1  }
0xb4: {  	[sflag:s29] =	ssyncadd.s32 $0xFFFFFFFF  }
0xb5: {  	_ =	strace $0x90000048  }
0xb6: {  	_ =	sfence  }
0xb7: {  	s30 =	sld [smem:$0x0];
	_ =	sdelay $0x2  }
0xb8: {  	s31 =	sshll.u32 s1, $0xD;
	s1 =	sshrl.u32 s1, $0x2  }
0xb9: {  	s3 =	sand.u32 $0x4000, s31;
	s1 =	sadd.s32 s1, s30  }
0xba: {  	s0 =	sor.u32 s3, s0;
	s1 =	sshll.u32 s1, $0x11  }
0xbb: {  	s0 =	sor.u32 s1, s0  }
0xbc: {  	s0 =	sadd.s32 $0x8F2B, s0  }
0xbd: {  	[sflag:s0] =	ssyncadd.remote.s32 $0x1  }
0xbe: {  	_ =	sfence.sel $0xFFFF  }
0xbf: {  	[dreg:$0x0] =	wrdreg $0xFFFFFFFF;
	(pc) =	sbr.abs _section_cstart, $3  }
0xc0: {  	[dreg:$0x1] =	wrdreg $0xFFFFFFFF  }
0xc1: {  	_ =	task.clear_ibuf [dreg:s6], $0x2FFFF;
	_ =	strace $0x9FFFFFFF  }
0xc2: {  	(tm) =	ssettm $0x7FFFFFFF  }
0xc3: {  	_ =	shalt  }
tec
execute0_lowered:
.L_overlay_start_1:
0x0: {  	(tag) =	ssettag $0x1  }
0x1: {  	s6 =	rddreg [dreg:$0x0]  }
0x2: {  	s2 =	rddreg [dreg:$0x1]  }
0x3: {  	s0 =	rddreg [dreg:$0x2]  }
0x4: {  	s3 =	simm.s32 $0x0;
	s1 =	stileid.u32;
	s4 =	srdreg.scid  }
0x5: {  	s18 =	simm.s32 $0x1;
	s19 =	simm.s32 $0x13900;
	s5 =	smul.u32 $0x2780, s1  }
0x6: {  	s20 =	simm.s32 $0x50;
	s21 =	simm.s32 $0x2;
	s10 =	smul.u32 $0x4E200, s1  }
0x7: {  	[smem:$0x7FF] =	sst s3;
	s7 =	sand.u32 $0x1, s4;
	s24 =	smul.u32 $0x13800, s1  }
0x8: {  	s4 =	sadd.s32 $0xD800, s6;
	s12 =	sadd.s32 $0x3F400, s6;
	s15 =	smul.u32 $0x4E000, s1  }
0x9: {  	s25 =	sshll.u32 s1, $0x6;
	s17 =	smul.u32 $0x2710, s1;
	p0 =	sne.s32 s1, $0xF  }
0xa: {  	_ =	strace $0x80000047;
	s8 =	sshll.u32 s7, $0x4;
	s13 =	smul.u32 $0x138800, s7  }
0xb: {  	s11 =	ssub.s32 $0x2, s7;
	s16 =	smul.u32 $0x27100, s7;
	s7 =	sor.u32 $0x1C03, s25  }
0xc: {  	s9 =	sadd.s32 s5, s6;
	s8 =	sor.u32 s1, s8;
	s5 =	sadd.s32 $0x3EE00, s6  }
0xd: {  	s22 =	sshrl.u32 s11, $0x1;
	s23 =	sshrl.u32 s10, $0x2;
	s26 =	sshrl.u32 s15, $0x2  }
0xe: {  	s15 =	simm.s32 $0x3;
	s8 =	smul.u32 $0x2710, s8;
	s11 =	ssub.s32 s11, s22  }
0xf: {  	s14 =	sadd.s32 s23, s2;
	s6 =	sadd.s32 $0x17600, s9;
	s10 =	sadd.s32 s24, s13  }
0x10: {  	s13 =	sshrl.u32 s13, $0x3;
	s28 =	sadd.s32 s17, s16;
	s22 =	sadd.s32 s26, s2  }
0x11: {  	s23 =	sadd.s32 $0x138000, s2;
	s16 =	simm.s32 $0x13880;
	s17 =	simm.s32 $0x13980  }
0x12: {  	s24 =	simm.s32 $0x0;
	s10 =	sshrl.u32 s10, $0x3;
	s29 =	sadd.s32 s12, s13  }
0x13: {  	s30 =	sadd.s32 $0x50, s28;
	s11 =	smax.u32 s11, $0x1;
	s14 =	sshrl.u32 s14, $0x3  }
0x14: {  	s22 =	sshrl.u32 s22, $0x3;
	s23 =	sshrl.u32 @!p0 s23, $0x3;
	s8 =	sshrl.u32 s8, $0x3  }
0x15: {  	s9 =	sadd.s32 s12, s10;
	s10 =	sadd.s32 $0x27000, s29;
	s31 =	sshrl.u32 s30, $0x3  }
0x16: {  	s12 =	sadd.s32 $0xA0, s28;
	s8 =	sadd.s32 s4, s8;
	s13 =	sadd.s32 s31, s4  }
.LBB2_1:
0x17: {  	[spmem:s14], [sflag:s7] =	dma.local [hbm:s6], $0x2710  }
0x18: {  	_ =	swait.ge [sflag:s15], $0x2710  }
0x19: {  	[sflag:s15] =	ssyncset.done $0x0  }
0x1a: {  	[sflag:s15] =	ssyncadd.s32 $0xFFFFD8F0  }
0x1b: {  	[tilespmem:s16], [sflag:$0x1] =	stream.linear.gather [hbm4b:s8+s3], $0x50, $0x38;
	[tilespmem:$0x16180] =	vst v63  }
0x1c: {  	_ = 	snop  }
0x1d: {  	[tilespmem:s17], [sflag:$0x3] =	stream.linear.gather [hbm4b:s5+s3], $0x2800, $0x38;
	[tilespmem:$0x16180] =	vst v63  }
0x1e: {  	_ =	swait.ge [sflag:s15], $0x2800  }
0x1f: {  	[sflag:s15] =	ssyncset.done $0x0  }
0x20: {  	[sflag:s15] =	ssyncadd.s32 $0xFFFFD800  }
0x21: {  	[bflag:$0x0] =	sbarrier.arrive $0xFFFF  }
0x22: {  	_ =	swait.ge [sflag:s18], $0x50  }
0x23: {  	[sflag:s18] =	ssyncset.done $0x0  }
0x24: {  	s25 =	sadd.s32 $0x0, s13;
	[sflag:s18] =	ssyncadd.s32 $0xFFFFFFB0  }
0x25: {  	[tilespmem:s19], [sflag:$0x2] =	stream.linear.gather [hbm4b:s25+s3], $0x50, $0x38;
	[tilespmem:$0x16180] =	vst v63  }
0x26: {  	_ = 	snop  }
0x27: {  	[spmem:s2] =	stream.indirect.scatter.add.f32 [tilespmem:s17], [sflag:$0x3], $0x80, s16, s20, $0xb8;
	[tilespmem:$0x16180] =	vst v63  }
0x28: {  	_ =	swait.ge [sflag:s15], $0x2800  }
0x29: {  	[sflag:s15] =	ssyncset.done $0x0  }
0x2a: {  	[sflag:s15] =	ssyncadd.s32 $0xFFFFD800  }
0x2b: {  	_ =	swait.ge [sflag:s21], $0x50  }
0x2c: {  	s31 =	sshrl.u32 s12, $0x3;
	[sflag:s21] =	ssyncset.done $0x0  }
0x2d: {  	s25 =	sadd.s32 s4, s31;
	[sflag:s21] =	ssyncadd.s32 $0xFFFFFFB0  }
0x2e: {  	[tilespmem:s16], [sflag:$0x1] =	stream.linear.gather [hbm4b:s25+s3], $0x50, $0x38;
	[tilespmem:$0x16180] =	vst v63  }
0x2f: {  	_ = 	snop  }
0x30: {  	[spmem:s2] =	stream.indirect.scatter.add.f32 [tilespmem:s17], [sflag:$0x3], $0x80, s19, s20, $0xb8;
	[tilespmem:$0x16180] =	vst v63  }
0x31: {  	_ =	swait.ge [sflag:s15], $0x2800  }
0x32: {  	s26 =	smov.u32 s12;
	s25 =	simm.s32 $0x14;
	[sflag:s15] =	ssyncset.done $0x0  }
.LBB2_2:
0x33: {  	p1 =	sne.s32 s25, $0x4C4;
	[sflag:s15] =	ssyncadd.s32 $0xFFFFD800;
	s26 =	sadd.s32 $0xA0, s26  }
0x34: {  	s28 =	smov.u32 s25;
	s25 =	sadd.s32 $0x14, s25  }
0x35: {  	_ =	swait.ge [sflag:s18], $0x50  }
0x36: {  	[sflag:s18] =	ssyncset.done $0x0  }
0x37: {  	s28 =	sadd.s32 s28, s13;
	[sflag:s18] =	ssyncadd.s32 $0xFFFFFFB0  }
0x38: {  	[tilespmem:s19], [sflag:$0x2] =	stream.linear.gather [hbm4b:s28+s3], $0x50, $0x38;
	[tilespmem:$0x16180] =	vst v63  }
0x39: {  	_ = 	snop  }
0x3a: {  	[spmem:s2] =	stream.indirect.scatter.add.f32 [tilespmem:s17], [sflag:$0x3], $0x80, s16, s20, $0xb8;
	[tilespmem:$0x16180] =	vst v63  }
0x3b: {  	_ =	swait.ge [sflag:s15], $0x2800  }
0x3c: {  	[sflag:s15] =	ssyncset.done $0x0  }
0x3d: {  	[sflag:s15] =	ssyncadd.s32 $0xFFFFD800  }
0x3e: {  	_ =	swait.ge [sflag:s21], $0x50  }
0x3f: {  	s28 =	sshrl.u32 s26, $0x3;
	[sflag:s21] =	ssyncset.done $0x0  }
0x40: {  	s28 =	sadd.s32 s4, s28;
	[sflag:s21] =	ssyncadd.s32 $0xFFFFFFB0  }
0x41: {  	[tilespmem:s16], [sflag:$0x1] =	stream.linear.gather [hbm4b:s28+s3], $0x50, $0x38;
	[tilespmem:$0x16180] =	vst v63  }
.Ltmp0:
0x42: {  	_ = 	snop;
	(pc) =	sbr.rel @p1 .LBB2_2-.Ltmp0, $4  }
0x43: {  	_ = 	snop  }
0x44: {  	[spmem:s2] =	stream.indirect.scatter.add.f32 [tilespmem:s17], [sflag:$0x3], $0x80, s19, s20, $0xb8;
	[tilespmem:$0x16180] =	vst v63  }
0x45: {  	_ =	swait.ge [sflag:s15], $0x2800  }
0x46: {  	[sflag:s15] =	ssyncset.done $0x0  }
0x47: {  	[sflag:s15] =	ssyncadd.s32 $0xFFFFD800  }
0x48: {  	_ =	swait.ge [sflag:s18], $0x50  }
0x49: {  	[sflag:s18] =	ssyncset.done $0x0  }
0x4a: {  	[sflag:s18] =	ssyncadd.s32 $0xFFFFFFB0  }
0x4b: {  	[spmem:s2] =	stream.indirect.scatter.add.f32 [tilespmem:s17], [sflag:$0x3], $0x80, s16, s20, $0xb8;
	[tilespmem:$0x16180] =	vst v63  }
0x4c: {  	_ =	swait.ge [sflag:s15], $0x2800  }
0x4d: {  	[sflag:s15] =	ssyncset.done $0x0  }
0x4e: {  	[sflag:s15] =	ssyncadd.s32 $0xFFFFD800  }
0x4f: {  	[bflag:$0x0] =	sbarrier.arrive $0xFFFF  }
0x50: {  	[hbm:s9], [sflag:s7] =	dma.local [spmem:s22], $0x2700  }
0x51: {  	s24 =	sadd.s32 $0x1, s24;
	_ =	swait.ge [sflag:s15], $0x2700  }
0x52: {  	p1 =	sne.s32 s24, s11;
	[sflag:s15] =	ssyncset.done $0x0  }
.Ltmp1:
0x53: {  	s25 =	simm.s32 @!p0 $0x3;
	[sflag:s15] =	ssyncadd.s32 $0xFFFFD900;
	(pc) =	sbr.rel @p1 .LBB2_1-.Ltmp1, $4  }
0x54: {  	[hbm:s10], [sflag:s7] =	dma.local @!p0 [spmem:s23], $0x100  }
0x55: {  	_ =	swait.ge @!p0 [sflag:s25], $0x100  }
0x56: {  	[sflag:s25] =	ssyncset.done @!p0 $0x0  }
0x57: {  	[sflag:s25] =	ssyncadd.s32 @!p0 $0xFFFFFF00  }
0x58: {  	_ =	sfence.sel $0x180000  }
0x59: {  	[bflag:$0x0] =	sbarrier.arrive $0xFFFF  }
0x5a: {  	p0 =	sne.s32 s1, $0x0;
	_ =	strace $0x90000047  }
0x5b: {  	s0 =	sadd.s32 @!p0 $0x100000, s0;
	[bflag:$0x2] =	sbarrier.arrive $0xFFFF  }
0x5c: {  	[sflag:s0] =	ssyncadd.tile.s32 @!p0 $0x1;
	_ =	shalt  }
.Lfunc_end2:
_tile_overlayer_lowered:
.L_overlay_start_2:
0x5d: {  	(tag) =	ssettag $0x2  }
0x5e: {  	s0 =	rddreg [dreg:$0x0];
	s2 =	stileid.u32  }
0x5f: {  	s1 =	rddreg [dreg:$0x1];
	p0 =	sne.s32 s2, $0x0  }
0x60: {  	s3 =	rddreg [dreg:$0x2];
	[bflag:$0x3] =	sbarrier.arrive $0xFFFF;
	s2 =	simm.s32 @!p0 $0x1C03  }
0x61: {  	[timem:s3], [sflag:s2] =	dma.local @!p0 [hbm:s0], s1  }
0x62: {  	s0 =	simm.s32 @!p0 $0x3  }
0x63: {  	_ =	swait.ge @!p0 [sflag:s0], s1  }
0x64: {  	s1 =	ssub.s32 @!p0 $0x0, s1;
	[sflag:s0] =	ssyncset.done @!p0 $0x0  }
0x65: {  	[sflag:s0] =	ssyncadd.s32 @!p0 s1  }
0x66: {  	[bflag:$0x3] =	sbarrier.arrive $0xFFFF  }
0x67: {  	_ =	shalt  }

// kernel: sc_edge_scatter.11.cloned.1.call-start
scs
__scs_entry_jumppad:
0x0: {  	(pc) =	sbr.rel $0x88, $3  }
0x1: {  	(tag) =	ssettag $0x0;
	lr =	simm.s32 $0x1  }
0x2: {  	[smem:$0x3F8E] =	sst lr;
	_ =	strace $0xD0000000  }
0x3: {  	_ = 	snop  }
0x4: {  	_ = 	snop  }
0x5: {  	_ = 	snop  }
0x6: {  	_ = 	snop  }
0x7: {  	_ = 	snop  }
__scs_overlays_trampoline_lowered:
0x8: {  	[smem:$0x3F9D] =	sst s0  }
0x9: {  	[smem:$0x3F9E] =	sst s1  }
0xa: {  	[smem:$0x3F9F] =	sst s2  }
0xb: {  	[smem:$0x3FA0] =	sst s3  }
0xc: {  	[smem:$0x3FA1] =	sst s4  }
0xd: {  	[smem:$0x3FA2] =	sst s5  }
0xe: {  	[smem:$0x3FA3] =	sst s6  }
0xf: {  	[smem:$0x3FA4] =	sst s7  }
0x10: {  	[smem:$0x3FA5] =	sst s8  }
0x11: {  	[smem:$0x3FA6] =	sst s9;
	s0 =	simm.s32 @!p0 $0x0  }
0x12: {  	s1 =	sld [smem:$0x3F8C];
	s0 =	simm.s32 @p0 $0x1  }
0x13: {  	[smem:$0x3FA7] =	sst s0;
	s0 =	simm.s32 @!p1 $0x0  }
0x14: {  	s2 =	sld [smem:$0x3F8B];
	s0 =	simm.s32 @p1 $0x1  }
0x15: {  	[smem:$0x3FA8] =	sst s0;
	s0 =	simm.s32 @!p2 $0x0  }
0x16: {  	s3 =	sld [smem:$0x3FDB];
	s0 =	simm.s32 @p2 $0x1  }
0x17: {  	s4 =	simm.s32 $0x1BF5;
	[smem:$0x3FAA] =	sst s0  }
0x18: {  	s0 =	sld [smem:$0x3F8D];
	_ =	swait.ge [sflag:s4], $0x0  }
0x19: {  	s7 =	sld [smem:$0x3F8E]  }
0x1a: {  	s8 =	sadd.s32 $0xFFFFE003, lr  }
0x1b: {  	s9 =	sadd.s32 $0xFFFFFEF7, lr;
	s5 =	simm.s32 $0xFFFFFFFF;
	p2 =	slt.u32 s8, $0xFFFFF086  }
0x1c: {  	p1 =	slt.u32 s9, $0xF7A;
	s5 =	simm.s32 @!p2 $0x0  }
0x1d: {  	s5 =	simm.s32 @p1 $0x1;
	p0 =	seq.s32 s7, s2  }
0x1e: {  	s7 =	smul.u32 @!p0 $0xF7A, s2;
	p2 =	seq.s32 @!p0 s5, $0x0  }
0x1f: {  	s9 =	smul.u32 $0xF7A, s1;
	s8 =	simm.s32 @!p0 $0x1BF5;
	p2 =	por !p2, p0  }
0x20: {  	[sflag:s8] =	ssyncset.s32 @!p0 $0xFFFFF086;
	s6 =	sadd.s32 @!p0 s3, s7;
	s7 =	simm.s32 @!p0 $0x108  }
0x21: {  	s3 =	sadd.s32 s3, s9;
	s6 =	sadd.s32 @!p0 $0x88, s6;
	s7 =	simm.s32 @p2 $0x1082  }
0x22: {  	[simem:s7], [sflag:s8] =	dma.local @!p0 [hbm:s6], $0xF7A  }
0x23: {  	s9 =	sor.u32 $0xD0000000, s2;
	s6 =	simm.s32 $0x108;
	_ =	swait.ge @!p0 [sflag:s8], $0x0  }
0x24: {  	s3 =	sadd.s32 $0x88, s3;
	s6 =	simm.s32 @!p1 $0x1082;
	[sflag:s4] =	ssyncset.s32 $0xFFFFF086  }
0x25: {  	[simem:s6], [sflag:s4] =	dma.local [hbm:s3], $0xF7A  }
0x26: {  	[smem:$0x3F8E] =	sst s1;
	(tag) =	ssettag s2;
	_ =	strace s9  }
0x27: {  	s1 =	sld [smem:$0x3F9E]  }
0x28: {  	s2 =	sld [smem:$0x3F9F]  }
0x29: {  	s4 =	sld [smem:$0x3FA1]  }
0x2a: {  	p0 =	seq.s32 s5, $0x0;
	s5 =	sld [smem:$0x3FA2]  }
0x2b: {  	s6 =	sld [smem:$0x3FA3]  }
0x2c: {  	s7 =	sld [smem:$0x3FA4]  }
0x2d: {  	s3 =	simm.s32 $0x108;
	s8 =	sld [smem:$0x3FA5]  }
0x2e: {  	s3 =	simm.s32 @!p0 $0x1082;
	s9 =	sld [smem:$0x3FA6]  }
0x2f: {  	lr =	sadd.s32 s0, s3;
	s0 =	sld [smem:$0x3F9D]  }
0x30: {  	s3 =	sld [smem:$0x3FA0]  }
0x31: {  	[smem:$0x3FA9] =	sst s10  }
0x32: {  	s10 =	sld [smem:$0x3FA7];
	_ =	sdelay $0x3  }
0x33: {  	p0 =	seq.s32 s10, $0x1;
	s10 =	sld [smem:$0x3FA9];
	_ =	sdelay $0x3  }
0x34: {  	[smem:$0x3FA9] =	sst s10  }
0x35: {  	s10 =	sld [smem:$0x3FA8];
	_ =	sdelay $0x3  }
0x36: {  	p1 =	seq.s32 s10, $0x1;
	s10 =	sld [smem:$0x3FA9];
	_ =	sdelay $0x3  }
0x37: {  	[smem:$0x3FA9] =	sst s10  }
0x38: {  	s10 =	sld [smem:$0x3FAA]  }
0x39: {  	_ = 	snop;
	(pc) =	sbr.ind lr, $3  }
0x3a: {  	_ = 	snop  }
0x3b: {  	_ = 	snop  }
0x3c: {  	p2 =	seq.s32 s10, $0x1;
	s10 =	sld [smem:$0x3FA9]  }
0x3d: {  	_ =	shalt  }
0x3e: {  	_ =	shalt  }
0x3f: {  	_ =	shalt  }
0x40: {  	_ =	shalt  }
0x41: {  	_ =	shalt  }
0x42: {  	_ =	shalt  }
0x43: {  	_ =	shalt  }
0x44: {  	_ =	shalt  }
0x45: {  	_ =	shalt  }
0x46: {  	_ =	shalt  }
0x47: {  	_ =	shalt  }
0x48: {  	_ =	shalt  }
0x49: {  	_ =	shalt  }
0x4a: {  	_ =	shalt  }
0x4b: {  	_ =	shalt  }
0x4c: {  	_ =	shalt  }
0x4d: {  	_ =	shalt  }
0x4e: {  	_ =	shalt  }
0x4f: {  	_ =	shalt  }
0x50: {  	_ =	shalt  }
0x51: {  	_ =	shalt  }
0x52: {  	_ =	shalt  }
0x53: {  	_ =	shalt  }
0x54: {  	_ =	shalt  }
0x55: {  	_ =	shalt  }
0x56: {  	_ =	shalt  }
0x57: {  	_ =	shalt  }
0x58: {  	_ =	shalt  }
0x59: {  	_ =	shalt  }
0x5a: {  	_ =	shalt  }
0x5b: {  	_ =	shalt  }
0x5c: {  	_ =	shalt  }
0x5d: {  	_ =	shalt  }
0x5e: {  	_ =	shalt  }
0x5f: {  	_ =	shalt  }
0x60: {  	_ =	shalt  }
0x61: {  	_ =	shalt  }
0x62: {  	_ =	shalt  }
0x63: {  	_ =	shalt  }
0x64: {  	_ =	shalt  }
0x65: {  	_ =	shalt  }
0x66: {  	_ =	shalt  }
0x67: {  	_ =	shalt  }
0x68: {  	_ =	shalt  }
0x69: {  	_ =	shalt  }
0x6a: {  	_ =	shalt  }
0x6b: {  	_ =	shalt  }
0x6c: {  	_ =	shalt  }
0x6d: {  	_ =	shalt  }
0x6e: {  	_ =	shalt  }
0x6f: {  	_ =	shalt  }
0x70: {  	_ =	shalt  }
0x71: {  	_ =	shalt  }
0x72: {  	_ =	shalt  }
0x73: {  	_ =	shalt  }
0x74: {  	_ =	shalt  }
0x75: {  	_ =	shalt  }
0x76: {  	_ =	shalt  }
0x77: {  	_ =	shalt  }
0x78: {  	_ =	shalt  }
0x79: {  	_ =	shalt  }
0x7a: {  	_ =	shalt  }
0x7b: {  	_ =	shalt  }
0x7c: {  	_ =	shalt  }
0x7d: {  	_ =	shalt  }
0x7e: {  	_ =	shalt  }
0x7f: {  	_ =	shalt  }
0x80: {  	_ =	shalt  }
0x81: {  	_ =	shalt  }
0x82: {  	_ =	shalt  }
0x83: {  	_ =	shalt  }
0x84: {  	_ =	shalt  }
0x85: {  	_ =	shalt  }
0x86: {  	_ =	shalt  }
0x87: {  	_ =	shalt  }
.Lfunc_end0:
.L_simem_size_0:
called_computation.3_lowered:
.L_overlay_start_0:
0x88: {  	s2 =	sld [smem:$0x3FD9]  }
0x89: {  	s3 =	sld [smem:$0x3FFE];
	_ =	sdelay $0x1  }
0x8a: {  	s1 =	srdreg.scid  }
0x8b: {  	s0 =	sand.u32 $0x1, s1  }
0x8c: {  	s16 =	sshll.u32 s0, $0xA;
	s2 =	sadd.s32 s3, s2  }
0x8d: {  	s2 =	sadd.s32 s2, s16  }
0x8e: {  	[smem:$0x3FB5] =	sst s2  }
0x8f: {  	_ = 	snop  }
0x90: {  	(tm) =	ssettm $0x1  }
0x91: {  	s17 =	sld [smem:$0x3FFB];
	_ =	sdelay $0x3  }
0x92: {  	_ =	strace s17  }
0x93: {  	s2 =	sld [smem:$0x3FFC];
	_ =	sdelay $0x3  }
0x94: {  	_ =	strace s2  }
0x95: {  	s2 =	sld [smem:$0x3FFD];
	_ =	sdelay $0x3  }
0x96: {  	_ =	strace s2  }
0x97: {  	_ =	strace $0x8FFFFFFF  }
0x98: {  	s18 =	sld [smem:$0x3FDB];
	_ =	sdelay $0x1  }
0x99: {  	s19 =	simm.s32 $_scs_section_size  }
0x9a: {  	s4 =	simm.s32 $_size__tile_overlayer_lowered;
	s5 =	simm.s32 $_tile_overlayer_lowered  }
0x9b: {  	s22 =	simm.s32 $0x1BFF;
	s21 =	sshll.u32 s5, $0x1;
	s2 =	sadd.s32 s19, s18  }
0x9c: {  	s6 =	simm.s32 $0x0;
	s20 =	sshll.u32 s4, $0x1;
	s4 =	sadd.s32 s21, s2  }
0x9d: {  	[timem:s6], [sflag:s22] =	dma.local [hbm:s4], s20  }
0x9e: {  	_ =	swait.ge [sflag:s22], s20  }
0x9f: {  	s3 =	ssub.s32 $0x0, s20;
	[sflag:s22] =	ssyncset.done $0x0  }
0xa0: {  	[sflag:s22] =	ssyncadd.s32 s3;
	_ =	sdelay $0x1  }
0xa1: {  	s23 =	simm.s32 $0x1B8B  }
0xa2: {  	_ =	swait.ge [sflag:s23], $0x1  }
0xa3: {  	[sflag:s23] =	ssyncset.done $0x0  }
0xa4: {  	s25 =	simm.s32 $0x1B8E;
	s24 =	sld [smem:$0x3FFE];
	[sflag:s23] =	ssyncadd.s32 $0xFFFFFFFF  }
0xa5: {  	s26 =	simm.s32 $execute0_lowered;
	[smem:$0x3FD2] =	sst s25  }
0xa6: {  	s4 =	sshll.u32 s26, $0x1;
	_ =	strace $0x8000004F;
	[dreg:$0x1] =	wrdreg $0xFFFFFFFF  }
0xa7: {  	s28 =	simm.s32 $_size_execute0_lowered;
	s2 =	sadd.s32 s2, s4;
	[dreg:$0x0] =	wrdreg $0x0  }
0xa8: {  	s4 =	sshll.u32 s28, $0x1;
	[dreg:$0x2] =	wrdreg s2  }
0xa9: {  	[dreg:$0x3] =	wrdreg s4  }
0xaa: {  	[dreg:$0x4] =	wrdreg $0xC0  }
0xab: {  	_ =	task [dreg:s6], $0x5FFFF  }
0xac: {  	[dreg:$0x1] =	wrdreg $0xFFFFFFFF  }
0xad: {  	[dreg:$0x0] =	wrdreg $0x60  }
0xae: {  	[dreg:$0x2] =	wrdreg s24  }
0xaf: {  	[dreg:$0x3] =	wrdreg $0x0  }
0xb0: {  	[dreg:$0x4] =	wrdreg $0x9  }
0xb1: {  	_ =	task.clear_ibuf [dreg:s6], $0x5FFFF;
	_ =	strace $0x9000004F  }
0xb2: {  	s29 =	simm.s32 $0x9;
	_ =	strace $0x80000051  }
0xb3: {  	_ =	swait.ge [sflag:s29], $0x1  }
0xb4: {  	[sflag:s29] =	ssyncadd.s32 $0xFFFFFFFF  }
0xb5: {  	_ =	strace $0x90000051  }
0xb6: {  	_ =	sfence  }
0xb7: {  	s30 =	sld [smem:$0x0];
	_ =	sdelay $0x2  }
0xb8: {  	s31 =	sshll.u32 s1, $0xD;
	s1 =	sshrl.u32 s1, $0x2  }
0xb9: {  	s3 =	sand.u32 $0x4000, s31;
	s1 =	sadd.s32 s1, s30  }
0xba: {  	s0 =	sor.u32 s3, s0;
	s1 =	sshll.u32 s1, $0x11  }
0xbb: {  	s0 =	sor.u32 s1, s0  }
0xbc: {  	s0 =	sadd.s32 $0x8F2B, s0  }
0xbd: {  	[sflag:s0] =	ssyncadd.remote.s32 $0x1  }
0xbe: {  	_ =	sfence.sel $0xFFFF  }
0xbf: {  	[dreg:$0x0] =	wrdreg $0xFFFFFFFF;
	(pc) =	sbr.abs _section_cstart, $3  }
0xc0: {  	[dreg:$0x1] =	wrdreg $0xFFFFFFFF  }
0xc1: {  	_ =	task.clear_ibuf [dreg:s6], $0x2FFFF;
	_ =	strace $0x9FFFFFFF  }
0xc2: {  	(tm) =	ssettm $0x7FFFFFFF  }
0xc3: {  	_ =	shalt  }
tec
execute0_lowered:
.L_overlay_start_1:
0x0: {  	(tag) =	ssettag $0x1  }
0x1: {  	s0 =	rddreg [dreg:$0x0]  }
0x2: {  	s1 =	rddreg [dreg:$0x1];
	s3 =	simm.s32 $0x0;
	s13 =	stileid.u32  }
0x3: {  	s2 =	srdreg.scid;
	s28 =	simm.s32 $0xD;
	s5 =	smul.u32 $0x2780, s13  }
0x4: {  	[smem:$0x7FF] =	sst s3;
	s4 =	sadd.s32 $0x8D600, s0;
	s6 =	smul.u32 $0x4E200, s13  }
0x5: {  	s29 =	sadd.s32 $0x3A00, s0;
	s2 =	sand.u32 $0x1, s2;
	s10 =	smul.u32 $0x2710, s13  }
0x6: {  	s31 =	sadd.s32 $0xD800, s0;
	s16 =	sshll.u32 s13, $0x6;
	s24 =	smul.u32 $0x13800, s13  }
0x7: {  	p0 =	sne.s32 s13, $0xF;
	_ =	strace $0x80000050;
	s7 =	sshll.u32 s2, $0x4  }
0x8: {  	s8 =	ssub.s32 $0x2, s2;
	s26 =	sor.u32 $0x1C0D, s16;
	s18 =	smul.u32 $0x27100, s2  }
0x9: {  	s2 =	smul.u32 $0x138800, s2;
	s5 =	sadd.s32 s5, s0;
	s7 =	sor.u32 s13, s7  }
0xa: {  	s9 =	sshrl.u32 s8, $0x1;
	s6 =	sshrl.u32 s6, $0x2;
	s0 =	sadd.s32 $0xB4800, s0  }
0xb: {  	[dreg:$0xa] =	wrdreg s26;
	s7 =	smul.u32 $0x2710, s7;
	s5 =	sadd.s32 $0x17600, s5  }
0xc: {  	s8 =	ssub.s32 s8, s9;
	[dreg:$0x9] =	wrdreg s5;
	s5 =	sadd.s32 s10, s18  }
0xd: {  	s6 =	sadd.s32 s6, s1;
	s7 =	sshrl.u32 s7, $0x3;
	s12 =	sadd.s32 $0x230, s5  }
0xe: {  	s15 =	sadd.s32 $0x1E0, s5;
	s18 =	sadd.s32 $0x190, s5;
	s17 =	sadd.s32 s29, s7  }
0xf: {  	s19 =	sadd.s32 s31, s7;
	s20 =	sadd.s32 $0xA, s7;
	s21 =	sadd.s32 $0x14, s7  }
0x10: {  	s23 =	sadd.s32 $0x1E, s7;
	s30 =	sshrl.u32 s12, $0x3;
	[dreg:$0xb] =	wrdreg s17  }
0x11: {  	s12 =	sadd.s32 s24, s2;
	s24 =	sadd.s32 $0x140, s5;
	[dreg:$0xc] =	wrdreg s19  }
0x12: {  	s16 =	sshrl.u32 s15, $0x3;
	s11 =	sadd.s32 s29, s20;
	[dreg:$0x18] =	wrdreg s24  }
0x13: {  	s2 =	sshrl.u32 s2, $0x3;
	s9 =	sadd.s32 s31, s20;
	[dreg:$0xd] =	wrdreg s11  }
0x14: {  	s7 =	sadd.s32 $0x4D8, s7;
	s22 =	sadd.s32 s29, s21;
	[dreg:$0xe] =	wrdreg s9  }
0x15: {  	s15 =	simm.s32 $0x16480;
	s25 =	sadd.s32 s29, s23;
	[dreg:$0xf] =	wrdreg s22  }
0x16: {  	s10 =	sadd.s32 s31, s23;
	s14 =	sadd.s32 s30, s31;
	[dreg:$0x11] =	wrdreg s25  }
0x17: {  	s17 =	sadd.s32 s16, s31;
	s19 =	smul.u32 $0x4E000, s13;
	[dreg:$0x12] =	wrdreg s10  }
0x18: {  	s23 =	smax.u32 s8, $0x1;
	s8 =	simm.s32 $0x8;
	[dreg:$0x3] =	wrdreg s14  }
0x19: {  	s24 =	simm.s32 $0x1B480;
	s9 =	sadd.s32 s31, s21;
	[dreg:$0x5] =	wrdreg s17  }
0x1a: {  	s10 =	sshrl.u32 s12, $0x3;
	s21 =	sadd.s32 s29, s7;
	[dreg:$0x17] =	wrdreg s23  }
0x1b: {  	s7 =	sadd.s32 s31, s7;
	s25 =	sshrl.u32 s6, $0x3;
	[dreg:$0x10] =	wrdreg s9  }
0x1c: {  	s12 =	simm.s32 $0x13A00;
	s17 =	simm.s32 $0x13A80;
	[dreg:$0x14] =	wrdreg s21  }
0x1d: {  	s14 =	simm.s32 $0xB;
	s10 =	sadd.s32 s0, s10;
	[dreg:$0x15] =	wrdreg s7  }
0x1e: {  	s9 =	sadd.s32 s30, s29;
	s0 =	sadd.s32 s0, s2;
	[dreg:$0x19] =	wrdreg s25  }
0x1f: {  	s2 =	sshrl.u32 s18, $0x3;
	s21 =	simm.s32 $0x2;
	[dreg:$0x13] =	wrdreg s10  }
0x20: {  	s25 =	simm.s32 $0x6;
	[dreg:$0x4] =	wrdreg s9;
	s10 =	sadd.s32 s16, s29  }
0x21: {  	s7 =	simm.s32 $0x0;
	s20 =	sadd.s32 s2, s31;
	[dreg:$0x6] =	wrdreg s10  }
0x22: {  	s9 =	sshrl.u32 s19, $0x2;
	s0 =	sadd.s32 $0x27000, s0;
	[dreg:$0x7] =	wrdreg s20  }
0x23: {  	s2 =	sadd.s32 s2, s29;
	s19 =	simm.s32 $0xC;
	[dreg:$0x16] =	wrdreg s0  }
0x24: {  	s22 =	sadd.s32 s9, s1;
	[dreg:$0x8] =	wrdreg s2;
	s0 =	sadd.s32 $0x138000, s1  }
0x25: {  	s10 =	simm.s32 $0x13980;
	s2 =	simm.s32 $0x50;
	s30 =	sshrl.u32 s22, $0x3  }
0x26: {  	s9 =	simm.s32 $0xA;
	s0 =	sshrl.u32 @!p0 s0, $0x3;
	[dreg:$0x1a] =	wrdreg s30  }
0x27: {  	s22 =	simm.s32 $0x7;
	[dreg:$0x1b] =	wrdreg s0;
	s0 =	simm.s32 $0x9  }
.LBB2_1:
0x28: {  	[dreg:$0x1c] =	wrdreg s7  }
0x29: {  	s5 =	rddreg [dreg:$0x9]  }
0x2a: {  	s6 =	rddreg [dreg:$0x19]  }
0x2b: {  	[spmem:s6], [sflag:s26] =	dma.local [hbm:s5], $0x2710  }
0x2c: {  	_ =	swait.ge [sflag:s28], $0x2710  }
0x2d: {  	[sflag:s28] =	ssyncset.done $0x0  }
0x2e: {  	[sflag:s28] =	ssyncadd.s32 $0xFFFFD8F0  }
0x2f: {  	[bflag:$0x0] =	sbarrier.arrive $0xFFFF  }
0x30: {  	s26 =	simm.s32 $0x13880;
	s16 =	rddreg [dreg:$0xb]  }
0x31: {  	[tilespmem:s26], [sflag:$0x9] =	stream.linear.gather [hbm4b:s16+s3], $0x50, $0x38;
	[tilespmem:$0x1DC80] =	vst v63  }
0x32: {  	s7 =	simm.s32 $0x13900;
	s18 =	rddreg [dreg:$0xc]  }
0x33: {  	[tilespmem:s7], [sflag:$0x9] =	stream.linear.gather [hbm4b:s18+s3], $0x50, $0x38;
	[tilespmem:$0x1DC80] =	vst v63  }
0x34: {  	s20 =	rddreg [dreg:$0xd]  }
0x35: {  	[tilespmem:s10], [sflag:$0xA] =	stream.linear.gather [hbm4b:s20+s3], $0x50, $0x38;
	[tilespmem:$0x1DC80] =	vst v63  }
0x36: {  	s23 =	rddreg [dreg:$0xe]  }
0x37: {  	[tilespmem:s12], [sflag:$0xA] =	stream.linear.gather [hbm4b:s23+s3], $0x50, $0x38;
	[tilespmem:$0x1DC80] =	vst v63  }
0x38: {  	_ =	swait.ge [sflag:s0], $0x50  }
0x39: {  	[sflag:s0] =	ssyncset.done $0x0  }
0x3a: {  	[sflag:s0] =	ssyncadd.s32 $0xFFFFFFB0  }
0x3b: {  	_ =	swait.ge [sflag:s0], $0x50  }
0x3c: {  	[sflag:s0] =	ssyncset.done $0x0  }
0x3d: {  	s13 =	simm.s32 $0x13C80;
	[sflag:s0] =	ssyncadd.s32 $0xFFFFFFB0  }
0x3e: {  	[tilespmem:s13], [sflag:$0x1] =	stream.indirect.gather [hbm4b:s4+s2], $0x80, s26, s2, $0xb8;
	[tilespmem:$0x1DC80] =	vst v63  }
0x3f: {  	_ =	swait.ge [sflag:s9], $0x50  }
0x40: {  	[sflag:s9] =	ssyncset.done $0x0  }
0x41: {  	[sflag:s9] =	ssyncadd.s32 $0xFFFFFFB0  }
0x42: {  	_ =	swait.ge [sflag:s9], $0x50  }
0x43: {  	[sflag:s9] =	ssyncset.done $0x0  }
0x44: {  	s20 =	simm.s32 $0x1;
	[sflag:s9] =	ssyncadd.s32 $0xFFFFFFB0  }
0x45: {  	[tilespmem:s15], [sflag:$0x2] =	stream.indirect.gather [hbm4b:s4+s2], $0x80, s10, s2, $0xb8;
	[tilespmem:$0x1DC80] =	vst v63  }
0x46: {  	_ =	swait.ge [sflag:s20], $0x2800  }
0x47: {  	[sflag:s20] =	ssyncset.done $0x0  }
0x48: {  	[sflag:s20] =	ssyncadd.s32 $0xFFFFD800  }
0x49: {  	[spmem:s1] =	stream.indirect.scatter.add.f32 [tilespmem:s13], [sflag:$0x5], $0x80, s7, s2, $0xb8;
	[tilespmem:$0x1DC80] =	vst v63  }
0x4a: {  	s28 =	rddreg [dreg:$0xf]  }
0x4b: {  	[tilespmem:s17], [sflag:$0xB] =	stream.linear.gather [hbm4b:s28+s3], $0x50, $0x38;
	[tilespmem:$0x1DC80] =	vst v63  }
0x4c: {  	s18 =	simm.s32 $0x13B00;
	s30 =	rddreg [dreg:$0x10]  }
0x4d: {  	[tilespmem:s18], [sflag:$0xB] =	stream.linear.gather [hbm4b:s30+s3], $0x50, $0x38;
	[tilespmem:$0x1DC80] =	vst v63  }
0x4e: {  	_ =	swait.ge [sflag:s14], $0x50  }
0x4f: {  	[sflag:s14] =	ssyncset.done $0x0  }
0x50: {  	[sflag:s14] =	ssyncadd.s32 $0xFFFFFFB0  }
0x51: {  	_ =	swait.ge [sflag:s14], $0x50  }
0x52: {  	[sflag:s14] =	ssyncset.done $0x0  }
0x53: {  	s11 =	simm.s32 $0x18C80;
	[sflag:s14] =	ssyncadd.s32 $0xFFFFFFB0  }
0x54: {  	[tilespmem:s11], [sflag:$0x3] =	stream.indirect.gather [hbm4b:s4+s2], $0x80, s17, s2, $0xb8;
	[tilespmem:$0x1DC80] =	vst v63  }
0x55: {  	_ =	swait.ge [sflag:s21], $0x2800  }
0x56: {  	[sflag:s21] =	ssyncset.done $0x0  }
0x57: {  	[sflag:s21] =	ssyncadd.s32 $0xFFFFD800  }
0x58: {  	[spmem:s1] =	stream.indirect.scatter.add.f32 [tilespmem:s15], [sflag:$0x6], $0x80, s12, s2, $0xb8;
	[tilespmem:$0x1DC80] =	vst v63  }
0x59: {  	s16 =	simm.s32 $0x13B80;
	s6 =	rddreg [dreg:$0x11]  }
0x5a: {  	[tilespmem:s16], [sflag:$0xC] =	stream.linear.gather [hbm4b:s6+s3], $0x50, $0x38;
	[tilespmem:$0x1DC80] =	vst v63  }
0x5b: {  	s30 =	simm.s32 $0x13C00;
	s23 =	rddreg [dreg:$0x12]  }
0x5c: {  	[tilespmem:s30], [sflag:$0xC] =	stream.linear.gather [hbm4b:s23+s3], $0x50, $0x38;
	[tilespmem:$0x1DC80] =	vst v63  }
0x5d: {  	_ =	swait.ge [sflag:s19], $0x50  }
0x5e: {  	[sflag:s19] =	ssyncset.done $0x0  }
0x5f: {  	[sflag:s19] =	ssyncadd.s32 $0xFFFFFFB0  }
0x60: {  	_ =	swait.ge [sflag:s19], $0x50  }
0x61: {  	[sflag:s19] =	ssyncset.done $0x0  }
0x62: {  	s28 =	simm.s32 $0x3;
	s23 =	simm.s32 $0x1B480;
	[sflag:s19] =	ssyncadd.s32 $0xFFFFFFB0  }
0x63: {  	[tilespmem:s23], [sflag:$0x4] =	stream.indirect.gather [hbm4b:s4+s2], $0x80, s16, s2, $0xb8;
	[tilespmem:$0x1DC80] =	vst v63  }
0x64: {  	_ =	swait.ge [sflag:s28], $0x2800  }
0x65: {  	[sflag:s28] =	ssyncset.done $0x0  }
0x66: {  	s6 =	simm.s32 $0x5;
	[sflag:s28] =	ssyncadd.s32 $0xFFFFD800  }
0x67: {  	[spmem:s1] =	stream.indirect.scatter.add.f32 [tilespmem:s11], [sflag:$0x7], $0x80, s18, s2, $0xb8;
	[tilespmem:$0x1DC80] =	vst v63  }
0x68: {  	_ =	swait.ge [sflag:s6], $0x2800  }
0x69: {  	s28 =	rddreg [dreg:$0x18]  }
0x6a: {  	[sflag:s6] =	ssyncset.done $0x0;
	s5 =	sshrl.u32 s28, $0x3  }
0x6b: {  	[sflag:s6] =	ssyncadd.s32 $0xFFFFD800;
	s6 =	sadd.s32 s29, s5  }
0x6c: {  	[tilespmem:s26], [sflag:$0x9] =	stream.linear.gather [hbm4b:s6+s3], $0x50, $0x38;
	[tilespmem:$0x1DC80] =	vst v63  }
0x6d: {  	s5 =	sadd.s32 s31, s5  }
0x6e: {  	[tilespmem:s7], [sflag:$0x9] =	stream.linear.gather [hbm4b:s5+s3], $0x50, $0x38;
	[tilespmem:$0x1DC80] =	vst v63  }
0x6f: {  	_ =	swait.ge [sflag:s0], $0x50  }
0x70: {  	[sflag:s0] =	ssyncset.done $0x0  }
0x71: {  	[sflag:s0] =	ssyncadd.s32 $0xFFFFFFB0  }
0x72: {  	_ =	swait.ge [sflag:s0], $0x50  }
0x73: {  	[sflag:s0] =	ssyncset.done $0x0  }
0x74: {  	s6 =	simm.s32 $0x4;
	[sflag:s0] =	ssyncadd.s32 $0xFFFFFFB0  }
0x75: {  	[tilespmem:s13], [sflag:$0x1] =	stream.indirect.gather [hbm4b:s4+s2], $0x80, s26, s2, $0xb8;
	[tilespmem:$0x1DC80] =	vst v63  }
0x76: {  	_ =	swait.ge [sflag:s6], $0x2800  }
0x77: {  	[sflag:s6] =	ssyncset.done $0x0  }
0x78: {  	[sflag:s6] =	ssyncadd.s32 $0xFFFFD800  }
0x79: {  	[spmem:s1] =	stream.indirect.scatter.add.f32 [tilespmem:s23], [sflag:$0x8], $0x80, s30, s2, $0xb8;
	[tilespmem:$0x1DC80] =	vst v63  }
0x7a: {  	_ =	swait.ge [sflag:s25], $0x2800  }
0x7b: {  	s26 =	rddreg [dreg:$0x8];
	[sflag:s25] =	ssyncset.done $0x0  }
0x7c: {  	s30 =	rddreg [dreg:$0x7];
	[sflag:s25] =	ssyncadd.s32 $0xFFFFD800;
	s5 =	sadd.s32 $0x0, s26  }
0x7d: {  	[tilespmem:s10], [sflag:$0xA] =	stream.linear.gather [hbm4b:s5+s3], $0x50, $0x38;
	[tilespmem:$0x1DC80] =	vst v63  }
0x7e: {  	s6 =	sadd.s32 $0x0, s30  }
0x7f: {  	[tilespmem:s12], [sflag:$0xA] =	stream.linear.gather [hbm4b:s6+s3], $0x50, $0x38;
	[tilespmem:$0x1DC80] =	vst v63  }
0x80: {  	_ =	swait.ge [sflag:s9], $0x50  }
0x81: {  	[sflag:s9] =	ssyncset.done $0x0  }
0x82: {  	[sflag:s9] =	ssyncadd.s32 $0xFFFFFFB0  }
0x83: {  	_ =	swait.ge [sflag:s9], $0x50  }
0x84: {  	[sflag:s9] =	ssyncset.done $0x0  }
0x85: {  	[sflag:s9] =	ssyncadd.s32 $0xFFFFFFB0  }
0x86: {  	[tilespmem:s15], [sflag:$0x2] =	stream.indirect.gather [hbm4b:s4+s2], $0x80, s10, s2, $0xb8;
	[tilespmem:$0x1DC80] =	vst v63  }
0x87: {  	_ =	swait.ge [sflag:s20], $0x2800  }
0x88: {  	[sflag:s20] =	ssyncset.done $0x0  }
0x89: {  	[sflag:s20] =	ssyncadd.s32 $0xFFFFD800  }
0x8a: {  	[spmem:s1] =	stream.indirect.scatter.add.f32 [tilespmem:s13], [sflag:$0x5], $0x80, s7, s2, $0xb8;
	[tilespmem:$0x1DC80] =	vst v63  }
0x8b: {  	_ =	swait.ge [sflag:s22], $0x2800  }
0x8c: {  	s13 =	rddreg [dreg:$0x6];
	[sflag:s22] =	ssyncset.done $0x0  }
0x8d: {  	s20 =	rddreg [dreg:$0x5];
	[sflag:s22] =	ssyncadd.s32 $0xFFFFD800;
	s5 =	sadd.s32 $0x0, s13  }
0x8e: {  	[tilespmem:s17], [sflag:$0xB] =	stream.linear.gather [hbm4b:s5+s3], $0x50, $0x38;
	[tilespmem:$0x1DC80] =	vst v63  }
0x8f: {  	s23 =	sadd.s32 $0x0, s20  }
0x90: {  	[tilespmem:s18], [sflag:$0xB] =	stream.linear.gather [hbm4b:s23+s3], $0x50, $0x38;
	[tilespmem:$0x1DC80] =	vst v63  }
0x91: {  	_ =	swait.ge [sflag:s14], $0x50  }
0x92: {  	[sflag:s14] =	ssyncset.done $0x0  }
0x93: {  	[sflag:s14] =	ssyncadd.s32 $0xFFFFFFB0  }
0x94: {  	_ =	swait.ge [sflag:s14], $0x50  }
0x95: {  	[sflag:s14] =	ssyncset.done $0x0  }
0x96: {  	[sflag:s14] =	ssyncadd.s32 $0xFFFFFFB0  }
0x97: {  	[tilespmem:s11], [sflag:$0x3] =	stream.indirect.gather [hbm4b:s4+s2], $0x80, s17, s2, $0xb8;
	[tilespmem:$0x1DC80] =	vst v63  }
0x98: {  	_ =	swait.ge [sflag:s21], $0x2800  }
0x99: {  	[sflag:s21] =	ssyncset.done $0x0  }
0x9a: {  	s13 =	simm.s32 $0x13A00;
	s18 =	simm.s32 $0x13A80;
	[sflag:s21] =	ssyncadd.s32 $0xFFFFD800  }
0x9b: {  	[spmem:s1] =	stream.indirect.scatter.add.f32 [tilespmem:s15], [sflag:$0x6], $0x80, s12, s2, $0xb8;
	[tilespmem:$0x1DC80] =	vst v63  }
0x9c: {  	s17 =	simm.s32 $0x16480;
	s21 =	simm.s32 $0x2;
	_ =	swait.ge [sflag:s8], $0x2800  }
0x9d: {  	s12 =	simm.s32 $0x13980;
	s26 =	rddreg [dreg:$0x4];
	[sflag:s8] =	ssyncset.done $0x0  }
0x9e: {  	s30 =	rddreg [dreg:$0x3];
	[sflag:s8] =	ssyncadd.s32 $0xFFFFD800;
	s5 =	sadd.s32 $0x0, s26  }
0x9f: {  	[tilespmem:s16], [sflag:$0xC] =	stream.linear.gather [hbm4b:s5+s3], $0x50, $0x38;
	[tilespmem:$0x1DC80] =	vst v63  }
0xa0: {  	s26 =	simm.s32 $0x28;
	s6 =	sadd.s32 $0x0, s30;
	s5 =	sadd.s32 $0x140, s28  }
.LBB2_2:
0xa1: {  	s23 =	simm.s32 $0x13C00  }
0xa2: {  	[tilespmem:s23], [sflag:$0xC] =	stream.linear.gather [hbm4b:s6+s3], $0x50, $0x38;
	[tilespmem:$0x1DC80] =	vst v63  }
0xa3: {  	_ =	swait.ge [sflag:s19], $0x50  }
0xa4: {  	[sflag:s19] =	ssyncset.done $0x0  }
0xa5: {  	[sflag:s19] =	ssyncadd.s32 $0xFFFFFFB0  }
0xa6: {  	_ =	swait.ge [sflag:s19], $0x50  }
0xa7: {  	[sflag:s19] =	ssyncset.done $0x0  }
0xa8: {  	s16 =	simm.s32 $0x13B80;
	s7 =	simm.s32 $0x3;
	[sflag:s19] =	ssyncadd.s32 $0xFFFFFFB0  }
0xa9: {  	[tilespmem:s24], [sflag:$0x4] =	stream.indirect.gather [hbm4b:s4+s2], $0x80, s16, s2, $0xb8;
	[tilespmem:$0x1DC80] =	vst v63  }
0xaa: {  	_ =	swait.ge [sflag:s7], $0x2800  }
0xab: {  	s20 =	simm.s32 $0x13B00;
	[sflag:s7] =	ssyncset.done $0x0  }
0xac: {  	s11 =	simm.s32 $0x18C80;
	s15 =	simm.s32 $0x5;
	[sflag:s7] =	ssyncadd.s32 $0xFFFFD800  }
0xad: {  	[spmem:s1] =	stream.indirect.scatter.add.f32 [tilespmem:s11], [sflag:$0x7], $0x80, s20, s2, $0xb8;
	[tilespmem:$0x1DC80] =	vst v63  }
0xae: {  	_ =	swait.ge [sflag:s15], $0x2800  }
0xaf: {  	s28 =	sshrl.u32 s5, $0x3;
	s30 =	smov.u32 s29;
	[sflag:s15] =	ssyncset.done $0x0  }
0xb0: {  	s29 =	sadd.s32 s29, s28;
	s7 =	simm.s32 $0x13880;
	[sflag:s15] =	ssyncadd.s32 $0xFFFFD800  }
0xb1: {  	[tilespmem:s7], [sflag:$0x9] =	stream.linear.gather [hbm4b:s29+s3], $0x50, $0x38;
	[tilespmem:$0x1DC80] =	vst v63  }
0xb2: {  	s10 =	simm.s32 $0x13900;
	s28 =	sadd.s32 s31, s28  }
0xb3: {  	[tilespmem:s10], [sflag:$0x9] =	stream.linear.gather [hbm4b:s28+s3], $0x50, $0x38;
	[tilespmem:$0x1DC80] =	vst v63  }
0xb4: {  	_ =	swait.ge [sflag:s0], $0x50  }
0xb5: {  	[sflag:s0] =	ssyncset.done $0x0  }
0xb6: {  	[sflag:s0] =	ssyncadd.s32 $0xFFFFFFB0  }
0xb7: {  	_ =	swait.ge [sflag:s0], $0x50  }
0xb8: {  	[sflag:s0] =	ssyncset.done $0x0  }
0xb9: {  	s15 =	simm.s32 $0x13C80;
	s28 =	simm.s32 $0x4;
	[sflag:s0] =	ssyncadd.s32 $0xFFFFFFB0  }
0xba: {  	[tilespmem:s15], [sflag:$0x1] =	stream.indirect.gather [hbm4b:s4+s2], $0x80, s7, s2, $0xb8;
	[tilespmem:$0x1DC80] =	vst v63  }
0xbb: {  	_ =	swait.ge [sflag:s28], $0x2800  }
0xbc: {  	[sflag:s28] =	ssyncset.done $0x0  }
0xbd: {  	[sflag:s28] =	ssyncadd.s32 $0xFFFFD800  }
0xbe: {  	[spmem:s1] =	stream.indirect.scatter.add.f32 [tilespmem:s24], [sflag:$0x8], $0x80, s23, s2, $0xb8;
	[tilespmem:$0x1DC80] =	vst v63  }
0xbf: {  	_ =	swait.ge [sflag:s25], $0x2800  }
0xc0: {  	s6 =	smov.u32 s26;
	s7 =	rddreg [dreg:$0x8];
	[sflag:s25] =	ssyncset.done $0x0  }
0xc1: {  	s29 =	rddreg [dreg:$0x7];
	[sflag:s25] =	ssyncadd.s32 $0xFFFFD800;
	s28 =	sadd.s32 s6, s7  }
0xc2: {  	[tilespmem:s12], [sflag:$0xA] =	stream.linear.gather [hbm4b:s28+s3], $0x50, $0x38;
	[tilespmem:$0x1DC80] =	vst v63  }
0xc3: {  	s23 =	sadd.s32 s6, s29  }
0xc4: {  	[tilespmem:s13], [sflag:$0xA] =	stream.linear.gather [hbm4b:s23+s3], $0x50, $0x38;
	[tilespmem:$0x1DC80] =	vst v63  }
0xc5: {  	_ =	swait.ge [sflag:s9], $0x50  }
0xc6: {  	[sflag:s9] =	ssyncset.done $0x0  }
0xc7: {  	[sflag:s9] =	ssyncadd.s32 $0xFFFFFFB0  }
0xc8: {  	_ =	swait.ge [sflag:s9], $0x50  }
0xc9: {  	[sflag:s9] =	ssyncset.done $0x0  }
0xca: {  	s28 =	simm.s32 $0x1;
	[sflag:s9] =	ssyncadd.s32 $0xFFFFFFB0  }
0xcb: {  	[tilespmem:s17], [sflag:$0x2] =	stream.indirect.gather [hbm4b:s4+s2], $0x80, s12, s2, $0xb8;
	[tilespmem:$0x1DC80] =	vst v63  }
0xcc: {  	_ =	swait.ge [sflag:s28], $0x2800  }
0xcd: {  	[sflag:s28] =	ssyncset.done $0x0  }
0xce: {  	[sflag:s28] =	ssyncadd.s32 $0xFFFFD800  }
0xcf: {  	[spmem:s1] =	stream.indirect.scatter.add.f32 [tilespmem:s15], [sflag:$0x5], $0x80, s10, s2, $0xb8;
	[tilespmem:$0x1DC80] =	vst v63  }
0xd0: {  	_ =	swait.ge [sflag:s22], $0x2800  }
0xd1: {  	s10 =	rddreg [dreg:$0x6];
	[sflag:s22] =	ssyncset.done $0x0  }
0xd2: {  	s29 =	rddreg [dreg:$0x5];
	[sflag:s22] =	ssyncadd.s32 $0xFFFFD800;
	s28 =	sadd.s32 s6, s10  }
0xd3: {  	[tilespmem:s18], [sflag:$0xB] =	stream.linear.gather [hbm4b:s28+s3], $0x50, $0x38;
	[tilespmem:$0x1DC80] =	vst v63  }
0xd4: {  	s15 =	sadd.s32 s6, s29  }
0xd5: {  	[tilespmem:s20], [sflag:$0xB] =	stream.linear.gather [hbm4b:s15+s3], $0x50, $0x38;
	[tilespmem:$0x1DC80] =	vst v63  }
0xd6: {  	_ =	swait.ge [sflag:s14], $0x50  }
0xd7: {  	[sflag:s14] =	ssyncset.done $0x0  }
0xd8: {  	[sflag:s14] =	ssyncadd.s32 $0xFFFFFFB0  }
0xd9: {  	_ =	swait.ge [sflag:s14], $0x50  }
0xda: {  	[sflag:s14] =	ssyncset.done $0x0  }
0xdb: {  	[sflag:s14] =	ssyncadd.s32 $0xFFFFFFB0  }
0xdc: {  	[tilespmem:s11], [sflag:$0x3] =	stream.indirect.gather [hbm4b:s4+s2], $0x80, s18, s2, $0xb8;
	[tilespmem:$0x1DC80] =	vst v63  }
0xdd: {  	_ =	swait.ge [sflag:s21], $0x2800  }
0xde: {  	p1 =	sne.s32 s26, $0x488;
	[sflag:s21] =	ssyncset.done $0x0  }
0xdf: {  	s5 =	sadd.s32 $0x140, s5;
	s26 =	sadd.s32 $0x28, s26;
	[sflag:s21] =	ssyncadd.s32 $0xFFFFD800  }
0xe0: {  	[spmem:s1] =	stream.indirect.scatter.add.f32 [tilespmem:s17], [sflag:$0x6], $0x80, s13, s2, $0xb8;
	[tilespmem:$0x1DC80] =	vst v63  }
.Ltmp0:
0xe1: {  	s7 =	simm.s32 $0x13B00;
	_ =	swait.ge [sflag:s8], $0x2800;
	(pc) =	sbr.rel @p1 .LBB2_2-.Ltmp0, $4  }
0xe2: {  	s10 =	simm.s32 $0x18C80;
	s23 =	rddreg [dreg:$0x4];
	[sflag:s8] =	ssyncset.done $0x0  }
0xe3: {  	s11 =	simm.s32 $0x13B80;
	s29 =	rddreg [dreg:$0x3];
	[sflag:s8] =	ssyncadd.s32 $0xFFFFD800  }
0xe4: {  	s28 =	sadd.s32 s6, s23;
	s6 =	sadd.s32 s6, s29;
	s29 =	smov.u32 s30  }
0xe5: {  	[tilespmem:s16], [sflag:$0xC] =	stream.linear.gather [hbm4b:s28+s3], $0x50, $0x38;
	[tilespmem:$0x1DC80] =	vst v63  }
0xe6: {  	s12 =	simm.s32 $0x13C00  }
0xe7: {  	[tilespmem:s12], [sflag:$0xC] =	stream.linear.gather [hbm4b:s6+s3], $0x50, $0x38;
	[tilespmem:$0x1DC80] =	vst v63  }
0xe8: {  	_ =	swait.ge [sflag:s19], $0x50  }
0xe9: {  	[sflag:s19] =	ssyncset.done $0x0  }
0xea: {  	[sflag:s19] =	ssyncadd.s32 $0xFFFFFFB0  }
0xeb: {  	_ =	swait.ge [sflag:s19], $0x50  }
0xec: {  	[sflag:s19] =	ssyncset.done $0x0  }
0xed: {  	s13 =	simm.s32 $0x1B480;
	s5 =	simm.s32 $0x3;
	[sflag:s19] =	ssyncadd.s32 $0xFFFFFFB0  }
0xee: {  	[tilespmem:s13], [sflag:$0x4] =	stream.indirect.gather [hbm4b:s4+s2], $0x80, s11, s2, $0xb8;
	[tilespmem:$0x1DC80] =	vst v63  }
0xef: {  	_ =	swait.ge [sflag:s5], $0x2800  }
0xf0: {  	[sflag:s5] =	ssyncset.done $0x0  }
0xf1: {  	s30 =	simm.s32 $0x5;
	[sflag:s5] =	ssyncadd.s32 $0xFFFFD800  }
0xf2: {  	[spmem:s1] =	stream.indirect.scatter.add.f32 [tilespmem:s10], [sflag:$0x7], $0x80, s7, s2, $0xb8;
	[tilespmem:$0x1DC80] =	vst v63  }
0xf3: {  	_ =	swait.ge [sflag:s30], $0x2800  }
0xf4: {  	[sflag:s30] =	ssyncset.done $0x0  }
0xf5: {  	s7 =	simm.s32 $0x13880;
	s6 =	rddreg [dreg:$0x14];
	[sflag:s30] =	ssyncadd.s32 $0xFFFFD800  }
0xf6: {  	[tilespmem:s7], [sflag:$0x9] =	stream.linear.gather [hbm4b:s6+s3], $0x50, $0x38;
	[tilespmem:$0x1DC80] =	vst v63  }
0xf7: {  	s15 =	simm.s32 $0x13900;
	s11 =	rddreg [dreg:$0x15]  }
0xf8: {  	[tilespmem:s15], [sflag:$0x9] =	stream.linear.gather [hbm4b:s11+s3], $0x50, $0x38;
	[tilespmem:$0x1DC80] =	vst v63  }
0xf9: {  	_ =	swait.ge [sflag:s0], $0x50  }
0xfa: {  	[sflag:s0] =	ssyncset.done $0x0  }
0xfb: {  	[sflag:s0] =	ssyncadd.s32 $0xFFFFFFB0  }
0xfc: {  	_ =	swait.ge [sflag:s0], $0x50  }
0xfd: {  	[sflag:s0] =	ssyncset.done $0x0  }
0xfe: {  	s16 =	simm.s32 $0x13C80;
	s17 =	simm.s32 $0x4;
	[sflag:s0] =	ssyncadd.s32 $0xFFFFFFB0  }
0xff: {  	[tilespmem:s16], [sflag:$0x1] =	stream.indirect.gather [hbm4b:s4+s2], $0x80, s7, s2, $0xb8;
	[tilespmem:$0x1DC80] =	vst v63  }
0x100: {  	_ =	swait.ge [sflag:s17], $0x2800  }
0x101: {  	[sflag:s17] =	ssyncset.done $0x0  }
0x102: {  	[sflag:s17] =	ssyncadd.s32 $0xFFFFD800  }
0x103: {  	[spmem:s1] =	stream.indirect.scatter.add.f32 [tilespmem:s13], [sflag:$0x8], $0x80, s12, s2, $0xb8;
	[tilespmem:$0x1DC80] =	vst v63  }
0x104: {  	_ =	swait.ge [sflag:s25], $0x2800  }
0x105: {  	[sflag:s25] =	ssyncset.done $0x0  }
0x106: {  	s18 =	simm.s32 $0x1;
	[sflag:s25] =	ssyncadd.s32 $0xFFFFD800  }
0x107: {  	_ =	swait.ge [sflag:s18], $0x2800  }
0x108: {  	[sflag:s18] =	ssyncset.done $0x0  }
0x109: {  	[sflag:s18] =	ssyncadd.s32 $0xFFFFD800  }
0x10a: {  	[spmem:s1] =	stream.indirect.scatter.add.f32 [tilespmem:s16], [sflag:$0x5], $0x80, s15, s2, $0xb8;
	[tilespmem:$0x1DC80] =	vst v63  }
0x10b: {  	_ =	swait.ge [sflag:s22], $0x2800  }
0x10c: {  	[sflag:s22] =	ssyncset.done $0x0  }
0x10d: {  	[sflag:s22] =	ssyncadd.s32 $0xFFFFD800  }
0x10e: {  	_ =	swait.ge [sflag:s8], $0x2800  }
0x10f: {  	[sflag:s8] =	ssyncset.done $0x0  }
0x110: {  	[sflag:s8] =	ssyncadd.s32 $0xFFFFD800  }
0x111: {  	_ =	swait.ge [sflag:s30], $0x2800  }
0x112: {  	[sflag:s30] =	ssyncset.done $0x0  }
0x113: {  	[sflag:s30] =	ssyncadd.s32 $0xFFFFD800  }
0x114: {  	[bflag:$0x0] =	sbarrier.arrive $0xFFFF  }
0x115: {  	s26 =	rddreg [dreg:$0xa]  }
0x116: {  	s20 =	rddreg [dreg:$0x13]  }
0x117: {  	s28 =	simm.s32 $0xD;
	s21 =	rddreg [dreg:$0x1a]  }
0x118: {  	[hbm:s20], [sflag:s26] =	dma.local [spmem:s21], $0x2700  }
0x119: {  	_ =	swait.ge [sflag:s28], $0x2700  }
0x11a: {  	[sflag:s28] =	ssyncset.done $0x0;
	s5 =	rddreg [dreg:$0x16]  }
0x11b: {  	s6 =	rddreg [dreg:$0x1b];
	[sflag:s28] =	ssyncadd.s32 $0xFFFFD900  }
0x11c: {  	[hbm:s5], [sflag:s26] =	dma.local @!p0 [spmem:s6], $0x100  }
0x11d: {  	s5 =	simm.s32 @!p0 $0xD  }
0x11e: {  	_ =	swait.ge @!p0 [sflag:s5], $0x100  }
0x11f: {  	s23 =	rddreg [dreg:$0x1c]  }
0x120: {  	s30 =	rddreg [dreg:$0x17];
	s7 =	sadd.s32 $0x1, s23  }
0x121: {  	p1 =	sne.s32 s7, s30  }
.Ltmp1:
0x122: {  	_ = 	snop;
	(pc) =	sbr.rel @p1 .LBB2_1-.Ltmp1, $4  }
0x123: {  	_ = 	snop  }
0x124: {  	s10 =	simm.s32 $0x13980  }
0x125: {  	s17 =	simm.s32 $0x13A80;
	s12 =	simm.s32 $0x13A00;
	[sflag:s5] =	ssyncset.done @!p0 $0x0  }
0x126: {  	s15 =	simm.s32 $0x16480;
	s21 =	simm.s32 $0x2;
	[sflag:s5] =	ssyncadd.s32 @!p0 $0xFFFFFF00  }
0x127: {  	_ =	sfence.sel $0x180000  }
0x128: {  	[bflag:$0x0] =	sbarrier.arrive $0xFFFF  }
0x129: {  	_ =	strace $0x90000050  }
0x12a: {  	s0 =	stileid.u32;
	[bflag:$0x2] =	sbarrier.arrive $0xFFFF  }
0x12b: {  	p0 =	sne.s32 s0, $0x0;
	s0 =	rddreg [dreg:$0x2]  }
0x12c: {  	s0 =	sadd.s32 @!p0 $0x100000, s0  }
0x12d: {  	[sflag:s0] =	ssyncadd.tile.s32 @!p0 $0x1;
	_ =	shalt  }
.Lfunc_end2:
_tile_overlayer_lowered:
.L_overlay_start_2:
0x12e: {  	(tag) =	ssettag $0x2  }
0x12f: {  	s0 =	rddreg [dreg:$0x0];
	s2 =	stileid.u32  }
0x130: {  	s1 =	rddreg [dreg:$0x1];
	p0 =	sne.s32 s2, $0x0  }
0x131: {  	s3 =	rddreg [dreg:$0x2];
	[bflag:$0x3] =	sbarrier.arrive $0xFFFF;
	s2 =	simm.s32 @!p0 $0x1C0D  }
0x132: {  	[timem:s3], [sflag:s2] =	dma.local @!p0 [hbm:s0], s1  }
0x133: {  	s0 =	simm.s32 @!p0 $0xD  }
0x134: {  	_ =	swait.ge @!p0 [sflag:s0], s1  }
0x135: {  	s1 =	ssub.s32 @!p0 $0x0, s1;
	[sflag:s0] =	ssyncset.done @!p0 $0x0  }
0x136: {  	[sflag:s0] =	ssyncadd.s32 @!p0 s1  }
0x137: {  	[bflag:$0x3] =	sbarrier.arrive $0xFFFF  }
0x138: {  	_ =	shalt  }

// kernel: sc_edge_scatter.5.cloned.1.call-start
scs
__scs_entry_jumppad:
0x0: {  	(pc) =	sbr.rel $0x88, $3  }
0x1: {  	(tag) =	ssettag $0x0;
	lr =	simm.s32 $0x1  }
0x2: {  	[smem:$0x3F8E] =	sst lr;
	_ =	strace $0xD0000000  }
0x3: {  	_ = 	snop  }
0x4: {  	_ = 	snop  }
0x5: {  	_ = 	snop  }
0x6: {  	_ = 	snop  }
0x7: {  	_ = 	snop  }
__scs_overlays_trampoline_lowered:
0x8: {  	[smem:$0x3F9D] =	sst s0  }
0x9: {  	[smem:$0x3F9E] =	sst s1  }
0xa: {  	[smem:$0x3F9F] =	sst s2  }
0xb: {  	[smem:$0x3FA0] =	sst s3  }
0xc: {  	[smem:$0x3FA1] =	sst s4  }
0xd: {  	[smem:$0x3FA2] =	sst s5  }
0xe: {  	[smem:$0x3FA3] =	sst s6  }
0xf: {  	[smem:$0x3FA4] =	sst s7  }
0x10: {  	[smem:$0x3FA5] =	sst s8  }
0x11: {  	[smem:$0x3FA6] =	sst s9;
	s0 =	simm.s32 @!p0 $0x0  }
0x12: {  	s1 =	sld [smem:$0x3F8C];
	s0 =	simm.s32 @p0 $0x1  }
0x13: {  	[smem:$0x3FA7] =	sst s0;
	s0 =	simm.s32 @!p1 $0x0  }
0x14: {  	s2 =	sld [smem:$0x3F8B];
	s0 =	simm.s32 @p1 $0x1  }
0x15: {  	[smem:$0x3FA8] =	sst s0;
	s0 =	simm.s32 @!p2 $0x0  }
0x16: {  	s3 =	sld [smem:$0x3FDB];
	s0 =	simm.s32 @p2 $0x1  }
0x17: {  	s4 =	simm.s32 $0x1BF5;
	[smem:$0x3FAA] =	sst s0  }
0x18: {  	s0 =	sld [smem:$0x3F8D];
	_ =	swait.ge [sflag:s4], $0x0  }
0x19: {  	s7 =	sld [smem:$0x3F8E]  }
0x1a: {  	s8 =	sadd.s32 $0xFFFFE003, lr  }
0x1b: {  	s9 =	sadd.s32 $0xFFFFFEF7, lr;
	s5 =	simm.s32 $0xFFFFFFFF;
	p2 =	slt.u32 s8, $0xFFFFF086  }
0x1c: {  	p1 =	slt.u32 s9, $0xF7A;
	s5 =	simm.s32 @!p2 $0x0  }
0x1d: {  	s5 =	simm.s32 @p1 $0x1;
	p0 =	seq.s32 s7, s2  }
0x1e: {  	s7 =	smul.u32 @!p0 $0xF7A, s2;
	p2 =	seq.s32 @!p0 s5, $0x0  }
0x1f: {  	s9 =	smul.u32 $0xF7A, s1;
	s8 =	simm.s32 @!p0 $0x1BF5;
	p2 =	por !p2, p0  }
0x20: {  	[sflag:s8] =	ssyncset.s32 @!p0 $0xFFFFF086;
	s6 =	sadd.s32 @!p0 s3, s7;
	s7 =	simm.s32 @!p0 $0x108  }
0x21: {  	s3 =	sadd.s32 s3, s9;
	s6 =	sadd.s32 @!p0 $0x88, s6;
	s7 =	simm.s32 @p2 $0x1082  }
0x22: {  	[simem:s7], [sflag:s8] =	dma.local @!p0 [hbm:s6], $0xF7A  }
0x23: {  	s9 =	sor.u32 $0xD0000000, s2;
	s6 =	simm.s32 $0x108;
	_ =	swait.ge @!p0 [sflag:s8], $0x0  }
0x24: {  	s3 =	sadd.s32 $0x88, s3;
	s6 =	simm.s32 @!p1 $0x1082;
	[sflag:s4] =	ssyncset.s32 $0xFFFFF086  }
0x25: {  	[simem:s6], [sflag:s4] =	dma.local [hbm:s3], $0xF7A  }
0x26: {  	[smem:$0x3F8E] =	sst s1;
	(tag) =	ssettag s2;
	_ =	strace s9  }
0x27: {  	s1 =	sld [smem:$0x3F9E]  }
0x28: {  	s2 =	sld [smem:$0x3F9F]  }
0x29: {  	s4 =	sld [smem:$0x3FA1]  }
0x2a: {  	p0 =	seq.s32 s5, $0x0;
	s5 =	sld [smem:$0x3FA2]  }
0x2b: {  	s6 =	sld [smem:$0x3FA3]  }
0x2c: {  	s7 =	sld [smem:$0x3FA4]  }
0x2d: {  	s3 =	simm.s32 $0x108;
	s8 =	sld [smem:$0x3FA5]  }
0x2e: {  	s3 =	simm.s32 @!p0 $0x1082;
	s9 =	sld [smem:$0x3FA6]  }
0x2f: {  	lr =	sadd.s32 s0, s3;
	s0 =	sld [smem:$0x3F9D]  }
0x30: {  	s3 =	sld [smem:$0x3FA0]  }
0x31: {  	[smem:$0x3FA9] =	sst s10  }
0x32: {  	s10 =	sld [smem:$0x3FA7];
	_ =	sdelay $0x3  }
0x33: {  	p0 =	seq.s32 s10, $0x1;
	s10 =	sld [smem:$0x3FA9];
	_ =	sdelay $0x3  }
0x34: {  	[smem:$0x3FA9] =	sst s10  }
0x35: {  	s10 =	sld [smem:$0x3FA8];
	_ =	sdelay $0x3  }
0x36: {  	p1 =	seq.s32 s10, $0x1;
	s10 =	sld [smem:$0x3FA9];
	_ =	sdelay $0x3  }
0x37: {  	[smem:$0x3FA9] =	sst s10  }
0x38: {  	s10 =	sld [smem:$0x3FAA]  }
0x39: {  	_ = 	snop;
	(pc) =	sbr.ind lr, $3  }
0x3a: {  	_ = 	snop  }
0x3b: {  	_ = 	snop  }
0x3c: {  	p2 =	seq.s32 s10, $0x1;
	s10 =	sld [smem:$0x3FA9]  }
0x3d: {  	_ =	shalt  }
0x3e: {  	_ =	shalt  }
0x3f: {  	_ =	shalt  }
0x40: {  	_ =	shalt  }
0x41: {  	_ =	shalt  }
0x42: {  	_ =	shalt  }
0x43: {  	_ =	shalt  }
0x44: {  	_ =	shalt  }
0x45: {  	_ =	shalt  }
0x46: {  	_ =	shalt  }
0x47: {  	_ =	shalt  }
0x48: {  	_ =	shalt  }
0x49: {  	_ =	shalt  }
0x4a: {  	_ =	shalt  }
0x4b: {  	_ =	shalt  }
0x4c: {  	_ =	shalt  }
0x4d: {  	_ =	shalt  }
0x4e: {  	_ =	shalt  }
0x4f: {  	_ =	shalt  }
0x50: {  	_ =	shalt  }
0x51: {  	_ =	shalt  }
0x52: {  	_ =	shalt  }
0x53: {  	_ =	shalt  }
0x54: {  	_ =	shalt  }
0x55: {  	_ =	shalt  }
0x56: {  	_ =	shalt  }
0x57: {  	_ =	shalt  }
0x58: {  	_ =	shalt  }
0x59: {  	_ =	shalt  }
0x5a: {  	_ =	shalt  }
0x5b: {  	_ =	shalt  }
0x5c: {  	_ =	shalt  }
0x5d: {  	_ =	shalt  }
0x5e: {  	_ =	shalt  }
0x5f: {  	_ =	shalt  }
0x60: {  	_ =	shalt  }
0x61: {  	_ =	shalt  }
0x62: {  	_ =	shalt  }
0x63: {  	_ =	shalt  }
0x64: {  	_ =	shalt  }
0x65: {  	_ =	shalt  }
0x66: {  	_ =	shalt  }
0x67: {  	_ =	shalt  }
0x68: {  	_ =	shalt  }
0x69: {  	_ =	shalt  }
0x6a: {  	_ =	shalt  }
0x6b: {  	_ =	shalt  }
0x6c: {  	_ =	shalt  }
0x6d: {  	_ =	shalt  }
0x6e: {  	_ =	shalt  }
0x6f: {  	_ =	shalt  }
0x70: {  	_ =	shalt  }
0x71: {  	_ =	shalt  }
0x72: {  	_ =	shalt  }
0x73: {  	_ =	shalt  }
0x74: {  	_ =	shalt  }
0x75: {  	_ =	shalt  }
0x76: {  	_ =	shalt  }
0x77: {  	_ =	shalt  }
0x78: {  	_ =	shalt  }
0x79: {  	_ =	shalt  }
0x7a: {  	_ =	shalt  }
0x7b: {  	_ =	shalt  }
0x7c: {  	_ =	shalt  }
0x7d: {  	_ =	shalt  }
0x7e: {  	_ =	shalt  }
0x7f: {  	_ =	shalt  }
0x80: {  	_ =	shalt  }
0x81: {  	_ =	shalt  }
0x82: {  	_ =	shalt  }
0x83: {  	_ =	shalt  }
0x84: {  	_ =	shalt  }
0x85: {  	_ =	shalt  }
0x86: {  	_ =	shalt  }
0x87: {  	_ =	shalt  }
.Lfunc_end0:
.L_simem_size_0:
called_computation.1_lowered:
.L_overlay_start_0:
0x88: {  	s2 =	sld [smem:$0x3FD9]  }
0x89: {  	s3 =	sld [smem:$0x3FFE];
	_ =	sdelay $0x1  }
0x8a: {  	s1 =	srdreg.scid  }
0x8b: {  	s0 =	sand.u32 $0x1, s1  }
0x8c: {  	s16 =	sshll.u32 s0, $0xA;
	s2 =	sadd.s32 s3, s2  }
0x8d: {  	s2 =	sadd.s32 s2, s16  }
0x8e: {  	[smem:$0x3FB5] =	sst s2  }
0x8f: {  	_ = 	snop  }
0x90: {  	(tm) =	ssettm $0x1  }
0x91: {  	s17 =	sld [smem:$0x3FFB];
	_ =	sdelay $0x3  }
0x92: {  	_ =	strace s17  }
0x93: {  	s2 =	sld [smem:$0x3FFC];
	_ =	sdelay $0x3  }
0x94: {  	_ =	strace s2  }
0x95: {  	s2 =	sld [smem:$0x3FFD];
	_ =	sdelay $0x3  }
0x96: {  	_ =	strace s2  }
0x97: {  	_ =	strace $0x8FFFFFFF  }
0x98: {  	s18 =	sld [smem:$0x3FDB];
	_ =	sdelay $0x1  }
0x99: {  	s19 =	simm.s32 $_scs_section_size  }
0x9a: {  	s4 =	simm.s32 $_size__tile_overlayer_lowered;
	s5 =	simm.s32 $_tile_overlayer_lowered  }
0x9b: {  	s22 =	simm.s32 $0x1BFF;
	s21 =	sshll.u32 s5, $0x1;
	s2 =	sadd.s32 s19, s18  }
0x9c: {  	s6 =	simm.s32 $0x0;
	s20 =	sshll.u32 s4, $0x1;
	s4 =	sadd.s32 s21, s2  }
0x9d: {  	[timem:s6], [sflag:s22] =	dma.local [hbm:s4], s20  }
0x9e: {  	_ =	swait.ge [sflag:s22], s20  }
0x9f: {  	s3 =	ssub.s32 $0x0, s20;
	[sflag:s22] =	ssyncset.done $0x0  }
0xa0: {  	[sflag:s22] =	ssyncadd.s32 s3;
	_ =	sdelay $0x1  }
0xa1: {  	s23 =	simm.s32 $0x1B8B  }
0xa2: {  	_ =	swait.ge [sflag:s23], $0x1  }
0xa3: {  	[sflag:s23] =	ssyncset.done $0x0  }
0xa4: {  	s25 =	simm.s32 $0x1B8E;
	s24 =	sld [smem:$0x3FFE];
	[sflag:s23] =	ssyncadd.s32 $0xFFFFFFFF  }
0xa5: {  	s26 =	simm.s32 $execute0_lowered;
	[smem:$0x3FD2] =	sst s25  }
0xa6: {  	s4 =	sshll.u32 s26, $0x1;
	_ =	strace $0x80000049;
	[dreg:$0x1] =	wrdreg $0xFFFFFFFF  }
0xa7: {  	s28 =	simm.s32 $_size_execute0_lowered;
	s2 =	sadd.s32 s2, s4;
	[dreg:$0x0] =	wrdreg $0x0  }
0xa8: {  	s4 =	sshll.u32 s28, $0x1;
	[dreg:$0x2] =	wrdreg s2  }
0xa9: {  	[dreg:$0x3] =	wrdreg s4  }
0xaa: {  	[dreg:$0x4] =	wrdreg $0xC0  }
0xab: {  	_ =	task [dreg:s6], $0x5FFFF  }
0xac: {  	[dreg:$0x1] =	wrdreg $0xFFFFFFFF  }
0xad: {  	[dreg:$0x0] =	wrdreg $0x60  }
0xae: {  	[dreg:$0x2] =	wrdreg s24  }
0xaf: {  	[dreg:$0x3] =	wrdreg $0x0  }
0xb0: {  	[dreg:$0x4] =	wrdreg $0x9  }
0xb1: {  	_ =	task.clear_ibuf [dreg:s6], $0x5FFFF;
	_ =	strace $0x90000049  }
0xb2: {  	s29 =	simm.s32 $0x9;
	_ =	strace $0x8000004B  }
0xb3: {  	_ =	swait.ge [sflag:s29], $0x1  }
0xb4: {  	[sflag:s29] =	ssyncadd.s32 $0xFFFFFFFF  }
0xb5: {  	_ =	strace $0x9000004B  }
0xb6: {  	_ =	sfence  }
0xb7: {  	s30 =	sld [smem:$0x0];
	_ =	sdelay $0x2  }
0xb8: {  	s31 =	sshll.u32 s1, $0xD;
	s1 =	sshrl.u32 s1, $0x2  }
0xb9: {  	s3 =	sand.u32 $0x4000, s31;
	s1 =	sadd.s32 s1, s30  }
0xba: {  	s0 =	sor.u32 s3, s0;
	s1 =	sshll.u32 s1, $0x11  }
0xbb: {  	s0 =	sor.u32 s1, s0  }
0xbc: {  	s0 =	sadd.s32 $0x8F2B, s0  }
0xbd: {  	[sflag:s0] =	ssyncadd.remote.s32 $0x1  }
0xbe: {  	_ =	sfence.sel $0xFFFF  }
0xbf: {  	[dreg:$0x0] =	wrdreg $0xFFFFFFFF;
	(pc) =	sbr.abs _section_cstart, $3  }
0xc0: {  	[dreg:$0x1] =	wrdreg $0xFFFFFFFF  }
0xc1: {  	_ =	task.clear_ibuf [dreg:s6], $0x2FFFF;
	_ =	strace $0x9FFFFFFF  }
0xc2: {  	(tm) =	ssettm $0x7FFFFFFF  }
0xc3: {  	_ =	shalt  }
tec
execute0_lowered:
.L_overlay_start_1:
0x0: {  	(tag) =	ssettag $0x1  }
0x1: {  	s0 =	rddreg [dreg:$0x0]  }
0x2: {  	s1 =	rddreg [dreg:$0x1];
	s3 =	simm.s32 $0x0;
	s13 =	stileid.u32  }
0x3: {  	s2 =	srdreg.scid;
	s28 =	simm.s32 $0xD;
	s5 =	smul.u32 $0x2780, s13  }
0x4: {  	[smem:$0x7FF] =	sst s3;
	s4 =	sadd.s32 $0x8D600, s0;
	s6 =	smul.u32 $0x4E200, s13  }
0x5: {  	s29 =	sadd.s32 $0x3A00, s0;
	s2 =	sand.u32 $0x1, s2;
	s10 =	smul.u32 $0x2710, s13  }
0x6: {  	s31 =	sadd.s32 $0xD800, s0;
	s16 =	sshll.u32 s13, $0x6;
	s24 =	smul.u32 $0x13800, s13  }
0x7: {  	p0 =	sne.s32 s13, $0xF;
	_ =	strace $0x8000004A;
	s7 =	sshll.u32 s2, $0x4  }
0x8: {  	s8 =	ssub.s32 $0x2, s2;
	s26 =	sor.u32 $0x1C0D, s16;
	s18 =	smul.u32 $0x27100, s2  }
0x9: {  	s2 =	smul.u32 $0x138800, s2;
	s5 =	sadd.s32 s5, s0;
	s7 =	sor.u32 s13, s7  }
0xa: {  	s9 =	sshrl.u32 s8, $0x1;
	s6 =	sshrl.u32 s6, $0x2;
	s0 =	sadd.s32 $0xB4800, s0  }
0xb: {  	[dreg:$0xa] =	wrdreg s26;
	s7 =	smul.u32 $0x2710, s7;
	s5 =	sadd.s32 $0x17600, s5  }
0xc: {  	s8 =	ssub.s32 s8, s9;
	[dreg:$0x9] =	wrdreg s5;
	s5 =	sadd.s32 s10, s18  }
0xd: {  	s6 =	sadd.s32 s6, s1;
	s7 =	sshrl.u32 s7, $0x3;
	s12 =	sadd.s32 $0x230, s5  }
0xe: {  	s15 =	sadd.s32 $0x1E0, s5;
	s18 =	sadd.s32 $0x190, s5;
	s17 =	sadd.s32 s29, s7  }
0xf: {  	s19 =	sadd.s32 s31, s7;
	s20 =	sadd.s32 $0xA, s7;
	s21 =	sadd.s32 $0x14, s7  }
0x10: {  	s23 =	sadd.s32 $0x1E, s7;
	s30 =	sshrl.u32 s12, $0x3;
	[dreg:$0xb] =	wrdreg s17  }
0x11: {  	s12 =	sadd.s32 s24, s2;
	s24 =	sadd.s32 $0x140, s5;
	[dreg:$0xc] =	wrdreg s19  }
0x12: {  	s16 =	sshrl.u32 s15, $0x3;
	s11 =	sadd.s32 s29, s20;
	[dreg:$0x18] =	wrdreg s24  }
0x13: {  	s2 =	sshrl.u32 s2, $0x3;
	s9 =	sadd.s32 s31, s20;
	[dreg:$0xd] =	wrdreg s11  }
0x14: {  	s7 =	sadd.s32 $0x4D8, s7;
	s22 =	sadd.s32 s29, s21;
	[dreg:$0xe] =	wrdreg s9  }
0x15: {  	s15 =	simm.s32 $0x16480;
	s25 =	sadd.s32 s29, s23;
	[dreg:$0xf] =	wrdreg s22  }
0x16: {  	s10 =	sadd.s32 s31, s23;
	s14 =	sadd.s32 s30, s31;
	[dreg:$0x11] =	wrdreg s25  }
0x17: {  	s17 =	sadd.s32 s16, s31;
	s19 =	smul.u32 $0x4E000, s13;
	[dreg:$0x12] =	wrdreg s10  }
0x18: {  	s23 =	smax.u32 s8, $0x1;
	s8 =	simm.s32 $0x8;
	[dreg:$0x3] =	wrdreg s14  }
0x19: {  	s24 =	simm.s32 $0x1B480;
	s9 =	sadd.s32 s31, s21;
	[dreg:$0x5] =	wrdreg s17  }
0x1a: {  	s10 =	sshrl.u32 s12, $0x3;
	s21 =	sadd.s32 s29, s7;
	[dreg:$0x17] =	wrdreg s23  }
0x1b: {  	s7 =	sadd.s32 s31, s7;
	s25 =	sshrl.u32 s6, $0x3;
	[dreg:$0x10] =	wrdreg s9  }
0x1c: {  	s12 =	simm.s32 $0x13A00;
	s17 =	simm.s32 $0x13A80;
	[dreg:$0x14] =	wrdreg s21  }
0x1d: {  	s14 =	simm.s32 $0xB;
	s10 =	sadd.s32 s0, s10;
	[dreg:$0x15] =	wrdreg s7  }
0x1e: {  	s9 =	sadd.s32 s30, s29;
	s0 =	sadd.s32 s0, s2;
	[dreg:$0x19] =	wrdreg s25  }
0x1f: {  	s2 =	sshrl.u32 s18, $0x3;
	s21 =	simm.s32 $0x2;
	[dreg:$0x13] =	wrdreg s10  }
0x20: {  	s25 =	simm.s32 $0x6;
	[dreg:$0x4] =	wrdreg s9;
	s10 =	sadd.s32 s16, s29  }
0x21: {  	s7 =	simm.s32 $0x0;
	s20 =	sadd.s32 s2, s31;
	[dreg:$0x6] =	wrdreg s10  }
0x22: {  	s9 =	sshrl.u32 s19, $0x2;
	s0 =	sadd.s32 $0x27000, s0;
	[dreg:$0x7] =	wrdreg s20  }
0x23: {  	s2 =	sadd.s32 s2, s29;
	s19 =	simm.s32 $0xC;
	[dreg:$0x16] =	wrdreg s0  }
0x24: {  	s22 =	sadd.s32 s9, s1;
	[dreg:$0x8] =	wrdreg s2;
	s0 =	sadd.s32 $0x138000, s1  }
0x25: {  	s10 =	simm.s32 $0x13980;
	s2 =	simm.s32 $0x50;
	s30 =	sshrl.u32 s22, $0x3  }
0x26: {  	s9 =	simm.s32 $0xA;
	s0 =	sshrl.u32 @!p0 s0, $0x3;
	[dreg:$0x1a] =	wrdreg s30  }
0x27: {  	s22 =	simm.s32 $0x7;
	[dreg:$0x1b] =	wrdreg s0;
	s0 =	simm.s32 $0x9  }
.LBB2_1:
0x28: {  	[dreg:$0x1c] =	wrdreg s7  }
0x29: {  	s5 =	rddreg [dreg:$0x9]  }
0x2a: {  	s6 =	rddreg [dreg:$0x19]  }
0x2b: {  	[spmem:s6], [sflag:s26] =	dma.local [hbm:s5], $0x2710  }
0x2c: {  	_ =	swait.ge [sflag:s28], $0x2710  }
0x2d: {  	[sflag:s28] =	ssyncset.done $0x0  }
0x2e: {  	[sflag:s28] =	ssyncadd.s32 $0xFFFFD8F0  }
0x2f: {  	[bflag:$0x0] =	sbarrier.arrive $0xFFFF  }
0x30: {  	s26 =	simm.s32 $0x13880;
	s16 =	rddreg [dreg:$0xb]  }
0x31: {  	[tilespmem:s26], [sflag:$0x9] =	stream.linear.gather [hbm4b:s16+s3], $0x50, $0x38;
	[tilespmem:$0x1DC80] =	vst v63  }
0x32: {  	s7 =	simm.s32 $0x13900;
	s18 =	rddreg [dreg:$0xc]  }
0x33: {  	[tilespmem:s7], [sflag:$0x9] =	stream.linear.gather [hbm4b:s18+s3], $0x50, $0x38;
	[tilespmem:$0x1DC80] =	vst v63  }
0x34: {  	s20 =	rddreg [dreg:$0xd]  }
0x35: {  	[tilespmem:s10], [sflag:$0xA] =	stream.linear.gather [hbm4b:s20+s3], $0x50, $0x38;
	[tilespmem:$0x1DC80] =	vst v63  }
0x36: {  	s23 =	rddreg [dreg:$0xe]  }
0x37: {  	[tilespmem:s12], [sflag:$0xA] =	stream.linear.gather [hbm4b:s23+s3], $0x50, $0x38;
	[tilespmem:$0x1DC80] =	vst v63  }
0x38: {  	_ =	swait.ge [sflag:s0], $0x50  }
0x39: {  	[sflag:s0] =	ssyncset.done $0x0  }
0x3a: {  	[sflag:s0] =	ssyncadd.s32 $0xFFFFFFB0  }
0x3b: {  	_ =	swait.ge [sflag:s0], $0x50  }
0x3c: {  	[sflag:s0] =	ssyncset.done $0x0  }
0x3d: {  	s13 =	simm.s32 $0x13C80;
	[sflag:s0] =	ssyncadd.s32 $0xFFFFFFB0  }
0x3e: {  	[tilespmem:s13], [sflag:$0x1] =	stream.indirect.gather [hbm4b:s4+s2], $0x80, s26, s2, $0xb8;
	[tilespmem:$0x1DC80] =	vst v63  }
0x3f: {  	_ =	swait.ge [sflag:s9], $0x50  }
0x40: {  	[sflag:s9] =	ssyncset.done $0x0  }
0x41: {  	[sflag:s9] =	ssyncadd.s32 $0xFFFFFFB0  }
0x42: {  	_ =	swait.ge [sflag:s9], $0x50  }
0x43: {  	[sflag:s9] =	ssyncset.done $0x0  }
0x44: {  	s20 =	simm.s32 $0x1;
	[sflag:s9] =	ssyncadd.s32 $0xFFFFFFB0  }
0x45: {  	[tilespmem:s15], [sflag:$0x2] =	stream.indirect.gather [hbm4b:s4+s2], $0x80, s10, s2, $0xb8;
	[tilespmem:$0x1DC80] =	vst v63  }
0x46: {  	_ =	swait.ge [sflag:s20], $0x2800  }
0x47: {  	[sflag:s20] =	ssyncset.done $0x0  }
0x48: {  	[sflag:s20] =	ssyncadd.s32 $0xFFFFD800  }
0x49: {  	[spmem:s1] =	stream.indirect.scatter.add.f32 [tilespmem:s13], [sflag:$0x5], $0x80, s7, s2, $0xb8;
	[tilespmem:$0x1DC80] =	vst v63  }
0x4a: {  	s28 =	rddreg [dreg:$0xf]  }
0x4b: {  	[tilespmem:s17], [sflag:$0xB] =	stream.linear.gather [hbm4b:s28+s3], $0x50, $0x38;
	[tilespmem:$0x1DC80] =	vst v63  }
0x4c: {  	s18 =	simm.s32 $0x13B00;
	s30 =	rddreg [dreg:$0x10]  }
0x4d: {  	[tilespmem:s18], [sflag:$0xB] =	stream.linear.gather [hbm4b:s30+s3], $0x50, $0x38;
	[tilespmem:$0x1DC80] =	vst v63  }
0x4e: {  	_ =	swait.ge [sflag:s14], $0x50  }
0x4f: {  	[sflag:s14] =	ssyncset.done $0x0  }
0x50: {  	[sflag:s14] =	ssyncadd.s32 $0xFFFFFFB0  }
0x51: {  	_ =	swait.ge [sflag:s14], $0x50  }
0x52: {  	[sflag:s14] =	ssyncset.done $0x0  }
0x53: {  	s11 =	simm.s32 $0x18C80;
	[sflag:s14] =	ssyncadd.s32 $0xFFFFFFB0  }
0x54: {  	[tilespmem:s11], [sflag:$0x3] =	stream.indirect.gather [hbm4b:s4+s2], $0x80, s17, s2, $0xb8;
	[tilespmem:$0x1DC80] =	vst v63  }
0x55: {  	_ =	swait.ge [sflag:s21], $0x2800  }
0x56: {  	[sflag:s21] =	ssyncset.done $0x0  }
0x57: {  	[sflag:s21] =	ssyncadd.s32 $0xFFFFD800  }
0x58: {  	[spmem:s1] =	stream.indirect.scatter.add.f32 [tilespmem:s15], [sflag:$0x6], $0x80, s12, s2, $0xb8;
	[tilespmem:$0x1DC80] =	vst v63  }
0x59: {  	s16 =	simm.s32 $0x13B80;
	s6 =	rddreg [dreg:$0x11]  }
0x5a: {  	[tilespmem:s16], [sflag:$0xC] =	stream.linear.gather [hbm4b:s6+s3], $0x50, $0x38;
	[tilespmem:$0x1DC80] =	vst v63  }
0x5b: {  	s30 =	simm.s32 $0x13C00;
	s23 =	rddreg [dreg:$0x12]  }
0x5c: {  	[tilespmem:s30], [sflag:$0xC] =	stream.linear.gather [hbm4b:s23+s3], $0x50, $0x38;
	[tilespmem:$0x1DC80] =	vst v63  }
0x5d: {  	_ =	swait.ge [sflag:s19], $0x50  }
0x5e: {  	[sflag:s19] =	ssyncset.done $0x0  }
0x5f: {  	[sflag:s19] =	ssyncadd.s32 $0xFFFFFFB0  }
0x60: {  	_ =	swait.ge [sflag:s19], $0x50  }
0x61: {  	[sflag:s19] =	ssyncset.done $0x0  }
0x62: {  	s28 =	simm.s32 $0x3;
	s23 =	simm.s32 $0x1B480;
	[sflag:s19] =	ssyncadd.s32 $0xFFFFFFB0  }
0x63: {  	[tilespmem:s23], [sflag:$0x4] =	stream.indirect.gather [hbm4b:s4+s2], $0x80, s16, s2, $0xb8;
	[tilespmem:$0x1DC80] =	vst v63  }
0x64: {  	_ =	swait.ge [sflag:s28], $0x2800  }
0x65: {  	[sflag:s28] =	ssyncset.done $0x0  }
0x66: {  	s6 =	simm.s32 $0x5;
	[sflag:s28] =	ssyncadd.s32 $0xFFFFD800  }
0x67: {  	[spmem:s1] =	stream.indirect.scatter.add.f32 [tilespmem:s11], [sflag:$0x7], $0x80, s18, s2, $0xb8;
	[tilespmem:$0x1DC80] =	vst v63  }
0x68: {  	_ =	swait.ge [sflag:s6], $0x2800  }
0x69: {  	s28 =	rddreg [dreg:$0x18]  }
0x6a: {  	[sflag:s6] =	ssyncset.done $0x0;
	s5 =	sshrl.u32 s28, $0x3  }
0x6b: {  	[sflag:s6] =	ssyncadd.s32 $0xFFFFD800;
	s6 =	sadd.s32 s29, s5  }
0x6c: {  	[tilespmem:s26], [sflag:$0x9] =	stream.linear.gather [hbm4b:s6+s3], $0x50, $0x38;
	[tilespmem:$0x1DC80] =	vst v63  }
0x6d: {  	s5 =	sadd.s32 s31, s5  }
0x6e: {  	[tilespmem:s7], [sflag:$0x9] =	stream.linear.gather [hbm4b:s5+s3], $0x50, $0x38;
	[tilespmem:$0x1DC80] =	vst v63  }
0x6f: {  	_ =	swait.ge [sflag:s0], $0x50  }
0x70: {  	[sflag:s0] =	ssyncset.done $0x0  }
0x71: {  	[sflag:s0] =	ssyncadd.s32 $0xFFFFFFB0  }
0x72: {  	_ =	swait.ge [sflag:s0], $0x50  }
0x73: {  	[sflag:s0] =	ssyncset.done $0x0  }
0x74: {  	s6 =	simm.s32 $0x4;
	[sflag:s0] =	ssyncadd.s32 $0xFFFFFFB0  }
0x75: {  	[tilespmem:s13], [sflag:$0x1] =	stream.indirect.gather [hbm4b:s4+s2], $0x80, s26, s2, $0xb8;
	[tilespmem:$0x1DC80] =	vst v63  }
0x76: {  	_ =	swait.ge [sflag:s6], $0x2800  }
0x77: {  	[sflag:s6] =	ssyncset.done $0x0  }
0x78: {  	[sflag:s6] =	ssyncadd.s32 $0xFFFFD800  }
0x79: {  	[spmem:s1] =	stream.indirect.scatter.add.f32 [tilespmem:s23], [sflag:$0x8], $0x80, s30, s2, $0xb8;
	[tilespmem:$0x1DC80] =	vst v63  }
0x7a: {  	_ =	swait.ge [sflag:s25], $0x2800  }
0x7b: {  	s26 =	rddreg [dreg:$0x8];
	[sflag:s25] =	ssyncset.done $0x0  }
0x7c: {  	s30 =	rddreg [dreg:$0x7];
	[sflag:s25] =	ssyncadd.s32 $0xFFFFD800;
	s5 =	sadd.s32 $0x0, s26  }
0x7d: {  	[tilespmem:s10], [sflag:$0xA] =	stream.linear.gather [hbm4b:s5+s3], $0x50, $0x38;
	[tilespmem:$0x1DC80] =	vst v63  }
0x7e: {  	s6 =	sadd.s32 $0x0, s30  }
0x7f: {  	[tilespmem:s12], [sflag:$0xA] =	stream.linear.gather [hbm4b:s6+s3], $0x50, $0x38;
	[tilespmem:$0x1DC80] =	vst v63  }
0x80: {  	_ =	swait.ge [sflag:s9], $0x50  }
0x81: {  	[sflag:s9] =	ssyncset.done $0x0  }
0x82: {  	[sflag:s9] =	ssyncadd.s32 $0xFFFFFFB0  }
0x83: {  	_ =	swait.ge [sflag:s9], $0x50  }
0x84: {  	[sflag:s9] =	ssyncset.done $0x0  }
0x85: {  	[sflag:s9] =	ssyncadd.s32 $0xFFFFFFB0  }
0x86: {  	[tilespmem:s15], [sflag:$0x2] =	stream.indirect.gather [hbm4b:s4+s2], $0x80, s10, s2, $0xb8;
	[tilespmem:$0x1DC80] =	vst v63  }
0x87: {  	_ =	swait.ge [sflag:s20], $0x2800  }
0x88: {  	[sflag:s20] =	ssyncset.done $0x0  }
0x89: {  	[sflag:s20] =	ssyncadd.s32 $0xFFFFD800  }
0x8a: {  	[spmem:s1] =	stream.indirect.scatter.add.f32 [tilespmem:s13], [sflag:$0x5], $0x80, s7, s2, $0xb8;
	[tilespmem:$0x1DC80] =	vst v63  }
0x8b: {  	_ =	swait.ge [sflag:s22], $0x2800  }
0x8c: {  	s13 =	rddreg [dreg:$0x6];
	[sflag:s22] =	ssyncset.done $0x0  }
0x8d: {  	s20 =	rddreg [dreg:$0x5];
	[sflag:s22] =	ssyncadd.s32 $0xFFFFD800;
	s5 =	sadd.s32 $0x0, s13  }
0x8e: {  	[tilespmem:s17], [sflag:$0xB] =	stream.linear.gather [hbm4b:s5+s3], $0x50, $0x38;
	[tilespmem:$0x1DC80] =	vst v63  }
0x8f: {  	s23 =	sadd.s32 $0x0, s20  }
0x90: {  	[tilespmem:s18], [sflag:$0xB] =	stream.linear.gather [hbm4b:s23+s3], $0x50, $0x38;
	[tilespmem:$0x1DC80] =	vst v63  }
0x91: {  	_ =	swait.ge [sflag:s14], $0x50  }
0x92: {  	[sflag:s14] =	ssyncset.done $0x0  }
0x93: {  	[sflag:s14] =	ssyncadd.s32 $0xFFFFFFB0  }
0x94: {  	_ =	swait.ge [sflag:s14], $0x50  }
0x95: {  	[sflag:s14] =	ssyncset.done $0x0  }
0x96: {  	[sflag:s14] =	ssyncadd.s32 $0xFFFFFFB0  }
0x97: {  	[tilespmem:s11], [sflag:$0x3] =	stream.indirect.gather [hbm4b:s4+s2], $0x80, s17, s2, $0xb8;
	[tilespmem:$0x1DC80] =	vst v63  }
0x98: {  	_ =	swait.ge [sflag:s21], $0x2800  }
0x99: {  	[sflag:s21] =	ssyncset.done $0x0  }
0x9a: {  	s13 =	simm.s32 $0x13A00;
	s18 =	simm.s32 $0x13A80;
	[sflag:s21] =	ssyncadd.s32 $0xFFFFD800  }
0x9b: {  	[spmem:s1] =	stream.indirect.scatter.add.f32 [tilespmem:s15], [sflag:$0x6], $0x80, s12, s2, $0xb8;
	[tilespmem:$0x1DC80] =	vst v63  }
0x9c: {  	s17 =	simm.s32 $0x16480;
	s21 =	simm.s32 $0x2;
	_ =	swait.ge [sflag:s8], $0x2800  }
0x9d: {  	s12 =	simm.s32 $0x13980;
	s26 =	rddreg [dreg:$0x4];
	[sflag:s8] =	ssyncset.done $0x0  }
0x9e: {  	s30 =	rddreg [dreg:$0x3];
	[sflag:s8] =	ssyncadd.s32 $0xFFFFD800;
	s5 =	sadd.s32 $0x0, s26  }
0x9f: {  	[tilespmem:s16], [sflag:$0xC] =	stream.linear.gather [hbm4b:s5+s3], $0x50, $0x38;
	[tilespmem:$0x1DC80] =	vst v63  }
0xa0: {  	s26 =	simm.s32 $0x28;
	s6 =	sadd.s32 $0x0, s30;
	s5 =	sadd.s32 $0x140, s28  }
.LBB2_2:
0xa1: {  	s23 =	simm.s32 $0x13C00  }
0xa2: {  	[tilespmem:s23], [sflag:$0xC] =	stream.linear.gather [hbm4b:s6+s3], $0x50, $0x38;
	[tilespmem:$0x1DC80] =	vst v63  }
0xa3: {  	_ =	swait.ge [sflag:s19], $0x50  }
0xa4: {  	[sflag:s19] =	ssyncset.done $0x0  }
0xa5: {  	[sflag:s19] =	ssyncadd.s32 $0xFFFFFFB0  }
0xa6: {  	_ =	swait.ge [sflag:s19], $0x50  }
0xa7: {  	[sflag:s19] =	ssyncset.done $0x0  }
0xa8: {  	s16 =	simm.s32 $0x13B80;
	s7 =	simm.s32 $0x3;
	[sflag:s19] =	ssyncadd.s32 $0xFFFFFFB0  }
0xa9: {  	[tilespmem:s24], [sflag:$0x4] =	stream.indirect.gather [hbm4b:s4+s2], $0x80, s16, s2, $0xb8;
	[tilespmem:$0x1DC80] =	vst v63  }
0xaa: {  	_ =	swait.ge [sflag:s7], $0x2800  }
0xab: {  	s20 =	simm.s32 $0x13B00;
	[sflag:s7] =	ssyncset.done $0x0  }
0xac: {  	s11 =	simm.s32 $0x18C80;
	s15 =	simm.s32 $0x5;
	[sflag:s7] =	ssyncadd.s32 $0xFFFFD800  }
0xad: {  	[spmem:s1] =	stream.indirect.scatter.add.f32 [tilespmem:s11], [sflag:$0x7], $0x80, s20, s2, $0xb8;
	[tilespmem:$0x1DC80] =	vst v63  }
0xae: {  	_ =	swait.ge [sflag:s15], $0x2800  }
0xaf: {  	s28 =	sshrl.u32 s5, $0x3;
	s30 =	smov.u32 s29;
	[sflag:s15] =	ssyncset.done $0x0  }
0xb0: {  	s29 =	sadd.s32 s29, s28;
	s7 =	simm.s32 $0x13880;
	[sflag:s15] =	ssyncadd.s32 $0xFFFFD800  }
0xb1: {  	[tilespmem:s7], [sflag:$0x9] =	stream.linear.gather [hbm4b:s29+s3], $0x50, $0x38;
	[tilespmem:$0x1DC80] =	vst v63  }
0xb2: {  	s10 =	simm.s32 $0x13900;
	s28 =	sadd.s32 s31, s28  }
0xb3: {  	[tilespmem:s10], [sflag:$0x9] =	stream.linear.gather [hbm4b:s28+s3], $0x50, $0x38;
	[tilespmem:$0x1DC80] =	vst v63  }
0xb4: {  	_ =	swait.ge [sflag:s0], $0x50  }
0xb5: {  	[sflag:s0] =	ssyncset.done $0x0  }
0xb6: {  	[sflag:s0] =	ssyncadd.s32 $0xFFFFFFB0  }
0xb7: {  	_ =	swait.ge [sflag:s0], $0x50  }
0xb8: {  	[sflag:s0] =	ssyncset.done $0x0  }
0xb9: {  	s15 =	simm.s32 $0x13C80;
	s28 =	simm.s32 $0x4;
	[sflag:s0] =	ssyncadd.s32 $0xFFFFFFB0  }
0xba: {  	[tilespmem:s15], [sflag:$0x1] =	stream.indirect.gather [hbm4b:s4+s2], $0x80, s7, s2, $0xb8;
	[tilespmem:$0x1DC80] =	vst v63  }
0xbb: {  	_ =	swait.ge [sflag:s28], $0x2800  }
0xbc: {  	[sflag:s28] =	ssyncset.done $0x0  }
0xbd: {  	[sflag:s28] =	ssyncadd.s32 $0xFFFFD800  }
0xbe: {  	[spmem:s1] =	stream.indirect.scatter.add.f32 [tilespmem:s24], [sflag:$0x8], $0x80, s23, s2, $0xb8;
	[tilespmem:$0x1DC80] =	vst v63  }
0xbf: {  	_ =	swait.ge [sflag:s25], $0x2800  }
0xc0: {  	s6 =	smov.u32 s26;
	s7 =	rddreg [dreg:$0x8];
	[sflag:s25] =	ssyncset.done $0x0  }
0xc1: {  	s29 =	rddreg [dreg:$0x7];
	[sflag:s25] =	ssyncadd.s32 $0xFFFFD800;
	s28 =	sadd.s32 s6, s7  }
0xc2: {  	[tilespmem:s12], [sflag:$0xA] =	stream.linear.gather [hbm4b:s28+s3], $0x50, $0x38;
	[tilespmem:$0x1DC80] =	vst v63  }
0xc3: {  	s23 =	sadd.s32 s6, s29  }
0xc4: {  	[tilespmem:s13], [sflag:$0xA] =	stream.linear.gather [hbm4b:s23+s3], $0x50, $0x38;
	[tilespmem:$0x1DC80] =	vst v63  }
0xc5: {  	_ =	swait.ge [sflag:s9], $0x50  }
0xc6: {  	[sflag:s9] =	ssyncset.done $0x0  }
0xc7: {  	[sflag:s9] =	ssyncadd.s32 $0xFFFFFFB0  }
0xc8: {  	_ =	swait.ge [sflag:s9], $0x50  }
0xc9: {  	[sflag:s9] =	ssyncset.done $0x0  }
0xca: {  	s28 =	simm.s32 $0x1;
	[sflag:s9] =	ssyncadd.s32 $0xFFFFFFB0  }
0xcb: {  	[tilespmem:s17], [sflag:$0x2] =	stream.indirect.gather [hbm4b:s4+s2], $0x80, s12, s2, $0xb8;
	[tilespmem:$0x1DC80] =	vst v63  }
0xcc: {  	_ =	swait.ge [sflag:s28], $0x2800  }
0xcd: {  	[sflag:s28] =	ssyncset.done $0x0  }
0xce: {  	[sflag:s28] =	ssyncadd.s32 $0xFFFFD800  }
0xcf: {  	[spmem:s1] =	stream.indirect.scatter.add.f32 [tilespmem:s15], [sflag:$0x5], $0x80, s10, s2, $0xb8;
	[tilespmem:$0x1DC80] =	vst v63  }
0xd0: {  	_ =	swait.ge [sflag:s22], $0x2800  }
0xd1: {  	s10 =	rddreg [dreg:$0x6];
	[sflag:s22] =	ssyncset.done $0x0  }
0xd2: {  	s29 =	rddreg [dreg:$0x5];
	[sflag:s22] =	ssyncadd.s32 $0xFFFFD800;
	s28 =	sadd.s32 s6, s10  }
0xd3: {  	[tilespmem:s18], [sflag:$0xB] =	stream.linear.gather [hbm4b:s28+s3], $0x50, $0x38;
	[tilespmem:$0x1DC80] =	vst v63  }
0xd4: {  	s15 =	sadd.s32 s6, s29  }
0xd5: {  	[tilespmem:s20], [sflag:$0xB] =	stream.linear.gather [hbm4b:s15+s3], $0x50, $0x38;
	[tilespmem:$0x1DC80] =	vst v63  }
0xd6: {  	_ =	swait.ge [sflag:s14], $0x50  }
0xd7: {  	[sflag:s14] =	ssyncset.done $0x0  }
0xd8: {  	[sflag:s14] =	ssyncadd.s32 $0xFFFFFFB0  }
0xd9: {  	_ =	swait.ge [sflag:s14], $0x50  }
0xda: {  	[sflag:s14] =	ssyncset.done $0x0  }
0xdb: {  	[sflag:s14] =	ssyncadd.s32 $0xFFFFFFB0  }
0xdc: {  	[tilespmem:s11], [sflag:$0x3] =	stream.indirect.gather [hbm4b:s4+s2], $0x80, s18, s2, $0xb8;
	[tilespmem:$0x1DC80] =	vst v63  }
0xdd: {  	_ =	swait.ge [sflag:s21], $0x2800  }
0xde: {  	p1 =	sne.s32 s26, $0x488;
	[sflag:s21] =	ssyncset.done $0x0  }
0xdf: {  	s5 =	sadd.s32 $0x140, s5;
	s26 =	sadd.s32 $0x28, s26;
	[sflag:s21] =	ssyncadd.s32 $0xFFFFD800  }
0xe0: {  	[spmem:s1] =	stream.indirect.scatter.add.f32 [tilespmem:s17], [sflag:$0x6], $0x80, s13, s2, $0xb8;
	[tilespmem:$0x1DC80] =	vst v63  }
.Ltmp0:
0xe1: {  	s7 =	simm.s32 $0x13B00;
	_ =	swait.ge [sflag:s8], $0x2800;
	(pc) =	sbr.rel @p1 .LBB2_2-.Ltmp0, $4  }
0xe2: {  	s10 =	simm.s32 $0x18C80;
	s23 =	rddreg [dreg:$0x4];
	[sflag:s8] =	ssyncset.done $0x0  }
0xe3: {  	s11 =	simm.s32 $0x13B80;
	s29 =	rddreg [dreg:$0x3];
	[sflag:s8] =	ssyncadd.s32 $0xFFFFD800  }
0xe4: {  	s28 =	sadd.s32 s6, s23;
	s6 =	sadd.s32 s6, s29;
	s29 =	smov.u32 s30  }
0xe5: {  	[tilespmem:s16], [sflag:$0xC] =	stream.linear.gather [hbm4b:s28+s3], $0x50, $0x38;
	[tilespmem:$0x1DC80] =	vst v63  }
0xe6: {  	s12 =	simm.s32 $0x13C00  }
0xe7: {  	[tilespmem:s12], [sflag:$0xC] =	stream.linear.gather [hbm4b:s6+s3], $0x50, $0x38;
	[tilespmem:$0x1DC80] =	vst v63  }
0xe8: {  	_ =	swait.ge [sflag:s19], $0x50  }
0xe9: {  	[sflag:s19] =	ssyncset.done $0x0  }
0xea: {  	[sflag:s19] =	ssyncadd.s32 $0xFFFFFFB0  }
0xeb: {  	_ =	swait.ge [sflag:s19], $0x50  }
0xec: {  	[sflag:s19] =	ssyncset.done $0x0  }
0xed: {  	s13 =	simm.s32 $0x1B480;
	s5 =	simm.s32 $0x3;
	[sflag:s19] =	ssyncadd.s32 $0xFFFFFFB0  }
0xee: {  	[tilespmem:s13], [sflag:$0x4] =	stream.indirect.gather [hbm4b:s4+s2], $0x80, s11, s2, $0xb8;
	[tilespmem:$0x1DC80] =	vst v63  }
0xef: {  	_ =	swait.ge [sflag:s5], $0x2800  }
0xf0: {  	[sflag:s5] =	ssyncset.done $0x0  }
0xf1: {  	s30 =	simm.s32 $0x5;
	[sflag:s5] =	ssyncadd.s32 $0xFFFFD800  }
0xf2: {  	[spmem:s1] =	stream.indirect.scatter.add.f32 [tilespmem:s10], [sflag:$0x7], $0x80, s7, s2, $0xb8;
	[tilespmem:$0x1DC80] =	vst v63  }
0xf3: {  	_ =	swait.ge [sflag:s30], $0x2800  }
0xf4: {  	[sflag:s30] =	ssyncset.done $0x0  }
0xf5: {  	s7 =	simm.s32 $0x13880;
	s6 =	rddreg [dreg:$0x14];
	[sflag:s30] =	ssyncadd.s32 $0xFFFFD800  }
0xf6: {  	[tilespmem:s7], [sflag:$0x9] =	stream.linear.gather [hbm4b:s6+s3], $0x50, $0x38;
	[tilespmem:$0x1DC80] =	vst v63  }
0xf7: {  	s15 =	simm.s32 $0x13900;
	s11 =	rddreg [dreg:$0x15]  }
0xf8: {  	[tilespmem:s15], [sflag:$0x9] =	stream.linear.gather [hbm4b:s11+s3], $0x50, $0x38;
	[tilespmem:$0x1DC80] =	vst v63  }
0xf9: {  	_ =	swait.ge [sflag:s0], $0x50  }
0xfa: {  	[sflag:s0] =	ssyncset.done $0x0  }
0xfb: {  	[sflag:s0] =	ssyncadd.s32 $0xFFFFFFB0  }
0xfc: {  	_ =	swait.ge [sflag:s0], $0x50  }
0xfd: {  	[sflag:s0] =	ssyncset.done $0x0  }
0xfe: {  	s16 =	simm.s32 $0x13C80;
	s17 =	simm.s32 $0x4;
	[sflag:s0] =	ssyncadd.s32 $0xFFFFFFB0  }
0xff: {  	[tilespmem:s16], [sflag:$0x1] =	stream.indirect.gather [hbm4b:s4+s2], $0x80, s7, s2, $0xb8;
	[tilespmem:$0x1DC80] =	vst v63  }
0x100: {  	_ =	swait.ge [sflag:s17], $0x2800  }
0x101: {  	[sflag:s17] =	ssyncset.done $0x0  }
0x102: {  	[sflag:s17] =	ssyncadd.s32 $0xFFFFD800  }
0x103: {  	[spmem:s1] =	stream.indirect.scatter.add.f32 [tilespmem:s13], [sflag:$0x8], $0x80, s12, s2, $0xb8;
	[tilespmem:$0x1DC80] =	vst v63  }
0x104: {  	_ =	swait.ge [sflag:s25], $0x2800  }
0x105: {  	[sflag:s25] =	ssyncset.done $0x0  }
0x106: {  	s18 =	simm.s32 $0x1;
	[sflag:s25] =	ssyncadd.s32 $0xFFFFD800  }
0x107: {  	_ =	swait.ge [sflag:s18], $0x2800  }
0x108: {  	[sflag:s18] =	ssyncset.done $0x0  }
0x109: {  	[sflag:s18] =	ssyncadd.s32 $0xFFFFD800  }
0x10a: {  	[spmem:s1] =	stream.indirect.scatter.add.f32 [tilespmem:s16], [sflag:$0x5], $0x80, s15, s2, $0xb8;
	[tilespmem:$0x1DC80] =	vst v63  }
0x10b: {  	_ =	swait.ge [sflag:s22], $0x2800  }
0x10c: {  	[sflag:s22] =	ssyncset.done $0x0  }
0x10d: {  	[sflag:s22] =	ssyncadd.s32 $0xFFFFD800  }
0x10e: {  	_ =	swait.ge [sflag:s8], $0x2800  }
0x10f: {  	[sflag:s8] =	ssyncset.done $0x0  }
0x110: {  	[sflag:s8] =	ssyncadd.s32 $0xFFFFD800  }
0x111: {  	_ =	swait.ge [sflag:s30], $0x2800  }
0x112: {  	[sflag:s30] =	ssyncset.done $0x0  }
0x113: {  	[sflag:s30] =	ssyncadd.s32 $0xFFFFD800  }
0x114: {  	[bflag:$0x0] =	sbarrier.arrive $0xFFFF  }
0x115: {  	s26 =	rddreg [dreg:$0xa]  }
0x116: {  	s20 =	rddreg [dreg:$0x13]  }
0x117: {  	s28 =	simm.s32 $0xD;
	s21 =	rddreg [dreg:$0x1a]  }
0x118: {  	[hbm:s20], [sflag:s26] =	dma.local [spmem:s21], $0x2700  }
0x119: {  	_ =	swait.ge [sflag:s28], $0x2700  }
0x11a: {  	[sflag:s28] =	ssyncset.done $0x0;
	s5 =	rddreg [dreg:$0x16]  }
0x11b: {  	s6 =	rddreg [dreg:$0x1b];
	[sflag:s28] =	ssyncadd.s32 $0xFFFFD900  }
0x11c: {  	[hbm:s5], [sflag:s26] =	dma.local @!p0 [spmem:s6], $0x100  }
0x11d: {  	s5 =	simm.s32 @!p0 $0xD  }
0x11e: {  	_ =	swait.ge @!p0 [sflag:s5], $0x100  }
0x11f: {  	s23 =	rddreg [dreg:$0x1c]  }
0x120: {  	s30 =	rddreg [dreg:$0x17];
	s7 =	sadd.s32 $0x1, s23  }
0x121: {  	p1 =	sne.s32 s7, s30  }
.Ltmp1:
0x122: {  	_ = 	snop;
	(pc) =	sbr.rel @p1 .LBB2_1-.Ltmp1, $4  }
0x123: {  	_ = 	snop  }
0x124: {  	s10 =	simm.s32 $0x13980  }
0x125: {  	s17 =	simm.s32 $0x13A80;
	s12 =	simm.s32 $0x13A00;
	[sflag:s5] =	ssyncset.done @!p0 $0x0  }
0x126: {  	s15 =	simm.s32 $0x16480;
	s21 =	simm.s32 $0x2;
	[sflag:s5] =	ssyncadd.s32 @!p0 $0xFFFFFF00  }
0x127: {  	_ =	sfence.sel $0x180000  }
0x128: {  	[bflag:$0x0] =	sbarrier.arrive $0xFFFF  }
0x129: {  	_ =	strace $0x9000004A  }
0x12a: {  	s0 =	stileid.u32;
	[bflag:$0x2] =	sbarrier.arrive $0xFFFF  }
0x12b: {  	p0 =	sne.s32 s0, $0x0;
	s0 =	rddreg [dreg:$0x2]  }
0x12c: {  	s0 =	sadd.s32 @!p0 $0x100000, s0  }
0x12d: {  	[sflag:s0] =	ssyncadd.tile.s32 @!p0 $0x1;
	_ =	shalt  }
.Lfunc_end2:
_tile_overlayer_lowered:
.L_overlay_start_2:
0x12e: {  	(tag) =	ssettag $0x2  }
0x12f: {  	s0 =	rddreg [dreg:$0x0];
	s2 =	stileid.u32  }
0x130: {  	s1 =	rddreg [dreg:$0x1];
	p0 =	sne.s32 s2, $0x0  }
0x131: {  	s3 =	rddreg [dreg:$0x2];
	[bflag:$0x3] =	sbarrier.arrive $0xFFFF;
	s2 =	simm.s32 @!p0 $0x1C0D  }
0x132: {  	[timem:s3], [sflag:s2] =	dma.local @!p0 [hbm:s0], s1  }
0x133: {  	s0 =	simm.s32 @!p0 $0xD  }
0x134: {  	_ =	swait.ge @!p0 [sflag:s0], s1  }
0x135: {  	s1 =	ssub.s32 @!p0 $0x0, s1;
	[sflag:s0] =	ssyncset.done @!p0 $0x0  }
0x136: {  	[sflag:s0] =	ssyncadd.s32 @!p0 s1  }
0x137: {  	[bflag:$0x3] =	sbarrier.arrive $0xFFFF  }
0x138: {  	_ =	shalt  }

// kernel: sc_edge_scatter.8.cloned.1.call-start
scs
__scs_entry_jumppad:
0x0: {  	(pc) =	sbr.rel $0x88, $3  }
0x1: {  	(tag) =	ssettag $0x0;
	lr =	simm.s32 $0x1  }
0x2: {  	[smem:$0x3F8E] =	sst lr;
	_ =	strace $0xD0000000  }
0x3: {  	_ = 	snop  }
0x4: {  	_ = 	snop  }
0x5: {  	_ = 	snop  }
0x6: {  	_ = 	snop  }
0x7: {  	_ = 	snop  }
__scs_overlays_trampoline_lowered:
0x8: {  	[smem:$0x3F9D] =	sst s0  }
0x9: {  	[smem:$0x3F9E] =	sst s1  }
0xa: {  	[smem:$0x3F9F] =	sst s2  }
0xb: {  	[smem:$0x3FA0] =	sst s3  }
0xc: {  	[smem:$0x3FA1] =	sst s4  }
0xd: {  	[smem:$0x3FA2] =	sst s5  }
0xe: {  	[smem:$0x3FA3] =	sst s6  }
0xf: {  	[smem:$0x3FA4] =	sst s7  }
0x10: {  	[smem:$0x3FA5] =	sst s8  }
0x11: {  	[smem:$0x3FA6] =	sst s9;
	s0 =	simm.s32 @!p0 $0x0  }
0x12: {  	s1 =	sld [smem:$0x3F8C];
	s0 =	simm.s32 @p0 $0x1  }
0x13: {  	[smem:$0x3FA7] =	sst s0;
	s0 =	simm.s32 @!p1 $0x0  }
0x14: {  	s2 =	sld [smem:$0x3F8B];
	s0 =	simm.s32 @p1 $0x1  }
0x15: {  	[smem:$0x3FA8] =	sst s0;
	s0 =	simm.s32 @!p2 $0x0  }
0x16: {  	s3 =	sld [smem:$0x3FDB];
	s0 =	simm.s32 @p2 $0x1  }
0x17: {  	s4 =	simm.s32 $0x1BF5;
	[smem:$0x3FAA] =	sst s0  }
0x18: {  	s0 =	sld [smem:$0x3F8D];
	_ =	swait.ge [sflag:s4], $0x0  }
0x19: {  	s7 =	sld [smem:$0x3F8E]  }
0x1a: {  	s8 =	sadd.s32 $0xFFFFE003, lr  }
0x1b: {  	s9 =	sadd.s32 $0xFFFFFEF7, lr;
	s5 =	simm.s32 $0xFFFFFFFF;
	p2 =	slt.u32 s8, $0xFFFFF086  }
0x1c: {  	p1 =	slt.u32 s9, $0xF7A;
	s5 =	simm.s32 @!p2 $0x0  }
0x1d: {  	s5 =	simm.s32 @p1 $0x1;
	p0 =	seq.s32 s7, s2  }
0x1e: {  	s7 =	smul.u32 @!p0 $0xF7A, s2;
	p2 =	seq.s32 @!p0 s5, $0x0  }
0x1f: {  	s9 =	smul.u32 $0xF7A, s1;
	s8 =	simm.s32 @!p0 $0x1BF5;
	p2 =	por !p2, p0  }
0x20: {  	[sflag:s8] =	ssyncset.s32 @!p0 $0xFFFFF086;
	s6 =	sadd.s32 @!p0 s3, s7;
	s7 =	simm.s32 @!p0 $0x108  }
0x21: {  	s3 =	sadd.s32 s3, s9;
	s6 =	sadd.s32 @!p0 $0x88, s6;
	s7 =	simm.s32 @p2 $0x1082  }
0x22: {  	[simem:s7], [sflag:s8] =	dma.local @!p0 [hbm:s6], $0xF7A  }
0x23: {  	s9 =	sor.u32 $0xD0000000, s2;
	s6 =	simm.s32 $0x108;
	_ =	swait.ge @!p0 [sflag:s8], $0x0  }
0x24: {  	s3 =	sadd.s32 $0x88, s3;
	s6 =	simm.s32 @!p1 $0x1082;
	[sflag:s4] =	ssyncset.s32 $0xFFFFF086  }
0x25: {  	[simem:s6], [sflag:s4] =	dma.local [hbm:s3], $0xF7A  }
0x26: {  	[smem:$0x3F8E] =	sst s1;
	(tag) =	ssettag s2;
	_ =	strace s9  }
0x27: {  	s1 =	sld [smem:$0x3F9E]  }
0x28: {  	s2 =	sld [smem:$0x3F9F]  }
0x29: {  	s4 =	sld [smem:$0x3FA1]  }
0x2a: {  	p0 =	seq.s32 s5, $0x0;
	s5 =	sld [smem:$0x3FA2]  }
0x2b: {  	s6 =	sld [smem:$0x3FA3]  }
0x2c: {  	s7 =	sld [smem:$0x3FA4]  }
0x2d: {  	s3 =	simm.s32 $0x108;
	s8 =	sld [smem:$0x3FA5]  }
0x2e: {  	s3 =	simm.s32 @!p0 $0x1082;
	s9 =	sld [smem:$0x3FA6]  }
0x2f: {  	lr =	sadd.s32 s0, s3;
	s0 =	sld [smem:$0x3F9D]  }
0x30: {  	s3 =	sld [smem:$0x3FA0]  }
0x31: {  	[smem:$0x3FA9] =	sst s10  }
0x32: {  	s10 =	sld [smem:$0x3FA7];
	_ =	sdelay $0x3  }
0x33: {  	p0 =	seq.s32 s10, $0x1;
	s10 =	sld [smem:$0x3FA9];
	_ =	sdelay $0x3  }
0x34: {  	[smem:$0x3FA9] =	sst s10  }
0x35: {  	s10 =	sld [smem:$0x3FA8];
	_ =	sdelay $0x3  }
0x36: {  	p1 =	seq.s32 s10, $0x1;
	s10 =	sld [smem:$0x3FA9];
	_ =	sdelay $0x3  }
0x37: {  	[smem:$0x3FA9] =	sst s10  }
0x38: {  	s10 =	sld [smem:$0x3FAA]  }
0x39: {  	_ = 	snop;
	(pc) =	sbr.ind lr, $3  }
0x3a: {  	_ = 	snop  }
0x3b: {  	_ = 	snop  }
0x3c: {  	p2 =	seq.s32 s10, $0x1;
	s10 =	sld [smem:$0x3FA9]  }
0x3d: {  	_ =	shalt  }
0x3e: {  	_ =	shalt  }
0x3f: {  	_ =	shalt  }
0x40: {  	_ =	shalt  }
0x41: {  	_ =	shalt  }
0x42: {  	_ =	shalt  }
0x43: {  	_ =	shalt  }
0x44: {  	_ =	shalt  }
0x45: {  	_ =	shalt  }
0x46: {  	_ =	shalt  }
0x47: {  	_ =	shalt  }
0x48: {  	_ =	shalt  }
0x49: {  	_ =	shalt  }
0x4a: {  	_ =	shalt  }
0x4b: {  	_ =	shalt  }
0x4c: {  	_ =	shalt  }
0x4d: {  	_ =	shalt  }
0x4e: {  	_ =	shalt  }
0x4f: {  	_ =	shalt  }
0x50: {  	_ =	shalt  }
0x51: {  	_ =	shalt  }
0x52: {  	_ =	shalt  }
0x53: {  	_ =	shalt  }
0x54: {  	_ =	shalt  }
0x55: {  	_ =	shalt  }
0x56: {  	_ =	shalt  }
0x57: {  	_ =	shalt  }
0x58: {  	_ =	shalt  }
0x59: {  	_ =	shalt  }
0x5a: {  	_ =	shalt  }
0x5b: {  	_ =	shalt  }
0x5c: {  	_ =	shalt  }
0x5d: {  	_ =	shalt  }
0x5e: {  	_ =	shalt  }
0x5f: {  	_ =	shalt  }
0x60: {  	_ =	shalt  }
0x61: {  	_ =	shalt  }
0x62: {  	_ =	shalt  }
0x63: {  	_ =	shalt  }
0x64: {  	_ =	shalt  }
0x65: {  	_ =	shalt  }
0x66: {  	_ =	shalt  }
0x67: {  	_ =	shalt  }
0x68: {  	_ =	shalt  }
0x69: {  	_ =	shalt  }
0x6a: {  	_ =	shalt  }
0x6b: {  	_ =	shalt  }
0x6c: {  	_ =	shalt  }
0x6d: {  	_ =	shalt  }
0x6e: {  	_ =	shalt  }
0x6f: {  	_ =	shalt  }
0x70: {  	_ =	shalt  }
0x71: {  	_ =	shalt  }
0x72: {  	_ =	shalt  }
0x73: {  	_ =	shalt  }
0x74: {  	_ =	shalt  }
0x75: {  	_ =	shalt  }
0x76: {  	_ =	shalt  }
0x77: {  	_ =	shalt  }
0x78: {  	_ =	shalt  }
0x79: {  	_ =	shalt  }
0x7a: {  	_ =	shalt  }
0x7b: {  	_ =	shalt  }
0x7c: {  	_ =	shalt  }
0x7d: {  	_ =	shalt  }
0x7e: {  	_ =	shalt  }
0x7f: {  	_ =	shalt  }
0x80: {  	_ =	shalt  }
0x81: {  	_ =	shalt  }
0x82: {  	_ =	shalt  }
0x83: {  	_ =	shalt  }
0x84: {  	_ =	shalt  }
0x85: {  	_ =	shalt  }
0x86: {  	_ =	shalt  }
0x87: {  	_ =	shalt  }
.Lfunc_end0:
.L_simem_size_0:
called_computation.2_lowered:
.L_overlay_start_0:
0x88: {  	s2 =	sld [smem:$0x3FD9]  }
0x89: {  	s3 =	sld [smem:$0x3FFE];
	_ =	sdelay $0x1  }
0x8a: {  	s1 =	srdreg.scid  }
0x8b: {  	s0 =	sand.u32 $0x1, s1  }
0x8c: {  	s16 =	sshll.u32 s0, $0xA;
	s2 =	sadd.s32 s3, s2  }
0x8d: {  	s2 =	sadd.s32 s2, s16  }
0x8e: {  	[smem:$0x3FB5] =	sst s2  }
0x8f: {  	_ = 	snop  }
0x90: {  	(tm) =	ssettm $0x1  }
0x91: {  	s17 =	sld [smem:$0x3FFB];
	_ =	sdelay $0x3  }
0x92: {  	_ =	strace s17  }
0x93: {  	s2 =	sld [smem:$0x3FFC];
	_ =	sdelay $0x3  }
0x94: {  	_ =	strace s2  }
0x95: {  	s2 =	sld [smem:$0x3FFD];
	_ =	sdelay $0x3  }
0x96: {  	_ =	strace s2  }
0x97: {  	_ =	strace $0x8FFFFFFF  }
0x98: {  	s18 =	sld [smem:$0x3FDB];
	_ =	sdelay $0x1  }
0x99: {  	s19 =	simm.s32 $_scs_section_size  }
0x9a: {  	s4 =	simm.s32 $_size__tile_overlayer_lowered;
	s5 =	simm.s32 $_tile_overlayer_lowered  }
0x9b: {  	s22 =	simm.s32 $0x1BFF;
	s21 =	sshll.u32 s5, $0x1;
	s2 =	sadd.s32 s19, s18  }
0x9c: {  	s6 =	simm.s32 $0x0;
	s20 =	sshll.u32 s4, $0x1;
	s4 =	sadd.s32 s21, s2  }
0x9d: {  	[timem:s6], [sflag:s22] =	dma.local [hbm:s4], s20  }
0x9e: {  	_ =	swait.ge [sflag:s22], s20  }
0x9f: {  	s3 =	ssub.s32 $0x0, s20;
	[sflag:s22] =	ssyncset.done $0x0  }
0xa0: {  	[sflag:s22] =	ssyncadd.s32 s3;
	_ =	sdelay $0x1  }
0xa1: {  	s23 =	simm.s32 $0x1B8B  }
0xa2: {  	_ =	swait.ge [sflag:s23], $0x1  }
0xa3: {  	[sflag:s23] =	ssyncset.done $0x0  }
0xa4: {  	s25 =	simm.s32 $0x1B8E;
	s24 =	sld [smem:$0x3FFE];
	[sflag:s23] =	ssyncadd.s32 $0xFFFFFFFF  }
0xa5: {  	s26 =	simm.s32 $execute0_lowered;
	[smem:$0x3FD2] =	sst s25  }
0xa6: {  	s4 =	sshll.u32 s26, $0x1;
	_ =	strace $0x8000004C;
	[dreg:$0x1] =	wrdreg $0xFFFFFFFF  }
0xa7: {  	s28 =	simm.s32 $_size_execute0_lowered;
	s2 =	sadd.s32 s2, s4;
	[dreg:$0x0] =	wrdreg $0x0  }
0xa8: {  	s4 =	sshll.u32 s28, $0x1;
	[dreg:$0x2] =	wrdreg s2  }
0xa9: {  	[dreg:$0x3] =	wrdreg s4  }
0xaa: {  	[dreg:$0x4] =	wrdreg $0xC0  }
0xab: {  	_ =	task [dreg:s6], $0x5FFFF  }
0xac: {  	[dreg:$0x1] =	wrdreg $0xFFFFFFFF  }
0xad: {  	[dreg:$0x0] =	wrdreg $0x60  }
0xae: {  	[dreg:$0x2] =	wrdreg s24  }
0xaf: {  	[dreg:$0x3] =	wrdreg $0x0  }
0xb0: {  	[dreg:$0x4] =	wrdreg $0x9  }
0xb1: {  	_ =	task.clear_ibuf [dreg:s6], $0x5FFFF;
	_ =	strace $0x9000004C  }
0xb2: {  	s29 =	simm.s32 $0x9;
	_ =	strace $0x8000004E  }
0xb3: {  	_ =	swait.ge [sflag:s29], $0x1  }
0xb4: {  	[sflag:s29] =	ssyncadd.s32 $0xFFFFFFFF  }
0xb5: {  	_ =	strace $0x9000004E  }
0xb6: {  	_ =	sfence  }
0xb7: {  	s30 =	sld [smem:$0x0];
	_ =	sdelay $0x2  }
0xb8: {  	s31 =	sshll.u32 s1, $0xD;
	s1 =	sshrl.u32 s1, $0x2  }
0xb9: {  	s3 =	sand.u32 $0x4000, s31;
	s1 =	sadd.s32 s1, s30  }
0xba: {  	s0 =	sor.u32 s3, s0;
	s1 =	sshll.u32 s1, $0x11  }
0xbb: {  	s0 =	sor.u32 s1, s0  }
0xbc: {  	s0 =	sadd.s32 $0x8F2B, s0  }
0xbd: {  	[sflag:s0] =	ssyncadd.remote.s32 $0x1  }
0xbe: {  	_ =	sfence.sel $0xFFFF  }
0xbf: {  	[dreg:$0x0] =	wrdreg $0xFFFFFFFF;
	(pc) =	sbr.abs _section_cstart, $3  }
0xc0: {  	[dreg:$0x1] =	wrdreg $0xFFFFFFFF  }
0xc1: {  	_ =	task.clear_ibuf [dreg:s6], $0x2FFFF;
	_ =	strace $0x9FFFFFFF  }
0xc2: {  	(tm) =	ssettm $0x7FFFFFFF  }
0xc3: {  	_ =	shalt  }
tec
execute0_lowered:
.L_overlay_start_1:
0x0: {  	(tag) =	ssettag $0x1  }
0x1: {  	s0 =	rddreg [dreg:$0x0]  }
0x2: {  	s1 =	rddreg [dreg:$0x1];
	s3 =	simm.s32 $0x0;
	s13 =	stileid.u32  }
0x3: {  	s2 =	srdreg.scid;
	s28 =	simm.s32 $0xD;
	s5 =	smul.u32 $0x2780, s13  }
0x4: {  	[smem:$0x7FF] =	sst s3;
	s4 =	sadd.s32 $0x8D600, s0;
	s6 =	smul.u32 $0x4E200, s13  }
0x5: {  	s29 =	sadd.s32 $0x3A00, s0;
	s2 =	sand.u32 $0x1, s2;
	s10 =	smul.u32 $0x2710, s13  }
0x6: {  	s31 =	sadd.s32 $0xD800, s0;
	s16 =	sshll.u32 s13, $0x6;
	s24 =	smul.u32 $0x13800, s13  }
0x7: {  	p0 =	sne.s32 s13, $0xF;
	_ =	strace $0x8000004D;
	s7 =	sshll.u32 s2, $0x4  }
0x8: {  	s8 =	ssub.s32 $0x2, s2;
	s26 =	sor.u32 $0x1C0D, s16;
	s18 =	smul.u32 $0x27100, s2  }
0x9: {  	s2 =	smul.u32 $0x138800, s2;
	s5 =	sadd.s32 s5, s0;
	s7 =	sor.u32 s13, s7  }
0xa: {  	s9 =	sshrl.u32 s8, $0x1;
	s6 =	sshrl.u32 s6, $0x2;
	s0 =	sadd.s32 $0xB4800, s0  }
0xb: {  	[dreg:$0xa] =	wrdreg s26;
	s7 =	smul.u32 $0x2710, s7;
	s5 =	sadd.s32 $0x17600, s5  }
0xc: {  	s8 =	ssub.s32 s8, s9;
	[dreg:$0x9] =	wrdreg s5;
	s5 =	sadd.s32 s10, s18  }
0xd: {  	s6 =	sadd.s32 s6, s1;
	s7 =	sshrl.u32 s7, $0x3;
	s12 =	sadd.s32 $0x230, s5  }
0xe: {  	s15 =	sadd.s32 $0x1E0, s5;
	s18 =	sadd.s32 $0x190, s5;
	s17 =	sadd.s32 s29, s7  }
0xf: {  	s19 =	sadd.s32 s31, s7;
	s20 =	sadd.s32 $0xA, s7;
	s21 =	sadd.s32 $0x14, s7  }
0x10: {  	s23 =	sadd.s32 $0x1E, s7;
	s30 =	sshrl.u32 s12, $0x3;
	[dreg:$0xb] =	wrdreg s17  }
0x11: {  	s12 =	sadd.s32 s24, s2;
	s24 =	sadd.s32 $0x140, s5;
	[dreg:$0xc] =	wrdreg s19  }
0x12: {  	s16 =	sshrl.u32 s15, $0x3;
	s11 =	sadd.s32 s29, s20;
	[dreg:$0x18] =	wrdreg s24  }
0x13: {  	s2 =	sshrl.u32 s2, $0x3;
	s9 =	sadd.s32 s31, s20;
	[dreg:$0xd] =	wrdreg s11  }
0x14: {  	s7 =	sadd.s32 $0x4D8, s7;
	s22 =	sadd.s32 s29, s21;
	[dreg:$0xe] =	wrdreg s9  }
0x15: {  	s15 =	simm.s32 $0x16480;
	s25 =	sadd.s32 s29, s23;
	[dreg:$0xf] =	wrdreg s22  }
0x16: {  	s10 =	sadd.s32 s31, s23;
	s14 =	sadd.s32 s30, s31;
	[dreg:$0x11] =	wrdreg s25  }
0x17: {  	s17 =	sadd.s32 s16, s31;
	s19 =	smul.u32 $0x4E000, s13;
	[dreg:$0x12] =	wrdreg s10  }
0x18: {  	s23 =	smax.u32 s8, $0x1;
	s8 =	simm.s32 $0x8;
	[dreg:$0x3] =	wrdreg s14  }
0x19: {  	s24 =	simm.s32 $0x1B480;
	s9 =	sadd.s32 s31, s21;
	[dreg:$0x5] =	wrdreg s17  }
0x1a: {  	s10 =	sshrl.u32 s12, $0x3;
	s21 =	sadd.s32 s29, s7;
	[dreg:$0x17] =	wrdreg s23  }
0x1b: {  	s7 =	sadd.s32 s31, s7;
	s25 =	sshrl.u32 s6, $0x3;
	[dreg:$0x10] =	wrdreg s9  }
0x1c: {  	s12 =	simm.s32 $0x13A00;
	s17 =	simm.s32 $0x13A80;
	[dreg:$0x14] =	wrdreg s21  }
0x1d: {  	s14 =	simm.s32 $0xB;
	s10 =	sadd.s32 s0, s10;
	[dreg:$0x15] =	wrdreg s7  }
0x1e: {  	s9 =	sadd.s32 s30, s29;
	s0 =	sadd.s32 s0, s2;
	[dreg:$0x19] =	wrdreg s25  }
0x1f: {  	s2 =	sshrl.u32 s18, $0x3;
	s21 =	simm.s32 $0x2;
	[dreg:$0x13] =	wrdreg s10  }
0x20: {  	s25 =	simm.s32 $0x6;
	[dreg:$0x4] =	wrdreg s9;
	s10 =	sadd.s32 s16, s29  }
0x21: {  	s7 =	simm.s32 $0x0;
	s20 =	sadd.s32 s2, s31;
	[dreg:$0x6] =	wrdreg s10  }
0x22: {  	s9 =	sshrl.u32 s19, $0x2;
	s0 =	sadd.s32 $0x27000, s0;
	[dreg:$0x7] =	wrdreg s20  }
0x23: {  	s2 =	sadd.s32 s2, s29;
	s19 =	simm.s32 $0xC;
	[dreg:$0x16] =	wrdreg s0  }
0x24: {  	s22 =	sadd.s32 s9, s1;
	[dreg:$0x8] =	wrdreg s2;
	s0 =	sadd.s32 $0x138000, s1  }
0x25: {  	s10 =	simm.s32 $0x13980;
	s2 =	simm.s32 $0x50;
	s30 =	sshrl.u32 s22, $0x3  }
0x26: {  	s9 =	simm.s32 $0xA;
	s0 =	sshrl.u32 @!p0 s0, $0x3;
	[dreg:$0x1a] =	wrdreg s30  }
0x27: {  	s22 =	simm.s32 $0x7;
	[dreg:$0x1b] =	wrdreg s0;
	s0 =	simm.s32 $0x9  }
.LBB2_1:
0x28: {  	[dreg:$0x1c] =	wrdreg s7  }
0x29: {  	s5 =	rddreg [dreg:$0x9]  }
0x2a: {  	s6 =	rddreg [dreg:$0x19]  }
0x2b: {  	[spmem:s6], [sflag:s26] =	dma.local [hbm:s5], $0x2710  }
0x2c: {  	_ =	swait.ge [sflag:s28], $0x2710  }
0x2d: {  	[sflag:s28] =	ssyncset.done $0x0  }
0x2e: {  	[sflag:s28] =	ssyncadd.s32 $0xFFFFD8F0  }
0x2f: {  	[bflag:$0x0] =	sbarrier.arrive $0xFFFF  }
0x30: {  	s26 =	simm.s32 $0x13880;
	s16 =	rddreg [dreg:$0xb]  }
0x31: {  	[tilespmem:s26], [sflag:$0x9] =	stream.linear.gather [hbm4b:s16+s3], $0x50, $0x38;
	[tilespmem:$0x1DC80] =	vst v63  }
0x32: {  	s7 =	simm.s32 $0x13900;
	s18 =	rddreg [dreg:$0xc]  }
0x33: {  	[tilespmem:s7], [sflag:$0x9] =	stream.linear.gather [hbm4b:s18+s3], $0x50, $0x38;
	[tilespmem:$0x1DC80] =	vst v63  }
0x34: {  	s20 =	rddreg [dreg:$0xd]  }
0x35: {  	[tilespmem:s10], [sflag:$0xA] =	stream.linear.gather [hbm4b:s20+s3], $0x50, $0x38;
	[tilespmem:$0x1DC80] =	vst v63  }
0x36: {  	s23 =	rddreg [dreg:$0xe]  }
0x37: {  	[tilespmem:s12], [sflag:$0xA] =	stream.linear.gather [hbm4b:s23+s3], $0x50, $0x38;
	[tilespmem:$0x1DC80] =	vst v63  }
0x38: {  	_ =	swait.ge [sflag:s0], $0x50  }
0x39: {  	[sflag:s0] =	ssyncset.done $0x0  }
0x3a: {  	[sflag:s0] =	ssyncadd.s32 $0xFFFFFFB0  }
0x3b: {  	_ =	swait.ge [sflag:s0], $0x50  }
0x3c: {  	[sflag:s0] =	ssyncset.done $0x0  }
0x3d: {  	s13 =	simm.s32 $0x13C80;
	[sflag:s0] =	ssyncadd.s32 $0xFFFFFFB0  }
0x3e: {  	[tilespmem:s13], [sflag:$0x1] =	stream.indirect.gather [hbm4b:s4+s2], $0x80, s26, s2, $0xb8;
	[tilespmem:$0x1DC80] =	vst v63  }
0x3f: {  	_ =	swait.ge [sflag:s9], $0x50  }
0x40: {  	[sflag:s9] =	ssyncset.done $0x0  }
0x41: {  	[sflag:s9] =	ssyncadd.s32 $0xFFFFFFB0  }
0x42: {  	_ =	swait.ge [sflag:s9], $0x50  }
0x43: {  	[sflag:s9] =	ssyncset.done $0x0  }
0x44: {  	s20 =	simm.s32 $0x1;
	[sflag:s9] =	ssyncadd.s32 $0xFFFFFFB0  }
0x45: {  	[tilespmem:s15], [sflag:$0x2] =	stream.indirect.gather [hbm4b:s4+s2], $0x80, s10, s2, $0xb8;
	[tilespmem:$0x1DC80] =	vst v63  }
0x46: {  	_ =	swait.ge [sflag:s20], $0x2800  }
0x47: {  	[sflag:s20] =	ssyncset.done $0x0  }
0x48: {  	[sflag:s20] =	ssyncadd.s32 $0xFFFFD800  }
0x49: {  	[spmem:s1] =	stream.indirect.scatter.add.f32 [tilespmem:s13], [sflag:$0x5], $0x80, s7, s2, $0xb8;
	[tilespmem:$0x1DC80] =	vst v63  }
0x4a: {  	s28 =	rddreg [dreg:$0xf]  }
0x4b: {  	[tilespmem:s17], [sflag:$0xB] =	stream.linear.gather [hbm4b:s28+s3], $0x50, $0x38;
	[tilespmem:$0x1DC80] =	vst v63  }
0x4c: {  	s18 =	simm.s32 $0x13B00;
	s30 =	rddreg [dreg:$0x10]  }
0x4d: {  	[tilespmem:s18], [sflag:$0xB] =	stream.linear.gather [hbm4b:s30+s3], $0x50, $0x38;
	[tilespmem:$0x1DC80] =	vst v63  }
0x4e: {  	_ =	swait.ge [sflag:s14], $0x50  }
0x4f: {  	[sflag:s14] =	ssyncset.done $0x0  }
0x50: {  	[sflag:s14] =	ssyncadd.s32 $0xFFFFFFB0  }
0x51: {  	_ =	swait.ge [sflag:s14], $0x50  }
0x52: {  	[sflag:s14] =	ssyncset.done $0x0  }
0x53: {  	s11 =	simm.s32 $0x18C80;
	[sflag:s14] =	ssyncadd.s32 $0xFFFFFFB0  }
0x54: {  	[tilespmem:s11], [sflag:$0x3] =	stream.indirect.gather [hbm4b:s4+s2], $0x80, s17, s2, $0xb8;
	[tilespmem:$0x1DC80] =	vst v63  }
0x55: {  	_ =	swait.ge [sflag:s21], $0x2800  }
0x56: {  	[sflag:s21] =	ssyncset.done $0x0  }
0x57: {  	[sflag:s21] =	ssyncadd.s32 $0xFFFFD800  }
0x58: {  	[spmem:s1] =	stream.indirect.scatter.add.f32 [tilespmem:s15], [sflag:$0x6], $0x80, s12, s2, $0xb8;
	[tilespmem:$0x1DC80] =	vst v63  }
0x59: {  	s16 =	simm.s32 $0x13B80;
	s6 =	rddreg [dreg:$0x11]  }
0x5a: {  	[tilespmem:s16], [sflag:$0xC] =	stream.linear.gather [hbm4b:s6+s3], $0x50, $0x38;
	[tilespmem:$0x1DC80] =	vst v63  }
0x5b: {  	s30 =	simm.s32 $0x13C00;
	s23 =	rddreg [dreg:$0x12]  }
0x5c: {  	[tilespmem:s30], [sflag:$0xC] =	stream.linear.gather [hbm4b:s23+s3], $0x50, $0x38;
	[tilespmem:$0x1DC80] =	vst v63  }
0x5d: {  	_ =	swait.ge [sflag:s19], $0x50  }
0x5e: {  	[sflag:s19] =	ssyncset.done $0x0  }
0x5f: {  	[sflag:s19] =	ssyncadd.s32 $0xFFFFFFB0  }
0x60: {  	_ =	swait.ge [sflag:s19], $0x50  }
0x61: {  	[sflag:s19] =	ssyncset.done $0x0  }
0x62: {  	s28 =	simm.s32 $0x3;
	s23 =	simm.s32 $0x1B480;
	[sflag:s19] =	ssyncadd.s32 $0xFFFFFFB0  }
0x63: {  	[tilespmem:s23], [sflag:$0x4] =	stream.indirect.gather [hbm4b:s4+s2], $0x80, s16, s2, $0xb8;
	[tilespmem:$0x1DC80] =	vst v63  }
0x64: {  	_ =	swait.ge [sflag:s28], $0x2800  }
0x65: {  	[sflag:s28] =	ssyncset.done $0x0  }
0x66: {  	s6 =	simm.s32 $0x5;
	[sflag:s28] =	ssyncadd.s32 $0xFFFFD800  }
0x67: {  	[spmem:s1] =	stream.indirect.scatter.add.f32 [tilespmem:s11], [sflag:$0x7], $0x80, s18, s2, $0xb8;
	[tilespmem:$0x1DC80] =	vst v63  }
0x68: {  	_ =	swait.ge [sflag:s6], $0x2800  }
0x69: {  	s28 =	rddreg [dreg:$0x18]  }
0x6a: {  	[sflag:s6] =	ssyncset.done $0x0;
	s5 =	sshrl.u32 s28, $0x3  }
0x6b: {  	[sflag:s6] =	ssyncadd.s32 $0xFFFFD800;
	s6 =	sadd.s32 s29, s5  }
0x6c: {  	[tilespmem:s26], [sflag:$0x9] =	stream.linear.gather [hbm4b:s6+s3], $0x50, $0x38;
	[tilespmem:$0x1DC80] =	vst v63  }
0x6d: {  	s5 =	sadd.s32 s31, s5  }
0x6e: {  	[tilespmem:s7], [sflag:$0x9] =	stream.linear.gather [hbm4b:s5+s3], $0x50, $0x38;
	[tilespmem:$0x1DC80] =	vst v63  }
0x6f: {  	_ =	swait.ge [sflag:s0], $0x50  }
0x70: {  	[sflag:s0] =	ssyncset.done $0x0  }
0x71: {  	[sflag:s0] =	ssyncadd.s32 $0xFFFFFFB0  }
0x72: {  	_ =	swait.ge [sflag:s0], $0x50  }
0x73: {  	[sflag:s0] =	ssyncset.done $0x0  }
0x74: {  	s6 =	simm.s32 $0x4;
	[sflag:s0] =	ssyncadd.s32 $0xFFFFFFB0  }
0x75: {  	[tilespmem:s13], [sflag:$0x1] =	stream.indirect.gather [hbm4b:s4+s2], $0x80, s26, s2, $0xb8;
	[tilespmem:$0x1DC80] =	vst v63  }
0x76: {  	_ =	swait.ge [sflag:s6], $0x2800  }
0x77: {  	[sflag:s6] =	ssyncset.done $0x0  }
0x78: {  	[sflag:s6] =	ssyncadd.s32 $0xFFFFD800  }
0x79: {  	[spmem:s1] =	stream.indirect.scatter.add.f32 [tilespmem:s23], [sflag:$0x8], $0x80, s30, s2, $0xb8;
	[tilespmem:$0x1DC80] =	vst v63  }
0x7a: {  	_ =	swait.ge [sflag:s25], $0x2800  }
0x7b: {  	s26 =	rddreg [dreg:$0x8];
	[sflag:s25] =	ssyncset.done $0x0  }
0x7c: {  	s30 =	rddreg [dreg:$0x7];
	[sflag:s25] =	ssyncadd.s32 $0xFFFFD800;
	s5 =	sadd.s32 $0x0, s26  }
0x7d: {  	[tilespmem:s10], [sflag:$0xA] =	stream.linear.gather [hbm4b:s5+s3], $0x50, $0x38;
	[tilespmem:$0x1DC80] =	vst v63  }
0x7e: {  	s6 =	sadd.s32 $0x0, s30  }
0x7f: {  	[tilespmem:s12], [sflag:$0xA] =	stream.linear.gather [hbm4b:s6+s3], $0x50, $0x38;
	[tilespmem:$0x1DC80] =	vst v63  }
0x80: {  	_ =	swait.ge [sflag:s9], $0x50  }
0x81: {  	[sflag:s9] =	ssyncset.done $0x0  }
0x82: {  	[sflag:s9] =	ssyncadd.s32 $0xFFFFFFB0  }
0x83: {  	_ =	swait.ge [sflag:s9], $0x50  }
0x84: {  	[sflag:s9] =	ssyncset.done $0x0  }
0x85: {  	[sflag:s9] =	ssyncadd.s32 $0xFFFFFFB0  }
0x86: {  	[tilespmem:s15], [sflag:$0x2] =	stream.indirect.gather [hbm4b:s4+s2], $0x80, s10, s2, $0xb8;
	[tilespmem:$0x1DC80] =	vst v63  }
0x87: {  	_ =	swait.ge [sflag:s20], $0x2800  }
0x88: {  	[sflag:s20] =	ssyncset.done $0x0  }
0x89: {  	[sflag:s20] =	ssyncadd.s32 $0xFFFFD800  }
0x8a: {  	[spmem:s1] =	stream.indirect.scatter.add.f32 [tilespmem:s13], [sflag:$0x5], $0x80, s7, s2, $0xb8;
	[tilespmem:$0x1DC80] =	vst v63  }
0x8b: {  	_ =	swait.ge [sflag:s22], $0x2800  }
0x8c: {  	s13 =	rddreg [dreg:$0x6];
	[sflag:s22] =	ssyncset.done $0x0  }
0x8d: {  	s20 =	rddreg [dreg:$0x5];
	[sflag:s22] =	ssyncadd.s32 $0xFFFFD800;
	s5 =	sadd.s32 $0x0, s13  }
0x8e: {  	[tilespmem:s17], [sflag:$0xB] =	stream.linear.gather [hbm4b:s5+s3], $0x50, $0x38;
	[tilespmem:$0x1DC80] =	vst v63  }
0x8f: {  	s23 =	sadd.s32 $0x0, s20  }
0x90: {  	[tilespmem:s18], [sflag:$0xB] =	stream.linear.gather [hbm4b:s23+s3], $0x50, $0x38;
	[tilespmem:$0x1DC80] =	vst v63  }
0x91: {  	_ =	swait.ge [sflag:s14], $0x50  }
0x92: {  	[sflag:s14] =	ssyncset.done $0x0  }
0x93: {  	[sflag:s14] =	ssyncadd.s32 $0xFFFFFFB0  }
0x94: {  	_ =	swait.ge [sflag:s14], $0x50  }
0x95: {  	[sflag:s14] =	ssyncset.done $0x0  }
0x96: {  	[sflag:s14] =	ssyncadd.s32 $0xFFFFFFB0  }
0x97: {  	[tilespmem:s11], [sflag:$0x3] =	stream.indirect.gather [hbm4b:s4+s2], $0x80, s17, s2, $0xb8;
	[tilespmem:$0x1DC80] =	vst v63  }
0x98: {  	_ =	swait.ge [sflag:s21], $0x2800  }
0x99: {  	[sflag:s21] =	ssyncset.done $0x0  }
0x9a: {  	s13 =	simm.s32 $0x13A00;
	s18 =	simm.s32 $0x13A80;
	[sflag:s21] =	ssyncadd.s32 $0xFFFFD800  }
0x9b: {  	[spmem:s1] =	stream.indirect.scatter.add.f32 [tilespmem:s15], [sflag:$0x6], $0x80, s12, s2, $0xb8;
	[tilespmem:$0x1DC80] =	vst v63  }
0x9c: {  	s17 =	simm.s32 $0x16480;
	s21 =	simm.s32 $0x2;
	_ =	swait.ge [sflag:s8], $0x2800  }
0x9d: {  	s12 =	simm.s32 $0x13980;
	s26 =	rddreg [dreg:$0x4];
	[sflag:s8] =	ssyncset.done $0x0  }
0x9e: {  	s30 =	rddreg [dreg:$0x3];
	[sflag:s8] =	ssyncadd.s32 $0xFFFFD800;
	s5 =	sadd.s32 $0x0, s26  }
0x9f: {  	[tilespmem:s16], [sflag:$0xC] =	stream.linear.gather [hbm4b:s5+s3], $0x50, $0x38;
	[tilespmem:$0x1DC80] =	vst v63  }
0xa0: {  	s26 =	simm.s32 $0x28;
	s6 =	sadd.s32 $0x0, s30;
	s5 =	sadd.s32 $0x140, s28  }
.LBB2_2:
0xa1: {  	s23 =	simm.s32 $0x13C00  }
0xa2: {  	[tilespmem:s23], [sflag:$0xC] =	stream.linear.gather [hbm4b:s6+s3], $0x50, $0x38;
	[tilespmem:$0x1DC80] =	vst v63  }
0xa3: {  	_ =	swait.ge [sflag:s19], $0x50  }
0xa4: {  	[sflag:s19] =	ssyncset.done $0x0  }
0xa5: {  	[sflag:s19] =	ssyncadd.s32 $0xFFFFFFB0  }
0xa6: {  	_ =	swait.ge [sflag:s19], $0x50  }
0xa7: {  	[sflag:s19] =	ssyncset.done $0x0  }
0xa8: {  	s16 =	simm.s32 $0x13B80;
	s7 =	simm.s32 $0x3;
	[sflag:s19] =	ssyncadd.s32 $0xFFFFFFB0  }
0xa9: {  	[tilespmem:s24], [sflag:$0x4] =	stream.indirect.gather [hbm4b:s4+s2], $0x80, s16, s2, $0xb8;
	[tilespmem:$0x1DC80] =	vst v63  }
0xaa: {  	_ =	swait.ge [sflag:s7], $0x2800  }
0xab: {  	s20 =	simm.s32 $0x13B00;
	[sflag:s7] =	ssyncset.done $0x0  }
0xac: {  	s11 =	simm.s32 $0x18C80;
	s15 =	simm.s32 $0x5;
	[sflag:s7] =	ssyncadd.s32 $0xFFFFD800  }
0xad: {  	[spmem:s1] =	stream.indirect.scatter.add.f32 [tilespmem:s11], [sflag:$0x7], $0x80, s20, s2, $0xb8;
	[tilespmem:$0x1DC80] =	vst v63  }
0xae: {  	_ =	swait.ge [sflag:s15], $0x2800  }
0xaf: {  	s28 =	sshrl.u32 s5, $0x3;
	s30 =	smov.u32 s29;
	[sflag:s15] =	ssyncset.done $0x0  }
0xb0: {  	s29 =	sadd.s32 s29, s28;
	s7 =	simm.s32 $0x13880;
	[sflag:s15] =	ssyncadd.s32 $0xFFFFD800  }
0xb1: {  	[tilespmem:s7], [sflag:$0x9] =	stream.linear.gather [hbm4b:s29+s3], $0x50, $0x38;
	[tilespmem:$0x1DC80] =	vst v63  }
0xb2: {  	s10 =	simm.s32 $0x13900;
	s28 =	sadd.s32 s31, s28  }
0xb3: {  	[tilespmem:s10], [sflag:$0x9] =	stream.linear.gather [hbm4b:s28+s3], $0x50, $0x38;
	[tilespmem:$0x1DC80] =	vst v63  }
0xb4: {  	_ =	swait.ge [sflag:s0], $0x50  }
0xb5: {  	[sflag:s0] =	ssyncset.done $0x0  }
0xb6: {  	[sflag:s0] =	ssyncadd.s32 $0xFFFFFFB0  }
0xb7: {  	_ =	swait.ge [sflag:s0], $0x50  }
0xb8: {  	[sflag:s0] =	ssyncset.done $0x0  }
0xb9: {  	s15 =	simm.s32 $0x13C80;
	s28 =	simm.s32 $0x4;
	[sflag:s0] =	ssyncadd.s32 $0xFFFFFFB0  }
0xba: {  	[tilespmem:s15], [sflag:$0x1] =	stream.indirect.gather [hbm4b:s4+s2], $0x80, s7, s2, $0xb8;
	[tilespmem:$0x1DC80] =	vst v63  }
0xbb: {  	_ =	swait.ge [sflag:s28], $0x2800  }
0xbc: {  	[sflag:s28] =	ssyncset.done $0x0  }
0xbd: {  	[sflag:s28] =	ssyncadd.s32 $0xFFFFD800  }
0xbe: {  	[spmem:s1] =	stream.indirect.scatter.add.f32 [tilespmem:s24], [sflag:$0x8], $0x80, s23, s2, $0xb8;
	[tilespmem:$0x1DC80] =	vst v63  }
0xbf: {  	_ =	swait.ge [sflag:s25], $0x2800  }
0xc0: {  	s6 =	smov.u32 s26;
	s7 =	rddreg [dreg:$0x8];
	[sflag:s25] =	ssyncset.done $0x0  }
0xc1: {  	s29 =	rddreg [dreg:$0x7];
	[sflag:s25] =	ssyncadd.s32 $0xFFFFD800;
	s28 =	sadd.s32 s6, s7  }
0xc2: {  	[tilespmem:s12], [sflag:$0xA] =	stream.linear.gather [hbm4b:s28+s3], $0x50, $0x38;
	[tilespmem:$0x1DC80] =	vst v63  }
0xc3: {  	s23 =	sadd.s32 s6, s29  }
0xc4: {  	[tilespmem:s13], [sflag:$0xA] =	stream.linear.gather [hbm4b:s23+s3], $0x50, $0x38;
	[tilespmem:$0x1DC80] =	vst v63  }
0xc5: {  	_ =	swait.ge [sflag:s9], $0x50  }
0xc6: {  	[sflag:s9] =	ssyncset.done $0x0  }
0xc7: {  	[sflag:s9] =	ssyncadd.s32 $0xFFFFFFB0  }
0xc8: {  	_ =	swait.ge [sflag:s9], $0x50  }
0xc9: {  	[sflag:s9] =	ssyncset.done $0x0  }
0xca: {  	s28 =	simm.s32 $0x1;
	[sflag:s9] =	ssyncadd.s32 $0xFFFFFFB0  }
0xcb: {  	[tilespmem:s17], [sflag:$0x2] =	stream.indirect.gather [hbm4b:s4+s2], $0x80, s12, s2, $0xb8;
	[tilespmem:$0x1DC80] =	vst v63  }
0xcc: {  	_ =	swait.ge [sflag:s28], $0x2800  }
0xcd: {  	[sflag:s28] =	ssyncset.done $0x0  }
0xce: {  	[sflag:s28] =	ssyncadd.s32 $0xFFFFD800  }
0xcf: {  	[spmem:s1] =	stream.indirect.scatter.add.f32 [tilespmem:s15], [sflag:$0x5], $0x80, s10, s2, $0xb8;
	[tilespmem:$0x1DC80] =	vst v63  }
0xd0: {  	_ =	swait.ge [sflag:s22], $0x2800  }
0xd1: {  	s10 =	rddreg [dreg:$0x6];
	[sflag:s22] =	ssyncset.done $0x0  }
0xd2: {  	s29 =	rddreg [dreg:$0x5];
	[sflag:s22] =	ssyncadd.s32 $0xFFFFD800;
	s28 =	sadd.s32 s6, s10  }
0xd3: {  	[tilespmem:s18], [sflag:$0xB] =	stream.linear.gather [hbm4b:s28+s3], $0x50, $0x38;
	[tilespmem:$0x1DC80] =	vst v63  }
0xd4: {  	s15 =	sadd.s32 s6, s29  }
0xd5: {  	[tilespmem:s20], [sflag:$0xB] =	stream.linear.gather [hbm4b:s15+s3], $0x50, $0x38;
	[tilespmem:$0x1DC80] =	vst v63  }
0xd6: {  	_ =	swait.ge [sflag:s14], $0x50  }
0xd7: {  	[sflag:s14] =	ssyncset.done $0x0  }
0xd8: {  	[sflag:s14] =	ssyncadd.s32 $0xFFFFFFB0  }
0xd9: {  	_ =	swait.ge [sflag:s14], $0x50  }
0xda: {  	[sflag:s14] =	ssyncset.done $0x0  }
0xdb: {  	[sflag:s14] =	ssyncadd.s32 $0xFFFFFFB0  }
0xdc: {  	[tilespmem:s11], [sflag:$0x3] =	stream.indirect.gather [hbm4b:s4+s2], $0x80, s18, s2, $0xb8;
	[tilespmem:$0x1DC80] =	vst v63  }
0xdd: {  	_ =	swait.ge [sflag:s21], $0x2800  }
0xde: {  	p1 =	sne.s32 s26, $0x488;
	[sflag:s21] =	ssyncset.done $0x0  }
0xdf: {  	s5 =	sadd.s32 $0x140, s5;
	s26 =	sadd.s32 $0x28, s26;
	[sflag:s21] =	ssyncadd.s32 $0xFFFFD800  }
0xe0: {  	[spmem:s1] =	stream.indirect.scatter.add.f32 [tilespmem:s17], [sflag:$0x6], $0x80, s13, s2, $0xb8;
	[tilespmem:$0x1DC80] =	vst v63  }
.Ltmp0:
0xe1: {  	s7 =	simm.s32 $0x13B00;
	_ =	swait.ge [sflag:s8], $0x2800;
	(pc) =	sbr.rel @p1 .LBB2_2-.Ltmp0, $4  }
0xe2: {  	s10 =	simm.s32 $0x18C80;
	s23 =	rddreg [dreg:$0x4];
	[sflag:s8] =	ssyncset.done $0x0  }
0xe3: {  	s11 =	simm.s32 $0x13B80;
	s29 =	rddreg [dreg:$0x3];
	[sflag:s8] =	ssyncadd.s32 $0xFFFFD800  }
0xe4: {  	s28 =	sadd.s32 s6, s23;
	s6 =	sadd.s32 s6, s29;
	s29 =	smov.u32 s30  }
0xe5: {  	[tilespmem:s16], [sflag:$0xC] =	stream.linear.gather [hbm4b:s28+s3], $0x50, $0x38;
	[tilespmem:$0x1DC80] =	vst v63  }
0xe6: {  	s12 =	simm.s32 $0x13C00  }
0xe7: {  	[tilespmem:s12], [sflag:$0xC] =	stream.linear.gather [hbm4b:s6+s3], $0x50, $0x38;
	[tilespmem:$0x1DC80] =	vst v63  }
0xe8: {  	_ =	swait.ge [sflag:s19], $0x50  }
0xe9: {  	[sflag:s19] =	ssyncset.done $0x0  }
0xea: {  	[sflag:s19] =	ssyncadd.s32 $0xFFFFFFB0  }
0xeb: {  	_ =	swait.ge [sflag:s19], $0x50  }
0xec: {  	[sflag:s19] =	ssyncset.done $0x0  }
0xed: {  	s13 =	simm.s32 $0x1B480;
	s5 =	simm.s32 $0x3;
	[sflag:s19] =	ssyncadd.s32 $0xFFFFFFB0  }
0xee: {  	[tilespmem:s13], [sflag:$0x4] =	stream.indirect.gather [hbm4b:s4+s2], $0x80, s11, s2, $0xb8;
	[tilespmem:$0x1DC80] =	vst v63  }
0xef: {  	_ =	swait.ge [sflag:s5], $0x2800  }
0xf0: {  	[sflag:s5] =	ssyncset.done $0x0  }
0xf1: {  	s30 =	simm.s32 $0x5;
	[sflag:s5] =	ssyncadd.s32 $0xFFFFD800  }
0xf2: {  	[spmem:s1] =	stream.indirect.scatter.add.f32 [tilespmem:s10], [sflag:$0x7], $0x80, s7, s2, $0xb8;
	[tilespmem:$0x1DC80] =	vst v63  }
0xf3: {  	_ =	swait.ge [sflag:s30], $0x2800  }
0xf4: {  	[sflag:s30] =	ssyncset.done $0x0  }
0xf5: {  	s7 =	simm.s32 $0x13880;
	s6 =	rddreg [dreg:$0x14];
	[sflag:s30] =	ssyncadd.s32 $0xFFFFD800  }
0xf6: {  	[tilespmem:s7], [sflag:$0x9] =	stream.linear.gather [hbm4b:s6+s3], $0x50, $0x38;
	[tilespmem:$0x1DC80] =	vst v63  }
0xf7: {  	s15 =	simm.s32 $0x13900;
	s11 =	rddreg [dreg:$0x15]  }
0xf8: {  	[tilespmem:s15], [sflag:$0x9] =	stream.linear.gather [hbm4b:s11+s3], $0x50, $0x38;
	[tilespmem:$0x1DC80] =	vst v63  }
0xf9: {  	_ =	swait.ge [sflag:s0], $0x50  }
0xfa: {  	[sflag:s0] =	ssyncset.done $0x0  }
0xfb: {  	[sflag:s0] =	ssyncadd.s32 $0xFFFFFFB0  }
0xfc: {  	_ =	swait.ge [sflag:s0], $0x50  }
0xfd: {  	[sflag:s0] =	ssyncset.done $0x0  }
0xfe: {  	s16 =	simm.s32 $0x13C80;
	s17 =	simm.s32 $0x4;
	[sflag:s0] =	ssyncadd.s32 $0xFFFFFFB0  }
0xff: {  	[tilespmem:s16], [sflag:$0x1] =	stream.indirect.gather [hbm4b:s4+s2], $0x80, s7, s2, $0xb8;
	[tilespmem:$0x1DC80] =	vst v63  }
0x100: {  	_ =	swait.ge [sflag:s17], $0x2800  }
0x101: {  	[sflag:s17] =	ssyncset.done $0x0  }
0x102: {  	[sflag:s17] =	ssyncadd.s32 $0xFFFFD800  }
0x103: {  	[spmem:s1] =	stream.indirect.scatter.add.f32 [tilespmem:s13], [sflag:$0x8], $0x80, s12, s2, $0xb8;
	[tilespmem:$0x1DC80] =	vst v63  }
0x104: {  	_ =	swait.ge [sflag:s25], $0x2800  }
0x105: {  	[sflag:s25] =	ssyncset.done $0x0  }
0x106: {  	s18 =	simm.s32 $0x1;
	[sflag:s25] =	ssyncadd.s32 $0xFFFFD800  }
0x107: {  	_ =	swait.ge [sflag:s18], $0x2800  }
0x108: {  	[sflag:s18] =	ssyncset.done $0x0  }
0x109: {  	[sflag:s18] =	ssyncadd.s32 $0xFFFFD800  }
0x10a: {  	[spmem:s1] =	stream.indirect.scatter.add.f32 [tilespmem:s16], [sflag:$0x5], $0x80, s15, s2, $0xb8;
	[tilespmem:$0x1DC80] =	vst v63  }
0x10b: {  	_ =	swait.ge [sflag:s22], $0x2800  }
0x10c: {  	[sflag:s22] =	ssyncset.done $0x0  }
0x10d: {  	[sflag:s22] =	ssyncadd.s32 $0xFFFFD800  }
0x10e: {  	_ =	swait.ge [sflag:s8], $0x2800  }
0x10f: {  	[sflag:s8] =	ssyncset.done $0x0  }
0x110: {  	[sflag:s8] =	ssyncadd.s32 $0xFFFFD800  }
0x111: {  	_ =	swait.ge [sflag:s30], $0x2800  }
0x112: {  	[sflag:s30] =	ssyncset.done $0x0  }
0x113: {  	[sflag:s30] =	ssyncadd.s32 $0xFFFFD800  }
0x114: {  	[bflag:$0x0] =	sbarrier.arrive $0xFFFF  }
0x115: {  	s26 =	rddreg [dreg:$0xa]  }
0x116: {  	s20 =	rddreg [dreg:$0x13]  }
0x117: {  	s28 =	simm.s32 $0xD;
	s21 =	rddreg [dreg:$0x1a]  }
0x118: {  	[hbm:s20], [sflag:s26] =	dma.local [spmem:s21], $0x2700  }
0x119: {  	_ =	swait.ge [sflag:s28], $0x2700  }
0x11a: {  	[sflag:s28] =	ssyncset.done $0x0;
	s5 =	rddreg [dreg:$0x16]  }
0x11b: {  	s6 =	rddreg [dreg:$0x1b];
	[sflag:s28] =	ssyncadd.s32 $0xFFFFD900  }
0x11c: {  	[hbm:s5], [sflag:s26] =	dma.local @!p0 [spmem:s6], $0x100  }
0x11d: {  	s5 =	simm.s32 @!p0 $0xD  }
0x11e: {  	_ =	swait.ge @!p0 [sflag:s5], $0x100  }
0x11f: {  	s23 =	rddreg [dreg:$0x1c]  }
0x120: {  	s30 =	rddreg [dreg:$0x17];
	s7 =	sadd.s32 $0x1, s23  }
0x121: {  	p1 =	sne.s32 s7, s30  }
.Ltmp1:
0x122: {  	_ = 	snop;
	(pc) =	sbr.rel @p1 .LBB2_1-.Ltmp1, $4  }
0x123: {  	_ = 	snop  }
0x124: {  	s10 =	simm.s32 $0x13980  }
0x125: {  	s17 =	simm.s32 $0x13A80;
	s12 =	simm.s32 $0x13A00;
	[sflag:s5] =	ssyncset.done @!p0 $0x0  }
0x126: {  	s15 =	simm.s32 $0x16480;
	s21 =	simm.s32 $0x2;
	[sflag:s5] =	ssyncadd.s32 @!p0 $0xFFFFFF00  }
0x127: {  	_ =	sfence.sel $0x180000  }
0x128: {  	[bflag:$0x0] =	sbarrier.arrive $0xFFFF  }
0x129: {  	_ =	strace $0x9000004D  }
0x12a: {  	s0 =	stileid.u32;
	[bflag:$0x2] =	sbarrier.arrive $0xFFFF  }
0x12b: {  	p0 =	sne.s32 s0, $0x0;
	s0 =	rddreg [dreg:$0x2]  }
0x12c: {  	s0 =	sadd.s32 @!p0 $0x100000, s0  }
0x12d: {  	[sflag:s0] =	ssyncadd.tile.s32 @!p0 $0x1;
	_ =	shalt  }
.Lfunc_end2:
_tile_overlayer_lowered:
.L_overlay_start_2:
0x12e: {  	(tag) =	ssettag $0x2  }
0x12f: {  	s0 =	rddreg [dreg:$0x0];
	s2 =	stileid.u32  }
0x130: {  	s1 =	rddreg [dreg:$0x1];
	p0 =	sne.s32 s2, $0x0  }
0x131: {  	s3 =	rddreg [dreg:$0x2];
	[bflag:$0x3] =	sbarrier.arrive $0xFFFF;
	s2 =	simm.s32 @!p0 $0x1C0D  }
0x132: {  	[timem:s3], [sflag:s2] =	dma.local @!p0 [hbm:s0], s1  }
0x133: {  	s0 =	simm.s32 @!p0 $0xD  }
0x134: {  	_ =	swait.ge @!p0 [sflag:s0], s1  }
0x135: {  	s1 =	ssub.s32 @!p0 $0x0, s1;
	[sflag:s0] =	ssyncset.done @!p0 $0x0  }
0x136: {  	[sflag:s0] =	ssyncadd.s32 @!p0 s1  }
0x137: {  	[bflag:$0x3] =	sbarrier.arrive $0xFFFF  }
0x138: {  	_ =	shalt  }

</sc_bundles>
